<compile_context>
chip_gen: v7x
topology: tpu7x:2x2x1
jax: 0.10.2.dev20260603
libtpu: 0.0.44.dev20260713+nightly
codegen_flags: <defaults>
</compile_context>

<pallas_src>
import functools

import jax
import jax.numpy as jnp
from jax import lax
from jax.experimental import pallas as pl
from jax.experimental.pallas import tpu as pltpu
from jax.experimental.pallas import tpu_sc as plsc

N_ST = 100000
NNZ = 6400000
NC, NS, L = 2, 16, 16
NW = NC * NS
PAD = 100352
BLK = 2048
ROWS = BLK // 128
NBLK = NNZ // BLK
SLICE = PAD // NS

_mesh = plsc.VectorSubcoreMesh(
    core_axis_name="c", subcore_axis_name="s", num_cores=NC, num_subcores=NS
)


@functools.partial(
    pl.kernel,
    out_type=jax.ShapeDtypeStruct((NC, PAD), jnp.float32),
    mesh=_mesh,
    compiler_params=pltpu.CompilerParams(needs_layout_passes=False),
    scratch_types=[
        pltpu.VMEM((N_ST,), jnp.float32),
        pltpu.VMEM((BLK,), jnp.int32),
        pltpu.VMEM((BLK,), jnp.float32),
        pltpu.VMEM((ROWS, 128), jnp.int32),
        pltpu.VMEM((ROWS, 128), jnp.float32),
        pltpu.VMEM((SLICE,), jnp.float32),
        pltpu.VMEM_SHARED((PAD,), jnp.float32),
        pltpu.SemaphoreType.DMA,
        pltpu.SemaphoreType.DMA,
        pltpu.SemaphoreType.DMA,
        pltpu.SemaphoreType.DMA,
    ],
)
def _seg_sum_sc(alpha_hbm, vals_hbm, from_hbm, to2d_hbm, out_hbm,
                alpha_v, f_v, v_v, t_v, e_v, z_v, acc_sh,
                sem_a, sem_b, sem_c, sem_d):
    c = lax.axis_index("c")
    s = lax.axis_index("s")
    w = c * NS + s

    cp_alpha = pltpu.async_copy(alpha_hbm, alpha_v, sem_a)

    zero = jnp.zeros((L,), jnp.float32)

    def _zero_body(i, carry):
        z_v[pl.ds(i * L, L)] = zero
        return carry

    lax.fori_loop(0, SLICE // L, _zero_body, 0)
    pltpu.sync_copy(z_v, acc_sh.at[pl.ds(s * SLICE, SLICE)])
    cp_alpha.wait()
    plsc.subcore_barrier()

    b0 = (w * NBLK) // NW
    b1 = ((w + 1) * NBLK) // NW

    def _block_body(blk, carry):
        base = blk * BLK
        cp_f = pltpu.async_copy(from_hbm.at[pl.ds(base, BLK)], f_v, sem_a)
        cp_v = pltpu.async_copy(vals_hbm.at[pl.ds(base, BLK)], v_v, sem_b)
        cp_t = pltpu.async_copy(to2d_hbm.at[pl.ds(blk * ROWS, ROWS)], t_v, sem_c)
        cp_f.wait()
        cp_v.wait()
        cp_t.wait()
        for r in range(ROWS):
            for cc in range(128 // L):
                i = r * (128 // L) + cc
                idxf = f_v[pl.ds(i * L, L)]
                a = plsc.load_gather(alpha_v, [idxf])
                u = a + v_v[pl.ds(i * L, L)]
                e_v[r, pl.ds(cc * L, L)] = jnp.exp(u)
        cps = [
            pltpu.async_copy(e_v.at[r], acc_sh.at[t_v.at[r]], sem_d, add=True)
            for r in range(ROWS)
        ]
        for cp in cps:
            cp.wait()
        return carry

    lax.fori_loop(b0, b1, _block_body, 0)

    plsc.subcore_barrier()
    pltpu.sync_copy(
        acc_sh.at[pl.ds(s * SLICE, SLICE)],
        out_hbm.at[c, pl.ds(s * SLICE, SLICE)],
    )


def _log_tc(p_ref, o_ref):
    seg = p_ref[0] + p_ref[1]
    o_ref[...] = jnp.log(jnp.maximum(seg, 1e-38))


_log_call = pl.pallas_call(
    _log_tc,
    out_shape=jax.ShapeDtypeStruct((PAD // 128, 128), jnp.float32),
)


@jax.jit
def kernel(log_alpha, log_vals, idx_from, idx_to):
    idx_from = idx_from.astype(jnp.int32)
    to2d = idx_to.astype(jnp.int32).reshape(NNZ // 128, 128)
    partials = _seg_sum_sc(log_alpha, log_vals, idx_from, to2d)
    out = _log_call(partials.reshape(NC, PAD // 128, 128))
    return out.reshape(-1)[:N_ST]

# --- scband reference (transcript-rebuilt; emitter-appended) ---
"""Pipeline reference for scband-rhmm-14104672600494 (READ-ONLY COPY).

The authoritative reference and input builder live on the scoring server;
editing this copy changes nothing except your own understanding.
"""

import jax, jax.numpy as jnp
import numpy as np

N_STATES = 100000
N_NNZ = 6400000


def setup_inputs(seed: int = 0) -> dict:
    key = jax.random.key(seed)
    k1, k2, k3, k4 = jax.random.split(key, 4)
    log_alpha = jax.random.normal(k1, (N_STATES,), dtype=jnp.float32)
    log_vals = jax.random.normal(k2, (N_NNZ,), dtype=jnp.float32)
    idx_from = jax.random.randint(k3, (N_NNZ,), 0, N_STATES)
    idx_to = jnp.sort(jax.random.randint(k4, (N_NNZ,), 0, N_STATES))
    return {"log_alpha": log_alpha, "log_vals": log_vals, "idx_from": idx_from, "idx_to": idx_to}


def reference(log_alpha, log_vals, idx_from, idx_to):
    # Core of RHMM log_domain_sparse_matmul / transition_prob_sparse:
    # update_{e} = log_alpha[from_e] + log(A_vals[e])   (sparse-dense log-domain product)
    # out_{j}    = logsumexp over edges e with to_e == j (segment logsumexp reduce)
    update = jnp.take(log_alpha, idx_from, axis=0) + log_vals
    seg_max = jax.ops.segment_max(update, idx_to, num_segments=N_STATES)
    seg_max_safe = jnp.where(jnp.isfinite(seg_max), seg_max, 0.0)
    shifted = jnp.exp(update - jnp.take(seg_max_safe, idx_to, axis=0))
    seg_sum = jax.ops.segment_sum(shifted, idx_to, num_segments=N_STATES)
    out = jnp.log(jnp.maximum(seg_sum, 1e-38)) + seg_max_safe
    return out

if __name__ == "__main__":
    import jax
    _d = setup_inputs()
    print(jax.jit(kernel)(*tuple(_d.values())))

</pallas_src>

<mosaic_0001>
#map = affine_map<(d0, d1) -> (0)>
#map1 = affine_map<(d0, d1) -> (0, 0)>
module attributes {stable_mosaic.version = 14 : i64} {
  func.func @_seg_sum_sc(%arg0: i32, %arg1: i32, %arg2: memref<100000xf32, #tpu.memory_space<hbm>>, %arg3: memref<6400000xf32, #tpu.memory_space<hbm>>, %arg4: memref<6400000xi32, #tpu.memory_space<hbm>>, %arg5: memref<50000x128xi32, #tpu.memory_space<hbm>>, %arg6: memref<2x100352xf32, #tpu.memory_space<hbm>>, %arg7: memref<100000xf32, #tpu.memory_space<vmem>>, %arg8: memref<2048xi32, #tpu.memory_space<vmem>>, %arg9: memref<2048xf32, #tpu.memory_space<vmem>>, %arg10: memref<16x128xi32, #tpu.memory_space<vmem>>, %arg11: memref<16x128xf32, #tpu.memory_space<vmem>>, %arg12: memref<6272xf32, #tpu.memory_space<vmem>>, %arg13: memref<100352xf32, #tpu.memory_space<vmem_shared>>, %arg14: memref<!tpu.dma_semaphore, #tpu.memory_space<semaphore_mem>>, %arg15: memref<!tpu.dma_semaphore, #tpu.memory_space<semaphore_mem>>, %arg16: memref<!tpu.dma_semaphore, #tpu.memory_space<semaphore_mem>>, %arg17: memref<!tpu.dma_semaphore, #tpu.memory_space<semaphore_mem>>) attributes {dimension_semantics = [#tpu.dimension_semantics<core_parallel>, #tpu.dimension_semantics<subcore_parallel>], iteration_bounds = array<i64: 2, 16>, scalar_prefetch = 0 : i64, scratch_operands = 11 : i64, tpu.core_type = #tpu.core_type<sc_vector_subcore>, window_params = [{transform_indices = #map}, {transform_indices = #map}, {transform_indices = #map}, {transform_indices = #map1}, {transform_indices = #map1}]} {
    %mul3A = arith.constant 16 : i32
    %mul3A_0 = arith.muli %arg0, %mul3A : i32
    %add3A = arith.addi %mul3A_0, %arg1 : i32
    tpu.enqueue_dma source(%arg2 : memref<100000xf32, #tpu.memory_space<hbm>>) target(%arg7 : memref<100000xf32, #tpu.memory_space<vmem>>) target_semaphore(%arg14 : memref<!tpu.dma_semaphore, #tpu.memory_space<semaphore_mem>>)
    %broadcast_in_dim3A = arith.constant 0.000000e+00 : f32
    %broadcast_in_dim3A_1 = vector.broadcast %broadcast_in_dim3A : f32 to vector<16xf32>
    %scan3A = arith.constant 0 : i32
    %scan3A_2 = arith.constant 0 : i32
    %scan3A_3 = arith.constant 392 : i32
    %scan3A_4 = arith.addi %scan3A_2, %scan3A_3 : i32
    %scan3A_5 = arith.constant 1 : i32
    scf.for %scan3A_68 = %scan3A_2 to %scan3A_4 step %scan3A_5  : i32 {
      %mul3A_69 = arith.constant 16 : i32
      %mul3A_70 = arith.muli %scan3A_68, %mul3A_69 : i32
      %swap3A = arith.index_cast %mul3A_70 : i32 to index
      %swap3A_71 = tpu.vector_load %arg12[%swap3A] {strides = array<i32>} : memref<6272xf32, #tpu.memory_space<vmem>>, vector<16xf32>,
      tpu.vector_store %arg12[%swap3A], %broadcast_in_dim3A_1 {strides = array<i32>} : memref<6272xf32, #tpu.memory_space<vmem>>, vector<16xf32>,
    }
    %scan3A_6 = arith.constant 392 : i32
    %mul3A_7 = arith.constant 6272 : i32
    %mul3A_8 = arith.muli %arg1, %mul3A_7 : i32
    "tpu.region"() ({
      %run_scoped3A = tpu.sem_alloc : memref<!tpu.dma_semaphore, #tpu.memory_space<semaphore_mem>>
      %dma_start3A = tpu.memref_slice %arg13[%mul3A_8] : memref<100352xf32, #tpu.memory_space<vmem_shared>> -> memref<6272xf32, #tpu.memory_space<vmem_shared>>
      %dma_start3A_68 = tpu.memref_slice %arg13[%mul3A_8] : memref<100352xf32, #tpu.memory_space<vmem_shared>> -> memref<6272xf32, #tpu.memory_space<vmem_shared>>
      tpu.enqueue_dma source(%arg12 : memref<6272xf32, #tpu.memory_space<vmem>>) target(%dma_start3A_68 : memref<6272xf32, #tpu.memory_space<vmem_shared>>) target_semaphore(%run_scoped3A : memref<!tpu.dma_semaphore, #tpu.memory_space<semaphore_mem>>)
      %dma_wait3A = tpu.memref_slice %arg13[%mul3A_8] : memref<100352xf32, #tpu.memory_space<vmem_shared>> -> memref<6272xf32, #tpu.memory_space<vmem_shared>>
      %dma_wait3A_69 = tpu.memref_slice %arg13[%mul3A_8] : memref<100352xf32, #tpu.memory_space<vmem_shared>> -> memref<6272xf32, #tpu.memory_space<vmem_shared>>
      tpu.wait_dma2 semaphore(%run_scoped3A : memref<!tpu.dma_semaphore, #tpu.memory_space<semaphore_mem>>) src(%arg12 : memref<6272xf32, #tpu.memory_space<vmem>>) dst(%dma_wait3A_69 : memref<6272xf32, #tpu.memory_space<vmem_shared>>)
      tpu.yield
    }) : () -> ()
    tpu.wait_dma2 semaphore(%arg14 : memref<!tpu.dma_semaphore, #tpu.memory_space<semaphore_mem>>) src(%arg2 : memref<100000xf32, #tpu.memory_space<hbm>>) dst(%arg7 : memref<100000xf32, #tpu.memory_space<vmem>>)
    %barrier3A = arith.constant 0 : index
    tpu.barrier barrier_id(%barrier3A)
    %mul3A_9 = arith.constant 3125 : i32
    %mul3A_10 = arith.muli %add3A, %mul3A_9 : i32
    %jit3A = arith.constant 32 : i32
    %div3A = arith.divsi %mul3A_10, %jit3A : i32
    %sign3A = arith.constant 0 : i32
    %sign3A_11 = arith.cmpi sgt, %mul3A_10, %sign3A : i32
    %sign3A_12 = arith.extui %sign3A_11 : i1 to i32
    %sign3A_13 = arith.constant 0 : i32
    %sign3A_14 = arith.cmpi slt, %mul3A_10, %sign3A_13 : i32
    %sign3A_15 = arith.extui %sign3A_14 : i1 to i32
    %sign3A_16 = arith.subi %sign3A_12, %sign3A_15 : i32
    %sign3A_17 = arith.constant 0 : i32
    %sign3A_18 = arith.cmpi sgt, %jit3A, %sign3A_17 : i32
    %sign3A_19 = arith.extui %sign3A_18 : i1 to i32
    %sign3A_20 = arith.constant 0 : i32
    %sign3A_21 = arith.cmpi slt, %jit3A, %sign3A_20 : i32
    %sign3A_22 = arith.extui %sign3A_21 : i1 to i32
    %sign3A_23 = arith.subi %sign3A_19, %sign3A_22 : i32
    %ne3A = arith.cmpi ne, %sign3A_16, %sign3A_23 : i32
    %rem3A = arith.remsi %mul3A_10, %jit3A : i32
    %ne3A_24 = arith.constant 0 : i32
    %ne3A_25 = arith.cmpi ne, %rem3A, %ne3A_24 : i32
    %and3A = arith.andi %ne3A, %ne3A_25 : i1
    %sub3A = arith.constant 1 : i32
    %sub3A_26 = arith.subi %div3A, %sub3A : i32
    %select_n3A = arith.select %and3A, %sub3A_26, %div3A : i32
    %add3A_27 = arith.constant 1 : i32
    %add3A_28 = arith.addi %add3A, %add3A_27 : i32
    %mul3A_29 = arith.constant 3125 : i32
    %mul3A_30 = arith.muli %add3A_28, %mul3A_29 : i32
    %jit3A_31 = arith.constant 32 : i32
    %div3A_32 = arith.divsi %mul3A_30, %jit3A_31 : i32
    %sign3A_33 = arith.constant 0 : i32
    %sign3A_34 = arith.cmpi sgt, %mul3A_30, %sign3A_33 : i32
    %sign3A_35 = arith.extui %sign3A_34 : i1 to i32
    %sign3A_36 = arith.constant 0 : i32
    %sign3A_37 = arith.cmpi slt, %mul3A_30, %sign3A_36 : i32
    %sign3A_38 = arith.extui %sign3A_37 : i1 to i32
    %sign3A_39 = arith.subi %sign3A_35, %sign3A_38 : i32
    %sign3A_40 = arith.constant 0 : i32
    %sign3A_41 = arith.cmpi sgt, %jit3A_31, %sign3A_40 : i32
    %sign3A_42 = arith.extui %sign3A_41 : i1 to i32
    %sign3A_43 = arith.constant 0 : i32
    %sign3A_44 = arith.cmpi slt, %jit3A_31, %sign3A_43 : i32
    %sign3A_45 = arith.extui %sign3A_44 : i1 to i32
    %sign3A_46 = arith.subi %sign3A_42, %sign3A_45 : i32
    %ne3A_47 = arith.cmpi ne, %sign3A_39, %sign3A_46 : i32
    %rem3A_48 = arith.remsi %mul3A_30, %jit3A_31 : i32
    %ne3A_49 = arith.constant 0 : i32
    %ne3A_50 = arith.cmpi ne, %rem3A_48, %ne3A_49 : i32
    %and3A_51 = arith.andi %ne3A_47, %ne3A_50 : i1
    %sub3A_52 = arith.constant 1 : i32
    %sub3A_53 = arith.subi %div3A_32, %sub3A_52 : i32
    %select_n3A_54 = arith.select %and3A_51, %sub3A_53, %div3A_32 : i32
    %while3A = arith.constant 0 : i32
    %while3A_55 = arith.subi %select_n3A_54, %select_n3A : i32
    %while3A_56 = arith.addi %select_n3A, %while3A_55 : i32
    %while3A_57 = arith.constant 1 : i32
    %while3A_58 = arith.divsi %while3A_55, %while3A_57 : i32
    %while3A_59 = arith.muli %while3A_58, %while3A_57 : i32
    %while3A_60 = arith.addi %select_n3A, %while3A_59 : i32
    %while3A_61 = arith.constant 1 : i32
    scf.for %while3A_68 = %select_n3A to %while3A_60 step %while3A_61  : i32 {
      %mul3A_69 = arith.constant 2048 : i32
      %mul3A_70 = arith.muli %while3A_68, %mul3A_69 : i32
      %dma_start3A = tpu.memref_slice %arg4[%mul3A_70] : memref<6400000xi32, #tpu.memory_space<hbm>> -> memref<2048xi32, #tpu.memory_space<hbm>>
      %dma_start3A_71 = tpu.memref_slice %arg4[%mul3A_70] : memref<6400000xi32, #tpu.memory_space<hbm>> -> memref<2048xi32, #tpu.memory_space<hbm>>
      tpu.enqueue_dma source(%dma_start3A_71 : memref<2048xi32, #tpu.memory_space<hbm>>) target(%arg8 : memref<2048xi32, #tpu.memory_space<vmem>>) target_semaphore(%arg14 : memref<!tpu.dma_semaphore, #tpu.memory_space<semaphore_mem>>)
      %dma_start3A_72 = tpu.memref_slice %arg3[%mul3A_70] : memref<6400000xf32, #tpu.memory_space<hbm>> -> memref<2048xf32, #tpu.memory_space<hbm>>
      %dma_start3A_73 = tpu.memref_slice %arg3[%mul3A_70] : memref<6400000xf32, #tpu.memory_space<hbm>> -> memref<2048xf32, #tpu.memory_space<hbm>>
      tpu.enqueue_dma source(%dma_start3A_73 : memref<2048xf32, #tpu.memory_space<hbm>>) target(%arg9 : memref<2048xf32, #tpu.memory_space<vmem>>) target_semaphore(%arg15 : memref<!tpu.dma_semaphore, #tpu.memory_space<semaphore_mem>>)
      %mul3A_74 = arith.constant 16 : i32
      %mul3A_75 = arith.muli %while3A_68, %mul3A_74 : i32
      %dma_start3A_76 = arith.constant 0 : i32
      %dma_start3A_77 = tpu.memref_slice %arg5[%mul3A_75, %dma_start3A_76] : memref<50000x128xi32, #tpu.memory_space<hbm>> -> memref<16x128xi32, #tpu.memory_space<hbm>>
      %dma_start3A_78 = arith.constant 0 : i32
      %dma_start3A_79 = tpu.memref_slice %arg5[%mul3A_75, %dma_start3A_78] : memref<50000x128xi32, #tpu.memory_space<hbm>> -> memref<16x128xi32, #tpu.memory_space<hbm>>
      tpu.enqueue_dma source(%dma_start3A_79 : memref<16x128xi32, #tpu.memory_space<hbm>>) target(%arg10 : memref<16x128xi32, #tpu.memory_space<vmem>>) target_semaphore(%arg16 : memref<!tpu.dma_semaphore, #tpu.memory_space<semaphore_mem>>)
      %dma_wait3A = tpu.memref_slice %arg4[%mul3A_70] : memref<6400000xi32, #tpu.memory_space<hbm>> -> memref<2048xi32, #tpu.memory_space<hbm>>
      %dma_wait3A_80 = tpu.memref_slice %arg4[%mul3A_70] : memref<6400000xi32, #tpu.memory_space<hbm>> -> memref<2048xi32, #tpu.memory_space<hbm>>
      tpu.wait_dma2 semaphore(%arg14 : memref<!tpu.dma_semaphore, #tpu.memory_space<semaphore_mem>>) src(%dma_wait3A_80 : memref<2048xi32, #tpu.memory_space<hbm>>) dst(%arg8 : memref<2048xi32, #tpu.memory_space<vmem>>)
      %dma_wait3A_81 = tpu.memref_slice %arg3[%mul3A_70] : memref<6400000xf32, #tpu.memory_space<hbm>> -> memref<2048xf32, #tpu.memory_space<hbm>>
      %dma_wait3A_82 = tpu.memref_slice %arg3[%mul3A_70] : memref<6400000xf32, #tpu.memory_space<hbm>> -> memref<2048xf32, #tpu.memory_space<hbm>>
      tpu.wait_dma2 semaphore(%arg15 : memref<!tpu.dma_semaphore, #tpu.memory_space<semaphore_mem>>) src(%dma_wait3A_82 : memref<2048xf32, #tpu.memory_space<hbm>>) dst(%arg9 : memref<2048xf32, #tpu.memory_space<vmem>>)
      %dma_wait3A_83 = arith.constant 0 : i32
      %dma_wait3A_84 = tpu.memref_slice %arg5[%mul3A_75, %dma_wait3A_83] : memref<50000x128xi32, #tpu.memory_space<hbm>> -> memref<16x128xi32, #tpu.memory_space<hbm>>
      %dma_wait3A_85 = arith.constant 0 : i32
      %dma_wait3A_86 = tpu.memref_slice %arg5[%mul3A_75, %dma_wait3A_85] : memref<50000x128xi32, #tpu.memory_space<hbm>> -> memref<16x128xi32, #tpu.memory_space<hbm>>
      tpu.wait_dma2 semaphore(%arg16 : memref<!tpu.dma_semaphore, #tpu.memory_space<semaphore_mem>>) src(%dma_wait3A_86 : memref<16x128xi32, #tpu.memory_space<hbm>>) dst(%arg10 : memref<16x128xi32, #tpu.memory_space<vmem>>)
      %get3A = arith.constant 0 : index
      %get3A_87 = tpu.vector_load %arg8[%get3A] {strides = array<i32>} : memref<2048xi32, #tpu.memory_space<vmem>>, vector<16xi32>,
      %gather3A = tpu.vector_load_idx %arg7[%get3A_87] : memref<100000xf32, #tpu.memory_space<vmem>>[vector<16xi32>], vector<16xf32>,
      %get3A_88 = arith.constant 0 : index
      %get3A_89 = tpu.vector_load %arg9[%get3A_88] {strides = array<i32>} : memref<2048xf32, #tpu.memory_space<vmem>>, vector<16xf32>,
      %add3A_90 = arith.addf %gather3A, %get3A_89 : vector<16xf32>
      %exp3A = math.exp %add3A_90 : vector<16xf32>
      %swap3A = arith.constant 0 : i32
      %swap3A_91 = arith.index_cast %swap3A : i32 to index
      %swap3A_92 = arith.constant 0 : index
      %swap3A_93 = tpu.vector_load %arg11[%swap3A_91, %swap3A_92] {strides = array<i32>} : memref<16x128xf32, #tpu.memory_space<vmem>>, vector<16xf32>,
      tpu.vector_store %arg11[%swap3A_91, %swap3A_92], %exp3A {strides = array<i32>} : memref<16x128xf32, #tpu.memory_space<vmem>>, vector<16xf32>,
      %get3A_94 = arith.constant 16 : index
      %get3A_95 = tpu.vector_load %arg8[%get3A_94] {strides = array<i32>} : memref<2048xi32, #tpu.memory_space<vmem>>, vector<16xi32>,
      %gather3A_96 = tpu.vector_load_idx %arg7[%get3A_95] : memref<100000xf32, #tpu.memory_space<vmem>>[vector<16xi32>], vector<16xf32>,
      %get3A_97 = arith.constant 16 : index
      %get3A_98 = tpu.vector_load %arg9[%get3A_97] {strides = array<i32>} : memref<2048xf32, #tpu.memory_space<vmem>>, vector<16xf32>,
      %add3A_99 = arith.addf %gather3A_96, %get3A_98 : vector<16xf32>
      %exp3A_100 = math.exp %add3A_99 : vector<16xf32>
      %swap3A_101 = arith.constant 0 : i32
      %swap3A_102 = arith.index_cast %swap3A_101 : i32 to index
      %swap3A_103 = arith.constant 16 : index
      %swap3A_104 = tpu.vector_load %arg11[%swap3A_102, %swap3A_103] {strides = array<i32>} : memref<16x128xf32, #tpu.memory_space<vmem>>, vector<16xf32>,
      tpu.vector_store %arg11[%swap3A_102, %swap3A_103], %exp3A_100 {strides = array<i32>} : memref<16x128xf32, #tpu.memory_space<vmem>>, vector<16xf32>,
      %get3A_105 = arith.constant 32 : index
      %get3A_106 = tpu.vector_load %arg8[%get3A_105] {strides = array<i32>} : memref<2048xi32, #tpu.memory_space<vmem>>, vector<16xi32>,
      %gather3A_107 = tpu.vector_load_idx %arg7[%get3A_106] : memref<100000xf32, #tpu.memory_space<vmem>>[vector<16xi32>], vector<16xf32>,
      %get3A_108 = arith.constant 32 : index
      %get3A_109 = tpu.vector_load %arg9[%get3A_108] {strides = array<i32>} : memref<2048xf32, #tpu.memory_space<vmem>>, vector<16xf32>,
      %add3A_110 = arith.addf %gather3A_107, %get3A_109 : vector<16xf32>
      %exp3A_111 = math.exp %add3A_110 : vector<16xf32>
      %swap3A_112 = arith.constant 0 : i32
      %swap3A_113 = arith.index_cast %swap3A_112 : i32 to index
      %swap3A_114 = arith.constant 32 : index
      %swap3A_115 = tpu.vector_load %arg11[%swap3A_113, %swap3A_114] {strides = array<i32>} : memref<16x128xf32, #tpu.memory_space<vmem>>, vector<16xf32>,
      tpu.vector_store %arg11[%swap3A_113, %swap3A_114], %exp3A_111 {strides = array<i32>} : memref<16x128xf32, #tpu.memory_space<vmem>>, vector<16xf32>,
      %get3A_116 = arith.constant 48 : index
      %get3A_117 = tpu.vector_load %arg8[%get3A_116] {strides = array<i32>} : memref<2048xi32, #tpu.memory_space<vmem>>, vector<16xi32>,
      %gather3A_118 = tpu.vector_load_idx %arg7[%get3A_117] : memref<100000xf32, #tpu.memory_space<vmem>>[vector<16xi32>], vector<16xf32>,
      %get3A_119 = arith.constant 48 : index
      %get3A_120 = tpu.vector_load %arg9[%get3A_119] {strides = array<i32>} : memref<2048xf32, #tpu.memory_space<vmem>>, vector<16xf32>,
      %add3A_121 = arith.addf %gather3A_118, %get3A_120 : vector<16xf32>
      %exp3A_122 = math.exp %add3A_121 : vector<16xf32>
      %swap3A_123 = arith.constant 0 : i32
      %swap3A_124 = arith.index_cast %swap3A_123 : i32 to index
      %swap3A_125 = arith.constant 48 : index
      %swap3A_126 = tpu.vector_load %arg11[%swap3A_124, %swap3A_125] {strides = array<i32>} : memref<16x128xf32, #tpu.memory_space<vmem>>, vector<16xf32>,
      tpu.vector_store %arg11[%swap3A_124, %swap3A_125], %exp3A_122 {strides = array<i32>} : memref<16x128xf32, #tpu.memory_space<vmem>>, vector<16xf32>,
      %get3A_127 = arith.constant 64 : index
      %get3A_128 = tpu.vector_load %arg8[%get3A_127] {strides = array<i32>} : memref<2048xi32, #tpu.memory_space<vmem>>, vector<16xi32>,
      %gather3A_129 = tpu.vector_load_idx %arg7[%get3A_128] : memref<100000xf32, #tpu.memory_space<vmem>>[vector<16xi32>], vector<16xf32>,
      %get3A_130 = arith.constant 64 : index
      %get3A_131 = tpu.vector_load %arg9[%get3A_130] {strides = array<i32>} : memref<2048xf32, #tpu.memory_space<vmem>>, vector<16xf32>,
      %add3A_132 = arith.addf %gather3A_129, %get3A_131 : vector<16xf32>
      %exp3A_133 = math.exp %add3A_132 : vector<16xf32>
      %swap3A_134 = arith.constant 0 : i32
      %swap3A_135 = arith.index_cast %swap3A_134 : i32 to index
      %swap3A_136 = arith.constant 64 : index
      %swap3A_137 = tpu.vector_load %arg11[%swap3A_135, %swap3A_136] {strides = array<i32>} : memref<16x128xf32, #tpu.memory_space<vmem>>, vector<16xf32>,
      tpu.vector_store %arg11[%swap3A_135, %swap3A_136], %exp3A_133 {strides = array<i32>} : memref<16x128xf32, #tpu.memory_space<vmem>>, vector<16xf32>,
      %get3A_138 = arith.constant 80 : index
      %get3A_139 = tpu.vector_load %arg8[%get3A_138] {strides = array<i32>} : memref<2048xi32, #tpu.memory_space<vmem>>, vector<16xi32>,
      %gather3A_140 = tpu.vector_load_idx %arg7[%get3A_139] : memref<100000xf32, #tpu.memory_space<vmem>>[vector<16xi32>], vector<16xf32>,
      %get3A_141 = arith.constant 80 : index
      %get3A_142 = tpu.vector_load %arg9[%get3A_141] {strides = array<i32>} : memref<2048xf32, #tpu.memory_space<vmem>>, vector<16xf32>,
      %add3A_143 = arith.addf %gather3A_140, %get3A_142 : vector<16xf32>
      %exp3A_144 = math.exp %add3A_143 : vector<16xf32>
      %swap3A_145 = arith.constant 0 : i32
      %swap3A_146 = arith.index_cast %swap3A_145 : i32 to index
      %swap3A_147 = arith.constant 80 : index
      %swap3A_148 = tpu.vector_load %arg11[%swap3A_146, %swap3A_147] {strides = array<i32>} : memref<16x128xf32, #tpu.memory_space<vmem>>, vector<16xf32>,
      tpu.vector_store %arg11[%swap3A_146, %swap3A_147], %exp3A_144 {strides = array<i32>} : memref<16x128xf32, #tpu.memory_space<vmem>>, vector<16xf32>,
      %get3A_149 = arith.constant 96 : index
      %get3A_150 = tpu.vector_load %arg8[%get3A_149] {strides = array<i32>} : memref<2048xi32, #tpu.memory_space<vmem>>, vector<16xi32>,
      %gather3A_151 = tpu.vector_load_idx %arg7[%get3A_150] : memref<100000xf32, #tpu.memory_space<vmem>>[vector<16xi32>], vector<16xf32>,
      %get3A_152 = arith.constant 96 : index
      %get3A_153 = tpu.vector_load %arg9[%get3A_152] {strides = array<i32>} : memref<2048xf32, #tpu.memory_space<vmem>>, vector<16xf32>,
      %add3A_154 = arith.addf %gather3A_151, %get3A_153 : vector<16xf32>
      %exp3A_155 = math.exp %add3A_154 : vector<16xf32>
      %swap3A_156 = arith.constant 0 : i32
      %swap3A_157 = arith.index_cast %swap3A_156 : i32 to index
      %swap3A_158 = arith.constant 96 : index
      %swap3A_159 = tpu.vector_load %arg11[%swap3A_157, %swap3A_158] {strides = array<i32>} : memref<16x128xf32, #tpu.memory_space<vmem>>, vector<16xf32>,
      tpu.vector_store %arg11[%swap3A_157, %swap3A_158], %exp3A_155 {strides = array<i32>} : memref<16x128xf32, #tpu.memory_space<vmem>>, vector<16xf32>,
      %get3A_160 = arith.constant 112 : index
      %get3A_161 = tpu.vector_load %arg8[%get3A_160] {strides = array<i32>} : memref<2048xi32, #tpu.memory_space<vmem>>, vector<16xi32>,
      %gather3A_162 = tpu.vector_load_idx %arg7[%get3A_161] : memref<100000xf32, #tpu.memory_space<vmem>>[vector<16xi32>], vector<16xf32>,
      %get3A_163 = arith.constant 112 : index
      %get3A_164 = tpu.vector_load %arg9[%get3A_163] {strides = array<i32>} : memref<2048xf32, #tpu.memory_space<vmem>>, vector<16xf32>,
      %add3A_165 = arith.addf %gather3A_162, %get3A_164 : vector<16xf32>
      %exp3A_166 = math.exp %add3A_165 : vector<16xf32>
      %swap3A_167 = arith.constant 0 : i32
      %swap3A_168 = arith.index_cast %swap3A_167 : i32 to index
      %swap3A_169 = arith.constant 112 : index
      %swap3A_170 = tpu.vector_load %arg11[%swap3A_168, %swap3A_169] {strides = array<i32>} : memref<16x128xf32, #tpu.memory_space<vmem>>, vector<16xf32>,
      tpu.vector_store %arg11[%swap3A_168, %swap3A_169], %exp3A_166 {strides = array<i32>} : memref<16x128xf32, #tpu.memory_space<vmem>>, vector<16xf32>,
      %get3A_171 = arith.constant 128 : index
      %get3A_172 = tpu.vector_load %arg8[%get3A_171] {strides = array<i32>} : memref<2048xi32, #tpu.memory_space<vmem>>, vector<16xi32>,
      %gather3A_173 = tpu.vector_load_idx %arg7[%get3A_172] : memref<100000xf32, #tpu.memory_space<vmem>>[vector<16xi32>], vector<16xf32>,
      %get3A_174 = arith.constant 128 : index
      %get3A_175 = tpu.vector_load %arg9[%get3A_174] {strides = array<i32>} : memref<2048xf32, #tpu.memory_space<vmem>>, vector<16xf32>,
      %add3A_176 = arith.addf %gather3A_173, %get3A_175 : vector<16xf32>
      %exp3A_177 = math.exp %add3A_176 : vector<16xf32>
      %swap3A_178 = arith.constant 1 : i32
      %swap3A_179 = arith.index_cast %swap3A_178 : i32 to index
      %swap3A_180 = arith.constant 0 : index
      %swap3A_181 = tpu.vector_load %arg11[%swap3A_179, %swap3A_180] {strides = array<i32>} : memref<16x128xf32, #tpu.memory_space<vmem>>, vector<16xf32>,
      tpu.vector_store %arg11[%swap3A_179, %swap3A_180], %exp3A_177 {strides = array<i32>} : memref<16x128xf32, #tpu.memory_space<vmem>>, vector<16xf32>,
      %get3A_182 = arith.constant 144 : index
      %get3A_183 = tpu.vector_load %arg8[%get3A_182] {strides = array<i32>} : memref<2048xi32, #tpu.memory_space<vmem>>, vector<16xi32>,
      %gather3A_184 = tpu.vector_load_idx %arg7[%get3A_183] : memref<100000xf32, #tpu.memory_space<vmem>>[vector<16xi32>], vector<16xf32>,
      %get3A_185 = arith.constant 144 : index
      %get3A_186 = tpu.vector_load %arg9[%get3A_185] {strides = array<i32>} : memref<2048xf32, #tpu.memory_space<vmem>>, vector<16xf32>,
      %add3A_187 = arith.addf %gather3A_184, %get3A_186 : vector<16xf32>
      %exp3A_188 = math.exp %add3A_187 : vector<16xf32>
      %swap3A_189 = arith.constant 1 : i32
      %swap3A_190 = arith.index_cast %swap3A_189 : i32 to index
      %swap3A_191 = arith.constant 16 : index
      %swap3A_192 = tpu.vector_load %arg11[%swap3A_190, %swap3A_191] {strides = array<i32>} : memref<16x128xf32, #tpu.memory_space<vmem>>, vector<16xf32>,
      tpu.vector_store %arg11[%swap3A_190, %swap3A_191], %exp3A_188 {strides = array<i32>} : memref<16x128xf32, #tpu.memory_space<vmem>>, vector<16xf32>,
      %get3A_193 = arith.constant 160 : index
      %get3A_194 = tpu.vector_load %arg8[%get3A_193] {strides = array<i32>} : memref<2048xi32, #tpu.memory_space<vmem>>, vector<16xi32>,
      %gather3A_195 = tpu.vector_load_idx %arg7[%get3A_194] : memref<100000xf32, #tpu.memory_space<vmem>>[vector<16xi32>], vector<16xf32>,
      %get3A_196 = arith.constant 160 : index
      %get3A_197 = tpu.vector_load %arg9[%get3A_196] {strides = array<i32>} : memref<2048xf32, #tpu.memory_space<vmem>>, vector<16xf32>,
      %add3A_198 = arith.addf %gather3A_195, %get3A_197 : vector<16xf32>
      %exp3A_199 = math.exp %add3A_198 : vector<16xf32>
      %swap3A_200 = arith.constant 1 : i32
      %swap3A_201 = arith.index_cast %swap3A_200 : i32 to index
      %swap3A_202 = arith.constant 32 : index
      %swap3A_203 = tpu.vector_load %arg11[%swap3A_201, %swap3A_202] {strides = array<i32>} : memref<16x128xf32, #tpu.memory_space<vmem>>, vector<16xf32>,
      tpu.vector_store %arg11[%swap3A_201, %swap3A_202], %exp3A_199 {strides = array<i32>} : memref<16x128xf32, #tpu.memory_space<vmem>>, vector<16xf32>,
      %get3A_204 = arith.constant 176 : index
      %get3A_205 = tpu.vector_load %arg8[%get3A_204] {strides = array<i32>} : memref<2048xi32, #tpu.memory_space<vmem>>, vector<16xi32>,
      %gather3A_206 = tpu.vector_load_idx %arg7[%get3A_205] : memref<100000xf32, #tpu.memory_space<vmem>>[vector<16xi32>], vector<16xf32>,
      %get3A_207 = arith.constant 176 : index
      %get3A_208 = tpu.vector_load %arg9[%get3A_207] {strides = array<i32>} : memref<2048xf32, #tpu.memory_space<vmem>>, vector<16xf32>,
      %add3A_209 = arith.addf %gather3A_206, %get3A_208 : vector<16xf32>
      %exp3A_210 = math.exp %add3A_209 : vector<16xf32>
      %swap3A_211 = arith.constant 1 : i32
      %swap3A_212 = arith.index_cast %swap3A_211 : i32 to index
      %swap3A_213 = arith.constant 48 : index
      %swap3A_214 = tpu.vector_load %arg11[%swap3A_212, %swap3A_213] {strides = array<i32>} : memref<16x128xf32, #tpu.memory_space<vmem>>, vector<16xf32>,
      tpu.vector_store %arg11[%swap3A_212, %swap3A_213], %exp3A_210 {strides = array<i32>} : memref<16x128xf32, #tpu.memory_space<vmem>>, vector<16xf32>,
      %get3A_215 = arith.constant 192 : index
      %get3A_216 = tpu.vector_load %arg8[%get3A_215] {strides = array<i32>} : memref<2048xi32, #tpu.memory_space<vmem>>, vector<16xi32>,
      %gather3A_217 = tpu.vector_load_idx %arg7[%get3A_216] : memref<100000xf32, #tpu.memory_space<vmem>>[vector<16xi32>], vector<16xf32>,
      %get3A_218 = arith.constant 192 : index
      %get3A_219 = tpu.vector_load %arg9[%get3A_218] {strides = array<i32>} : memref<2048xf32, #tpu.memory_space<vmem>>, vector<16xf32>,
      %add3A_220 = arith.addf %gather3A_217, %get3A_219 : vector<16xf32>
      %exp3A_221 = math.exp %add3A_220 : vector<16xf32>
      %swap3A_222 = arith.constant 1 : i32
      %swap3A_223 = arith.index_cast %swap3A_222 : i32 to index
      %swap3A_224 = arith.constant 64 : index
      %swap3A_225 = tpu.vector_load %arg11[%swap3A_223, %swap3A_224] {strides = array<i32>} : memref<16x128xf32, #tpu.memory_space<vmem>>, vector<16xf32>,
      tpu.vector_store %arg11[%swap3A_223, %swap3A_224], %exp3A_221 {strides = array<i32>} : memref<16x128xf32, #tpu.memory_space<vmem>>, vector<16xf32>,
      %get3A_226 = arith.constant 208 : index
      %get3A_227 = tpu.vector_load %arg8[%get3A_226] {strides = array<i32>} : memref<2048xi32, #tpu.memory_space<vmem>>, vector<16xi32>,
      %gather3A_228 = tpu.vector_load_idx %arg7[%get3A_227] : memref<100000xf32, #tpu.memory_space<vmem>>[vector<16xi32>], vector<16xf32>,
      %get3A_229 = arith.constant 208 : index
      %get3A_230 = tpu.vector_load %arg9[%get3A_229] {strides = array<i32>} : memref<2048xf32, #tpu.memory_space<vmem>>, vector<16xf32>,
      %add3A_231 = arith.addf %gather3A_228, %get3A_230 : vector<16xf32>
      %exp3A_232 = math.exp %add3A_231 : vector<16xf32>
      %swap3A_233 = arith.constant 1 : i32
      %swap3A_234 = arith.index_cast %swap3A_233 : i32 to index
      %swap3A_235 = arith.constant 80 : index
      %swap3A_236 = tpu.vector_load %arg11[%swap3A_234, %swap3A_235] {strides = array<i32>} : memref<16x128xf32, #tpu.memory_space<vmem>>, vector<16xf32>,
      tpu.vector_store %arg11[%swap3A_234, %swap3A_235], %exp3A_232 {strides = array<i32>} : memref<16x128xf32, #tpu.memory_space<vmem>>, vector<16xf32>,
      %get3A_237 = arith.constant 224 : index
      %get3A_238 = tpu.vector_load %arg8[%get3A_237] {strides = array<i32>} : memref<2048xi32, #tpu.memory_space<vmem>>, vector<16xi32>,
      %gather3A_239 = tpu.vector_load_idx %arg7[%get3A_238] : memref<100000xf32, #tpu.memory_space<vmem>>[vector<16xi32>], vector<16xf32>,
      %get3A_240 = arith.constant 224 : index
      %get3A_241 = tpu.vector_load %arg9[%get3A_240] {strides = array<i32>} : memref<2048xf32, #tpu.memory_space<vmem>>, vector<16xf32>,
      %add3A_242 = arith.addf %gather3A_239, %get3A_241 : vector<16xf32>
      %exp3A_243 = math.exp %add3A_242 : vector<16xf32>
      %swap3A_244 = arith.constant 1 : i32
      %swap3A_245 = arith.index_cast %swap3A_244 : i32 to index
      %swap3A_246 = arith.constant 96 : index
      %swap3A_247 = tpu.vector_load %arg11[%swap3A_245, %swap3A_246] {strides = array<i32>} : memref<16x128xf32, #tpu.memory_space<vmem>>, vector<16xf32>,
      tpu.vector_store %arg11[%swap3A_245, %swap3A_246], %exp3A_243 {strides = array<i32>} : memref<16x128xf32, #tpu.memory_space<vmem>>, vector<16xf32>,
      %get3A_248 = arith.constant 240 : index
      %get3A_249 = tpu.vector_load %arg8[%get3A_248] {strides = array<i32>} : memref<2048xi32, #tpu.memory_space<vmem>>, vector<16xi32>,
      %gather3A_250 = tpu.vector_load_idx %arg7[%get3A_249] : memref<100000xf32, #tpu.memory_space<vmem>>[vector<16xi32>], vector<16xf32>,
      %get3A_251 = arith.constant 240 : index
      %get3A_252 = tpu.vector_load %arg9[%get3A_251] {strides = array<i32>} : memref<2048xf32, #tpu.memory_space<vmem>>, vector<16xf32>,
      %add3A_253 = arith.addf %gather3A_250, %get3A_252 : vector<16xf32>
      %exp3A_254 = math.exp %add3A_253 : vector<16xf32>
      %swap3A_255 = arith.constant 1 : i32
      %swap3A_256 = arith.index_cast %swap3A_255 : i32 to index
      %swap3A_257 = arith.constant 112 : index
      %swap3A_258 = tpu.vector_load %arg11[%swap3A_256, %swap3A_257] {strides = array<i32>} : memref<16x128xf32, #tpu.memory_space<vmem>>, vector<16xf32>,
      tpu.vector_store %arg11[%swap3A_256, %swap3A_257], %exp3A_254 {strides = array<i32>} : memref<16x128xf32, #tpu.memory_space<vmem>>, vector<16xf32>,
      %get3A_259 = arith.constant 256 : index
      %get3A_260 = tpu.vector_load %arg8[%get3A_259] {strides = array<i32>} : memref<2048xi32, #tpu.memory_space<vmem>>, vector<16xi32>,
      %gather3A_261 = tpu.vector_load_idx %arg7[%get3A_260] : memref<100000xf32, #tpu.memory_space<vmem>>[vector<16xi32>], vector<16xf32>,
      %get3A_262 = arith.constant 256 : index
      %get3A_263 = tpu.vector_load %arg9[%get3A_262] {strides = array<i32>} : memref<2048xf32, #tpu.memory_space<vmem>>, vector<16xf32>,
      %add3A_264 = arith.addf %gather3A_261, %get3A_263 : vector<16xf32>
      %exp3A_265 = math.exp %add3A_264 : vector<16xf32>
      %swap3A_266 = arith.constant 2 : i32
      %swap3A_267 = arith.index_cast %swap3A_266 : i32 to index
      %swap3A_268 = arith.constant 0 : index
      %swap3A_269 = tpu.vector_load %arg11[%swap3A_267, %swap3A_268] {strides = array<i32>} : memref<16x128xf32, #tpu.memory_space<vmem>>, vector<16xf32>,
      tpu.vector_store %arg11[%swap3A_267, %swap3A_268], %exp3A_265 {strides = array<i32>} : memref<16x128xf32, #tpu.memory_space<vmem>>, vector<16xf32>,
      %get3A_270 = arith.constant 272 : index
      %get3A_271 = tpu.vector_load %arg8[%get3A_270] {strides = array<i32>} : memref<2048xi32, #tpu.memory_space<vmem>>, vector<16xi32>,
      %gather3A_272 = tpu.vector_load_idx %arg7[%get3A_271] : memref<100000xf32, #tpu.memory_space<vmem>>[vector<16xi32>], vector<16xf32>,
      %get3A_273 = arith.constant 272 : index
      %get3A_274 = tpu.vector_load %arg9[%get3A_273] {strides = array<i32>} : memref<2048xf32, #tpu.memory_space<vmem>>, vector<16xf32>,
      %add3A_275 = arith.addf %gather3A_272, %get3A_274 : vector<16xf32>
      %exp3A_276 = math.exp %add3A_275 : vector<16xf32>
      %swap3A_277 = arith.constant 2 : i32
      %swap3A_278 = arith.index_cast %swap3A_277 : i32 to index
      %swap3A_279 = arith.constant 16 : index
      %swap3A_280 = tpu.vector_load %arg11[%swap3A_278, %swap3A_279] {strides = array<i32>} : memref<16x128xf32, #tpu.memory_space<vmem>>, vector<16xf32>,
      tpu.vector_store %arg11[%swap3A_278, %swap3A_279], %exp3A_276 {strides = array<i32>} : memref<16x128xf32, #tpu.memory_space<vmem>>, vector<16xf32>,
      %get3A_281 = arith.constant 288 : index
      %get3A_282 = tpu.vector_load %arg8[%get3A_281] {strides = array<i32>} : memref<2048xi32, #tpu.memory_space<vmem>>, vector<16xi32>,
      %gather3A_283 = tpu.vector_load_idx %arg7[%get3A_282] : memref<100000xf32, #tpu.memory_space<vmem>>[vector<16xi32>], vector<16xf32>,
      %get3A_284 = arith.constant 288 : index
      %get3A_285 = tpu.vector_load %arg9[%get3A_284] {strides = array<i32>} : memref<2048xf32, #tpu.memory_space<vmem>>, vector<16xf32>,
      %add3A_286 = arith.addf %gather3A_283, %get3A_285 : vector<16xf32>
      %exp3A_287 = math.exp %add3A_286 : vector<16xf32>
      %swap3A_288 = arith.constant 2 : i32
      %swap3A_289 = arith.index_cast %swap3A_288 : i32 to index
      %swap3A_290 = arith.constant 32 : index
      %swap3A_291 = tpu.vector_load %arg11[%swap3A_289, %swap3A_290] {strides = array<i32>} : memref<16x128xf32, #tpu.memory_space<vmem>>, vector<16xf32>,
      tpu.vector_store %arg11[%swap3A_289, %swap3A_290], %exp3A_287 {strides = array<i32>} : memref<16x128xf32, #tpu.memory_space<vmem>>, vector<16xf32>,
      %get3A_292 = arith.constant 304 : index
      %get3A_293 = tpu.vector_load %arg8[%get3A_292] {strides = array<i32>} : memref<2048xi32, #tpu.memory_space<vmem>>, vector<16xi32>,
      %gather3A_294 = tpu.vector_load_idx %arg7[%get3A_293] : memref<100000xf32, #tpu.memory_space<vmem>>[vector<16xi32>], vector<16xf32>,
      %get3A_295 = arith.constant 304 : index
      %get3A_296 = tpu.vector_load %arg9[%get3A_295] {strides = array<i32>} : memref<2048xf32, #tpu.memory_space<vmem>>, vector<16xf32>,
      %add3A_297 = arith.addf %gather3A_294, %get3A_296 : vector<16xf32>
      %exp3A_298 = math.exp %add3A_297 : vector<16xf32>
      %swap3A_299 = arith.constant 2 : i32
      %swap3A_300 = arith.index_cast %swap3A_299 : i32 to index
      %swap3A_301 = arith.constant 48 : index
      %swap3A_302 = tpu.vector_load %arg11[%swap3A_300, %swap3A_301] {strides = array<i32>} : memref<16x128xf32, #tpu.memory_space<vmem>>, vector<16xf32>,
      tpu.vector_store %arg11[%swap3A_300, %swap3A_301], %exp3A_298 {strides = array<i32>} : memref<16x128xf32, #tpu.memory_space<vmem>>, vector<16xf32>,
      %get3A_303 = arith.constant 320 : index
      %get3A_304 = tpu.vector_load %arg8[%get3A_303] {strides = array<i32>} : memref<2048xi32, #tpu.memory_space<vmem>>, vector<16xi32>,
      %gather3A_305 = tpu.vector_load_idx %arg7[%get3A_304] : memref<100000xf32, #tpu.memory_space<vmem>>[vector<16xi32>], vector<16xf32>,
      %get3A_306 = arith.constant 320 : index
      %get3A_307 = tpu.vector_load %arg9[%get3A_306] {strides = array<i32>} : memref<2048xf32, #tpu.memory_space<vmem>>, vector<16xf32>,
      %add3A_308 = arith.addf %gather3A_305, %get3A_307 : vector<16xf32>
      %exp3A_309 = math.exp %add3A_308 : vector<16xf32>
      %swap3A_310 = arith.constant 2 : i32
      %swap3A_311 = arith.index_cast %swap3A_310 : i32 to index
      %swap3A_312 = arith.constant 64 : index
      %swap3A_313 = tpu.vector_load %arg11[%swap3A_311, %swap3A_312] {strides = array<i32>} : memref<16x128xf32, #tpu.memory_space<vmem>>, vector<16xf32>,
      tpu.vector_store %arg11[%swap3A_311, %swap3A_312], %exp3A_309 {strides = array<i32>} : memref<16x128xf32, #tpu.memory_space<vmem>>, vector<16xf32>,
      %get3A_314 = arith.constant 336 : index
      %get3A_315 = tpu.vector_load %arg8[%get3A_314] {strides = array<i32>} : memref<2048xi32, #tpu.memory_space<vmem>>, vector<16xi32>,
      %gather3A_316 = tpu.vector_load_idx %arg7[%get3A_315] : memref<100000xf32, #tpu.memory_space<vmem>>[vector<16xi32>], vector<16xf32>,
      %get3A_317 = arith.constant 336 : index
      %get3A_318 = tpu.vector_load %arg9[%get3A_317] {strides = array<i32>} : memref<2048xf32, #tpu.memory_space<vmem>>, vector<16xf32>,
      %add3A_319 = arith.addf %gather3A_316, %get3A_318 : vector<16xf32>
      %exp3A_320 = math.exp %add3A_319 : vector<16xf32>
      %swap3A_321 = arith.constant 2 : i32
      %swap3A_322 = arith.index_cast %swap3A_321 : i32 to index
      %swap3A_323 = arith.constant 80 : index
      %swap3A_324 = tpu.vector_load %arg11[%swap3A_322, %swap3A_323] {strides = array<i32>} : memref<16x128xf32, #tpu.memory_space<vmem>>, vector<16xf32>,
      tpu.vector_store %arg11[%swap3A_322, %swap3A_323], %exp3A_320 {strides = array<i32>} : memref<16x128xf32, #tpu.memory_space<vmem>>, vector<16xf32>,
      %get3A_325 = arith.constant 352 : index
      %get3A_326 = tpu.vector_load %arg8[%get3A_325] {strides = array<i32>} : memref<2048xi32, #tpu.memory_space<vmem>>, vector<16xi32>,
      %gather3A_327 = tpu.vector_load_idx %arg7[%get3A_326] : memref<100000xf32, #tpu.memory_space<vmem>>[vector<16xi32>], vector<16xf32>,
      %get3A_328 = arith.constant 352 : index
      %get3A_329 = tpu.vector_load %arg9[%get3A_328] {strides = array<i32>} : memref<2048xf32, #tpu.memory_space<vmem>>, vector<16xf32>,
      %add3A_330 = arith.addf %gather3A_327, %get3A_329 : vector<16xf32>
      %exp3A_331 = math.exp %add3A_330 : vector<16xf32>
      %swap3A_332 = arith.constant 2 : i32
      %swap3A_333 = arith.index_cast %swap3A_332 : i32 to index
      %swap3A_334 = arith.constant 96 : index
      %swap3A_335 = tpu.vector_load %arg11[%swap3A_333, %swap3A_334] {strides = array<i32>} : memref<16x128xf32, #tpu.memory_space<vmem>>, vector<16xf32>,
      tpu.vector_store %arg11[%swap3A_333, %swap3A_334], %exp3A_331 {strides = array<i32>} : memref<16x128xf32, #tpu.memory_space<vmem>>, vector<16xf32>,
      %get3A_336 = arith.constant 368 : index
      %get3A_337 = tpu.vector_load %arg8[%get3A_336] {strides = array<i32>} : memref<2048xi32, #tpu.memory_space<vmem>>, vector<16xi32>,
      %gather3A_338 = tpu.vector_load_idx %arg7[%get3A_337] : memref<100000xf32, #tpu.memory_space<vmem>>[vector<16xi32>], vector<16xf32>,
      %get3A_339 = arith.constant 368 : index
      %get3A_340 = tpu.vector_load %arg9[%get3A_339] {strides = array<i32>} : memref<2048xf32, #tpu.memory_space<vmem>>, vector<16xf32>,
      %add3A_341 = arith.addf %gather3A_338, %get3A_340 : vector<16xf32>
      %exp3A_342 = math.exp %add3A_341 : vector<16xf32>
      %swap3A_343 = arith.constant 2 : i32
      %swap3A_344 = arith.index_cast %swap3A_343 : i32 to index
      %swap3A_345 = arith.constant 112 : index
      %swap3A_346 = tpu.vector_load %arg11[%swap3A_344, %swap3A_345] {strides = array<i32>} : memref<16x128xf32, #tpu.memory_space<vmem>>, vector<16xf32>,
      tpu.vector_store %arg11[%swap3A_344, %swap3A_345], %exp3A_342 {strides = array<i32>} : memref<16x128xf32, #tpu.memory_space<vmem>>, vector<16xf32>,
      %get3A_347 = arith.constant 384 : index
      %get3A_348 = tpu.vector_load %arg8[%get3A_347] {strides = array<i32>} : memref<2048xi32, #tpu.memory_space<vmem>>, vector<16xi32>,
      %gather3A_349 = tpu.vector_load_idx %arg7[%get3A_348] : memref<100000xf32, #tpu.memory_space<vmem>>[vector<16xi32>], vector<16xf32>,
      %get3A_350 = arith.constant 384 : index
      %get3A_351 = tpu.vector_load %arg9[%get3A_350] {strides = array<i32>} : memref<2048xf32, #tpu.memory_space<vmem>>, vector<16xf32>,
      %add3A_352 = arith.addf %gather3A_349, %get3A_351 : vector<16xf32>
      %exp3A_353 = math.exp %add3A_352 : vector<16xf32>
      %swap3A_354 = arith.constant 3 : i32
      %swap3A_355 = arith.index_cast %swap3A_354 : i32 to index
      %swap3A_356 = arith.constant 0 : index
      %swap3A_357 = tpu.vector_load %arg11[%swap3A_355, %swap3A_356] {strides = array<i32>} : memref<16x128xf32, #tpu.memory_space<vmem>>, vector<16xf32>,
      tpu.vector_store %arg11[%swap3A_355, %swap3A_356], %exp3A_353 {strides = array<i32>} : memref<16x128xf32, #tpu.memory_space<vmem>>, vector<16xf32>,
      %get3A_358 = arith.constant 400 : index
      %get3A_359 = tpu.vector_load %arg8[%get3A_358] {strides = array<i32>} : memref<2048xi32, #tpu.memory_space<vmem>>, vector<16xi32>,
      %gather3A_360 = tpu.vector_load_idx %arg7[%get3A_359] : memref<100000xf32, #tpu.memory_space<vmem>>[vector<16xi32>], vector<16xf32>,
      %get3A_361 = arith.constant 400 : index
      %get3A_362 = tpu.vector_load %arg9[%get3A_361] {strides = array<i32>} : memref<2048xf32, #tpu.memory_space<vmem>>, vector<16xf32>,
      %add3A_363 = arith.addf %gather3A_360, %get3A_362 : vector<16xf32>
      %exp3A_364 = math.exp %add3A_363 : vector<16xf32>
      %swap3A_365 = arith.constant 3 : i32
      %swap3A_366 = arith.index_cast %swap3A_365 : i32 to index
      %swap3A_367 = arith.constant 16 : index
      %swap3A_368 = tpu.vector_load %arg11[%swap3A_366, %swap3A_367] {strides = array<i32>} : memref<16x128xf32, #tpu.memory_space<vmem>>, vector<16xf32>,
      tpu.vector_store %arg11[%swap3A_366, %swap3A_367], %exp3A_364 {strides = array<i32>} : memref<16x128xf32, #tpu.memory_space<vmem>>, vector<16xf32>,
      %get3A_369 = arith.constant 416 : index
      %get3A_370 = tpu.vector_load %arg8[%get3A_369] {strides = array<i32>} : memref<2048xi32, #tpu.memory_space<vmem>>, vector<16xi32>,
      %gather3A_371 = tpu.vector_load_idx %arg7[%get3A_370] : memref<100000xf32, #tpu.memory_space<vmem>>[vector<16xi32>], vector<16xf32>,
      %get3A_372 = arith.constant 416 : index
      %get3A_373 = tpu.vector_load %arg9[%get3A_372] {strides = array<i32>} : memref<2048xf32, #tpu.memory_space<vmem>>, vector<16xf32>,
      %add3A_374 = arith.addf %gather3A_371, %get3A_373 : vector<16xf32>
      %exp3A_375 = math.exp %add3A_374 : vector<16xf32>
      %swap3A_376 = arith.constant 3 : i32
      %swap3A_377 = arith.index_cast %swap3A_376 : i32 to index
      %swap3A_378 = arith.constant 32 : index
      %swap3A_379 = tpu.vector_load %arg11[%swap3A_377, %swap3A_378] {strides = array<i32>} : memref<16x128xf32, #tpu.memory_space<vmem>>, vector<16xf32>,
      tpu.vector_store %arg11[%swap3A_377, %swap3A_378], %exp3A_375 {strides = array<i32>} : memref<16x128xf32, #tpu.memory_space<vmem>>, vector<16xf32>,
      %get3A_380 = arith.constant 432 : index
      %get3A_381 = tpu.vector_load %arg8[%get3A_380] {strides = array<i32>} : memref<2048xi32, #tpu.memory_space<vmem>>, vector<16xi32>,
      %gather3A_382 = tpu.vector_load_idx %arg7[%get3A_381] : memref<100000xf32, #tpu.memory_space<vmem>>[vector<16xi32>], vector<16xf32>,
      %get3A_383 = arith.constant 432 : index
      %get3A_384 = tpu.vector_load %arg9[%get3A_383] {strides = array<i32>} : memref<2048xf32, #tpu.memory_space<vmem>>, vector<16xf32>,
      %add3A_385 = arith.addf %gather3A_382, %get3A_384 : vector<16xf32>
      %exp3A_386 = math.exp %add3A_385 : vector<16xf32>
      %swap3A_387 = arith.constant 3 : i32
      %swap3A_388 = arith.index_cast %swap3A_387 : i32 to index
      %swap3A_389 = arith.constant 48 : index
      %swap3A_390 = tpu.vector_load %arg11[%swap3A_388, %swap3A_389] {strides = array<i32>} : memref<16x128xf32, #tpu.memory_space<vmem>>, vector<16xf32>,
      tpu.vector_store %arg11[%swap3A_388, %swap3A_389], %exp3A_386 {strides = array<i32>} : memref<16x128xf32, #tpu.memory_space<vmem>>, vector<16xf32>,
      %get3A_391 = arith.constant 448 : index
      %get3A_392 = tpu.vector_load %arg8[%get3A_391] {strides = array<i32>} : memref<2048xi32, #tpu.memory_space<vmem>>, vector<16xi32>,
      %gather3A_393 = tpu.vector_load_idx %arg7[%get3A_392] : memref<100000xf32, #tpu.memory_space<vmem>>[vector<16xi32>], vector<16xf32>,
      %get3A_394 = arith.constant 448 : index
      %get3A_395 = tpu.vector_load %arg9[%get3A_394] {strides = array<i32>} : memref<2048xf32, #tpu.memory_space<vmem>>, vector<16xf32>,
      %add3A_396 = arith.addf %gather3A_393, %get3A_395 : vector<16xf32>
      %exp3A_397 = math.exp %add3A_396 : vector<16xf32>
      %swap3A_398 = arith.constant 3 : i32
      %swap3A_399 = arith.index_cast %swap3A_398 : i32 to index
      %swap3A_400 = arith.constant 64 : index
      %swap3A_401 = tpu.vector_load %arg11[%swap3A_399, %swap3A_400] {strides = array<i32>} : memref<16x128xf32, #tpu.memory_space<vmem>>, vector<16xf32>,
      tpu.vector_store %arg11[%swap3A_399, %swap3A_400], %exp3A_397 {strides = array<i32>} : memref<16x128xf32, #tpu.memory_space<vmem>>, vector<16xf32>,
      %get3A_402 = arith.constant 464 : index
      %get3A_403 = tpu.vector_load %arg8[%get3A_402] {strides = array<i32>} : memref<2048xi32, #tpu.memory_space<vmem>>, vector<16xi32>,
      %gather3A_404 = tpu.vector_load_idx %arg7[%get3A_403] : memref<100000xf32, #tpu.memory_space<vmem>>[vector<16xi32>], vector<16xf32>,
      %get3A_405 = arith.constant 464 : index
      %get3A_406 = tpu.vector_load %arg9[%get3A_405] {strides = array<i32>} : memref<2048xf32, #tpu.memory_space<vmem>>, vector<16xf32>,
      %add3A_407 = arith.addf %gather3A_404, %get3A_406 : vector<16xf32>
      %exp3A_408 = math.exp %add3A_407 : vector<16xf32>
      %swap3A_409 = arith.constant 3 : i32
      %swap3A_410 = arith.index_cast %swap3A_409 : i32 to index
      %swap3A_411 = arith.constant 80 : index
      %swap3A_412 = tpu.vector_load %arg11[%swap3A_410, %swap3A_411] {strides = array<i32>} : memref<16x128xf32, #tpu.memory_space<vmem>>, vector<16xf32>,
      tpu.vector_store %arg11[%swap3A_410, %swap3A_411], %exp3A_408 {strides = array<i32>} : memref<16x128xf32, #tpu.memory_space<vmem>>, vector<16xf32>,
      %get3A_413 = arith.constant 480 : index
      %get3A_414 = tpu.vector_load %arg8[%get3A_413] {strides = array<i32>} : memref<2048xi32, #tpu.memory_space<vmem>>, vector<16xi32>,
      %gather3A_415 = tpu.vector_load_idx %arg7[%get3A_414] : memref<100000xf32, #tpu.memory_space<vmem>>[vector<16xi32>], vector<16xf32>,
      %get3A_416 = arith.constant 480 : index
      %get3A_417 = tpu.vector_load %arg9[%get3A_416] {strides = array<i32>} : memref<2048xf32, #tpu.memory_space<vmem>>, vector<16xf32>,
      %add3A_418 = arith.addf %gather3A_415, %get3A_417 : vector<16xf32>
      %exp3A_419 = math.exp %add3A_418 : vector<16xf32>
      %swap3A_420 = arith.constant 3 : i32
      %swap3A_421 = arith.index_cast %swap3A_420 : i32 to index
      %swap3A_422 = arith.constant 96 : index
      %swap3A_423 = tpu.vector_load %arg11[%swap3A_421, %swap3A_422] {strides = array<i32>} : memref<16x128xf32, #tpu.memory_space<vmem>>, vector<16xf32>,
      tpu.vector_store %arg11[%swap3A_421, %swap3A_422], %exp3A_419 {strides = array<i32>} : memref<16x128xf32, #tpu.memory_space<vmem>>, vector<16xf32>,
      %get3A_424 = arith.constant 496 : index
      %get3A_425 = tpu.vector_load %arg8[%get3A_424] {strides = array<i32>} : memref<2048xi32, #tpu.memory_space<vmem>>, vector<16xi32>,
      %gather3A_426 = tpu.vector_load_idx %arg7[%get3A_425] : memref<100000xf32, #tpu.memory_space<vmem>>[vector<16xi32>], vector<16xf32>,
      %get3A_427 = arith.constant 496 : index
      %get3A_428 = tpu.vector_load %arg9[%get3A_427] {strides = array<i32>} : memref<2048xf32, #tpu.memory_space<vmem>>, vector<16xf32>,
      %add3A_429 = arith.addf %gather3A_426, %get3A_428 : vector<16xf32>
      %exp3A_430 = math.exp %add3A_429 : vector<16xf32>
      %swap3A_431 = arith.constant 3 : i32
      %swap3A_432 = arith.index_cast %swap3A_431 : i32 to index
      %swap3A_433 = arith.constant 112 : index
      %swap3A_434 = tpu.vector_load %arg11[%swap3A_432, %swap3A_433] {strides = array<i32>} : memref<16x128xf32, #tpu.memory_space<vmem>>, vector<16xf32>,
      tpu.vector_store %arg11[%swap3A_432, %swap3A_433], %exp3A_430 {strides = array<i32>} : memref<16x128xf32, #tpu.memory_space<vmem>>, vector<16xf32>,
      %get3A_435 = arith.constant 512 : index
      %get3A_436 = tpu.vector_load %arg8[%get3A_435] {strides = array<i32>} : memref<2048xi32, #tpu.memory_space<vmem>>, vector<16xi32>,
      %gather3A_437 = tpu.vector_load_idx %arg7[%get3A_436] : memref<100000xf32, #tpu.memory_space<vmem>>[vector<16xi32>], vector<16xf32>,
      %get3A_438 = arith.constant 512 : index
      %get3A_439 = tpu.vector_load %arg9[%get3A_438] {strides = array<i32>} : memref<2048xf32, #tpu.memory_space<vmem>>, vector<16xf32>,
      %add3A_440 = arith.addf %gather3A_437, %get3A_439 : vector<16xf32>
      %exp3A_441 = math.exp %add3A_440 : vector<16xf32>
      %swap3A_442 = arith.constant 4 : i32
      %swap3A_443 = arith.index_cast %swap3A_442 : i32 to index
      %swap3A_444 = arith.constant 0 : index
      %swap3A_445 = tpu.vector_load %arg11[%swap3A_443, %swap3A_444] {strides = array<i32>} : memref<16x128xf32, #tpu.memory_space<vmem>>, vector<16xf32>,
      tpu.vector_store %arg11[%swap3A_443, %swap3A_444], %exp3A_441 {strides = array<i32>} : memref<16x128xf32, #tpu.memory_space<vmem>>, vector<16xf32>,
      %get3A_446 = arith.constant 528 : index
      %get3A_447 = tpu.vector_load %arg8[%get3A_446] {strides = array<i32>} : memref<2048xi32, #tpu.memory_space<vmem>>, vector<16xi32>,
      %gather3A_448 = tpu.vector_load_idx %arg7[%get3A_447] : memref<100000xf32, #tpu.memory_space<vmem>>[vector<16xi32>], vector<16xf32>,
      %get3A_449 = arith.constant 528 : index
      %get3A_450 = tpu.vector_load %arg9[%get3A_449] {strides = array<i32>} : memref<2048xf32, #tpu.memory_space<vmem>>, vector<16xf32>,
      %add3A_451 = arith.addf %gather3A_448, %get3A_450 : vector<16xf32>
      %exp3A_452 = math.exp %add3A_451 : vector<16xf32>
      %swap3A_453 = arith.constant 4 : i32
      %swap3A_454 = arith.index_cast %swap3A_453 : i32 to index
      %swap3A_455 = arith.constant 16 : index
      %swap3A_456 = tpu.vector_load %arg11[%swap3A_454, %swap3A_455] {strides = array<i32>} : memref<16x128xf32, #tpu.memory_space<vmem>>, vector<16xf32>,
      tpu.vector_store %arg11[%swap3A_454, %swap3A_455], %exp3A_452 {strides = array<i32>} : memref<16x128xf32, #tpu.memory_space<vmem>>, vector<16xf32>,
      %get3A_457 = arith.constant 544 : index
      %get3A_458 = tpu.vector_load %arg8[%get3A_457] {strides = array<i32>} : memref<2048xi32, #tpu.memory_space<vmem>>, vector<16xi32>,
      %gather3A_459 = tpu.vector_load_idx %arg7[%get3A_458] : memref<100000xf32, #tpu.memory_space<vmem>>[vector<16xi32>], vector<16xf32>,
      %get3A_460 = arith.constant 544 : index
      %get3A_461 = tpu.vector_load %arg9[%get3A_460] {strides = array<i32>} : memref<2048xf32, #tpu.memory_space<vmem>>, vector<16xf32>,
      %add3A_462 = arith.addf %gather3A_459, %get3A_461 : vector<16xf32>
      %exp3A_463 = math.exp %add3A_462 : vector<16xf32>
      %swap3A_464 = arith.constant 4 : i32
      %swap3A_465 = arith.index_cast %swap3A_464 : i32 to index
      %swap3A_466 = arith.constant 32 : index
      %swap3A_467 = tpu.vector_load %arg11[%swap3A_465, %swap3A_466] {strides = array<i32>} : memref<16x128xf32, #tpu.memory_space<vmem>>, vector<16xf32>,
      tpu.vector_store %arg11[%swap3A_465, %swap3A_466], %exp3A_463 {strides = array<i32>} : memref<16x128xf32, #tpu.memory_space<vmem>>, vector<16xf32>,
      %get3A_468 = arith.constant 560 : index
      %get3A_469 = tpu.vector_load %arg8[%get3A_468] {strides = array<i32>} : memref<2048xi32, #tpu.memory_space<vmem>>, vector<16xi32>,
      %gather3A_470 = tpu.vector_load_idx %arg7[%get3A_469] : memref<100000xf32, #tpu.memory_space<vmem>>[vector<16xi32>], vector<16xf32>,
      %get3A_471 = arith.constant 560 : index
      %get3A_472 = tpu.vector_load %arg9[%get3A_471] {strides = array<i32>} : memref<2048xf32, #tpu.memory_space<vmem>>, vector<16xf32>,
      %add3A_473 = arith.addf %gather3A_470, %get3A_472 : vector<16xf32>
      %exp3A_474 = math.exp %add3A_473 : vector<16xf32>
      %swap3A_475 = arith.constant 4 : i32
      %swap3A_476 = arith.index_cast %swap3A_475 : i32 to index
      %swap3A_477 = arith.constant 48 : index
      %swap3A_478 = tpu.vector_load %arg11[%swap3A_476, %swap3A_477] {strides = array<i32>} : memref<16x128xf32, #tpu.memory_space<vmem>>, vector<16xf32>,
      tpu.vector_store %arg11[%swap3A_476, %swap3A_477], %exp3A_474 {strides = array<i32>} : memref<16x128xf32, #tpu.memory_space<vmem>>, vector<16xf32>,
      %get3A_479 = arith.constant 576 : index
      %get3A_480 = tpu.vector_load %arg8[%get3A_479] {strides = array<i32>} : memref<2048xi32, #tpu.memory_space<vmem>>, vector<16xi32>,
      %gather3A_481 = tpu.vector_load_idx %arg7[%get3A_480] : memref<100000xf32, #tpu.memory_space<vmem>>[vector<16xi32>], vector<16xf32>,
      %get3A_482 = arith.constant 576 : index
      %get3A_483 = tpu.vector_load %arg9[%get3A_482] {strides = array<i32>} : memref<2048xf32, #tpu.memory_space<vmem>>, vector<16xf32>,
      %add3A_484 = arith.addf %gather3A_481, %get3A_483 : vector<16xf32>
      %exp3A_485 = math.exp %add3A_484 : vector<16xf32>
      %swap3A_486 = arith.constant 4 : i32
      %swap3A_487 = arith.index_cast %swap3A_486 : i32 to index
      %swap3A_488 = arith.constant 64 : index
      %swap3A_489 = tpu.vector_load %arg11[%swap3A_487, %swap3A_488] {strides = array<i32>} : memref<16x128xf32, #tpu.memory_space<vmem>>, vector<16xf32>,
      tpu.vector_store %arg11[%swap3A_487, %swap3A_488], %exp3A_485 {strides = array<i32>} : memref<16x128xf32, #tpu.memory_space<vmem>>, vector<16xf32>,
      %get3A_490 = arith.constant 592 : index
      %get3A_491 = tpu.vector_load %arg8[%get3A_490] {strides = array<i32>} : memref<2048xi32, #tpu.memory_space<vmem>>, vector<16xi32>,
      %gather3A_492 = tpu.vector_load_idx %arg7[%get3A_491] : memref<100000xf32, #tpu.memory_space<vmem>>[vector<16xi32>], vector<16xf32>,
      %get3A_493 = arith.constant 592 : index
      %get3A_494 = tpu.vector_load %arg9[%get3A_493] {strides = array<i32>} : memref<2048xf32, #tpu.memory_space<vmem>>, vector<16xf32>,
      %add3A_495 = arith.addf %gather3A_492, %get3A_494 : vector<16xf32>
      %exp3A_496 = math.exp %add3A_495 : vector<16xf32>
      %swap3A_497 = arith.constant 4 : i32
      %swap3A_498 = arith.index_cast %swap3A_497 : i32 to index
      %swap3A_499 = arith.constant 80 : index
      %swap3A_500 = tpu.vector_load %arg11[%swap3A_498, %swap3A_499] {strides = array<i32>} : memref<16x128xf32, #tpu.memory_space<vmem>>, vector<16xf32>,
      tpu.vector_store %arg11[%swap3A_498, %swap3A_499], %exp3A_496 {strides = array<i32>} : memref<16x128xf32, #tpu.memory_space<vmem>>, vector<16xf32>,
      %get3A_501 = arith.constant 608 : index
      %get3A_502 = tpu.vector_load %arg8[%get3A_501] {strides = array<i32>} : memref<2048xi32, #tpu.memory_space<vmem>>, vector<16xi32>,
      %gather3A_503 = tpu.vector_load_idx %arg7[%get3A_502] : memref<100000xf32, #tpu.memory_space<vmem>>[vector<16xi32>], vector<16xf32>,
      %get3A_504 = arith.constant 608 : index
      %get3A_505 = tpu.vector_load %arg9[%get3A_504] {strides = array<i32>} : memref<2048xf32, #tpu.memory_space<vmem>>, vector<16xf32>,
      %add3A_506 = arith.addf %gather3A_503, %get3A_505 : vector<16xf32>
      %exp3A_507 = math.exp %add3A_506 : vector<16xf32>
      %swap3A_508 = arith.constant 4 : i32
      %swap3A_509 = arith.index_cast %swap3A_508 : i32 to index
      %swap3A_510 = arith.constant 96 : index
      %swap3A_511 = tpu.vector_load %arg11[%swap3A_509, %swap3A_510] {strides = array<i32>} : memref<16x128xf32, #tpu.memory_space<vmem>>, vector<16xf32>,
      tpu.vector_store %arg11[%swap3A_509, %swap3A_510], %exp3A_507 {strides = array<i32>} : memref<16x128xf32, #tpu.memory_space<vmem>>, vector<16xf32>,
      %get3A_512 = arith.constant 624 : index
      %get3A_513 = tpu.vector_load %arg8[%get3A_512] {strides = array<i32>} : memref<2048xi32, #tpu.memory_space<vmem>>, vector<16xi32>,
      %gather3A_514 = tpu.vector_load_idx %arg7[%get3A_513] : memref<100000xf32, #tpu.memory_space<vmem>>[vector<16xi32>], vector<16xf32>,
      %get3A_515 = arith.constant 624 : index
      %get3A_516 = tpu.vector_load %arg9[%get3A_515] {strides = array<i32>} : memref<2048xf32, #tpu.memory_space<vmem>>, vector<16xf32>,
      %add3A_517 = arith.addf %gather3A_514, %get3A_516 : vector<16xf32>
      %exp3A_518 = math.exp %add3A_517 : vector<16xf32>
      %swap3A_519 = arith.constant 4 : i32
      %swap3A_520 = arith.index_cast %swap3A_519 : i32 to index
      %swap3A_521 = arith.constant 112 : index
      %swap3A_522 = tpu.vector_load %arg11[%swap3A_520, %swap3A_521] {strides = array<i32>} : memref<16x128xf32, #tpu.memory_space<vmem>>, vector<16xf32>,
      tpu.vector_store %arg11[%swap3A_520, %swap3A_521], %exp3A_518 {strides = array<i32>} : memref<16x128xf32, #tpu.memory_space<vmem>>, vector<16xf32>,
      %get3A_523 = arith.constant 640 : index
      %get3A_524 = tpu.vector_load %arg8[%get3A_523] {strides = array<i32>} : memref<2048xi32, #tpu.memory_space<vmem>>, vector<16xi32>,
      %gather3A_525 = tpu.vector_load_idx %arg7[%get3A_524] : memref<100000xf32, #tpu.memory_space<vmem>>[vector<16xi32>], vector<16xf32>,
      %get3A_526 = arith.constant 640 : index
      %get3A_527 = tpu.vector_load %arg9[%get3A_526] {strides = array<i32>} : memref<2048xf32, #tpu.memory_space<vmem>>, vector<16xf32>,
      %add3A_528 = arith.addf %gather3A_525, %get3A_527 : vector<16xf32>
      %exp3A_529 = math.exp %add3A_528 : vector<16xf32>
      %swap3A_530 = arith.constant 5 : i32
      %swap3A_531 = arith.index_cast %swap3A_530 : i32 to index
      %swap3A_532 = arith.constant 0 : index
      %swap3A_533 = tpu.vector_load %arg11[%swap3A_531, %swap3A_532] {strides = array<i32>} : memref<16x128xf32, #tpu.memory_space<vmem>>, vector<16xf32>,
      tpu.vector_store %arg11[%swap3A_531, %swap3A_532], %exp3A_529 {strides = array<i32>} : memref<16x128xf32, #tpu.memory_space<vmem>>, vector<16xf32>,
      %get3A_534 = arith.constant 656 : index
      %get3A_535 = tpu.vector_load %arg8[%get3A_534] {strides = array<i32>} : memref<2048xi32, #tpu.memory_space<vmem>>, vector<16xi32>,
      %gather3A_536 = tpu.vector_load_idx %arg7[%get3A_535] : memref<100000xf32, #tpu.memory_space<vmem>>[vector<16xi32>], vector<16xf32>,
      %get3A_537 = arith.constant 656 : index
      %get3A_538 = tpu.vector_load %arg9[%get3A_537] {strides = array<i32>} : memref<2048xf32, #tpu.memory_space<vmem>>, vector<16xf32>,
      %add3A_539 = arith.addf %gather3A_536, %get3A_538 : vector<16xf32>
      %exp3A_540 = math.exp %add3A_539 : vector<16xf32>
      %swap3A_541 = arith.constant 5 : i32
      %swap3A_542 = arith.index_cast %swap3A_541 : i32 to index
      %swap3A_543 = arith.constant 16 : index
      %swap3A_544 = tpu.vector_load %arg11[%swap3A_542, %swap3A_543] {strides = array<i32>} : memref<16x128xf32, #tpu.memory_space<vmem>>, vector<16xf32>,
      tpu.vector_store %arg11[%swap3A_542, %swap3A_543], %exp3A_540 {strides = array<i32>} : memref<16x128xf32, #tpu.memory_space<vmem>>, vector<16xf32>,
      %get3A_545 = arith.constant 672 : index
      %get3A_546 = tpu.vector_load %arg8[%get3A_545] {strides = array<i32>} : memref<2048xi32, #tpu.memory_space<vmem>>, vector<16xi32>,
      %gather3A_547 = tpu.vector_load_idx %arg7[%get3A_546] : memref<100000xf32, #tpu.memory_space<vmem>>[vector<16xi32>], vector<16xf32>,
      %get3A_548 = arith.constant 672 : index
      %get3A_549 = tpu.vector_load %arg9[%get3A_548] {strides = array<i32>} : memref<2048xf32, #tpu.memory_space<vmem>>, vector<16xf32>,
      %add3A_550 = arith.addf %gather3A_547, %get3A_549 : vector<16xf32>
      %exp3A_551 = math.exp %add3A_550 : vector<16xf32>
      %swap3A_552 = arith.constant 5 : i32
      %swap3A_553 = arith.index_cast %swap3A_552 : i32 to index
      %swap3A_554 = arith.constant 32 : index
      %swap3A_555 = tpu.vector_load %arg11[%swap3A_553, %swap3A_554] {strides = array<i32>} : memref<16x128xf32, #tpu.memory_space<vmem>>, vector<16xf32>,
      tpu.vector_store %arg11[%swap3A_553, %swap3A_554], %exp3A_551 {strides = array<i32>} : memref<16x128xf32, #tpu.memory_space<vmem>>, vector<16xf32>,
      %get3A_556 = arith.constant 688 : index
      %get3A_557 = tpu.vector_load %arg8[%get3A_556] {strides = array<i32>} : memref<2048xi32, #tpu.memory_space<vmem>>, vector<16xi32>,
      %gather3A_558 = tpu.vector_load_idx %arg7[%get3A_557] : memref<100000xf32, #tpu.memory_space<vmem>>[vector<16xi32>], vector<16xf32>,
      %get3A_559 = arith.constant 688 : index
      %get3A_560 = tpu.vector_load %arg9[%get3A_559] {strides = array<i32>} : memref<2048xf32, #tpu.memory_space<vmem>>, vector<16xf32>,
      %add3A_561 = arith.addf %gather3A_558, %get3A_560 : vector<16xf32>
      %exp3A_562 = math.exp %add3A_561 : vector<16xf32>
      %swap3A_563 = arith.constant 5 : i32
      %swap3A_564 = arith.index_cast %swap3A_563 : i32 to index
      %swap3A_565 = arith.constant 48 : index
      %swap3A_566 = tpu.vector_load %arg11[%swap3A_564, %swap3A_565] {strides = array<i32>} : memref<16x128xf32, #tpu.memory_space<vmem>>, vector<16xf32>,
      tpu.vector_store %arg11[%swap3A_564, %swap3A_565], %exp3A_562 {strides = array<i32>} : memref<16x128xf32, #tpu.memory_space<vmem>>, vector<16xf32>,
      %get3A_567 = arith.constant 704 : index
      %get3A_568 = tpu.vector_load %arg8[%get3A_567] {strides = array<i32>} : memref<2048xi32, #tpu.memory_space<vmem>>, vector<16xi32>,
      %gather3A_569 = tpu.vector_load_idx %arg7[%get3A_568] : memref<100000xf32, #tpu.memory_space<vmem>>[vector<16xi32>], vector<16xf32>,
      %get3A_570 = arith.constant 704 : index
      %get3A_571 = tpu.vector_load %arg9[%get3A_570] {strides = array<i32>} : memref<2048xf32, #tpu.memory_space<vmem>>, vector<16xf32>,
      %add3A_572 = arith.addf %gather3A_569, %get3A_571 : vector<16xf32>
      %exp3A_573 = math.exp %add3A_572 : vector<16xf32>
      %swap3A_574 = arith.constant 5 : i32
      %swap3A_575 = arith.index_cast %swap3A_574 : i32 to index
      %swap3A_576 = arith.constant 64 : index
      %swap3A_577 = tpu.vector_load %arg11[%swap3A_575, %swap3A_576] {strides = array<i32>} : memref<16x128xf32, #tpu.memory_space<vmem>>, vector<16xf32>,
      tpu.vector_store %arg11[%swap3A_575, %swap3A_576], %exp3A_573 {strides = array<i32>} : memref<16x128xf32, #tpu.memory_space<vmem>>, vector<16xf32>,
      %get3A_578 = arith.constant 720 : index
      %get3A_579 = tpu.vector_load %arg8[%get3A_578] {strides = array<i32>} : memref<2048xi32, #tpu.memory_space<vmem>>, vector<16xi32>,
      %gather3A_580 = tpu.vector_load_idx %arg7[%get3A_579] : memref<100000xf32, #tpu.memory_space<vmem>>[vector<16xi32>], vector<16xf32>,
      %get3A_581 = arith.constant 720 : index
      %get3A_582 = tpu.vector_load %arg9[%get3A_581] {strides = array<i32>} : memref<2048xf32, #tpu.memory_space<vmem>>, vector<16xf32>,
      %add3A_583 = arith.addf %gather3A_580, %get3A_582 : vector<16xf32>
      %exp3A_584 = math.exp %add3A_583 : vector<16xf32>
      %swap3A_585 = arith.constant 5 : i32
      %swap3A_586 = arith.index_cast %swap3A_585 : i32 to index
      %swap3A_587 = arith.constant 80 : index
      %swap3A_588 = tpu.vector_load %arg11[%swap3A_586, %swap3A_587] {strides = array<i32>} : memref<16x128xf32, #tpu.memory_space<vmem>>, vector<16xf32>,
      tpu.vector_store %arg11[%swap3A_586, %swap3A_587], %exp3A_584 {strides = array<i32>} : memref<16x128xf32, #tpu.memory_space<vmem>>, vector<16xf32>,
      %get3A_589 = arith.constant 736 : index
      %get3A_590 = tpu.vector_load %arg8[%get3A_589] {strides = array<i32>} : memref<2048xi32, #tpu.memory_space<vmem>>, vector<16xi32>,
      %gather3A_591 = tpu.vector_load_idx %arg7[%get3A_590] : memref<100000xf32, #tpu.memory_space<vmem>>[vector<16xi32>], vector<16xf32>,
      %get3A_592 = arith.constant 736 : index
      %get3A_593 = tpu.vector_load %arg9[%get3A_592] {strides = array<i32>} : memref<2048xf32, #tpu.memory_space<vmem>>, vector<16xf32>,
      %add3A_594 = arith.addf %gather3A_591, %get3A_593 : vector<16xf32>
      %exp3A_595 = math.exp %add3A_594 : vector<16xf32>
      %swap3A_596 = arith.constant 5 : i32
      %swap3A_597 = arith.index_cast %swap3A_596 : i32 to index
      %swap3A_598 = arith.constant 96 : index
      %swap3A_599 = tpu.vector_load %arg11[%swap3A_597, %swap3A_598] {strides = array<i32>} : memref<16x128xf32, #tpu.memory_space<vmem>>, vector<16xf32>,
      tpu.vector_store %arg11[%swap3A_597, %swap3A_598], %exp3A_595 {strides = array<i32>} : memref<16x128xf32, #tpu.memory_space<vmem>>, vector<16xf32>,
      %get3A_600 = arith.constant 752 : index
      %get3A_601 = tpu.vector_load %arg8[%get3A_600] {strides = array<i32>} : memref<2048xi32, #tpu.memory_space<vmem>>, vector<16xi32>,
      %gather3A_602 = tpu.vector_load_idx %arg7[%get3A_601] : memref<100000xf32, #tpu.memory_space<vmem>>[vector<16xi32>], vector<16xf32>,
      %get3A_603 = arith.constant 752 : index
      %get3A_604 = tpu.vector_load %arg9[%get3A_603] {strides = array<i32>} : memref<2048xf32, #tpu.memory_space<vmem>>, vector<16xf32>,
      %add3A_605 = arith.addf %gather3A_602, %get3A_604 : vector<16xf32>
      %exp3A_606 = math.exp %add3A_605 : vector<16xf32>
      %swap3A_607 = arith.constant 5 : i32
      %swap3A_608 = arith.index_cast %swap3A_607 : i32 to index
      %swap3A_609 = arith.constant 112 : index
      %swap3A_610 = tpu.vector_load %arg11[%swap3A_608, %swap3A_609] {strides = array<i32>} : memref<16x128xf32, #tpu.memory_space<vmem>>, vector<16xf32>,
      tpu.vector_store %arg11[%swap3A_608, %swap3A_609], %exp3A_606 {strides = array<i32>} : memref<16x128xf32, #tpu.memory_space<vmem>>, vector<16xf32>,
      %get3A_611 = arith.constant 768 : index
      %get3A_612 = tpu.vector_load %arg8[%get3A_611] {strides = array<i32>} : memref<2048xi32, #tpu.memory_space<vmem>>, vector<16xi32>,
      %gather3A_613 = tpu.vector_load_idx %arg7[%get3A_612] : memref<100000xf32, #tpu.memory_space<vmem>>[vector<16xi32>], vector<16xf32>,
      %get3A_614 = arith.constant 768 : index
      %get3A_615 = tpu.vector_load %arg9[%get3A_614] {strides = array<i32>} : memref<2048xf32, #tpu.memory_space<vmem>>, vector<16xf32>,
      %add3A_616 = arith.addf %gather3A_613, %get3A_615 : vector<16xf32>
      %exp3A_617 = math.exp %add3A_616 : vector<16xf32>
      %swap3A_618 = arith.constant 6 : i32
      %swap3A_619 = arith.index_cast %swap3A_618 : i32 to index
      %swap3A_620 = arith.constant 0 : index
      %swap3A_621 = tpu.vector_load %arg11[%swap3A_619, %swap3A_620] {strides = array<i32>} : memref<16x128xf32, #tpu.memory_space<vmem>>, vector<16xf32>,
      tpu.vector_store %arg11[%swap3A_619, %swap3A_620], %exp3A_617 {strides = array<i32>} : memref<16x128xf32, #tpu.memory_space<vmem>>, vector<16xf32>,
      %get3A_622 = arith.constant 784 : index
      %get3A_623 = tpu.vector_load %arg8[%get3A_622] {strides = array<i32>} : memref<2048xi32, #tpu.memory_space<vmem>>, vector<16xi32>,
      %gather3A_624 = tpu.vector_load_idx %arg7[%get3A_623] : memref<100000xf32, #tpu.memory_space<vmem>>[vector<16xi32>], vector<16xf32>,
      %get3A_625 = arith.constant 784 : index
      %get3A_626 = tpu.vector_load %arg9[%get3A_625] {strides = array<i32>} : memref<2048xf32, #tpu.memory_space<vmem>>, vector<16xf32>,
      %add3A_627 = arith.addf %gather3A_624, %get3A_626 : vector<16xf32>
      %exp3A_628 = math.exp %add3A_627 : vector<16xf32>
      %swap3A_629 = arith.constant 6 : i32
      %swap3A_630 = arith.index_cast %swap3A_629 : i32 to index
      %swap3A_631 = arith.constant 16 : index
      %swap3A_632 = tpu.vector_load %arg11[%swap3A_630, %swap3A_631] {strides = array<i32>} : memref<16x128xf32, #tpu.memory_space<vmem>>, vector<16xf32>,
      tpu.vector_store %arg11[%swap3A_630, %swap3A_631], %exp3A_628 {strides = array<i32>} : memref<16x128xf32, #tpu.memory_space<vmem>>, vector<16xf32>,
      %get3A_633 = arith.constant 800 : index
      %get3A_634 = tpu.vector_load %arg8[%get3A_633] {strides = array<i32>} : memref<2048xi32, #tpu.memory_space<vmem>>, vector<16xi32>,
      %gather3A_635 = tpu.vector_load_idx %arg7[%get3A_634] : memref<100000xf32, #tpu.memory_space<vmem>>[vector<16xi32>], vector<16xf32>,
      %get3A_636 = arith.constant 800 : index
      %get3A_637 = tpu.vector_load %arg9[%get3A_636] {strides = array<i32>} : memref<2048xf32, #tpu.memory_space<vmem>>, vector<16xf32>,
      %add3A_638 = arith.addf %gather3A_635, %get3A_637 : vector<16xf32>
      %exp3A_639 = math.exp %add3A_638 : vector<16xf32>
      %swap3A_640 = arith.constant 6 : i32
      %swap3A_641 = arith.index_cast %swap3A_640 : i32 to index
      %swap3A_642 = arith.constant 32 : index
      %swap3A_643 = tpu.vector_load %arg11[%swap3A_641, %swap3A_642] {strides = array<i32>} : memref<16x128xf32, #tpu.memory_space<vmem>>, vector<16xf32>,
      tpu.vector_store %arg11[%swap3A_641, %swap3A_642], %exp3A_639 {strides = array<i32>} : memref<16x128xf32, #tpu.memory_space<vmem>>, vector<16xf32>,
      %get3A_644 = arith.constant 816 : index
      %get3A_645 = tpu.vector_load %arg8[%get3A_644] {strides = array<i32>} : memref<2048xi32, #tpu.memory_space<vmem>>, vector<16xi32>,
      %gather3A_646 = tpu.vector_load_idx %arg7[%get3A_645] : memref<100000xf32, #tpu.memory_space<vmem>>[vector<16xi32>], vector<16xf32>,
      %get3A_647 = arith.constant 816 : index
      %get3A_648 = tpu.vector_load %arg9[%get3A_647] {strides = array<i32>} : memref<2048xf32, #tpu.memory_space<vmem>>, vector<16xf32>,
      %add3A_649 = arith.addf %gather3A_646, %get3A_648 : vector<16xf32>
      %exp3A_650 = math.exp %add3A_649 : vector<16xf32>
      %swap3A_651 = arith.constant 6 : i32
      %swap3A_652 = arith.index_cast %swap3A_651 : i32 to index
      %swap3A_653 = arith.constant 48 : index
      %swap3A_654 = tpu.vector_load %arg11[%swap3A_652, %swap3A_653] {strides = array<i32>} : memref<16x128xf32, #tpu.memory_space<vmem>>, vector<16xf32>,
      tpu.vector_store %arg11[%swap3A_652, %swap3A_653], %exp3A_650 {strides = array<i32>} : memref<16x128xf32, #tpu.memory_space<vmem>>, vector<16xf32>,
      %get3A_655 = arith.constant 832 : index
      %get3A_656 = tpu.vector_load %arg8[%get3A_655] {strides = array<i32>} : memref<2048xi32, #tpu.memory_space<vmem>>, vector<16xi32>,
      %gather3A_657 = tpu.vector_load_idx %arg7[%get3A_656] : memref<100000xf32, #tpu.memory_space<vmem>>[vector<16xi32>], vector<16xf32>,
      %get3A_658 = arith.constant 832 : index
      %get3A_659 = tpu.vector_load %arg9[%get3A_658] {strides = array<i32>} : memref<2048xf32, #tpu.memory_space<vmem>>, vector<16xf32>,
      %add3A_660 = arith.addf %gather3A_657, %get3A_659 : vector<16xf32>
      %exp3A_661 = math.exp %add3A_660 : vector<16xf32>
      %swap3A_662 = arith.constant 6 : i32
      %swap3A_663 = arith.index_cast %swap3A_662 : i32 to index
      %swap3A_664 = arith.constant 64 : index
      %swap3A_665 = tpu.vector_load %arg11[%swap3A_663, %swap3A_664] {strides = array<i32>} : memref<16x128xf32, #tpu.memory_space<vmem>>, vector<16xf32>,
      tpu.vector_store %arg11[%swap3A_663, %swap3A_664], %exp3A_661 {strides = array<i32>} : memref<16x128xf32, #tpu.memory_space<vmem>>, vector<16xf32>,
      %get3A_666 = arith.constant 848 : index
      %get3A_667 = tpu.vector_load %arg8[%get3A_666] {strides = array<i32>} : memref<2048xi32, #tpu.memory_space<vmem>>, vector<16xi32>,
      %gather3A_668 = tpu.vector_load_idx %arg7[%get3A_667] : memref<100000xf32, #tpu.memory_space<vmem>>[vector<16xi32>], vector<16xf32>,
      %get3A_669 = arith.constant 848 : index
      %get3A_670 = tpu.vector_load %arg9[%get3A_669] {strides = array<i32>} : memref<2048xf32, #tpu.memory_space<vmem>>, vector<16xf32>,
      %add3A_671 = arith.addf %gather3A_668, %get3A_670 : vector<16xf32>
      %exp3A_672 = math.exp %add3A_671 : vector<16xf32>
      %swap3A_673 = arith.constant 6 : i32
      %swap3A_674 = arith.index_cast %swap3A_673 : i32 to index
      %swap3A_675 = arith.constant 80 : index
      %swap3A_676 = tpu.vector_load %arg11[%swap3A_674, %swap3A_675] {strides = array<i32>} : memref<16x128xf32, #tpu.memory_space<vmem>>, vector<16xf32>,
      tpu.vector_store %arg11[%swap3A_674, %swap3A_675], %exp3A_672 {strides = array<i32>} : memref<16x128xf32, #tpu.memory_space<vmem>>, vector<16xf32>,
      %get3A_677 = arith.constant 864 : index
      %get3A_678 = tpu.vector_load %arg8[%get3A_677] {strides = array<i32>} : memref<2048xi32, #tpu.memory_space<vmem>>, vector<16xi32>,
      %gather3A_679 = tpu.vector_load_idx %arg7[%get3A_678] : memref<100000xf32, #tpu.memory_space<vmem>>[vector<16xi32>], vector<16xf32>,
      %get3A_680 = arith.constant 864 : index
      %get3A_681 = tpu.vector_load %arg9[%get3A_680] {strides = array<i32>} : memref<2048xf32, #tpu.memory_space<vmem>>, vector<16xf32>,
      %add3A_682 = arith.addf %gather3A_679, %get3A_681 : vector<16xf32>
      %exp3A_683 = math.exp %add3A_682 : vector<16xf32>
      %swap3A_684 = arith.constant 6 : i32
      %swap3A_685 = arith.index_cast %swap3A_684 : i32 to index
      %swap3A_686 = arith.constant 96 : index
      %swap3A_687 = tpu.vector_load %arg11[%swap3A_685, %swap3A_686] {strides = array<i32>} : memref<16x128xf32, #tpu.memory_space<vmem>>, vector<16xf32>,
      tpu.vector_store %arg11[%swap3A_685, %swap3A_686], %exp3A_683 {strides = array<i32>} : memref<16x128xf32, #tpu.memory_space<vmem>>, vector<16xf32>,
      %get3A_688 = arith.constant 880 : index
      %get3A_689 = tpu.vector_load %arg8[%get3A_688] {strides = array<i32>} : memref<2048xi32, #tpu.memory_space<vmem>>, vector<16xi32>,
      %gather3A_690 = tpu.vector_load_idx %arg7[%get3A_689] : memref<100000xf32, #tpu.memory_space<vmem>>[vector<16xi32>], vector<16xf32>,
      %get3A_691 = arith.constant 880 : index
      %get3A_692 = tpu.vector_load %arg9[%get3A_691] {strides = array<i32>} : memref<2048xf32, #tpu.memory_space<vmem>>, vector<16xf32>,
      %add3A_693 = arith.addf %gather3A_690, %get3A_692 : vector<16xf32>
      %exp3A_694 = math.exp %add3A_693 : vector<16xf32>
      %swap3A_695 = arith.constant 6 : i32
      %swap3A_696 = arith.index_cast %swap3A_695 : i32 to index
      %swap3A_697 = arith.constant 112 : index
      %swap3A_698 = tpu.vector_load %arg11[%swap3A_696, %swap3A_697] {strides = array<i32>} : memref<16x128xf32, #tpu.memory_space<vmem>>, vector<16xf32>,
      tpu.vector_store %arg11[%swap3A_696, %swap3A_697], %exp3A_694 {strides = array<i32>} : memref<16x128xf32, #tpu.memory_space<vmem>>, vector<16xf32>,
      %get3A_699 = arith.constant 896 : index
      %get3A_700 = tpu.vector_load %arg8[%get3A_699] {strides = array<i32>} : memref<2048xi32, #tpu.memory_space<vmem>>, vector<16xi32>,
      %gather3A_701 = tpu.vector_load_idx %arg7[%get3A_700] : memref<100000xf32, #tpu.memory_space<vmem>>[vector<16xi32>], vector<16xf32>,
      %get3A_702 = arith.constant 896 : index
      %get3A_703 = tpu.vector_load %arg9[%get3A_702] {strides = array<i32>} : memref<2048xf32, #tpu.memory_space<vmem>>, vector<16xf32>,
      %add3A_704 = arith.addf %gather3A_701, %get3A_703 : vector<16xf32>
      %exp3A_705 = math.exp %add3A_704 : vector<16xf32>
      %swap3A_706 = arith.constant 7 : i32
      %swap3A_707 = arith.index_cast %swap3A_706 : i32 to index
      %swap3A_708 = arith.constant 0 : index
      %swap3A_709 = tpu.vector_load %arg11[%swap3A_707, %swap3A_708] {strides = array<i32>} : memref<16x128xf32, #tpu.memory_space<vmem>>, vector<16xf32>,
      tpu.vector_store %arg11[%swap3A_707, %swap3A_708], %exp3A_705 {strides = array<i32>} : memref<16x128xf32, #tpu.memory_space<vmem>>, vector<16xf32>,
      %get3A_710 = arith.constant 912 : index
      %get3A_711 = tpu.vector_load %arg8[%get3A_710] {strides = array<i32>} : memref<2048xi32, #tpu.memory_space<vmem>>, vector<16xi32>,
      %gather3A_712 = tpu.vector_load_idx %arg7[%get3A_711] : memref<100000xf32, #tpu.memory_space<vmem>>[vector<16xi32>], vector<16xf32>,
      %get3A_713 = arith.constant 912 : index
      %get3A_714 = tpu.vector_load %arg9[%get3A_713] {strides = array<i32>} : memref<2048xf32, #tpu.memory_space<vmem>>, vector<16xf32>,
      %add3A_715 = arith.addf %gather3A_712, %get3A_714 : vector<16xf32>
      %exp3A_716 = math.exp %add3A_715 : vector<16xf32>
      %swap3A_717 = arith.constant 7 : i32
      %swap3A_718 = arith.index_cast %swap3A_717 : i32 to index
      %swap3A_719 = arith.constant 16 : index
      %swap3A_720 = tpu.vector_load %arg11[%swap3A_718, %swap3A_719] {strides = array<i32>} : memref<16x128xf32, #tpu.memory_space<vmem>>, vector<16xf32>,
      tpu.vector_store %arg11[%swap3A_718, %swap3A_719], %exp3A_716 {strides = array<i32>} : memref<16x128xf32, #tpu.memory_space<vmem>>, vector<16xf32>,
      %get3A_721 = arith.constant 928 : index
      %get3A_722 = tpu.vector_load %arg8[%get3A_721] {strides = array<i32>} : memref<2048xi32, #tpu.memory_space<vmem>>, vector<16xi32>,
      %gather3A_723 = tpu.vector_load_idx %arg7[%get3A_722] : memref<100000xf32, #tpu.memory_space<vmem>>[vector<16xi32>], vector<16xf32>,
      %get3A_724 = arith.constant 928 : index
      %get3A_725 = tpu.vector_load %arg9[%get3A_724] {strides = array<i32>} : memref<2048xf32, #tpu.memory_space<vmem>>, vector<16xf32>,
      %add3A_726 = arith.addf %gather3A_723, %get3A_725 : vector<16xf32>
      %exp3A_727 = math.exp %add3A_726 : vector<16xf32>
      %swap3A_728 = arith.constant 7 : i32
      %swap3A_729 = arith.index_cast %swap3A_728 : i32 to index
      %swap3A_730 = arith.constant 32 : index
      %swap3A_731 = tpu.vector_load %arg11[%swap3A_729, %swap3A_730] {strides = array<i32>} : memref<16x128xf32, #tpu.memory_space<vmem>>, vector<16xf32>,
      tpu.vector_store %arg11[%swap3A_729, %swap3A_730], %exp3A_727 {strides = array<i32>} : memref<16x128xf32, #tpu.memory_space<vmem>>, vector<16xf32>,
      %get3A_732 = arith.constant 944 : index
      %get3A_733 = tpu.vector_load %arg8[%get3A_732] {strides = array<i32>} : memref<2048xi32, #tpu.memory_space<vmem>>, vector<16xi32>,
      %gather3A_734 = tpu.vector_load_idx %arg7[%get3A_733] : memref<100000xf32, #tpu.memory_space<vmem>>[vector<16xi32>], vector<16xf32>,
      %get3A_735 = arith.constant 944 : index
      %get3A_736 = tpu.vector_load %arg9[%get3A_735] {strides = array<i32>} : memref<2048xf32, #tpu.memory_space<vmem>>, vector<16xf32>,
      %add3A_737 = arith.addf %gather3A_734, %get3A_736 : vector<16xf32>
      %exp3A_738 = math.exp %add3A_737 : vector<16xf32>
      %swap3A_739 = arith.constant 7 : i32
      %swap3A_740 = arith.index_cast %swap3A_739 : i32 to index
      %swap3A_741 = arith.constant 48 : index
      %swap3A_742 = tpu.vector_load %arg11[%swap3A_740, %swap3A_741] {strides = array<i32>} : memref<16x128xf32, #tpu.memory_space<vmem>>, vector<16xf32>,
      tpu.vector_store %arg11[%swap3A_740, %swap3A_741], %exp3A_738 {strides = array<i32>} : memref<16x128xf32, #tpu.memory_space<vmem>>, vector<16xf32>,
      %get3A_743 = arith.constant 960 : index
      %get3A_744 = tpu.vector_load %arg8[%get3A_743] {strides = array<i32>} : memref<2048xi32, #tpu.memory_space<vmem>>, vector<16xi32>,
      %gather3A_745 = tpu.vector_load_idx %arg7[%get3A_744] : memref<100000xf32, #tpu.memory_space<vmem>>[vector<16xi32>], vector<16xf32>,
      %get3A_746 = arith.constant 960 : index
      %get3A_747 = tpu.vector_load %arg9[%get3A_746] {strides = array<i32>} : memref<2048xf32, #tpu.memory_space<vmem>>, vector<16xf32>,
      %add3A_748 = arith.addf %gather3A_745, %get3A_747 : vector<16xf32>
      %exp3A_749 = math.exp %add3A_748 : vector<16xf32>
      %swap3A_750 = arith.constant 7 : i32
      %swap3A_751 = arith.index_cast %swap3A_750 : i32 to index
      %swap3A_752 = arith.constant 64 : index
      %swap3A_753 = tpu.vector_load %arg11[%swap3A_751, %swap3A_752] {strides = array<i32>} : memref<16x128xf32, #tpu.memory_space<vmem>>, vector<16xf32>,
      tpu.vector_store %arg11[%swap3A_751, %swap3A_752], %exp3A_749 {strides = array<i32>} : memref<16x128xf32, #tpu.memory_space<vmem>>, vector<16xf32>,
      %get3A_754 = arith.constant 976 : index
      %get3A_755 = tpu.vector_load %arg8[%get3A_754] {strides = array<i32>} : memref<2048xi32, #tpu.memory_space<vmem>>, vector<16xi32>,
      %gather3A_756 = tpu.vector_load_idx %arg7[%get3A_755] : memref<100000xf32, #tpu.memory_space<vmem>>[vector<16xi32>], vector<16xf32>,
      %get3A_757 = arith.constant 976 : index
      %get3A_758 = tpu.vector_load %arg9[%get3A_757] {strides = array<i32>} : memref<2048xf32, #tpu.memory_space<vmem>>, vector<16xf32>,
      %add3A_759 = arith.addf %gather3A_756, %get3A_758 : vector<16xf32>
      %exp3A_760 = math.exp %add3A_759 : vector<16xf32>
      %swap3A_761 = arith.constant 7 : i32
      %swap3A_762 = arith.index_cast %swap3A_761 : i32 to index
      %swap3A_763 = arith.constant 80 : index
      %swap3A_764 = tpu.vector_load %arg11[%swap3A_762, %swap3A_763] {strides = array<i32>} : memref<16x128xf32, #tpu.memory_space<vmem>>, vector<16xf32>,
      tpu.vector_store %arg11[%swap3A_762, %swap3A_763], %exp3A_760 {strides = array<i32>} : memref<16x128xf32, #tpu.memory_space<vmem>>, vector<16xf32>,
      %get3A_765 = arith.constant 992 : index
      %get3A_766 = tpu.vector_load %arg8[%get3A_765] {strides = array<i32>} : memref<2048xi32, #tpu.memory_space<vmem>>, vector<16xi32>,
      %gather3A_767 = tpu.vector_load_idx %arg7[%get3A_766] : memref<100000xf32, #tpu.memory_space<vmem>>[vector<16xi32>], vector<16xf32>,
      %get3A_768 = arith.constant 992 : index
      %get3A_769 = tpu.vector_load %arg9[%get3A_768] {strides = array<i32>} : memref<2048xf32, #tpu.memory_space<vmem>>, vector<16xf32>,
      %add3A_770 = arith.addf %gather3A_767, %get3A_769 : vector<16xf32>
      %exp3A_771 = math.exp %add3A_770 : vector<16xf32>
      %swap3A_772 = arith.constant 7 : i32
      %swap3A_773 = arith.index_cast %swap3A_772 : i32 to index
      %swap3A_774 = arith.constant 96 : index
      %swap3A_775 = tpu.vector_load %arg11[%swap3A_773, %swap3A_774] {strides = array<i32>} : memref<16x128xf32, #tpu.memory_space<vmem>>, vector<16xf32>,
      tpu.vector_store %arg11[%swap3A_773, %swap3A_774], %exp3A_771 {strides = array<i32>} : memref<16x128xf32, #tpu.memory_space<vmem>>, vector<16xf32>,
      %get3A_776 = arith.constant 1008 : index
      %get3A_777 = tpu.vector_load %arg8[%get3A_776] {strides = array<i32>} : memref<2048xi32, #tpu.memory_space<vmem>>, vector<16xi32>,
      %gather3A_778 = tpu.vector_load_idx %arg7[%get3A_777] : memref<100000xf32, #tpu.memory_space<vmem>>[vector<16xi32>], vector<16xf32>,
      %get3A_779 = arith.constant 1008 : index
      %get3A_780 = tpu.vector_load %arg9[%get3A_779] {strides = array<i32>} : memref<2048xf32, #tpu.memory_space<vmem>>, vector<16xf32>,
      %add3A_781 = arith.addf %gather3A_778, %get3A_780 : vector<16xf32>
      %exp3A_782 = math.exp %add3A_781 : vector<16xf32>
      %swap3A_783 = arith.constant 7 : i32
      %swap3A_784 = arith.index_cast %swap3A_783 : i32 to index
      %swap3A_785 = arith.constant 112 : index
      %swap3A_786 = tpu.vector_load %arg11[%swap3A_784, %swap3A_785] {strides = array<i32>} : memref<16x128xf32, #tpu.memory_space<vmem>>, vector<16xf32>,
      tpu.vector_store %arg11[%swap3A_784, %swap3A_785], %exp3A_782 {strides = array<i32>} : memref<16x128xf32, #tpu.memory_space<vmem>>, vector<16xf32>,
      %get3A_787 = arith.constant 1024 : index
      %get3A_788 = tpu.vector_load %arg8[%get3A_787] {strides = array<i32>} : memref<2048xi32, #tpu.memory_space<vmem>>, vector<16xi32>,
      %gather3A_789 = tpu.vector_load_idx %arg7[%get3A_788] : memref<100000xf32, #tpu.memory_space<vmem>>[vector<16xi32>], vector<16xf32>,
      %get3A_790 = arith.constant 1024 : index
      %get3A_791 = tpu.vector_load %arg9[%get3A_790] {strides = array<i32>} : memref<2048xf32, #tpu.memory_space<vmem>>, vector<16xf32>,
      %add3A_792 = arith.addf %gather3A_789, %get3A_791 : vector<16xf32>
      %exp3A_793 = math.exp %add3A_792 : vector<16xf32>
      %swap3A_794 = arith.constant 8 : i32
      %swap3A_795 = arith.index_cast %swap3A_794 : i32 to index
      %swap3A_796 = arith.constant 0 : index
      %swap3A_797 = tpu.vector_load %arg11[%swap3A_795, %swap3A_796] {strides = array<i32>} : memref<16x128xf32, #tpu.memory_space<vmem>>, vector<16xf32>,
      tpu.vector_store %arg11[%swap3A_795, %swap3A_796], %exp3A_793 {strides = array<i32>} : memref<16x128xf32, #tpu.memory_space<vmem>>, vector<16xf32>,
      %get3A_798 = arith.constant 1040 : index
      %get3A_799 = tpu.vector_load %arg8[%get3A_798] {strides = array<i32>} : memref<2048xi32, #tpu.memory_space<vmem>>, vector<16xi32>,
      %gather3A_800 = tpu.vector_load_idx %arg7[%get3A_799] : memref<100000xf32, #tpu.memory_space<vmem>>[vector<16xi32>], vector<16xf32>,
      %get3A_801 = arith.constant 1040 : index
      %get3A_802 = tpu.vector_load %arg9[%get3A_801] {strides = array<i32>} : memref<2048xf32, #tpu.memory_space<vmem>>, vector<16xf32>,
      %add3A_803 = arith.addf %gather3A_800, %get3A_802 : vector<16xf32>
      %exp3A_804 = math.exp %add3A_803 : vector<16xf32>
      %swap3A_805 = arith.constant 8 : i32
      %swap3A_806 = arith.index_cast %swap3A_805 : i32 to index
      %swap3A_807 = arith.constant 16 : index
      %swap3A_808 = tpu.vector_load %arg11[%swap3A_806, %swap3A_807] {strides = array<i32>} : memref<16x128xf32, #tpu.memory_space<vmem>>, vector<16xf32>,
      tpu.vector_store %arg11[%swap3A_806, %swap3A_807], %exp3A_804 {strides = array<i32>} : memref<16x128xf32, #tpu.memory_space<vmem>>, vector<16xf32>,
      %get3A_809 = arith.constant 1056 : index
      %get3A_810 = tpu.vector_load %arg8[%get3A_809] {strides = array<i32>} : memref<2048xi32, #tpu.memory_space<vmem>>, vector<16xi32>,
      %gather3A_811 = tpu.vector_load_idx %arg7[%get3A_810] : memref<100000xf32, #tpu.memory_space<vmem>>[vector<16xi32>], vector<16xf32>,
      %get3A_812 = arith.constant 1056 : index
      %get3A_813 = tpu.vector_load %arg9[%get3A_812] {strides = array<i32>} : memref<2048xf32, #tpu.memory_space<vmem>>, vector<16xf32>,
      %add3A_814 = arith.addf %gather3A_811, %get3A_813 : vector<16xf32>
      %exp3A_815 = math.exp %add3A_814 : vector<16xf32>
      %swap3A_816 = arith.constant 8 : i32
      %swap3A_817 = arith.index_cast %swap3A_816 : i32 to index
      %swap3A_818 = arith.constant 32 : index
      %swap3A_819 = tpu.vector_load %arg11[%swap3A_817, %swap3A_818] {strides = array<i32>} : memref<16x128xf32, #tpu.memory_space<vmem>>, vector<16xf32>,
      tpu.vector_store %arg11[%swap3A_817, %swap3A_818], %exp3A_815 {strides = array<i32>} : memref<16x128xf32, #tpu.memory_space<vmem>>, vector<16xf32>,
      %get3A_820 = arith.constant 1072 : index
      %get3A_821 = tpu.vector_load %arg8[%get3A_820] {strides = array<i32>} : memref<2048xi32, #tpu.memory_space<vmem>>, vector<16xi32>,
      %gather3A_822 = tpu.vector_load_idx %arg7[%get3A_821] : memref<100000xf32, #tpu.memory_space<vmem>>[vector<16xi32>], vector<16xf32>,
      %get3A_823 = arith.constant 1072 : index
      %get3A_824 = tpu.vector_load %arg9[%get3A_823] {strides = array<i32>} : memref<2048xf32, #tpu.memory_space<vmem>>, vector<16xf32>,
      %add3A_825 = arith.addf %gather3A_822, %get3A_824 : vector<16xf32>
      %exp3A_826 = math.exp %add3A_825 : vector<16xf32>
      %swap3A_827 = arith.constant 8 : i32
      %swap3A_828 = arith.index_cast %swap3A_827 : i32 to index
      %swap3A_829 = arith.constant 48 : index
      %swap3A_830 = tpu.vector_load %arg11[%swap3A_828, %swap3A_829] {strides = array<i32>} : memref<16x128xf32, #tpu.memory_space<vmem>>, vector<16xf32>,
      tpu.vector_store %arg11[%swap3A_828, %swap3A_829], %exp3A_826 {strides = array<i32>} : memref<16x128xf32, #tpu.memory_space<vmem>>, vector<16xf32>,
      %get3A_831 = arith.constant 1088 : index
      %get3A_832 = tpu.vector_load %arg8[%get3A_831] {strides = array<i32>} : memref<2048xi32, #tpu.memory_space<vmem>>, vector<16xi32>,
      %gather3A_833 = tpu.vector_load_idx %arg7[%get3A_832] : memref<100000xf32, #tpu.memory_space<vmem>>[vector<16xi32>], vector<16xf32>,
      %get3A_834 = arith.constant 1088 : index
      %get3A_835 = tpu.vector_load %arg9[%get3A_834] {strides = array<i32>} : memref<2048xf32, #tpu.memory_space<vmem>>, vector<16xf32>,
      %add3A_836 = arith.addf %gather3A_833, %get3A_835 : vector<16xf32>
      %exp3A_837 = math.exp %add3A_836 : vector<16xf32>
      %swap3A_838 = arith.constant 8 : i32
      %swap3A_839 = arith.index_cast %swap3A_838 : i32 to index
      %swap3A_840 = arith.constant 64 : index
      %swap3A_841 = tpu.vector_load %arg11[%swap3A_839, %swap3A_840] {strides = array<i32>} : memref<16x128xf32, #tpu.memory_space<vmem>>, vector<16xf32>,
      tpu.vector_store %arg11[%swap3A_839, %swap3A_840], %exp3A_837 {strides = array<i32>} : memref<16x128xf32, #tpu.memory_space<vmem>>, vector<16xf32>,
      %get3A_842 = arith.constant 1104 : index
      %get3A_843 = tpu.vector_load %arg8[%get3A_842] {strides = array<i32>} : memref<2048xi32, #tpu.memory_space<vmem>>, vector<16xi32>,
      %gather3A_844 = tpu.vector_load_idx %arg7[%get3A_843] : memref<100000xf32, #tpu.memory_space<vmem>>[vector<16xi32>], vector<16xf32>,
      %get3A_845 = arith.constant 1104 : index
      %get3A_846 = tpu.vector_load %arg9[%get3A_845] {strides = array<i32>} : memref<2048xf32, #tpu.memory_space<vmem>>, vector<16xf32>,
      %add3A_847 = arith.addf %gather3A_844, %get3A_846 : vector<16xf32>
      %exp3A_848 = math.exp %add3A_847 : vector<16xf32>
      %swap3A_849 = arith.constant 8 : i32
      %swap3A_850 = arith.index_cast %swap3A_849 : i32 to index
      %swap3A_851 = arith.constant 80 : index
      %swap3A_852 = tpu.vector_load %arg11[%swap3A_850, %swap3A_851] {strides = array<i32>} : memref<16x128xf32, #tpu.memory_space<vmem>>, vector<16xf32>,
      tpu.vector_store %arg11[%swap3A_850, %swap3A_851], %exp3A_848 {strides = array<i32>} : memref<16x128xf32, #tpu.memory_space<vmem>>, vector<16xf32>,
      %get3A_853 = arith.constant 1120 : index
      %get3A_854 = tpu.vector_load %arg8[%get3A_853] {strides = array<i32>} : memref<2048xi32, #tpu.memory_space<vmem>>, vector<16xi32>,
      %gather3A_855 = tpu.vector_load_idx %arg7[%get3A_854] : memref<100000xf32, #tpu.memory_space<vmem>>[vector<16xi32>], vector<16xf32>,
      %get3A_856 = arith.constant 1120 : index
      %get3A_857 = tpu.vector_load %arg9[%get3A_856] {strides = array<i32>} : memref<2048xf32, #tpu.memory_space<vmem>>, vector<16xf32>,
      %add3A_858 = arith.addf %gather3A_855, %get3A_857 : vector<16xf32>
      %exp3A_859 = math.exp %add3A_858 : vector<16xf32>
      %swap3A_860 = arith.constant 8 : i32
      %swap3A_861 = arith.index_cast %swap3A_860 : i32 to index
      %swap3A_862 = arith.constant 96 : index
      %swap3A_863 = tpu.vector_load %arg11[%swap3A_861, %swap3A_862] {strides = array<i32>} : memref<16x128xf32, #tpu.memory_space<vmem>>, vector<16xf32>,
      tpu.vector_store %arg11[%swap3A_861, %swap3A_862], %exp3A_859 {strides = array<i32>} : memref<16x128xf32, #tpu.memory_space<vmem>>, vector<16xf32>,
      %get3A_864 = arith.constant 1136 : index
      %get3A_865 = tpu.vector_load %arg8[%get3A_864] {strides = array<i32>} : memref<2048xi32, #tpu.memory_space<vmem>>, vector<16xi32>,
      %gather3A_866 = tpu.vector_load_idx %arg7[%get3A_865] : memref<100000xf32, #tpu.memory_space<vmem>>[vector<16xi32>], vector<16xf32>,
      %get3A_867 = arith.constant 1136 : index
      %get3A_868 = tpu.vector_load %arg9[%get3A_867] {strides = array<i32>} : memref<2048xf32, #tpu.memory_space<vmem>>, vector<16xf32>,
      %add3A_869 = arith.addf %gather3A_866, %get3A_868 : vector<16xf32>
      %exp3A_870 = math.exp %add3A_869 : vector<16xf32>
      %swap3A_871 = arith.constant 8 : i32
      %swap3A_872 = arith.index_cast %swap3A_871 : i32 to index
      %swap3A_873 = arith.constant 112 : index
      %swap3A_874 = tpu.vector_load %arg11[%swap3A_872, %swap3A_873] {strides = array<i32>} : memref<16x128xf32, #tpu.memory_space<vmem>>, vector<16xf32>,
      tpu.vector_store %arg11[%swap3A_872, %swap3A_873], %exp3A_870 {strides = array<i32>} : memref<16x128xf32, #tpu.memory_space<vmem>>, vector<16xf32>,
      %get3A_875 = arith.constant 1152 : index
      %get3A_876 = tpu.vector_load %arg8[%get3A_875] {strides = array<i32>} : memref<2048xi32, #tpu.memory_space<vmem>>, vector<16xi32>,
      %gather3A_877 = tpu.vector_load_idx %arg7[%get3A_876] : memref<100000xf32, #tpu.memory_space<vmem>>[vector<16xi32>], vector<16xf32>,
      %get3A_878 = arith.constant 1152 : index
      %get3A_879 = tpu.vector_load %arg9[%get3A_878] {strides = array<i32>} : memref<2048xf32, #tpu.memory_space<vmem>>, vector<16xf32>,
      %add3A_880 = arith.addf %gather3A_877, %get3A_879 : vector<16xf32>
      %exp3A_881 = math.exp %add3A_880 : vector<16xf32>
      %swap3A_882 = arith.constant 9 : i32
      %swap3A_883 = arith.index_cast %swap3A_882 : i32 to index
      %swap3A_884 = arith.constant 0 : index
      %swap3A_885 = tpu.vector_load %arg11[%swap3A_883, %swap3A_884] {strides = array<i32>} : memref<16x128xf32, #tpu.memory_space<vmem>>, vector<16xf32>,
      tpu.vector_store %arg11[%swap3A_883, %swap3A_884], %exp3A_881 {strides = array<i32>} : memref<16x128xf32, #tpu.memory_space<vmem>>, vector<16xf32>,
      %get3A_886 = arith.constant 1168 : index
      %get3A_887 = tpu.vector_load %arg8[%get3A_886] {strides = array<i32>} : memref<2048xi32, #tpu.memory_space<vmem>>, vector<16xi32>,
      %gather3A_888 = tpu.vector_load_idx %arg7[%get3A_887] : memref<100000xf32, #tpu.memory_space<vmem>>[vector<16xi32>], vector<16xf32>,
      %get3A_889 = arith.constant 1168 : index
      %get3A_890 = tpu.vector_load %arg9[%get3A_889] {strides = array<i32>} : memref<2048xf32, #tpu.memory_space<vmem>>, vector<16xf32>,
      %add3A_891 = arith.addf %gather3A_888, %get3A_890 : vector<16xf32>
      %exp3A_892 = math.exp %add3A_891 : vector<16xf32>
      %swap3A_893 = arith.constant 9 : i32
      %swap3A_894 = arith.index_cast %swap3A_893 : i32 to index
      %swap3A_895 = arith.constant 16 : index
      %swap3A_896 = tpu.vector_load %arg11[%swap3A_894, %swap3A_895] {strides = array<i32>} : memref<16x128xf32, #tpu.memory_space<vmem>>, vector<16xf32>,
      tpu.vector_store %arg11[%swap3A_894, %swap3A_895], %exp3A_892 {strides = array<i32>} : memref<16x128xf32, #tpu.memory_space<vmem>>, vector<16xf32>,
      %get3A_897 = arith.constant 1184 : index
      %get3A_898 = tpu.vector_load %arg8[%get3A_897] {strides = array<i32>} : memref<2048xi32, #tpu.memory_space<vmem>>, vector<16xi32>,
      %gather3A_899 = tpu.vector_load_idx %arg7[%get3A_898] : memref<100000xf32, #tpu.memory_space<vmem>>[vector<16xi32>], vector<16xf32>,
      %get3A_900 = arith.constant 1184 : index
      %get3A_901 = tpu.vector_load %arg9[%get3A_900] {strides = array<i32>} : memref<2048xf32, #tpu.memory_space<vmem>>, vector<16xf32>,
      %add3A_902 = arith.addf %gather3A_899, %get3A_901 : vector<16xf32>
      %exp3A_903 = math.exp %add3A_902 : vector<16xf32>
      %swap3A_904 = arith.constant 9 : i32
      %swap3A_905 = arith.index_cast %swap3A_904 : i32 to index
      %swap3A_906 = arith.constant 32 : index
      %swap3A_907 = tpu.vector_load %arg11[%swap3A_905, %swap3A_906] {strides = array<i32>} : memref<16x128xf32, #tpu.memory_space<vmem>>, vector<16xf32>,
      tpu.vector_store %arg11[%swap3A_905, %swap3A_906], %exp3A_903 {strides = array<i32>} : memref<16x128xf32, #tpu.memory_space<vmem>>, vector<16xf32>,
      %get3A_908 = arith.constant 1200 : index
      %get3A_909 = tpu.vector_load %arg8[%get3A_908] {strides = array<i32>} : memref<2048xi32, #tpu.memory_space<vmem>>, vector<16xi32>,
      %gather3A_910 = tpu.vector_load_idx %arg7[%get3A_909] : memref<100000xf32, #tpu.memory_space<vmem>>[vector<16xi32>], vector<16xf32>,
      %get3A_911 = arith.constant 1200 : index
      %get3A_912 = tpu.vector_load %arg9[%get3A_911] {strides = array<i32>} : memref<2048xf32, #tpu.memory_space<vmem>>, vector<16xf32>,
      %add3A_913 = arith.addf %gather3A_910, %get3A_912 : vector<16xf32>
      %exp3A_914 = math.exp %add3A_913 : vector<16xf32>
      %swap3A_915 = arith.constant 9 : i32
      %swap3A_916 = arith.index_cast %swap3A_915 : i32 to index
      %swap3A_917 = arith.constant 48 : index
      %swap3A_918 = tpu.vector_load %arg11[%swap3A_916, %swap3A_917] {strides = array<i32>} : memref<16x128xf32, #tpu.memory_space<vmem>>, vector<16xf32>,
      tpu.vector_store %arg11[%swap3A_916, %swap3A_917], %exp3A_914 {strides = array<i32>} : memref<16x128xf32, #tpu.memory_space<vmem>>, vector<16xf32>,
      %get3A_919 = arith.constant 1216 : index
      %get3A_920 = tpu.vector_load %arg8[%get3A_919] {strides = array<i32>} : memref<2048xi32, #tpu.memory_space<vmem>>, vector<16xi32>,
      %gather3A_921 = tpu.vector_load_idx %arg7[%get3A_920] : memref<100000xf32, #tpu.memory_space<vmem>>[vector<16xi32>], vector<16xf32>,
      %get3A_922 = arith.constant 1216 : index
      %get3A_923 = tpu.vector_load %arg9[%get3A_922] {strides = array<i32>} : memref<2048xf32, #tpu.memory_space<vmem>>, vector<16xf32>,
      %add3A_924 = arith.addf %gather3A_921, %get3A_923 : vector<16xf32>
      %exp3A_925 = math.exp %add3A_924 : vector<16xf32>
      %swap3A_926 = arith.constant 9 : i32
      %swap3A_927 = arith.index_cast %swap3A_926 : i32 to index
      %swap3A_928 = arith.constant 64 : index
      %swap3A_929 = tpu.vector_load %arg11[%swap3A_927, %swap3A_928] {strides = array<i32>} : memref<16x128xf32, #tpu.memory_space<vmem>>, vector<16xf32>,
      tpu.vector_store %arg11[%swap3A_927, %swap3A_928], %exp3A_925 {strides = array<i32>} : memref<16x128xf32, #tpu.memory_space<vmem>>, vector<16xf32>,
      %get3A_930 = arith.constant 1232 : index
      %get3A_931 = tpu.vector_load %arg8[%get3A_930] {strides = array<i32>} : memref<2048xi32, #tpu.memory_space<vmem>>, vector<16xi32>,
      %gather3A_932 = tpu.vector_load_idx %arg7[%get3A_931] : memref<100000xf32, #tpu.memory_space<vmem>>[vector<16xi32>], vector<16xf32>,
      %get3A_933 = arith.constant 1232 : index
      %get3A_934 = tpu.vector_load %arg9[%get3A_933] {strides = array<i32>} : memref<2048xf32, #tpu.memory_space<vmem>>, vector<16xf32>,
      %add3A_935 = arith.addf %gather3A_932, %get3A_934 : vector<16xf32>
      %exp3A_936 = math.exp %add3A_935 : vector<16xf32>
      %swap3A_937 = arith.constant 9 : i32
      %swap3A_938 = arith.index_cast %swap3A_937 : i32 to index
      %swap3A_939 = arith.constant 80 : index
      %swap3A_940 = tpu.vector_load %arg11[%swap3A_938, %swap3A_939] {strides = array<i32>} : memref<16x128xf32, #tpu.memory_space<vmem>>, vector<16xf32>,
      tpu.vector_store %arg11[%swap3A_938, %swap3A_939], %exp3A_936 {strides = array<i32>} : memref<16x128xf32, #tpu.memory_space<vmem>>, vector<16xf32>,
      %get3A_941 = arith.constant 1248 : index
      %get3A_942 = tpu.vector_load %arg8[%get3A_941] {strides = array<i32>} : memref<2048xi32, #tpu.memory_space<vmem>>, vector<16xi32>,
      %gather3A_943 = tpu.vector_load_idx %arg7[%get3A_942] : memref<100000xf32, #tpu.memory_space<vmem>>[vector<16xi32>], vector<16xf32>,
      %get3A_944 = arith.constant 1248 : index
      %get3A_945 = tpu.vector_load %arg9[%get3A_944] {strides = array<i32>} : memref<2048xf32, #tpu.memory_space<vmem>>, vector<16xf32>,
      %add3A_946 = arith.addf %gather3A_943, %get3A_945 : vector<16xf32>
      %exp3A_947 = math.exp %add3A_946 : vector<16xf32>
      %swap3A_948 = arith.constant 9 : i32
      %swap3A_949 = arith.index_cast %swap3A_948 : i32 to index
      %swap3A_950 = arith.constant 96 : index
      %swap3A_951 = tpu.vector_load %arg11[%swap3A_949, %swap3A_950] {strides = array<i32>} : memref<16x128xf32, #tpu.memory_space<vmem>>, vector<16xf32>,
      tpu.vector_store %arg11[%swap3A_949, %swap3A_950], %exp3A_947 {strides = array<i32>} : memref<16x128xf32, #tpu.memory_space<vmem>>, vector<16xf32>,
      %get3A_952 = arith.constant 1264 : index
      %get3A_953 = tpu.vector_load %arg8[%get3A_952] {strides = array<i32>} : memref<2048xi32, #tpu.memory_space<vmem>>, vector<16xi32>,
      %gather3A_954 = tpu.vector_load_idx %arg7[%get3A_953] : memref<100000xf32, #tpu.memory_space<vmem>>[vector<16xi32>], vector<16xf32>,
      %get3A_955 = arith.constant 1264 : index
      %get3A_956 = tpu.vector_load %arg9[%get3A_955] {strides = array<i32>} : memref<2048xf32, #tpu.memory_space<vmem>>, vector<16xf32>,
      %add3A_957 = arith.addf %gather3A_954, %get3A_956 : vector<16xf32>
      %exp3A_958 = math.exp %add3A_957 : vector<16xf32>
      %swap3A_959 = arith.constant 9 : i32
      %swap3A_960 = arith.index_cast %swap3A_959 : i32 to index
      %swap3A_961 = arith.constant 112 : index
      %swap3A_962 = tpu.vector_load %arg11[%swap3A_960, %swap3A_961] {strides = array<i32>} : memref<16x128xf32, #tpu.memory_space<vmem>>, vector<16xf32>,
      tpu.vector_store %arg11[%swap3A_960, %swap3A_961], %exp3A_958 {strides = array<i32>} : memref<16x128xf32, #tpu.memory_space<vmem>>, vector<16xf32>,
      %get3A_963 = arith.constant 1280 : index
      %get3A_964 = tpu.vector_load %arg8[%get3A_963] {strides = array<i32>} : memref<2048xi32, #tpu.memory_space<vmem>>, vector<16xi32>,
      %gather3A_965 = tpu.vector_load_idx %arg7[%get3A_964] : memref<100000xf32, #tpu.memory_space<vmem>>[vector<16xi32>], vector<16xf32>,
      %get3A_966 = arith.constant 1280 : index
      %get3A_967 = tpu.vector_load %arg9[%get3A_966] {strides = array<i32>} : memref<2048xf32, #tpu.memory_space<vmem>>, vector<16xf32>,
      %add3A_968 = arith.addf %gather3A_965, %get3A_967 : vector<16xf32>
      %exp3A_969 = math.exp %add3A_968 : vector<16xf32>
      %swap3A_970 = arith.constant 10 : i32
      %swap3A_971 = arith.index_cast %swap3A_970 : i32 to index
      %swap3A_972 = arith.constant 0 : index
      %swap3A_973 = tpu.vector_load %arg11[%swap3A_971, %swap3A_972] {strides = array<i32>} : memref<16x128xf32, #tpu.memory_space<vmem>>, vector<16xf32>,
      tpu.vector_store %arg11[%swap3A_971, %swap3A_972], %exp3A_969 {strides = array<i32>} : memref<16x128xf32, #tpu.memory_space<vmem>>, vector<16xf32>,
      %get3A_974 = arith.constant 1296 : index
      %get3A_975 = tpu.vector_load %arg8[%get3A_974] {strides = array<i32>} : memref<2048xi32, #tpu.memory_space<vmem>>, vector<16xi32>,
      %gather3A_976 = tpu.vector_load_idx %arg7[%get3A_975] : memref<100000xf32, #tpu.memory_space<vmem>>[vector<16xi32>], vector<16xf32>,
      %get3A_977 = arith.constant 1296 : index
      %get3A_978 = tpu.vector_load %arg9[%get3A_977] {strides = array<i32>} : memref<2048xf32, #tpu.memory_space<vmem>>, vector<16xf32>,
      %add3A_979 = arith.addf %gather3A_976, %get3A_978 : vector<16xf32>
      %exp3A_980 = math.exp %add3A_979 : vector<16xf32>
      %swap3A_981 = arith.constant 10 : i32
      %swap3A_982 = arith.index_cast %swap3A_981 : i32 to index
      %swap3A_983 = arith.constant 16 : index
      %swap3A_984 = tpu.vector_load %arg11[%swap3A_982, %swap3A_983] {strides = array<i32>} : memref<16x128xf32, #tpu.memory_space<vmem>>, vector<16xf32>,
      tpu.vector_store %arg11[%swap3A_982, %swap3A_983], %exp3A_980 {strides = array<i32>} : memref<16x128xf32, #tpu.memory_space<vmem>>, vector<16xf32>,
      %get3A_985 = arith.constant 1312 : index
      %get3A_986 = tpu.vector_load %arg8[%get3A_985] {strides = array<i32>} : memref<2048xi32, #tpu.memory_space<vmem>>, vector<16xi32>,
      %gather3A_987 = tpu.vector_load_idx %arg7[%get3A_986] : memref<100000xf32, #tpu.memory_space<vmem>>[vector<16xi32>], vector<16xf32>,
      %get3A_988 = arith.constant 1312 : index
      %get3A_989 = tpu.vector_load %arg9[%get3A_988] {strides = array<i32>} : memref<2048xf32, #tpu.memory_space<vmem>>, vector<16xf32>,
      %add3A_990 = arith.addf %gather3A_987, %get3A_989 : vector<16xf32>
      %exp3A_991 = math.exp %add3A_990 : vector<16xf32>
      %swap3A_992 = arith.constant 10 : i32
      %swap3A_993 = arith.index_cast %swap3A_992 : i32 to index
      %swap3A_994 = arith.constant 32 : index
      %swap3A_995 = tpu.vector_load %arg11[%swap3A_993, %swap3A_994] {strides = array<i32>} : memref<16x128xf32, #tpu.memory_space<vmem>>, vector<16xf32>,
      tpu.vector_store %arg11[%swap3A_993, %swap3A_994], %exp3A_991 {strides = array<i32>} : memref<16x128xf32, #tpu.memory_space<vmem>>, vector<16xf32>,
      %get3A_996 = arith.constant 1328 : index
      %get3A_997 = tpu.vector_load %arg8[%get3A_996] {strides = array<i32>} : memref<2048xi32, #tpu.memory_space<vmem>>, vector<16xi32>,
      %gather3A_998 = tpu.vector_load_idx %arg7[%get3A_997] : memref<100000xf32, #tpu.memory_space<vmem>>[vector<16xi32>], vector<16xf32>,
      %get3A_999 = arith.constant 1328 : index
      %get3A_1000 = tpu.vector_load %arg9[%get3A_999] {strides = array<i32>} : memref<2048xf32, #tpu.memory_space<vmem>>, vector<16xf32>,
      %add3A_1001 = arith.addf %gather3A_998, %get3A_1000 : vector<16xf32>
      %exp3A_1002 = math.exp %add3A_1001 : vector<16xf32>
      %swap3A_1003 = arith.constant 10 : i32
      %swap3A_1004 = arith.index_cast %swap3A_1003 : i32 to index
      %swap3A_1005 = arith.constant 48 : index
      %swap3A_1006 = tpu.vector_load %arg11[%swap3A_1004, %swap3A_1005] {strides = array<i32>} : memref<16x128xf32, #tpu.memory_space<vmem>>, vector<16xf32>,
      tpu.vector_store %arg11[%swap3A_1004, %swap3A_1005], %exp3A_1002 {strides = array<i32>} : memref<16x128xf32, #tpu.memory_space<vmem>>, vector<16xf32>,
      %get3A_1007 = arith.constant 1344 : index
      %get3A_1008 = tpu.vector_load %arg8[%get3A_1007] {strides = array<i32>} : memref<2048xi32, #tpu.memory_space<vmem>>, vector<16xi32>,
      %gather3A_1009 = tpu.vector_load_idx %arg7[%get3A_1008] : memref<100000xf32, #tpu.memory_space<vmem>>[vector<16xi32>], vector<16xf32>,
      %get3A_1010 = arith.constant 1344 : index
      %get3A_1011 = tpu.vector_load %arg9[%get3A_1010] {strides = array<i32>} : memref<2048xf32, #tpu.memory_space<vmem>>, vector<16xf32>,
      %add3A_1012 = arith.addf %gather3A_1009, %get3A_1011 : vector<16xf32>
      %exp3A_1013 = math.exp %add3A_1012 : vector<16xf32>
      %swap3A_1014 = arith.constant 10 : i32
      %swap3A_1015 = arith.index_cast %swap3A_1014 : i32 to index
      %swap3A_1016 = arith.constant 64 : index
      %swap3A_1017 = tpu.vector_load %arg11[%swap3A_1015, %swap3A_1016] {strides = array<i32>} : memref<16x128xf32, #tpu.memory_space<vmem>>, vector<16xf32>,
      tpu.vector_store %arg11[%swap3A_1015, %swap3A_1016], %exp3A_1013 {strides = array<i32>} : memref<16x128xf32, #tpu.memory_space<vmem>>, vector<16xf32>,
      %get3A_1018 = arith.constant 1360 : index
      %get3A_1019 = tpu.vector_load %arg8[%get3A_1018] {strides = array<i32>} : memref<2048xi32, #tpu.memory_space<vmem>>, vector<16xi32>,
      %gather3A_1020 = tpu.vector_load_idx %arg7[%get3A_1019] : memref<100000xf32, #tpu.memory_space<vmem>>[vector<16xi32>], vector<16xf32>,
      %get3A_1021 = arith.constant 1360 : index
      %get3A_1022 = tpu.vector_load %arg9[%get3A_1021] {strides = array<i32>} : memref<2048xf32, #tpu.memory_space<vmem>>, vector<16xf32>,
      %add3A_1023 = arith.addf %gather3A_1020, %get3A_1022 : vector<16xf32>
      %exp3A_1024 = math.exp %add3A_1023 : vector<16xf32>
      %swap3A_1025 = arith.constant 10 : i32
      %swap3A_1026 = arith.index_cast %swap3A_1025 : i32 to index
      %swap3A_1027 = arith.constant 80 : index
      %swap3A_1028 = tpu.vector_load %arg11[%swap3A_1026, %swap3A_1027] {strides = array<i32>} : memref<16x128xf32, #tpu.memory_space<vmem>>, vector<16xf32>,
      tpu.vector_store %arg11[%swap3A_1026, %swap3A_1027], %exp3A_1024 {strides = array<i32>} : memref<16x128xf32, #tpu.memory_space<vmem>>, vector<16xf32>,
      %get3A_1029 = arith.constant 1376 : index
      %get3A_1030 = tpu.vector_load %arg8[%get3A_1029] {strides = array<i32>} : memref<2048xi32, #tpu.memory_space<vmem>>, vector<16xi32>,
      %gather3A_1031 = tpu.vector_load_idx %arg7[%get3A_1030] : memref<100000xf32, #tpu.memory_space<vmem>>[vector<16xi32>], vector<16xf32>,
      %get3A_1032 = arith.constant 1376 : index
      %get3A_1033 = tpu.vector_load %arg9[%get3A_1032] {strides = array<i32>} : memref<2048xf32, #tpu.memory_space<vmem>>, vector<16xf32>,
      %add3A_1034 = arith.addf %gather3A_1031, %get3A_1033 : vector<16xf32>
      %exp3A_1035 = math.exp %add3A_1034 : vector<16xf32>
      %swap3A_1036 = arith.constant 10 : i32
      %swap3A_1037 = arith.index_cast %swap3A_1036 : i32 to index
      %swap3A_1038 = arith.constant 96 : index
      %swap3A_1039 = tpu.vector_load %arg11[%swap3A_1037, %swap3A_1038] {strides = array<i32>} : memref<16x128xf32, #tpu.memory_space<vmem>>, vector<16xf32>,
      tpu.vector_store %arg11[%swap3A_1037, %swap3A_1038], %exp3A_1035 {strides = array<i32>} : memref<16x128xf32, #tpu.memory_space<vmem>>, vector<16xf32>,
      %get3A_1040 = arith.constant 1392 : index
      %get3A_1041 = tpu.vector_load %arg8[%get3A_1040] {strides = array<i32>} : memref<2048xi32, #tpu.memory_space<vmem>>, vector<16xi32>,
      %gather3A_1042 = tpu.vector_load_idx %arg7[%get3A_1041] : memref<100000xf32, #tpu.memory_space<vmem>>[vector<16xi32>], vector<16xf32>,
      %get3A_1043 = arith.constant 1392 : index
      %get3A_1044 = tpu.vector_load %arg9[%get3A_1043] {strides = array<i32>} : memref<2048xf32, #tpu.memory_space<vmem>>, vector<16xf32>,
      %add3A_1045 = arith.addf %gather3A_1042, %get3A_1044 : vector<16xf32>
      %exp3A_1046 = math.exp %add3A_1045 : vector<16xf32>
      %swap3A_1047 = arith.constant 10 : i32
      %swap3A_1048 = arith.index_cast %swap3A_1047 : i32 to index
      %swap3A_1049 = arith.constant 112 : index
      %swap3A_1050 = tpu.vector_load %arg11[%swap3A_1048, %swap3A_1049] {strides = array<i32>} : memref<16x128xf32, #tpu.memory_space<vmem>>, vector<16xf32>,
      tpu.vector_store %arg11[%swap3A_1048, %swap3A_1049], %exp3A_1046 {strides = array<i32>} : memref<16x128xf32, #tpu.memory_space<vmem>>, vector<16xf32>,
      %get3A_1051 = arith.constant 1408 : index
      %get3A_1052 = tpu.vector_load %arg8[%get3A_1051] {strides = array<i32>} : memref<2048xi32, #tpu.memory_space<vmem>>, vector<16xi32>,
      %gather3A_1053 = tpu.vector_load_idx %arg7[%get3A_1052] : memref<100000xf32, #tpu.memory_space<vmem>>[vector<16xi32>], vector<16xf32>,
      %get3A_1054 = arith.constant 1408 : index
      %get3A_1055 = tpu.vector_load %arg9[%get3A_1054] {strides = array<i32>} : memref<2048xf32, #tpu.memory_space<vmem>>, vector<16xf32>,
      %add3A_1056 = arith.addf %gather3A_1053, %get3A_1055 : vector<16xf32>
      %exp3A_1057 = math.exp %add3A_1056 : vector<16xf32>
      %swap3A_1058 = arith.constant 11 : i32
      %swap3A_1059 = arith.index_cast %swap3A_1058 : i32 to index
      %swap3A_1060 = arith.constant 0 : index
      %swap3A_1061 = tpu.vector_load %arg11[%swap3A_1059, %swap3A_1060] {strides = array<i32>} : memref<16x128xf32, #tpu.memory_space<vmem>>, vector<16xf32>,
      tpu.vector_store %arg11[%swap3A_1059, %swap3A_1060], %exp3A_1057 {strides = array<i32>} : memref<16x128xf32, #tpu.memory_space<vmem>>, vector<16xf32>,
      %get3A_1062 = arith.constant 1424 : index
      %get3A_1063 = tpu.vector_load %arg8[%get3A_1062] {strides = array<i32>} : memref<2048xi32, #tpu.memory_space<vmem>>, vector<16xi32>,
      %gather3A_1064 = tpu.vector_load_idx %arg7[%get3A_1063] : memref<100000xf32, #tpu.memory_space<vmem>>[vector<16xi32>], vector<16xf32>,
      %get3A_1065 = arith.constant 1424 : index
      %get3A_1066 = tpu.vector_load %arg9[%get3A_1065] {strides = array<i32>} : memref<2048xf32, #tpu.memory_space<vmem>>, vector<16xf32>,
      %add3A_1067 = arith.addf %gather3A_1064, %get3A_1066 : vector<16xf32>
      %exp3A_1068 = math.exp %add3A_1067 : vector<16xf32>
      %swap3A_1069 = arith.constant 11 : i32
      %swap3A_1070 = arith.index_cast %swap3A_1069 : i32 to index
      %swap3A_1071 = arith.constant 16 : index
      %swap3A_1072 = tpu.vector_load %arg11[%swap3A_1070, %swap3A_1071] {strides = array<i32>} : memref<16x128xf32, #tpu.memory_space<vmem>>, vector<16xf32>,
      tpu.vector_store %arg11[%swap3A_1070, %swap3A_1071], %exp3A_1068 {strides = array<i32>} : memref<16x128xf32, #tpu.memory_space<vmem>>, vector<16xf32>,
      %get3A_1073 = arith.constant 1440 : index
      %get3A_1074 = tpu.vector_load %arg8[%get3A_1073] {strides = array<i32>} : memref<2048xi32, #tpu.memory_space<vmem>>, vector<16xi32>,
      %gather3A_1075 = tpu.vector_load_idx %arg7[%get3A_1074] : memref<100000xf32, #tpu.memory_space<vmem>>[vector<16xi32>], vector<16xf32>,
      %get3A_1076 = arith.constant 1440 : index
      %get3A_1077 = tpu.vector_load %arg9[%get3A_1076] {strides = array<i32>} : memref<2048xf32, #tpu.memory_space<vmem>>, vector<16xf32>,
      %add3A_1078 = arith.addf %gather3A_1075, %get3A_1077 : vector<16xf32>
      %exp3A_1079 = math.exp %add3A_1078 : vector<16xf32>
      %swap3A_1080 = arith.constant 11 : i32
      %swap3A_1081 = arith.index_cast %swap3A_1080 : i32 to index
      %swap3A_1082 = arith.constant 32 : index
      %swap3A_1083 = tpu.vector_load %arg11[%swap3A_1081, %swap3A_1082] {strides = array<i32>} : memref<16x128xf32, #tpu.memory_space<vmem>>, vector<16xf32>,
      tpu.vector_store %arg11[%swap3A_1081, %swap3A_1082], %exp3A_1079 {strides = array<i32>} : memref<16x128xf32, #tpu.memory_space<vmem>>, vector<16xf32>,
      %get3A_1084 = arith.constant 1456 : index
      %get3A_1085 = tpu.vector_load %arg8[%get3A_1084] {strides = array<i32>} : memref<2048xi32, #tpu.memory_space<vmem>>, vector<16xi32>,
      %gather3A_1086 = tpu.vector_load_idx %arg7[%get3A_1085] : memref<100000xf32, #tpu.memory_space<vmem>>[vector<16xi32>], vector<16xf32>,
      %get3A_1087 = arith.constant 1456 : index
      %get3A_1088 = tpu.vector_load %arg9[%get3A_1087] {strides = array<i32>} : memref<2048xf32, #tpu.memory_space<vmem>>, vector<16xf32>,
      %add3A_1089 = arith.addf %gather3A_1086, %get3A_1088 : vector<16xf32>
      %exp3A_1090 = math.exp %add3A_1089 : vector<16xf32>
      %swap3A_1091 = arith.constant 11 : i32
      %swap3A_1092 = arith.index_cast %swap3A_1091 : i32 to index
      %swap3A_1093 = arith.constant 48 : index
      %swap3A_1094 = tpu.vector_load %arg11[%swap3A_1092, %swap3A_1093] {strides = array<i32>} : memref<16x128xf32, #tpu.memory_space<vmem>>, vector<16xf32>,
      tpu.vector_store %arg11[%swap3A_1092, %swap3A_1093], %exp3A_1090 {strides = array<i32>} : memref<16x128xf32, #tpu.memory_space<vmem>>, vector<16xf32>,
      %get3A_1095 = arith.constant 1472 : index
      %get3A_1096 = tpu.vector_load %arg8[%get3A_1095] {strides = array<i32>} : memref<2048xi32, #tpu.memory_space<vmem>>, vector<16xi32>,
      %gather3A_1097 = tpu.vector_load_idx %arg7[%get3A_1096] : memref<100000xf32, #tpu.memory_space<vmem>>[vector<16xi32>], vector<16xf32>,
      %get3A_1098 = arith.constant 1472 : index
      %get3A_1099 = tpu.vector_load %arg9[%get3A_1098] {strides = array<i32>} : memref<2048xf32, #tpu.memory_space<vmem>>, vector<16xf32>,
      %add3A_1100 = arith.addf %gather3A_1097, %get3A_1099 : vector<16xf32>
      %exp3A_1101 = math.exp %add3A_1100 : vector<16xf32>
      %swap3A_1102 = arith.constant 11 : i32
      %swap3A_1103 = arith.index_cast %swap3A_1102 : i32 to index
      %swap3A_1104 = arith.constant 64 : index
      %swap3A_1105 = tpu.vector_load %arg11[%swap3A_1103, %swap3A_1104] {strides = array<i32>} : memref<16x128xf32, #tpu.memory_space<vmem>>, vector<16xf32>,
      tpu.vector_store %arg11[%swap3A_1103, %swap3A_1104], %exp3A_1101 {strides = array<i32>} : memref<16x128xf32, #tpu.memory_space<vmem>>, vector<16xf32>,
      %get3A_1106 = arith.constant 1488 : index
      %get3A_1107 = tpu.vector_load %arg8[%get3A_1106] {strides = array<i32>} : memref<2048xi32, #tpu.memory_space<vmem>>, vector<16xi32>,
      %gather3A_1108 = tpu.vector_load_idx %arg7[%get3A_1107] : memref<100000xf32, #tpu.memory_space<vmem>>[vector<16xi32>], vector<16xf32>,
      %get3A_1109 = arith.constant 1488 : index
      %get3A_1110 = tpu.vector_load %arg9[%get3A_1109] {strides = array<i32>} : memref<2048xf32, #tpu.memory_space<vmem>>, vector<16xf32>,
      %add3A_1111 = arith.addf %gather3A_1108, %get3A_1110 : vector<16xf32>
      %exp3A_1112 = math.exp %add3A_1111 : vector<16xf32>
      %swap3A_1113 = arith.constant 11 : i32
      %swap3A_1114 = arith.index_cast %swap3A_1113 : i32 to index
      %swap3A_1115 = arith.constant 80 : index
      %swap3A_1116 = tpu.vector_load %arg11[%swap3A_1114, %swap3A_1115] {strides = array<i32>} : memref<16x128xf32, #tpu.memory_space<vmem>>, vector<16xf32>,
      tpu.vector_store %arg11[%swap3A_1114, %swap3A_1115], %exp3A_1112 {strides = array<i32>} : memref<16x128xf32, #tpu.memory_space<vmem>>, vector<16xf32>,
      %get3A_1117 = arith.constant 1504 : index
      %get3A_1118 = tpu.vector_load %arg8[%get3A_1117] {strides = array<i32>} : memref<2048xi32, #tpu.memory_space<vmem>>, vector<16xi32>,
      %gather3A_1119 = tpu.vector_load_idx %arg7[%get3A_1118] : memref<100000xf32, #tpu.memory_space<vmem>>[vector<16xi32>], vector<16xf32>,
      %get3A_1120 = arith.constant 1504 : index
      %get3A_1121 = tpu.vector_load %arg9[%get3A_1120] {strides = array<i32>} : memref<2048xf32, #tpu.memory_space<vmem>>, vector<16xf32>,
      %add3A_1122 = arith.addf %gather3A_1119, %get3A_1121 : vector<16xf32>
      %exp3A_1123 = math.exp %add3A_1122 : vector<16xf32>
      %swap3A_1124 = arith.constant 11 : i32
      %swap3A_1125 = arith.index_cast %swap3A_1124 : i32 to index
      %swap3A_1126 = arith.constant 96 : index
      %swap3A_1127 = tpu.vector_load %arg11[%swap3A_1125, %swap3A_1126] {strides = array<i32>} : memref<16x128xf32, #tpu.memory_space<vmem>>, vector<16xf32>,
      tpu.vector_store %arg11[%swap3A_1125, %swap3A_1126], %exp3A_1123 {strides = array<i32>} : memref<16x128xf32, #tpu.memory_space<vmem>>, vector<16xf32>,
      %get3A_1128 = arith.constant 1520 : index
      %get3A_1129 = tpu.vector_load %arg8[%get3A_1128] {strides = array<i32>} : memref<2048xi32, #tpu.memory_space<vmem>>, vector<16xi32>,
      %gather3A_1130 = tpu.vector_load_idx %arg7[%get3A_1129] : memref<100000xf32, #tpu.memory_space<vmem>>[vector<16xi32>], vector<16xf32>,
      %get3A_1131 = arith.constant 1520 : index
      %get3A_1132 = tpu.vector_load %arg9[%get3A_1131] {strides = array<i32>} : memref<2048xf32, #tpu.memory_space<vmem>>, vector<16xf32>,
      %add3A_1133 = arith.addf %gather3A_1130, %get3A_1132 : vector<16xf32>
      %exp3A_1134 = math.exp %add3A_1133 : vector<16xf32>
      %swap3A_1135 = arith.constant 11 : i32
      %swap3A_1136 = arith.index_cast %swap3A_1135 : i32 to index
      %swap3A_1137 = arith.constant 112 : index
      %swap3A_1138 = tpu.vector_load %arg11[%swap3A_1136, %swap3A_1137] {strides = array<i32>} : memref<16x128xf32, #tpu.memory_space<vmem>>, vector<16xf32>,
      tpu.vector_store %arg11[%swap3A_1136, %swap3A_1137], %exp3A_1134 {strides = array<i32>} : memref<16x128xf32, #tpu.memory_space<vmem>>, vector<16xf32>,
      %get3A_1139 = arith.constant 1536 : index
      %get3A_1140 = tpu.vector_load %arg8[%get3A_1139] {strides = array<i32>} : memref<2048xi32, #tpu.memory_space<vmem>>, vector<16xi32>,
      %gather3A_1141 = tpu.vector_load_idx %arg7[%get3A_1140] : memref<100000xf32, #tpu.memory_space<vmem>>[vector<16xi32>], vector<16xf32>,
      %get3A_1142 = arith.constant 1536 : index
      %get3A_1143 = tpu.vector_load %arg9[%get3A_1142] {strides = array<i32>} : memref<2048xf32, #tpu.memory_space<vmem>>, vector<16xf32>,
      %add3A_1144 = arith.addf %gather3A_1141, %get3A_1143 : vector<16xf32>
      %exp3A_1145 = math.exp %add3A_1144 : vector<16xf32>
      %swap3A_1146 = arith.constant 12 : i32
      %swap3A_1147 = arith.index_cast %swap3A_1146 : i32 to index
      %swap3A_1148 = arith.constant 0 : index
      %swap3A_1149 = tpu.vector_load %arg11[%swap3A_1147, %swap3A_1148] {strides = array<i32>} : memref<16x128xf32, #tpu.memory_space<vmem>>, vector<16xf32>,
      tpu.vector_store %arg11[%swap3A_1147, %swap3A_1148], %exp3A_1145 {strides = array<i32>} : memref<16x128xf32, #tpu.memory_space<vmem>>, vector<16xf32>,
      %get3A_1150 = arith.constant 1552 : index
      %get3A_1151 = tpu.vector_load %arg8[%get3A_1150] {strides = array<i32>} : memref<2048xi32, #tpu.memory_space<vmem>>, vector<16xi32>,
      %gather3A_1152 = tpu.vector_load_idx %arg7[%get3A_1151] : memref<100000xf32, #tpu.memory_space<vmem>>[vector<16xi32>], vector<16xf32>,
      %get3A_1153 = arith.constant 1552 : index
      %get3A_1154 = tpu.vector_load %arg9[%get3A_1153] {strides = array<i32>} : memref<2048xf32, #tpu.memory_space<vmem>>, vector<16xf32>,
      %add3A_1155 = arith.addf %gather3A_1152, %get3A_1154 : vector<16xf32>
      %exp3A_1156 = math.exp %add3A_1155 : vector<16xf32>
      %swap3A_1157 = arith.constant 12 : i32
      %swap3A_1158 = arith.index_cast %swap3A_1157 : i32 to index
      %swap3A_1159 = arith.constant 16 : index
      %swap3A_1160 = tpu.vector_load %arg11[%swap3A_1158, %swap3A_1159] {strides = array<i32>} : memref<16x128xf32, #tpu.memory_space<vmem>>, vector<16xf32>,
      tpu.vector_store %arg11[%swap3A_1158, %swap3A_1159], %exp3A_1156 {strides = array<i32>} : memref<16x128xf32, #tpu.memory_space<vmem>>, vector<16xf32>,
      %get3A_1161 = arith.constant 1568 : index
      %get3A_1162 = tpu.vector_load %arg8[%get3A_1161] {strides = array<i32>} : memref<2048xi32, #tpu.memory_space<vmem>>, vector<16xi32>,
      %gather3A_1163 = tpu.vector_load_idx %arg7[%get3A_1162] : memref<100000xf32, #tpu.memory_space<vmem>>[vector<16xi32>], vector<16xf32>,
      %get3A_1164 = arith.constant 1568 : index
      %get3A_1165 = tpu.vector_load %arg9[%get3A_1164] {strides = array<i32>} : memref<2048xf32, #tpu.memory_space<vmem>>, vector<16xf32>,
      %add3A_1166 = arith.addf %gather3A_1163, %get3A_1165 : vector<16xf32>
      %exp3A_1167 = math.exp %add3A_1166 : vector<16xf32>
      %swap3A_1168 = arith.constant 12 : i32
      %swap3A_1169 = arith.index_cast %swap3A_1168 : i32 to index
      %swap3A_1170 = arith.constant 32 : index
      %swap3A_1171 = tpu.vector_load %arg11[%swap3A_1169, %swap3A_1170] {strides = array<i32>} : memref<16x128xf32, #tpu.memory_space<vmem>>, vector<16xf32>,
      tpu.vector_store %arg11[%swap3A_1169, %swap3A_1170], %exp3A_1167 {strides = array<i32>} : memref<16x128xf32, #tpu.memory_space<vmem>>, vector<16xf32>,
      %get3A_1172 = arith.constant 1584 : index
      %get3A_1173 = tpu.vector_load %arg8[%get3A_1172] {strides = array<i32>} : memref<2048xi32, #tpu.memory_space<vmem>>, vector<16xi32>,
      %gather3A_1174 = tpu.vector_load_idx %arg7[%get3A_1173] : memref<100000xf32, #tpu.memory_space<vmem>>[vector<16xi32>], vector<16xf32>,
      %get3A_1175 = arith.constant 1584 : index
      %get3A_1176 = tpu.vector_load %arg9[%get3A_1175] {strides = array<i32>} : memref<2048xf32, #tpu.memory_space<vmem>>, vector<16xf32>,
      %add3A_1177 = arith.addf %gather3A_1174, %get3A_1176 : vector<16xf32>
      %exp3A_1178 = math.exp %add3A_1177 : vector<16xf32>
      %swap3A_1179 = arith.constant 12 : i32
      %swap3A_1180 = arith.index_cast %swap3A_1179 : i32 to index
      %swap3A_1181 = arith.constant 48 : index
      %swap3A_1182 = tpu.vector_load %arg11[%swap3A_1180, %swap3A_1181] {strides = array<i32>} : memref<16x128xf32, #tpu.memory_space<vmem>>, vector<16xf32>,
      tpu.vector_store %arg11[%swap3A_1180, %swap3A_1181], %exp3A_1178 {strides = array<i32>} : memref<16x128xf32, #tpu.memory_space<vmem>>, vector<16xf32>,
      %get3A_1183 = arith.constant 1600 : index
      %get3A_1184 = tpu.vector_load %arg8[%get3A_1183] {strides = array<i32>} : memref<2048xi32, #tpu.memory_space<vmem>>, vector<16xi32>,
      %gather3A_1185 = tpu.vector_load_idx %arg7[%get3A_1184] : memref<100000xf32, #tpu.memory_space<vmem>>[vector<16xi32>], vector<16xf32>,
      %get3A_1186 = arith.constant 1600 : index
      %get3A_1187 = tpu.vector_load %arg9[%get3A_1186] {strides = array<i32>} : memref<2048xf32, #tpu.memory_space<vmem>>, vector<16xf32>,
      %add3A_1188 = arith.addf %gather3A_1185, %get3A_1187 : vector<16xf32>
      %exp3A_1189 = math.exp %add3A_1188 : vector<16xf32>
      %swap3A_1190 = arith.constant 12 : i32
      %swap3A_1191 = arith.index_cast %swap3A_1190 : i32 to index
      %swap3A_1192 = arith.constant 64 : index
      %swap3A_1193 = tpu.vector_load %arg11[%swap3A_1191, %swap3A_1192] {strides = array<i32>} : memref<16x128xf32, #tpu.memory_space<vmem>>, vector<16xf32>,
      tpu.vector_store %arg11[%swap3A_1191, %swap3A_1192], %exp3A_1189 {strides = array<i32>} : memref<16x128xf32, #tpu.memory_space<vmem>>, vector<16xf32>,
      %get3A_1194 = arith.constant 1616 : index
      %get3A_1195 = tpu.vector_load %arg8[%get3A_1194] {strides = array<i32>} : memref<2048xi32, #tpu.memory_space<vmem>>, vector<16xi32>,
      %gather3A_1196 = tpu.vector_load_idx %arg7[%get3A_1195] : memref<100000xf32, #tpu.memory_space<vmem>>[vector<16xi32>], vector<16xf32>,
      %get3A_1197 = arith.constant 1616 : index
      %get3A_1198 = tpu.vector_load %arg9[%get3A_1197] {strides = array<i32>} : memref<2048xf32, #tpu.memory_space<vmem>>, vector<16xf32>,
      %add3A_1199 = arith.addf %gather3A_1196, %get3A_1198 : vector<16xf32>
      %exp3A_1200 = math.exp %add3A_1199 : vector<16xf32>
      %swap3A_1201 = arith.constant 12 : i32
      %swap3A_1202 = arith.index_cast %swap3A_1201 : i32 to index
      %swap3A_1203 = arith.constant 80 : index
      %swap3A_1204 = tpu.vector_load %arg11[%swap3A_1202, %swap3A_1203] {strides = array<i32>} : memref<16x128xf32, #tpu.memory_space<vmem>>, vector<16xf32>,
      tpu.vector_store %arg11[%swap3A_1202, %swap3A_1203], %exp3A_1200 {strides = array<i32>} : memref<16x128xf32, #tpu.memory_space<vmem>>, vector<16xf32>,
      %get3A_1205 = arith.constant 1632 : index
      %get3A_1206 = tpu.vector_load %arg8[%get3A_1205] {strides = array<i32>} : memref<2048xi32, #tpu.memory_space<vmem>>, vector<16xi32>,
      %gather3A_1207 = tpu.vector_load_idx %arg7[%get3A_1206] : memref<100000xf32, #tpu.memory_space<vmem>>[vector<16xi32>], vector<16xf32>,
      %get3A_1208 = arith.constant 1632 : index
      %get3A_1209 = tpu.vector_load %arg9[%get3A_1208] {strides = array<i32>} : memref<2048xf32, #tpu.memory_space<vmem>>, vector<16xf32>,
      %add3A_1210 = arith.addf %gather3A_1207, %get3A_1209 : vector<16xf32>
      %exp3A_1211 = math.exp %add3A_1210 : vector<16xf32>
      %swap3A_1212 = arith.constant 12 : i32
      %swap3A_1213 = arith.index_cast %swap3A_1212 : i32 to index
      %swap3A_1214 = arith.constant 96 : index
      %swap3A_1215 = tpu.vector_load %arg11[%swap3A_1213, %swap3A_1214] {strides = array<i32>} : memref<16x128xf32, #tpu.memory_space<vmem>>, vector<16xf32>,
      tpu.vector_store %arg11[%swap3A_1213, %swap3A_1214], %exp3A_1211 {strides = array<i32>} : memref<16x128xf32, #tpu.memory_space<vmem>>, vector<16xf32>,
      %get3A_1216 = arith.constant 1648 : index
      %get3A_1217 = tpu.vector_load %arg8[%get3A_1216] {strides = array<i32>} : memref<2048xi32, #tpu.memory_space<vmem>>, vector<16xi32>,
      %gather3A_1218 = tpu.vector_load_idx %arg7[%get3A_1217] : memref<100000xf32, #tpu.memory_space<vmem>>[vector<16xi32>], vector<16xf32>,
      %get3A_1219 = arith.constant 1648 : index
      %get3A_1220 = tpu.vector_load %arg9[%get3A_1219] {strides = array<i32>} : memref<2048xf32, #tpu.memory_space<vmem>>, vector<16xf32>,
      %add3A_1221 = arith.addf %gather3A_1218, %get3A_1220 : vector<16xf32>
      %exp3A_1222 = math.exp %add3A_1221 : vector<16xf32>
      %swap3A_1223 = arith.constant 12 : i32
      %swap3A_1224 = arith.index_cast %swap3A_1223 : i32 to index
      %swap3A_1225 = arith.constant 112 : index
      %swap3A_1226 = tpu.vector_load %arg11[%swap3A_1224, %swap3A_1225] {strides = array<i32>} : memref<16x128xf32, #tpu.memory_space<vmem>>, vector<16xf32>,
      tpu.vector_store %arg11[%swap3A_1224, %swap3A_1225], %exp3A_1222 {strides = array<i32>} : memref<16x128xf32, #tpu.memory_space<vmem>>, vector<16xf32>,
      %get3A_1227 = arith.constant 1664 : index
      %get3A_1228 = tpu.vector_load %arg8[%get3A_1227] {strides = array<i32>} : memref<2048xi32, #tpu.memory_space<vmem>>, vector<16xi32>,
      %gather3A_1229 = tpu.vector_load_idx %arg7[%get3A_1228] : memref<100000xf32, #tpu.memory_space<vmem>>[vector<16xi32>], vector<16xf32>,
      %get3A_1230 = arith.constant 1664 : index
      %get3A_1231 = tpu.vector_load %arg9[%get3A_1230] {strides = array<i32>} : memref<2048xf32, #tpu.memory_space<vmem>>, vector<16xf32>,
      %add3A_1232 = arith.addf %gather3A_1229, %get3A_1231 : vector<16xf32>
      %exp3A_1233 = math.exp %add3A_1232 : vector<16xf32>
      %swap3A_1234 = arith.constant 13 : i32
      %swap3A_1235 = arith.index_cast %swap3A_1234 : i32 to index
      %swap3A_1236 = arith.constant 0 : index
      %swap3A_1237 = tpu.vector_load %arg11[%swap3A_1235, %swap3A_1236] {strides = array<i32>} : memref<16x128xf32, #tpu.memory_space<vmem>>, vector<16xf32>,
      tpu.vector_store %arg11[%swap3A_1235, %swap3A_1236], %exp3A_1233 {strides = array<i32>} : memref<16x128xf32, #tpu.memory_space<vmem>>, vector<16xf32>,
      %get3A_1238 = arith.constant 1680 : index
      %get3A_1239 = tpu.vector_load %arg8[%get3A_1238] {strides = array<i32>} : memref<2048xi32, #tpu.memory_space<vmem>>, vector<16xi32>,
      %gather3A_1240 = tpu.vector_load_idx %arg7[%get3A_1239] : memref<100000xf32, #tpu.memory_space<vmem>>[vector<16xi32>], vector<16xf32>,
      %get3A_1241 = arith.constant 1680 : index
      %get3A_1242 = tpu.vector_load %arg9[%get3A_1241] {strides = array<i32>} : memref<2048xf32, #tpu.memory_space<vmem>>, vector<16xf32>,
      %add3A_1243 = arith.addf %gather3A_1240, %get3A_1242 : vector<16xf32>
      %exp3A_1244 = math.exp %add3A_1243 : vector<16xf32>
      %swap3A_1245 = arith.constant 13 : i32
      %swap3A_1246 = arith.index_cast %swap3A_1245 : i32 to index
      %swap3A_1247 = arith.constant 16 : index
      %swap3A_1248 = tpu.vector_load %arg11[%swap3A_1246, %swap3A_1247] {strides = array<i32>} : memref<16x128xf32, #tpu.memory_space<vmem>>, vector<16xf32>,
      tpu.vector_store %arg11[%swap3A_1246, %swap3A_1247], %exp3A_1244 {strides = array<i32>} : memref<16x128xf32, #tpu.memory_space<vmem>>, vector<16xf32>,
      %get3A_1249 = arith.constant 1696 : index
      %get3A_1250 = tpu.vector_load %arg8[%get3A_1249] {strides = array<i32>} : memref<2048xi32, #tpu.memory_space<vmem>>, vector<16xi32>,
      %gather3A_1251 = tpu.vector_load_idx %arg7[%get3A_1250] : memref<100000xf32, #tpu.memory_space<vmem>>[vector<16xi32>], vector<16xf32>,
      %get3A_1252 = arith.constant 1696 : index
      %get3A_1253 = tpu.vector_load %arg9[%get3A_1252] {strides = array<i32>} : memref<2048xf32, #tpu.memory_space<vmem>>, vector<16xf32>,
      %add3A_1254 = arith.addf %gather3A_1251, %get3A_1253 : vector<16xf32>
      %exp3A_1255 = math.exp %add3A_1254 : vector<16xf32>
      %swap3A_1256 = arith.constant 13 : i32
      %swap3A_1257 = arith.index_cast %swap3A_1256 : i32 to index
      %swap3A_1258 = arith.constant 32 : index
      %swap3A_1259 = tpu.vector_load %arg11[%swap3A_1257, %swap3A_1258] {strides = array<i32>} : memref<16x128xf32, #tpu.memory_space<vmem>>, vector<16xf32>,
      tpu.vector_store %arg11[%swap3A_1257, %swap3A_1258], %exp3A_1255 {strides = array<i32>} : memref<16x128xf32, #tpu.memory_space<vmem>>, vector<16xf32>,
      %get3A_1260 = arith.constant 1712 : index
      %get3A_1261 = tpu.vector_load %arg8[%get3A_1260] {strides = array<i32>} : memref<2048xi32, #tpu.memory_space<vmem>>, vector<16xi32>,
      %gather3A_1262 = tpu.vector_load_idx %arg7[%get3A_1261] : memref<100000xf32, #tpu.memory_space<vmem>>[vector<16xi32>], vector<16xf32>,
      %get3A_1263 = arith.constant 1712 : index
      %get3A_1264 = tpu.vector_load %arg9[%get3A_1263] {strides = array<i32>} : memref<2048xf32, #tpu.memory_space<vmem>>, vector<16xf32>,
      %add3A_1265 = arith.addf %gather3A_1262, %get3A_1264 : vector<16xf32>
      %exp3A_1266 = math.exp %add3A_1265 : vector<16xf32>
      %swap3A_1267 = arith.constant 13 : i32
      %swap3A_1268 = arith.index_cast %swap3A_1267 : i32 to index
      %swap3A_1269 = arith.constant 48 : index
      %swap3A_1270 = tpu.vector_load %arg11[%swap3A_1268, %swap3A_1269] {strides = array<i32>} : memref<16x128xf32, #tpu.memory_space<vmem>>, vector<16xf32>,
      tpu.vector_store %arg11[%swap3A_1268, %swap3A_1269], %exp3A_1266 {strides = array<i32>} : memref<16x128xf32, #tpu.memory_space<vmem>>, vector<16xf32>,
      %get3A_1271 = arith.constant 1728 : index
      %get3A_1272 = tpu.vector_load %arg8[%get3A_1271] {strides = array<i32>} : memref<2048xi32, #tpu.memory_space<vmem>>, vector<16xi32>,
      %gather3A_1273 = tpu.vector_load_idx %arg7[%get3A_1272] : memref<100000xf32, #tpu.memory_space<vmem>>[vector<16xi32>], vector<16xf32>,
      %get3A_1274 = arith.constant 1728 : index
      %get3A_1275 = tpu.vector_load %arg9[%get3A_1274] {strides = array<i32>} : memref<2048xf32, #tpu.memory_space<vmem>>, vector<16xf32>,
      %add3A_1276 = arith.addf %gather3A_1273, %get3A_1275 : vector<16xf32>
      %exp3A_1277 = math.exp %add3A_1276 : vector<16xf32>
      %swap3A_1278 = arith.constant 13 : i32
      %swap3A_1279 = arith.index_cast %swap3A_1278 : i32 to index
      %swap3A_1280 = arith.constant 64 : index
      %swap3A_1281 = tpu.vector_load %arg11[%swap3A_1279, %swap3A_1280] {strides = array<i32>} : memref<16x128xf32, #tpu.memory_space<vmem>>, vector<16xf32>,
      tpu.vector_store %arg11[%swap3A_1279, %swap3A_1280], %exp3A_1277 {strides = array<i32>} : memref<16x128xf32, #tpu.memory_space<vmem>>, vector<16xf32>,
      %get3A_1282 = arith.constant 1744 : index
      %get3A_1283 = tpu.vector_load %arg8[%get3A_1282] {strides = array<i32>} : memref<2048xi32, #tpu.memory_space<vmem>>, vector<16xi32>,
      %gather3A_1284 = tpu.vector_load_idx %arg7[%get3A_1283] : memref<100000xf32, #tpu.memory_space<vmem>>[vector<16xi32>], vector<16xf32>,
      %get3A_1285 = arith.constant 1744 : index
      %get3A_1286 = tpu.vector_load %arg9[%get3A_1285] {strides = array<i32>} : memref<2048xf32, #tpu.memory_space<vmem>>, vector<16xf32>,
      %add3A_1287 = arith.addf %gather3A_1284, %get3A_1286 : vector<16xf32>
      %exp3A_1288 = math.exp %add3A_1287 : vector<16xf32>
      %swap3A_1289 = arith.constant 13 : i32
      %swap3A_1290 = arith.index_cast %swap3A_1289 : i32 to index
      %swap3A_1291 = arith.constant 80 : index
      %swap3A_1292 = tpu.vector_load %arg11[%swap3A_1290, %swap3A_1291] {strides = array<i32>} : memref<16x128xf32, #tpu.memory_space<vmem>>, vector<16xf32>,
      tpu.vector_store %arg11[%swap3A_1290, %swap3A_1291], %exp3A_1288 {strides = array<i32>} : memref<16x128xf32, #tpu.memory_space<vmem>>, vector<16xf32>,
      %get3A_1293 = arith.constant 1760 : index
      %get3A_1294 = tpu.vector_load %arg8[%get3A_1293] {strides = array<i32>} : memref<2048xi32, #tpu.memory_space<vmem>>, vector<16xi32>,
      %gather3A_1295 = tpu.vector_load_idx %arg7[%get3A_1294] : memref<100000xf32, #tpu.memory_space<vmem>>[vector<16xi32>], vector<16xf32>,
      %get3A_1296 = arith.constant 1760 : index
      %get3A_1297 = tpu.vector_load %arg9[%get3A_1296] {strides = array<i32>} : memref<2048xf32, #tpu.memory_space<vmem>>, vector<16xf32>,
      %add3A_1298 = arith.addf %gather3A_1295, %get3A_1297 : vector<16xf32>
      %exp3A_1299 = math.exp %add3A_1298 : vector<16xf32>
      %swap3A_1300 = arith.constant 13 : i32
      %swap3A_1301 = arith.index_cast %swap3A_1300 : i32 to index
      %swap3A_1302 = arith.constant 96 : index
      %swap3A_1303 = tpu.vector_load %arg11[%swap3A_1301, %swap3A_1302] {strides = array<i32>} : memref<16x128xf32, #tpu.memory_space<vmem>>, vector<16xf32>,
      tpu.vector_store %arg11[%swap3A_1301, %swap3A_1302], %exp3A_1299 {strides = array<i32>} : memref<16x128xf32, #tpu.memory_space<vmem>>, vector<16xf32>,
      %get3A_1304 = arith.constant 1776 : index
      %get3A_1305 = tpu.vector_load %arg8[%get3A_1304] {strides = array<i32>} : memref<2048xi32, #tpu.memory_space<vmem>>, vector<16xi32>,
      %gather3A_1306 = tpu.vector_load_idx %arg7[%get3A_1305] : memref<100000xf32, #tpu.memory_space<vmem>>[vector<16xi32>], vector<16xf32>,
      %get3A_1307 = arith.constant 1776 : index
      %get3A_1308 = tpu.vector_load %arg9[%get3A_1307] {strides = array<i32>} : memref<2048xf32, #tpu.memory_space<vmem>>, vector<16xf32>,
      %add3A_1309 = arith.addf %gather3A_1306, %get3A_1308 : vector<16xf32>
      %exp3A_1310 = math.exp %add3A_1309 : vector<16xf32>
      %swap3A_1311 = arith.constant 13 : i32
      %swap3A_1312 = arith.index_cast %swap3A_1311 : i32 to index
      %swap3A_1313 = arith.constant 112 : index
      %swap3A_1314 = tpu.vector_load %arg11[%swap3A_1312, %swap3A_1313] {strides = array<i32>} : memref<16x128xf32, #tpu.memory_space<vmem>>, vector<16xf32>,
      tpu.vector_store %arg11[%swap3A_1312, %swap3A_1313], %exp3A_1310 {strides = array<i32>} : memref<16x128xf32, #tpu.memory_space<vmem>>, vector<16xf32>,
      %get3A_1315 = arith.constant 1792 : index
      %get3A_1316 = tpu.vector_load %arg8[%get3A_1315] {strides = array<i32>} : memref<2048xi32, #tpu.memory_space<vmem>>, vector<16xi32>,
      %gather3A_1317 = tpu.vector_load_idx %arg7[%get3A_1316] : memref<100000xf32, #tpu.memory_space<vmem>>[vector<16xi32>], vector<16xf32>,
      %get3A_1318 = arith.constant 1792 : index
      %get3A_1319 = tpu.vector_load %arg9[%get3A_1318] {strides = array<i32>} : memref<2048xf32, #tpu.memory_space<vmem>>, vector<16xf32>,
      %add3A_1320 = arith.addf %gather3A_1317, %get3A_1319 : vector<16xf32>
      %exp3A_1321 = math.exp %add3A_1320 : vector<16xf32>
      %swap3A_1322 = arith.constant 14 : i32
      %swap3A_1323 = arith.index_cast %swap3A_1322 : i32 to index
      %swap3A_1324 = arith.constant 0 : index
      %swap3A_1325 = tpu.vector_load %arg11[%swap3A_1323, %swap3A_1324] {strides = array<i32>} : memref<16x128xf32, #tpu.memory_space<vmem>>, vector<16xf32>,
      tpu.vector_store %arg11[%swap3A_1323, %swap3A_1324], %exp3A_1321 {strides = array<i32>} : memref<16x128xf32, #tpu.memory_space<vmem>>, vector<16xf32>,
      %get3A_1326 = arith.constant 1808 : index
      %get3A_1327 = tpu.vector_load %arg8[%get3A_1326] {strides = array<i32>} : memref<2048xi32, #tpu.memory_space<vmem>>, vector<16xi32>,
      %gather3A_1328 = tpu.vector_load_idx %arg7[%get3A_1327] : memref<100000xf32, #tpu.memory_space<vmem>>[vector<16xi32>], vector<16xf32>,
      %get3A_1329 = arith.constant 1808 : index
      %get3A_1330 = tpu.vector_load %arg9[%get3A_1329] {strides = array<i32>} : memref<2048xf32, #tpu.memory_space<vmem>>, vector<16xf32>,
      %add3A_1331 = arith.addf %gather3A_1328, %get3A_1330 : vector<16xf32>
      %exp3A_1332 = math.exp %add3A_1331 : vector<16xf32>
      %swap3A_1333 = arith.constant 14 : i32
      %swap3A_1334 = arith.index_cast %swap3A_1333 : i32 to index
      %swap3A_1335 = arith.constant 16 : index
      %swap3A_1336 = tpu.vector_load %arg11[%swap3A_1334, %swap3A_1335] {strides = array<i32>} : memref<16x128xf32, #tpu.memory_space<vmem>>, vector<16xf32>,
      tpu.vector_store %arg11[%swap3A_1334, %swap3A_1335], %exp3A_1332 {strides = array<i32>} : memref<16x128xf32, #tpu.memory_space<vmem>>, vector<16xf32>,
      %get3A_1337 = arith.constant 1824 : index
      %get3A_1338 = tpu.vector_load %arg8[%get3A_1337] {strides = array<i32>} : memref<2048xi32, #tpu.memory_space<vmem>>, vector<16xi32>,
      %gather3A_1339 = tpu.vector_load_idx %arg7[%get3A_1338] : memref<100000xf32, #tpu.memory_space<vmem>>[vector<16xi32>], vector<16xf32>,
      %get3A_1340 = arith.constant 1824 : index
      %get3A_1341 = tpu.vector_load %arg9[%get3A_1340] {strides = array<i32>} : memref<2048xf32, #tpu.memory_space<vmem>>, vector<16xf32>,
      %add3A_1342 = arith.addf %gather3A_1339, %get3A_1341 : vector<16xf32>
      %exp3A_1343 = math.exp %add3A_1342 : vector<16xf32>
      %swap3A_1344 = arith.constant 14 : i32
      %swap3A_1345 = arith.index_cast %swap3A_1344 : i32 to index
      %swap3A_1346 = arith.constant 32 : index
      %swap3A_1347 = tpu.vector_load %arg11[%swap3A_1345, %swap3A_1346] {strides = array<i32>} : memref<16x128xf32, #tpu.memory_space<vmem>>, vector<16xf32>,
      tpu.vector_store %arg11[%swap3A_1345, %swap3A_1346], %exp3A_1343 {strides = array<i32>} : memref<16x128xf32, #tpu.memory_space<vmem>>, vector<16xf32>,
      %get3A_1348 = arith.constant 1840 : index
      %get3A_1349 = tpu.vector_load %arg8[%get3A_1348] {strides = array<i32>} : memref<2048xi32, #tpu.memory_space<vmem>>, vector<16xi32>,
      %gather3A_1350 = tpu.vector_load_idx %arg7[%get3A_1349] : memref<100000xf32, #tpu.memory_space<vmem>>[vector<16xi32>], vector<16xf32>,
      %get3A_1351 = arith.constant 1840 : index
      %get3A_1352 = tpu.vector_load %arg9[%get3A_1351] {strides = array<i32>} : memref<2048xf32, #tpu.memory_space<vmem>>, vector<16xf32>,
      %add3A_1353 = arith.addf %gather3A_1350, %get3A_1352 : vector<16xf32>
      %exp3A_1354 = math.exp %add3A_1353 : vector<16xf32>
      %swap3A_1355 = arith.constant 14 : i32
      %swap3A_1356 = arith.index_cast %swap3A_1355 : i32 to index
      %swap3A_1357 = arith.constant 48 : index
      %swap3A_1358 = tpu.vector_load %arg11[%swap3A_1356, %swap3A_1357] {strides = array<i32>} : memref<16x128xf32, #tpu.memory_space<vmem>>, vector<16xf32>,
      tpu.vector_store %arg11[%swap3A_1356, %swap3A_1357], %exp3A_1354 {strides = array<i32>} : memref<16x128xf32, #tpu.memory_space<vmem>>, vector<16xf32>,
      %get3A_1359 = arith.constant 1856 : index
      %get3A_1360 = tpu.vector_load %arg8[%get3A_1359] {strides = array<i32>} : memref<2048xi32, #tpu.memory_space<vmem>>, vector<16xi32>,
      %gather3A_1361 = tpu.vector_load_idx %arg7[%get3A_1360] : memref<100000xf32, #tpu.memory_space<vmem>>[vector<16xi32>], vector<16xf32>,
      %get3A_1362 = arith.constant 1856 : index
      %get3A_1363 = tpu.vector_load %arg9[%get3A_1362] {strides = array<i32>} : memref<2048xf32, #tpu.memory_space<vmem>>, vector<16xf32>,
      %add3A_1364 = arith.addf %gather3A_1361, %get3A_1363 : vector<16xf32>
      %exp3A_1365 = math.exp %add3A_1364 : vector<16xf32>
      %swap3A_1366 = arith.constant 14 : i32
      %swap3A_1367 = arith.index_cast %swap3A_1366 : i32 to index
      %swap3A_1368 = arith.constant 64 : index
      %swap3A_1369 = tpu.vector_load %arg11[%swap3A_1367, %swap3A_1368] {strides = array<i32>} : memref<16x128xf32, #tpu.memory_space<vmem>>, vector<16xf32>,
      tpu.vector_store %arg11[%swap3A_1367, %swap3A_1368], %exp3A_1365 {strides = array<i32>} : memref<16x128xf32, #tpu.memory_space<vmem>>, vector<16xf32>,
      %get3A_1370 = arith.constant 1872 : index
      %get3A_1371 = tpu.vector_load %arg8[%get3A_1370] {strides = array<i32>} : memref<2048xi32, #tpu.memory_space<vmem>>, vector<16xi32>,
      %gather3A_1372 = tpu.vector_load_idx %arg7[%get3A_1371] : memref<100000xf32, #tpu.memory_space<vmem>>[vector<16xi32>], vector<16xf32>,
      %get3A_1373 = arith.constant 1872 : index
      %get3A_1374 = tpu.vector_load %arg9[%get3A_1373] {strides = array<i32>} : memref<2048xf32, #tpu.memory_space<vmem>>, vector<16xf32>,
      %add3A_1375 = arith.addf %gather3A_1372, %get3A_1374 : vector<16xf32>
      %exp3A_1376 = math.exp %add3A_1375 : vector<16xf32>
      %swap3A_1377 = arith.constant 14 : i32
      %swap3A_1378 = arith.index_cast %swap3A_1377 : i32 to index
      %swap3A_1379 = arith.constant 80 : index
      %swap3A_1380 = tpu.vector_load %arg11[%swap3A_1378, %swap3A_1379] {strides = array<i32>} : memref<16x128xf32, #tpu.memory_space<vmem>>, vector<16xf32>,
      tpu.vector_store %arg11[%swap3A_1378, %swap3A_1379], %exp3A_1376 {strides = array<i32>} : memref<16x128xf32, #tpu.memory_space<vmem>>, vector<16xf32>,
      %get3A_1381 = arith.constant 1888 : index
      %get3A_1382 = tpu.vector_load %arg8[%get3A_1381] {strides = array<i32>} : memref<2048xi32, #tpu.memory_space<vmem>>, vector<16xi32>,
      %gather3A_1383 = tpu.vector_load_idx %arg7[%get3A_1382] : memref<100000xf32, #tpu.memory_space<vmem>>[vector<16xi32>], vector<16xf32>,
      %get3A_1384 = arith.constant 1888 : index
      %get3A_1385 = tpu.vector_load %arg9[%get3A_1384] {strides = array<i32>} : memref<2048xf32, #tpu.memory_space<vmem>>, vector<16xf32>,
      %add3A_1386 = arith.addf %gather3A_1383, %get3A_1385 : vector<16xf32>
      %exp3A_1387 = math.exp %add3A_1386 : vector<16xf32>
      %swap3A_1388 = arith.constant 14 : i32
      %swap3A_1389 = arith.index_cast %swap3A_1388 : i32 to index
      %swap3A_1390 = arith.constant 96 : index
      %swap3A_1391 = tpu.vector_load %arg11[%swap3A_1389, %swap3A_1390] {strides = array<i32>} : memref<16x128xf32, #tpu.memory_space<vmem>>, vector<16xf32>,
      tpu.vector_store %arg11[%swap3A_1389, %swap3A_1390], %exp3A_1387 {strides = array<i32>} : memref<16x128xf32, #tpu.memory_space<vmem>>, vector<16xf32>,
      %get3A_1392 = arith.constant 1904 : index
      %get3A_1393 = tpu.vector_load %arg8[%get3A_1392] {strides = array<i32>} : memref<2048xi32, #tpu.memory_space<vmem>>, vector<16xi32>,
      %gather3A_1394 = tpu.vector_load_idx %arg7[%get3A_1393] : memref<100000xf32, #tpu.memory_space<vmem>>[vector<16xi32>], vector<16xf32>,
      %get3A_1395 = arith.constant 1904 : index
      %get3A_1396 = tpu.vector_load %arg9[%get3A_1395] {strides = array<i32>} : memref<2048xf32, #tpu.memory_space<vmem>>, vector<16xf32>,
      %add3A_1397 = arith.addf %gather3A_1394, %get3A_1396 : vector<16xf32>
      %exp3A_1398 = math.exp %add3A_1397 : vector<16xf32>
      %swap3A_1399 = arith.constant 14 : i32
      %swap3A_1400 = arith.index_cast %swap3A_1399 : i32 to index
      %swap3A_1401 = arith.constant 112 : index
      %swap3A_1402 = tpu.vector_load %arg11[%swap3A_1400, %swap3A_1401] {strides = array<i32>} : memref<16x128xf32, #tpu.memory_space<vmem>>, vector<16xf32>,
      tpu.vector_store %arg11[%swap3A_1400, %swap3A_1401], %exp3A_1398 {strides = array<i32>} : memref<16x128xf32, #tpu.memory_space<vmem>>, vector<16xf32>,
      %get3A_1403 = arith.constant 1920 : index
      %get3A_1404 = tpu.vector_load %arg8[%get3A_1403] {strides = array<i32>} : memref<2048xi32, #tpu.memory_space<vmem>>, vector<16xi32>,
      %gather3A_1405 = tpu.vector_load_idx %arg7[%get3A_1404] : memref<100000xf32, #tpu.memory_space<vmem>>[vector<16xi32>], vector<16xf32>,
      %get3A_1406 = arith.constant 1920 : index
      %get3A_1407 = tpu.vector_load %arg9[%get3A_1406] {strides = array<i32>} : memref<2048xf32, #tpu.memory_space<vmem>>, vector<16xf32>,
      %add3A_1408 = arith.addf %gather3A_1405, %get3A_1407 : vector<16xf32>
      %exp3A_1409 = math.exp %add3A_1408 : vector<16xf32>
      %swap3A_1410 = arith.constant 15 : i32
      %swap3A_1411 = arith.index_cast %swap3A_1410 : i32 to index
      %swap3A_1412 = arith.constant 0 : index
      %swap3A_1413 = tpu.vector_load %arg11[%swap3A_1411, %swap3A_1412] {strides = array<i32>} : memref<16x128xf32, #tpu.memory_space<vmem>>, vector<16xf32>,
      tpu.vector_store %arg11[%swap3A_1411, %swap3A_1412], %exp3A_1409 {strides = array<i32>} : memref<16x128xf32, #tpu.memory_space<vmem>>, vector<16xf32>,
      %get3A_1414 = arith.constant 1936 : index
      %get3A_1415 = tpu.vector_load %arg8[%get3A_1414] {strides = array<i32>} : memref<2048xi32, #tpu.memory_space<vmem>>, vector<16xi32>,
      %gather3A_1416 = tpu.vector_load_idx %arg7[%get3A_1415] : memref<100000xf32, #tpu.memory_space<vmem>>[vector<16xi32>], vector<16xf32>,
      %get3A_1417 = arith.constant 1936 : index
      %get3A_1418 = tpu.vector_load %arg9[%get3A_1417] {strides = array<i32>} : memref<2048xf32, #tpu.memory_space<vmem>>, vector<16xf32>,
      %add3A_1419 = arith.addf %gather3A_1416, %get3A_1418 : vector<16xf32>
      %exp3A_1420 = math.exp %add3A_1419 : vector<16xf32>
      %swap3A_1421 = arith.constant 15 : i32
      %swap3A_1422 = arith.index_cast %swap3A_1421 : i32 to index
      %swap3A_1423 = arith.constant 16 : index
      %swap3A_1424 = tpu.vector_load %arg11[%swap3A_1422, %swap3A_1423] {strides = array<i32>} : memref<16x128xf32, #tpu.memory_space<vmem>>, vector<16xf32>,
      tpu.vector_store %arg11[%swap3A_1422, %swap3A_1423], %exp3A_1420 {strides = array<i32>} : memref<16x128xf32, #tpu.memory_space<vmem>>, vector<16xf32>,
      %get3A_1425 = arith.constant 1952 : index
      %get3A_1426 = tpu.vector_load %arg8[%get3A_1425] {strides = array<i32>} : memref<2048xi32, #tpu.memory_space<vmem>>, vector<16xi32>,
      %gather3A_1427 = tpu.vector_load_idx %arg7[%get3A_1426] : memref<100000xf32, #tpu.memory_space<vmem>>[vector<16xi32>], vector<16xf32>,
      %get3A_1428 = arith.constant 1952 : index
      %get3A_1429 = tpu.vector_load %arg9[%get3A_1428] {strides = array<i32>} : memref<2048xf32, #tpu.memory_space<vmem>>, vector<16xf32>,
      %add3A_1430 = arith.addf %gather3A_1427, %get3A_1429 : vector<16xf32>
      %exp3A_1431 = math.exp %add3A_1430 : vector<16xf32>
      %swap3A_1432 = arith.constant 15 : i32
      %swap3A_1433 = arith.index_cast %swap3A_1432 : i32 to index
      %swap3A_1434 = arith.constant 32 : index
      %swap3A_1435 = tpu.vector_load %arg11[%swap3A_1433, %swap3A_1434] {strides = array<i32>} : memref<16x128xf32, #tpu.memory_space<vmem>>, vector<16xf32>,
      tpu.vector_store %arg11[%swap3A_1433, %swap3A_1434], %exp3A_1431 {strides = array<i32>} : memref<16x128xf32, #tpu.memory_space<vmem>>, vector<16xf32>,
      %get3A_1436 = arith.constant 1968 : index
      %get3A_1437 = tpu.vector_load %arg8[%get3A_1436] {strides = array<i32>} : memref<2048xi32, #tpu.memory_space<vmem>>, vector<16xi32>,
      %gather3A_1438 = tpu.vector_load_idx %arg7[%get3A_1437] : memref<100000xf32, #tpu.memory_space<vmem>>[vector<16xi32>], vector<16xf32>,
      %get3A_1439 = arith.constant 1968 : index
      %get3A_1440 = tpu.vector_load %arg9[%get3A_1439] {strides = array<i32>} : memref<2048xf32, #tpu.memory_space<vmem>>, vector<16xf32>,
      %add3A_1441 = arith.addf %gather3A_1438, %get3A_1440 : vector<16xf32>
      %exp3A_1442 = math.exp %add3A_1441 : vector<16xf32>
      %swap3A_1443 = arith.constant 15 : i32
      %swap3A_1444 = arith.index_cast %swap3A_1443 : i32 to index
      %swap3A_1445 = arith.constant 48 : index
      %swap3A_1446 = tpu.vector_load %arg11[%swap3A_1444, %swap3A_1445] {strides = array<i32>} : memref<16x128xf32, #tpu.memory_space<vmem>>, vector<16xf32>,
      tpu.vector_store %arg11[%swap3A_1444, %swap3A_1445], %exp3A_1442 {strides = array<i32>} : memref<16x128xf32, #tpu.memory_space<vmem>>, vector<16xf32>,
      %get3A_1447 = arith.constant 1984 : index
      %get3A_1448 = tpu.vector_load %arg8[%get3A_1447] {strides = array<i32>} : memref<2048xi32, #tpu.memory_space<vmem>>, vector<16xi32>,
      %gather3A_1449 = tpu.vector_load_idx %arg7[%get3A_1448] : memref<100000xf32, #tpu.memory_space<vmem>>[vector<16xi32>], vector<16xf32>,
      %get3A_1450 = arith.constant 1984 : index
      %get3A_1451 = tpu.vector_load %arg9[%get3A_1450] {strides = array<i32>} : memref<2048xf32, #tpu.memory_space<vmem>>, vector<16xf32>,
      %add3A_1452 = arith.addf %gather3A_1449, %get3A_1451 : vector<16xf32>
      %exp3A_1453 = math.exp %add3A_1452 : vector<16xf32>
      %swap3A_1454 = arith.constant 15 : i32
      %swap3A_1455 = arith.index_cast %swap3A_1454 : i32 to index
      %swap3A_1456 = arith.constant 64 : index
      %swap3A_1457 = tpu.vector_load %arg11[%swap3A_1455, %swap3A_1456] {strides = array<i32>} : memref<16x128xf32, #tpu.memory_space<vmem>>, vector<16xf32>,
      tpu.vector_store %arg11[%swap3A_1455, %swap3A_1456], %exp3A_1453 {strides = array<i32>} : memref<16x128xf32, #tpu.memory_space<vmem>>, vector<16xf32>,
      %get3A_1458 = arith.constant 2000 : index
      %get3A_1459 = tpu.vector_load %arg8[%get3A_1458] {strides = array<i32>} : memref<2048xi32, #tpu.memory_space<vmem>>, vector<16xi32>,
      %gather3A_1460 = tpu.vector_load_idx %arg7[%get3A_1459] : memref<100000xf32, #tpu.memory_space<vmem>>[vector<16xi32>], vector<16xf32>,
      %get3A_1461 = arith.constant 2000 : index
      %get3A_1462 = tpu.vector_load %arg9[%get3A_1461] {strides = array<i32>} : memref<2048xf32, #tpu.memory_space<vmem>>, vector<16xf32>,
      %add3A_1463 = arith.addf %gather3A_1460, %get3A_1462 : vector<16xf32>
      %exp3A_1464 = math.exp %add3A_1463 : vector<16xf32>
      %swap3A_1465 = arith.constant 15 : i32
      %swap3A_1466 = arith.index_cast %swap3A_1465 : i32 to index
      %swap3A_1467 = arith.constant 80 : index
      %swap3A_1468 = tpu.vector_load %arg11[%swap3A_1466, %swap3A_1467] {strides = array<i32>} : memref<16x128xf32, #tpu.memory_space<vmem>>, vector<16xf32>,
      tpu.vector_store %arg11[%swap3A_1466, %swap3A_1467], %exp3A_1464 {strides = array<i32>} : memref<16x128xf32, #tpu.memory_space<vmem>>, vector<16xf32>,
      %get3A_1469 = arith.constant 2016 : index
      %get3A_1470 = tpu.vector_load %arg8[%get3A_1469] {strides = array<i32>} : memref<2048xi32, #tpu.memory_space<vmem>>, vector<16xi32>,
      %gather3A_1471 = tpu.vector_load_idx %arg7[%get3A_1470] : memref<100000xf32, #tpu.memory_space<vmem>>[vector<16xi32>], vector<16xf32>,
      %get3A_1472 = arith.constant 2016 : index
      %get3A_1473 = tpu.vector_load %arg9[%get3A_1472] {strides = array<i32>} : memref<2048xf32, #tpu.memory_space<vmem>>, vector<16xf32>,
      %add3A_1474 = arith.addf %gather3A_1471, %get3A_1473 : vector<16xf32>
      %exp3A_1475 = math.exp %add3A_1474 : vector<16xf32>
      %swap3A_1476 = arith.constant 15 : i32
      %swap3A_1477 = arith.index_cast %swap3A_1476 : i32 to index
      %swap3A_1478 = arith.constant 96 : index
      %swap3A_1479 = tpu.vector_load %arg11[%swap3A_1477, %swap3A_1478] {strides = array<i32>} : memref<16x128xf32, #tpu.memory_space<vmem>>, vector<16xf32>,
      tpu.vector_store %arg11[%swap3A_1477, %swap3A_1478], %exp3A_1475 {strides = array<i32>} : memref<16x128xf32, #tpu.memory_space<vmem>>, vector<16xf32>,
      %get3A_1480 = arith.constant 2032 : index
      %get3A_1481 = tpu.vector_load %arg8[%get3A_1480] {strides = array<i32>} : memref<2048xi32, #tpu.memory_space<vmem>>, vector<16xi32>,
      %gather3A_1482 = tpu.vector_load_idx %arg7[%get3A_1481] : memref<100000xf32, #tpu.memory_space<vmem>>[vector<16xi32>], vector<16xf32>,
      %get3A_1483 = arith.constant 2032 : index
      %get3A_1484 = tpu.vector_load %arg9[%get3A_1483] {strides = array<i32>} : memref<2048xf32, #tpu.memory_space<vmem>>, vector<16xf32>,
      %add3A_1485 = arith.addf %gather3A_1482, %get3A_1484 : vector<16xf32>
      %exp3A_1486 = math.exp %add3A_1485 : vector<16xf32>
      %swap3A_1487 = arith.constant 15 : i32
      %swap3A_1488 = arith.index_cast %swap3A_1487 : i32 to index
      %swap3A_1489 = arith.constant 112 : index
      %swap3A_1490 = tpu.vector_load %arg11[%swap3A_1488, %swap3A_1489] {strides = array<i32>} : memref<16x128xf32, #tpu.memory_space<vmem>>, vector<16xf32>,
      tpu.vector_store %arg11[%swap3A_1488, %swap3A_1489], %exp3A_1486 {strides = array<i32>} : memref<16x128xf32, #tpu.memory_space<vmem>>, vector<16xf32>,
      %dma_start3A_1491 = arith.constant 0 : i32
      %dma_start3A_1492 = arith.constant 0 : i32
      %dma_start3A_1493 = arith.constant 0 : i32
      %dma_start3A_1494 = tpu.memref_slice %arg11[%dma_start3A_1491, %dma_start3A_1493] : memref<16x128xf32, #tpu.memory_space<vmem>> -> memref<1x128xf32, #tpu.memory_space<vmem>>
      %dma_start3A_1495 = tpu.memref_squeeze %dma_start3A_1494 : memref<1x128xf32, #tpu.memory_space<vmem>> -> memref<128xf32, #tpu.memory_space<vmem>>
      %dma_start3A_1496 = arith.constant 0 : i32
      %dma_start3A_1497 = tpu.memref_slice %arg10[%dma_start3A_1492, %dma_start3A_1496] : memref<16x128xi32, #tpu.memory_space<vmem>> -> memref<1x128xi32, #tpu.memory_space<vmem>>
      %dma_start3A_1498 = tpu.memref_squeeze %dma_start3A_1497 : memref<1x128xi32, #tpu.memory_space<vmem>> -> memref<128xi32, #tpu.memory_space<vmem>>
      %dma_start3A_1499 = arith.constant 0 : i32
      %dma_start3A_1500 = tpu.memref_slice %arg13[%dma_start3A_1499] : memref<100352xf32, #tpu.memory_space<vmem_shared>> -> memref<100352xf32, #tpu.memory_space<vmem_shared>>
      tpu.enqueue_indirect_dma source(%dma_start3A_1495 : memref<128xf32, #tpu.memory_space<vmem>>) target(%dma_start3A_1500 : memref<100352xf32, #tpu.memory_space<vmem_shared>>) offsets(%dma_start3A_1498 : memref<128xi32, #tpu.memory_space<vmem>>) semaphore(%arg17 : memref<!tpu.dma_semaphore, #tpu.memory_space<semaphore_mem>>) {add = true}
      %dma_start3A_1501 = arith.constant 1 : i32
      %dma_start3A_1502 = arith.constant 1 : i32
      %dma_start3A_1503 = arith.constant 0 : i32
      %dma_start3A_1504 = tpu.memref_slice %arg11[%dma_start3A_1501, %dma_start3A_1503] : memref<16x128xf32, #tpu.memory_space<vmem>> -> memref<1x128xf32, #tpu.memory_space<vmem>>
      %dma_start3A_1505 = tpu.memref_squeeze %dma_start3A_1504 : memref<1x128xf32, #tpu.memory_space<vmem>> -> memref<128xf32, #tpu.memory_space<vmem>>
      %dma_start3A_1506 = arith.constant 0 : i32
      %dma_start3A_1507 = tpu.memref_slice %arg10[%dma_start3A_1502, %dma_start3A_1506] : memref<16x128xi32, #tpu.memory_space<vmem>> -> memref<1x128xi32, #tpu.memory_space<vmem>>
      %dma_start3A_1508 = tpu.memref_squeeze %dma_start3A_1507 : memref<1x128xi32, #tpu.memory_space<vmem>> -> memref<128xi32, #tpu.memory_space<vmem>>
      %dma_start3A_1509 = arith.constant 0 : i32
      %dma_start3A_1510 = tpu.memref_slice %arg13[%dma_start3A_1509] : memref<100352xf32, #tpu.memory_space<vmem_shared>> -> memref<100352xf32, #tpu.memory_space<vmem_shared>>
      tpu.enqueue_indirect_dma source(%dma_start3A_1505 : memref<128xf32, #tpu.memory_space<vmem>>) target(%dma_start3A_1510 : memref<100352xf32, #tpu.memory_space<vmem_shared>>) offsets(%dma_start3A_1508 : memref<128xi32, #tpu.memory_space<vmem>>) semaphore(%arg17 : memref<!tpu.dma_semaphore, #tpu.memory_space<semaphore_mem>>) {add = true}
      %dma_start3A_1511 = arith.constant 2 : i32
      %dma_start3A_1512 = arith.constant 2 : i32
      %dma_start3A_1513 = arith.constant 0 : i32
      %dma_start3A_1514 = tpu.memref_slice %arg11[%dma_start3A_1511, %dma_start3A_1513] : memref<16x128xf32, #tpu.memory_space<vmem>> -> memref<1x128xf32, #tpu.memory_space<vmem>>
      %dma_start3A_1515 = tpu.memref_squeeze %dma_start3A_1514 : memref<1x128xf32, #tpu.memory_space<vmem>> -> memref<128xf32, #tpu.memory_space<vmem>>
      %dma_start3A_1516 = arith.constant 0 : i32
      %dma_start3A_1517 = tpu.memref_slice %arg10[%dma_start3A_1512, %dma_start3A_1516] : memref<16x128xi32, #tpu.memory_space<vmem>> -> memref<1x128xi32, #tpu.memory_space<vmem>>
      %dma_start3A_1518 = tpu.memref_squeeze %dma_start3A_1517 : memref<1x128xi32, #tpu.memory_space<vmem>> -> memref<128xi32, #tpu.memory_space<vmem>>
      %dma_start3A_1519 = arith.constant 0 : i32
      %dma_start3A_1520 = tpu.memref_slice %arg13[%dma_start3A_1519] : memref<100352xf32, #tpu.memory_space<vmem_shared>> -> memref<100352xf32, #tpu.memory_space<vmem_shared>>
      tpu.enqueue_indirect_dma source(%dma_start3A_1515 : memref<128xf32, #tpu.memory_space<vmem>>) target(%dma_start3A_1520 : memref<100352xf32, #tpu.memory_space<vmem_shared>>) offsets(%dma_start3A_1518 : memref<128xi32, #tpu.memory_space<vmem>>) semaphore(%arg17 : memref<!tpu.dma_semaphore, #tpu.memory_space<semaphore_mem>>) {add = true}
      %dma_start3A_1521 = arith.constant 3 : i32
      %dma_start3A_1522 = arith.constant 3 : i32
      %dma_start3A_1523 = arith.constant 0 : i32
      %dma_start3A_1524 = tpu.memref_slice %arg11[%dma_start3A_1521, %dma_start3A_1523] : memref<16x128xf32, #tpu.memory_space<vmem>> -> memref<1x128xf32, #tpu.memory_space<vmem>>
      %dma_start3A_1525 = tpu.memref_squeeze %dma_start3A_1524 : memref<1x128xf32, #tpu.memory_space<vmem>> -> memref<128xf32, #tpu.memory_space<vmem>>
      %dma_start3A_1526 = arith.constant 0 : i32
      %dma_start3A_1527 = tpu.memref_slice %arg10[%dma_start3A_1522, %dma_start3A_1526] : memref<16x128xi32, #tpu.memory_space<vmem>> -> memref<1x128xi32, #tpu.memory_space<vmem>>
      %dma_start3A_1528 = tpu.memref_squeeze %dma_start3A_1527 : memref<1x128xi32, #tpu.memory_space<vmem>> -> memref<128xi32, #tpu.memory_space<vmem>>
      %dma_start3A_1529 = arith.constant 0 : i32
      %dma_start3A_1530 = tpu.memref_slice %arg13[%dma_start3A_1529] : memref<100352xf32, #tpu.memory_space<vmem_shared>> -> memref<100352xf32, #tpu.memory_space<vmem_shared>>
      tpu.enqueue_indirect_dma source(%dma_start3A_1525 : memref<128xf32, #tpu.memory_space<vmem>>) target(%dma_start3A_1530 : memref<100352xf32, #tpu.memory_space<vmem_shared>>) offsets(%dma_start3A_1528 : memref<128xi32, #tpu.memory_space<vmem>>) semaphore(%arg17 : memref<!tpu.dma_semaphore, #tpu.memory_space<semaphore_mem>>) {add = true}
      %dma_start3A_1531 = arith.constant 4 : i32
      %dma_start3A_1532 = arith.constant 4 : i32
      %dma_start3A_1533 = arith.constant 0 : i32
      %dma_start3A_1534 = tpu.memref_slice %arg11[%dma_start3A_1531, %dma_start3A_1533] : memref<16x128xf32, #tpu.memory_space<vmem>> -> memref<1x128xf32, #tpu.memory_space<vmem>>
      %dma_start3A_1535 = tpu.memref_squeeze %dma_start3A_1534 : memref<1x128xf32, #tpu.memory_space<vmem>> -> memref<128xf32, #tpu.memory_space<vmem>>
      %dma_start3A_1536 = arith.constant 0 : i32
      %dma_start3A_1537 = tpu.memref_slice %arg10[%dma_start3A_1532, %dma_start3A_1536] : memref<16x128xi32, #tpu.memory_space<vmem>> -> memref<1x128xi32, #tpu.memory_space<vmem>>
      %dma_start3A_1538 = tpu.memref_squeeze %dma_start3A_1537 : memref<1x128xi32, #tpu.memory_space<vmem>> -> memref<128xi32, #tpu.memory_space<vmem>>
      %dma_start3A_1539 = arith.constant 0 : i32
      %dma_start3A_1540 = tpu.memref_slice %arg13[%dma_start3A_1539] : memref<100352xf32, #tpu.memory_space<vmem_shared>> -> memref<100352xf32, #tpu.memory_space<vmem_shared>>
      tpu.enqueue_indirect_dma source(%dma_start3A_1535 : memref<128xf32, #tpu.memory_space<vmem>>) target(%dma_start3A_1540 : memref<100352xf32, #tpu.memory_space<vmem_shared>>) offsets(%dma_start3A_1538 : memref<128xi32, #tpu.memory_space<vmem>>) semaphore(%arg17 : memref<!tpu.dma_semaphore, #tpu.memory_space<semaphore_mem>>) {add = true}
      %dma_start3A_1541 = arith.constant 5 : i32
      %dma_start3A_1542 = arith.constant 5 : i32
      %dma_start3A_1543 = arith.constant 0 : i32
      %dma_start3A_1544 = tpu.memref_slice %arg11[%dma_start3A_1541, %dma_start3A_1543] : memref<16x128xf32, #tpu.memory_space<vmem>> -> memref<1x128xf32, #tpu.memory_space<vmem>>
      %dma_start3A_1545 = tpu.memref_squeeze %dma_start3A_1544 : memref<1x128xf32, #tpu.memory_space<vmem>> -> memref<128xf32, #tpu.memory_space<vmem>>
      %dma_start3A_1546 = arith.constant 0 : i32
      %dma_start3A_1547 = tpu.memref_slice %arg10[%dma_start3A_1542, %dma_start3A_1546] : memref<16x128xi32, #tpu.memory_space<vmem>> -> memref<1x128xi32, #tpu.memory_space<vmem>>
      %dma_start3A_1548 = tpu.memref_squeeze %dma_start3A_1547 : memref<1x128xi32, #tpu.memory_space<vmem>> -> memref<128xi32, #tpu.memory_space<vmem>>
      %dma_start3A_1549 = arith.constant 0 : i32
      %dma_start3A_1550 = tpu.memref_slice %arg13[%dma_start3A_1549] : memref<100352xf32, #tpu.memory_space<vmem_shared>> -> memref<100352xf32, #tpu.memory_space<vmem_shared>>
      tpu.enqueue_indirect_dma source(%dma_start3A_1545 : memref<128xf32, #tpu.memory_space<vmem>>) target(%dma_start3A_1550 : memref<100352xf32, #tpu.memory_space<vmem_shared>>) offsets(%dma_start3A_1548 : memref<128xi32, #tpu.memory_space<vmem>>) semaphore(%arg17 : memref<!tpu.dma_semaphore, #tpu.memory_space<semaphore_mem>>) {add = true}
      %dma_start3A_1551 = arith.constant 6 : i32
      %dma_start3A_1552 = arith.constant 6 : i32
      %dma_start3A_1553 = arith.constant 0 : i32
      %dma_start3A_1554 = tpu.memref_slice %arg11[%dma_start3A_1551, %dma_start3A_1553] : memref<16x128xf32, #tpu.memory_space<vmem>> -> memref<1x128xf32, #tpu.memory_space<vmem>>
      %dma_start3A_1555 = tpu.memref_squeeze %dma_start3A_1554 : memref<1x128xf32, #tpu.memory_space<vmem>> -> memref<128xf32, #tpu.memory_space<vmem>>
      %dma_start3A_1556 = arith.constant 0 : i32
      %dma_start3A_1557 = tpu.memref_slice %arg10[%dma_start3A_1552, %dma_start3A_1556] : memref<16x128xi32, #tpu.memory_space<vmem>> -> memref<1x128xi32, #tpu.memory_space<vmem>>
      %dma_start3A_1558 = tpu.memref_squeeze %dma_start3A_1557 : memref<1x128xi32, #tpu.memory_space<vmem>> -> memref<128xi32, #tpu.memory_space<vmem>>
      %dma_start3A_1559 = arith.constant 0 : i32
      %dma_start3A_1560 = tpu.memref_slice %arg13[%dma_start3A_1559] : memref<100352xf32, #tpu.memory_space<vmem_shared>> -> memref<100352xf32, #tpu.memory_space<vmem_shared>>
      tpu.enqueue_indirect_dma source(%dma_start3A_1555 : memref<128xf32, #tpu.memory_space<vmem>>) target(%dma_start3A_1560 : memref<100352xf32, #tpu.memory_space<vmem_shared>>) offsets(%dma_start3A_1558 : memref<128xi32, #tpu.memory_space<vmem>>) semaphore(%arg17 : memref<!tpu.dma_semaphore, #tpu.memory_space<semaphore_mem>>) {add = true}
      %dma_start3A_1561 = arith.constant 7 : i32
      %dma_start3A_1562 = arith.constant 7 : i32
      %dma_start3A_1563 = arith.constant 0 : i32
      %dma_start3A_1564 = tpu.memref_slice %arg11[%dma_start3A_1561, %dma_start3A_1563] : memref<16x128xf32, #tpu.memory_space<vmem>> -> memref<1x128xf32, #tpu.memory_space<vmem>>
      %dma_start3A_1565 = tpu.memref_squeeze %dma_start3A_1564 : memref<1x128xf32, #tpu.memory_space<vmem>> -> memref<128xf32, #tpu.memory_space<vmem>>
      %dma_start3A_1566 = arith.constant 0 : i32
      %dma_start3A_1567 = tpu.memref_slice %arg10[%dma_start3A_1562, %dma_start3A_1566] : memref<16x128xi32, #tpu.memory_space<vmem>> -> memref<1x128xi32, #tpu.memory_space<vmem>>
      %dma_start3A_1568 = tpu.memref_squeeze %dma_start3A_1567 : memref<1x128xi32, #tpu.memory_space<vmem>> -> memref<128xi32, #tpu.memory_space<vmem>>
      %dma_start3A_1569 = arith.constant 0 : i32
      %dma_start3A_1570 = tpu.memref_slice %arg13[%dma_start3A_1569] : memref<100352xf32, #tpu.memory_space<vmem_shared>> -> memref<100352xf32, #tpu.memory_space<vmem_shared>>
      tpu.enqueue_indirect_dma source(%dma_start3A_1565 : memref<128xf32, #tpu.memory_space<vmem>>) target(%dma_start3A_1570 : memref<100352xf32, #tpu.memory_space<vmem_shared>>) offsets(%dma_start3A_1568 : memref<128xi32, #tpu.memory_space<vmem>>) semaphore(%arg17 : memref<!tpu.dma_semaphore, #tpu.memory_space<semaphore_mem>>) {add = true}
      %dma_start3A_1571 = arith.constant 8 : i32
      %dma_start3A_1572 = arith.constant 8 : i32
      %dma_start3A_1573 = arith.constant 0 : i32
      %dma_start3A_1574 = tpu.memref_slice %arg11[%dma_start3A_1571, %dma_start3A_1573] : memref<16x128xf32, #tpu.memory_space<vmem>> -> memref<1x128xf32, #tpu.memory_space<vmem>>
      %dma_start3A_1575 = tpu.memref_squeeze %dma_start3A_1574 : memref<1x128xf32, #tpu.memory_space<vmem>> -> memref<128xf32, #tpu.memory_space<vmem>>
      %dma_start3A_1576 = arith.constant 0 : i32
      %dma_start3A_1577 = tpu.memref_slice %arg10[%dma_start3A_1572, %dma_start3A_1576] : memref<16x128xi32, #tpu.memory_space<vmem>> -> memref<1x128xi32, #tpu.memory_space<vmem>>
      %dma_start3A_1578 = tpu.memref_squeeze %dma_start3A_1577 : memref<1x128xi32, #tpu.memory_space<vmem>> -> memref<128xi32, #tpu.memory_space<vmem>>
      %dma_start3A_1579 = arith.constant 0 : i32
      %dma_start3A_1580 = tpu.memref_slice %arg13[%dma_start3A_1579] : memref<100352xf32, #tpu.memory_space<vmem_shared>> -> memref<100352xf32, #tpu.memory_space<vmem_shared>>
      tpu.enqueue_indirect_dma source(%dma_start3A_1575 : memref<128xf32, #tpu.memory_space<vmem>>) target(%dma_start3A_1580 : memref<100352xf32, #tpu.memory_space<vmem_shared>>) offsets(%dma_start3A_1578 : memref<128xi32, #tpu.memory_space<vmem>>) semaphore(%arg17 : memref<!tpu.dma_semaphore, #tpu.memory_space<semaphore_mem>>) {add = true}
      %dma_start3A_1581 = arith.constant 9 : i32
      %dma_start3A_1582 = arith.constant 9 : i32
      %dma_start3A_1583 = arith.constant 0 : i32
      %dma_start3A_1584 = tpu.memref_slice %arg11[%dma_start3A_1581, %dma_start3A_1583] : memref<16x128xf32, #tpu.memory_space<vmem>> -> memref<1x128xf32, #tpu.memory_space<vmem>>
      %dma_start3A_1585 = tpu.memref_squeeze %dma_start3A_1584 : memref<1x128xf32, #tpu.memory_space<vmem>> -> memref<128xf32, #tpu.memory_space<vmem>>
      %dma_start3A_1586 = arith.constant 0 : i32
      %dma_start3A_1587 = tpu.memref_slice %arg10[%dma_start3A_1582, %dma_start3A_1586] : memref<16x128xi32, #tpu.memory_space<vmem>> -> memref<1x128xi32, #tpu.memory_space<vmem>>
      %dma_start3A_1588 = tpu.memref_squeeze %dma_start3A_1587 : memref<1x128xi32, #tpu.memory_space<vmem>> -> memref<128xi32, #tpu.memory_space<vmem>>
      %dma_start3A_1589 = arith.constant 0 : i32
      %dma_start3A_1590 = tpu.memref_slice %arg13[%dma_start3A_1589] : memref<100352xf32, #tpu.memory_space<vmem_shared>> -> memref<100352xf32, #tpu.memory_space<vmem_shared>>
      tpu.enqueue_indirect_dma source(%dma_start3A_1585 : memref<128xf32, #tpu.memory_space<vmem>>) target(%dma_start3A_1590 : memref<100352xf32, #tpu.memory_space<vmem_shared>>) offsets(%dma_start3A_1588 : memref<128xi32, #tpu.memory_space<vmem>>) semaphore(%arg17 : memref<!tpu.dma_semaphore, #tpu.memory_space<semaphore_mem>>) {add = true}
      %dma_start3A_1591 = arith.constant 10 : i32
      %dma_start3A_1592 = arith.constant 10 : i32
      %dma_start3A_1593 = arith.constant 0 : i32
      %dma_start3A_1594 = tpu.memref_slice %arg11[%dma_start3A_1591, %dma_start3A_1593] : memref<16x128xf32, #tpu.memory_space<vmem>> -> memref<1x128xf32, #tpu.memory_space<vmem>>
      %dma_start3A_1595 = tpu.memref_squeeze %dma_start3A_1594 : memref<1x128xf32, #tpu.memory_space<vmem>> -> memref<128xf32, #tpu.memory_space<vmem>>
      %dma_start3A_1596 = arith.constant 0 : i32
      %dma_start3A_1597 = tpu.memref_slice %arg10[%dma_start3A_1592, %dma_start3A_1596] : memref<16x128xi32, #tpu.memory_space<vmem>> -> memref<1x128xi32, #tpu.memory_space<vmem>>
      %dma_start3A_1598 = tpu.memref_squeeze %dma_start3A_1597 : memref<1x128xi32, #tpu.memory_space<vmem>> -> memref<128xi32, #tpu.memory_space<vmem>>
      %dma_start3A_1599 = arith.constant 0 : i32
      %dma_start3A_1600 = tpu.memref_slice %arg13[%dma_start3A_1599] : memref<100352xf32, #tpu.memory_space<vmem_shared>> -> memref<100352xf32, #tpu.memory_space<vmem_shared>>
      tpu.enqueue_indirect_dma source(%dma_start3A_1595 : memref<128xf32, #tpu.memory_space<vmem>>) target(%dma_start3A_1600 : memref<100352xf32, #tpu.memory_space<vmem_shared>>) offsets(%dma_start3A_1598 : memref<128xi32, #tpu.memory_space<vmem>>) semaphore(%arg17 : memref<!tpu.dma_semaphore, #tpu.memory_space<semaphore_mem>>) {add = true}
      %dma_start3A_1601 = arith.constant 11 : i32
      %dma_start3A_1602 = arith.constant 11 : i32
      %dma_start3A_1603 = arith.constant 0 : i32
      %dma_start3A_1604 = tpu.memref_slice %arg11[%dma_start3A_1601, %dma_start3A_1603] : memref<16x128xf32, #tpu.memory_space<vmem>> -> memref<1x128xf32, #tpu.memory_space<vmem>>
      %dma_start3A_1605 = tpu.memref_squeeze %dma_start3A_1604 : memref<1x128xf32, #tpu.memory_space<vmem>> -> memref<128xf32, #tpu.memory_space<vmem>>
      %dma_start3A_1606 = arith.constant 0 : i32
      %dma_start3A_1607 = tpu.memref_slice %arg10[%dma_start3A_1602, %dma_start3A_1606] : memref<16x128xi32, #tpu.memory_space<vmem>> -> memref<1x128xi32, #tpu.memory_space<vmem>>
      %dma_start3A_1608 = tpu.memref_squeeze %dma_start3A_1607 : memref<1x128xi32, #tpu.memory_space<vmem>> -> memref<128xi32, #tpu.memory_space<vmem>>
      %dma_start3A_1609 = arith.constant 0 : i32
      %dma_start3A_1610 = tpu.memref_slice %arg13[%dma_start3A_1609] : memref<100352xf32, #tpu.memory_space<vmem_shared>> -> memref<100352xf32, #tpu.memory_space<vmem_shared>>
      tpu.enqueue_indirect_dma source(%dma_start3A_1605 : memref<128xf32, #tpu.memory_space<vmem>>) target(%dma_start3A_1610 : memref<100352xf32, #tpu.memory_space<vmem_shared>>) offsets(%dma_start3A_1608 : memref<128xi32, #tpu.memory_space<vmem>>) semaphore(%arg17 : memref<!tpu.dma_semaphore, #tpu.memory_space<semaphore_mem>>) {add = true}
      %dma_start3A_1611 = arith.constant 12 : i32
      %dma_start3A_1612 = arith.constant 12 : i32
      %dma_start3A_1613 = arith.constant 0 : i32
      %dma_start3A_1614 = tpu.memref_slice %arg11[%dma_start3A_1611, %dma_start3A_1613] : memref<16x128xf32, #tpu.memory_space<vmem>> -> memref<1x128xf32, #tpu.memory_space<vmem>>
      %dma_start3A_1615 = tpu.memref_squeeze %dma_start3A_1614 : memref<1x128xf32, #tpu.memory_space<vmem>> -> memref<128xf32, #tpu.memory_space<vmem>>
      %dma_start3A_1616 = arith.constant 0 : i32
      %dma_start3A_1617 = tpu.memref_slice %arg10[%dma_start3A_1612, %dma_start3A_1616] : memref<16x128xi32, #tpu.memory_space<vmem>> -> memref<1x128xi32, #tpu.memory_space<vmem>>
      %dma_start3A_1618 = tpu.memref_squeeze %dma_start3A_1617 : memref<1x128xi32, #tpu.memory_space<vmem>> -> memref<128xi32, #tpu.memory_space<vmem>>
      %dma_start3A_1619 = arith.constant 0 : i32
      %dma_start3A_1620 = tpu.memref_slice %arg13[%dma_start3A_1619] : memref<100352xf32, #tpu.memory_space<vmem_shared>> -> memref<100352xf32, #tpu.memory_space<vmem_shared>>
      tpu.enqueue_indirect_dma source(%dma_start3A_1615 : memref<128xf32, #tpu.memory_space<vmem>>) target(%dma_start3A_1620 : memref<100352xf32, #tpu.memory_space<vmem_shared>>) offsets(%dma_start3A_1618 : memref<128xi32, #tpu.memory_space<vmem>>) semaphore(%arg17 : memref<!tpu.dma_semaphore, #tpu.memory_space<semaphore_mem>>) {add = true}
      %dma_start3A_1621 = arith.constant 13 : i32
      %dma_start3A_1622 = arith.constant 13 : i32
      %dma_start3A_1623 = arith.constant 0 : i32
      %dma_start3A_1624 = tpu.memref_slice %arg11[%dma_start3A_1621, %dma_start3A_1623] : memref<16x128xf32, #tpu.memory_space<vmem>> -> memref<1x128xf32, #tpu.memory_space<vmem>>
      %dma_start3A_1625 = tpu.memref_squeeze %dma_start3A_1624 : memref<1x128xf32, #tpu.memory_space<vmem>> -> memref<128xf32, #tpu.memory_space<vmem>>
      %dma_start3A_1626 = arith.constant 0 : i32
      %dma_start3A_1627 = tpu.memref_slice %arg10[%dma_start3A_1622, %dma_start3A_1626] : memref<16x128xi32, #tpu.memory_space<vmem>> -> memref<1x128xi32, #tpu.memory_space<vmem>>
      %dma_start3A_1628 = tpu.memref_squeeze %dma_start3A_1627 : memref<1x128xi32, #tpu.memory_space<vmem>> -> memref<128xi32, #tpu.memory_space<vmem>>
      %dma_start3A_1629 = arith.constant 0 : i32
      %dma_start3A_1630 = tpu.memref_slice %arg13[%dma_start3A_1629] : memref<100352xf32, #tpu.memory_space<vmem_shared>> -> memref<100352xf32, #tpu.memory_space<vmem_shared>>
      tpu.enqueue_indirect_dma source(%dma_start3A_1625 : memref<128xf32, #tpu.memory_space<vmem>>) target(%dma_start3A_1630 : memref<100352xf32, #tpu.memory_space<vmem_shared>>) offsets(%dma_start3A_1628 : memref<128xi32, #tpu.memory_space<vmem>>) semaphore(%arg17 : memref<!tpu.dma_semaphore, #tpu.memory_space<semaphore_mem>>) {add = true}
      %dma_start3A_1631 = arith.constant 14 : i32
      %dma_start3A_1632 = arith.constant 14 : i32
      %dma_start3A_1633 = arith.constant 0 : i32
      %dma_start3A_1634 = tpu.memref_slice %arg11[%dma_start3A_1631, %dma_start3A_1633] : memref<16x128xf32, #tpu.memory_space<vmem>> -> memref<1x128xf32, #tpu.memory_space<vmem>>
      %dma_start3A_1635 = tpu.memref_squeeze %dma_start3A_1634 : memref<1x128xf32, #tpu.memory_space<vmem>> -> memref<128xf32, #tpu.memory_space<vmem>>
      %dma_start3A_1636 = arith.constant 0 : i32
      %dma_start3A_1637 = tpu.memref_slice %arg10[%dma_start3A_1632, %dma_start3A_1636] : memref<16x128xi32, #tpu.memory_space<vmem>> -> memref<1x128xi32, #tpu.memory_space<vmem>>
      %dma_start3A_1638 = tpu.memref_squeeze %dma_start3A_1637 : memref<1x128xi32, #tpu.memory_space<vmem>> -> memref<128xi32, #tpu.memory_space<vmem>>
      %dma_start3A_1639 = arith.constant 0 : i32
      %dma_start3A_1640 = tpu.memref_slice %arg13[%dma_start3A_1639] : memref<100352xf32, #tpu.memory_space<vmem_shared>> -> memref<100352xf32, #tpu.memory_space<vmem_shared>>
      tpu.enqueue_indirect_dma source(%dma_start3A_1635 : memref<128xf32, #tpu.memory_space<vmem>>) target(%dma_start3A_1640 : memref<100352xf32, #tpu.memory_space<vmem_shared>>) offsets(%dma_start3A_1638 : memref<128xi32, #tpu.memory_space<vmem>>) semaphore(%arg17 : memref<!tpu.dma_semaphore, #tpu.memory_space<semaphore_mem>>) {add = true}
      %dma_start3A_1641 = arith.constant 15 : i32
      %dma_start3A_1642 = arith.constant 15 : i32
      %dma_start3A_1643 = arith.constant 0 : i32
      %dma_start3A_1644 = tpu.memref_slice %arg11[%dma_start3A_1641, %dma_start3A_1643] : memref<16x128xf32, #tpu.memory_space<vmem>> -> memref<1x128xf32, #tpu.memory_space<vmem>>
      %dma_start3A_1645 = tpu.memref_squeeze %dma_start3A_1644 : memref<1x128xf32, #tpu.memory_space<vmem>> -> memref<128xf32, #tpu.memory_space<vmem>>
      %dma_start3A_1646 = arith.constant 0 : i32
      %dma_start3A_1647 = tpu.memref_slice %arg10[%dma_start3A_1642, %dma_start3A_1646] : memref<16x128xi32, #tpu.memory_space<vmem>> -> memref<1x128xi32, #tpu.memory_space<vmem>>
      %dma_start3A_1648 = tpu.memref_squeeze %dma_start3A_1647 : memref<1x128xi32, #tpu.memory_space<vmem>> -> memref<128xi32, #tpu.memory_space<vmem>>
      %dma_start3A_1649 = arith.constant 0 : i32
      %dma_start3A_1650 = tpu.memref_slice %arg13[%dma_start3A_1649] : memref<100352xf32, #tpu.memory_space<vmem_shared>> -> memref<100352xf32, #tpu.memory_space<vmem_shared>>
      tpu.enqueue_indirect_dma source(%dma_start3A_1645 : memref<128xf32, #tpu.memory_space<vmem>>) target(%dma_start3A_1650 : memref<100352xf32, #tpu.memory_space<vmem_shared>>) offsets(%dma_start3A_1648 : memref<128xi32, #tpu.memory_space<vmem>>) semaphore(%arg17 : memref<!tpu.dma_semaphore, #tpu.memory_space<semaphore_mem>>) {add = true}
      %dma_wait3A_1651 = arith.constant 0 : i32
      %dma_wait3A_1652 = arith.constant 0 : i32
      %dma_wait3A_1653 = arith.constant 0 : i32
      %dma_wait3A_1654 = tpu.memref_slice %arg11[%dma_wait3A_1651, %dma_wait3A_1653] : memref<16x128xf32, #tpu.memory_space<vmem>> -> memref<1x128xf32, #tpu.memory_space<vmem>>
      %dma_wait3A_1655 = tpu.memref_squeeze %dma_wait3A_1654 : memref<1x128xf32, #tpu.memory_space<vmem>> -> memref<128xf32, #tpu.memory_space<vmem>>
      %dma_wait3A_1656 = arith.constant 0 : i32
      %dma_wait3A_1657 = tpu.memref_slice %arg10[%dma_wait3A_1652, %dma_wait3A_1656] : memref<16x128xi32, #tpu.memory_space<vmem>> -> memref<1x128xi32, #tpu.memory_space<vmem>>
      %dma_wait3A_1658 = tpu.memref_squeeze %dma_wait3A_1657 : memref<1x128xi32, #tpu.memory_space<vmem>> -> memref<128xi32, #tpu.memory_space<vmem>>
      %dma_wait3A_1659 = arith.constant 0 : i32
      %dma_wait3A_1660 = tpu.memref_slice %arg13[%dma_wait3A_1659] : memref<100352xf32, #tpu.memory_space<vmem_shared>> -> memref<100352xf32, #tpu.memory_space<vmem_shared>>
      tpu.wait_indirect_dma semaphore(%arg17 : memref<!tpu.dma_semaphore, #tpu.memory_space<semaphore_mem>>) src(%dma_wait3A_1655 : memref<128xf32, #tpu.memory_space<vmem>>) dst(%dma_wait3A_1660 : memref<100352xf32, #tpu.memory_space<vmem_shared>>)
      %dma_wait3A_1661 = arith.constant 1 : i32
      %dma_wait3A_1662 = arith.constant 1 : i32
      %dma_wait3A_1663 = arith.constant 0 : i32
      %dma_wait3A_1664 = tpu.memref_slice %arg11[%dma_wait3A_1661, %dma_wait3A_1663] : memref<16x128xf32, #tpu.memory_space<vmem>> -> memref<1x128xf32, #tpu.memory_space<vmem>>
      %dma_wait3A_1665 = tpu.memref_squeeze %dma_wait3A_1664 : memref<1x128xf32, #tpu.memory_space<vmem>> -> memref<128xf32, #tpu.memory_space<vmem>>
      %dma_wait3A_1666 = arith.constant 0 : i32
      %dma_wait3A_1667 = tpu.memref_slice %arg10[%dma_wait3A_1662, %dma_wait3A_1666] : memref<16x128xi32, #tpu.memory_space<vmem>> -> memref<1x128xi32, #tpu.memory_space<vmem>>
      %dma_wait3A_1668 = tpu.memref_squeeze %dma_wait3A_1667 : memref<1x128xi32, #tpu.memory_space<vmem>> -> memref<128xi32, #tpu.memory_space<vmem>>
      %dma_wait3A_1669 = arith.constant 0 : i32
      %dma_wait3A_1670 = tpu.memref_slice %arg13[%dma_wait3A_1669] : memref<100352xf32, #tpu.memory_space<vmem_shared>> -> memref<100352xf32, #tpu.memory_space<vmem_shared>>
      tpu.wait_indirect_dma semaphore(%arg17 : memref<!tpu.dma_semaphore, #tpu.memory_space<semaphore_mem>>) src(%dma_wait3A_1665 : memref<128xf32, #tpu.memory_space<vmem>>) dst(%dma_wait3A_1670 : memref<100352xf32, #tpu.memory_space<vmem_shared>>)
      %dma_wait3A_1671 = arith.constant 2 : i32
      %dma_wait3A_1672 = arith.constant 2 : i32
      %dma_wait3A_1673 = arith.constant 0 : i32
      %dma_wait3A_1674 = tpu.memref_slice %arg11[%dma_wait3A_1671, %dma_wait3A_1673] : memref<16x128xf32, #tpu.memory_space<vmem>> -> memref<1x128xf32, #tpu.memory_space<vmem>>
      %dma_wait3A_1675 = tpu.memref_squeeze %dma_wait3A_1674 : memref<1x128xf32, #tpu.memory_space<vmem>> -> memref<128xf32, #tpu.memory_space<vmem>>
      %dma_wait3A_1676 = arith.constant 0 : i32
      %dma_wait3A_1677 = tpu.memref_slice %arg10[%dma_wait3A_1672, %dma_wait3A_1676] : memref<16x128xi32, #tpu.memory_space<vmem>> -> memref<1x128xi32, #tpu.memory_space<vmem>>
      %dma_wait3A_1678 = tpu.memref_squeeze %dma_wait3A_1677 : memref<1x128xi32, #tpu.memory_space<vmem>> -> memref<128xi32, #tpu.memory_space<vmem>>
      %dma_wait3A_1679 = arith.constant 0 : i32
      %dma_wait3A_1680 = tpu.memref_slice %arg13[%dma_wait3A_1679] : memref<100352xf32, #tpu.memory_space<vmem_shared>> -> memref<100352xf32, #tpu.memory_space<vmem_shared>>
      tpu.wait_indirect_dma semaphore(%arg17 : memref<!tpu.dma_semaphore, #tpu.memory_space<semaphore_mem>>) src(%dma_wait3A_1675 : memref<128xf32, #tpu.memory_space<vmem>>) dst(%dma_wait3A_1680 : memref<100352xf32, #tpu.memory_space<vmem_shared>>)
      %dma_wait3A_1681 = arith.constant 3 : i32
      %dma_wait3A_1682 = arith.constant 3 : i32
      %dma_wait3A_1683 = arith.constant 0 : i32
      %dma_wait3A_1684 = tpu.memref_slice %arg11[%dma_wait3A_1681, %dma_wait3A_1683] : memref<16x128xf32, #tpu.memory_space<vmem>> -> memref<1x128xf32, #tpu.memory_space<vmem>>
      %dma_wait3A_1685 = tpu.memref_squeeze %dma_wait3A_1684 : memref<1x128xf32, #tpu.memory_space<vmem>> -> memref<128xf32, #tpu.memory_space<vmem>>
      %dma_wait3A_1686 = arith.constant 0 : i32
      %dma_wait3A_1687 = tpu.memref_slice %arg10[%dma_wait3A_1682, %dma_wait3A_1686] : memref<16x128xi32, #tpu.memory_space<vmem>> -> memref<1x128xi32, #tpu.memory_space<vmem>>
      %dma_wait3A_1688 = tpu.memref_squeeze %dma_wait3A_1687 : memref<1x128xi32, #tpu.memory_space<vmem>> -> memref<128xi32, #tpu.memory_space<vmem>>
      %dma_wait3A_1689 = arith.constant 0 : i32
      %dma_wait3A_1690 = tpu.memref_slice %arg13[%dma_wait3A_1689] : memref<100352xf32, #tpu.memory_space<vmem_shared>> -> memref<100352xf32, #tpu.memory_space<vmem_shared>>
      tpu.wait_indirect_dma semaphore(%arg17 : memref<!tpu.dma_semaphore, #tpu.memory_space<semaphore_mem>>) src(%dma_wait3A_1685 : memref<128xf32, #tpu.memory_space<vmem>>) dst(%dma_wait3A_1690 : memref<100352xf32, #tpu.memory_space<vmem_shared>>)
      %dma_wait3A_1691 = arith.constant 4 : i32
      %dma_wait3A_1692 = arith.constant 4 : i32
      %dma_wait3A_1693 = arith.constant 0 : i32
      %dma_wait3A_1694 = tpu.memref_slice %arg11[%dma_wait3A_1691, %dma_wait3A_1693] : memref<16x128xf32, #tpu.memory_space<vmem>> -> memref<1x128xf32, #tpu.memory_space<vmem>>
      %dma_wait3A_1695 = tpu.memref_squeeze %dma_wait3A_1694 : memref<1x128xf32, #tpu.memory_space<vmem>> -> memref<128xf32, #tpu.memory_space<vmem>>
      %dma_wait3A_1696 = arith.constant 0 : i32
      %dma_wait3A_1697 = tpu.memref_slice %arg10[%dma_wait3A_1692, %dma_wait3A_1696] : memref<16x128xi32, #tpu.memory_space<vmem>> -> memref<1x128xi32, #tpu.memory_space<vmem>>
      %dma_wait3A_1698 = tpu.memref_squeeze %dma_wait3A_1697 : memref<1x128xi32, #tpu.memory_space<vmem>> -> memref<128xi32, #tpu.memory_space<vmem>>
      %dma_wait3A_1699 = arith.constant 0 : i32
      %dma_wait3A_1700 = tpu.memref_slice %arg13[%dma_wait3A_1699] : memref<100352xf32, #tpu.memory_space<vmem_shared>> -> memref<100352xf32, #tpu.memory_space<vmem_shared>>
      tpu.wait_indirect_dma semaphore(%arg17 : memref<!tpu.dma_semaphore, #tpu.memory_space<semaphore_mem>>) src(%dma_wait3A_1695 : memref<128xf32, #tpu.memory_space<vmem>>) dst(%dma_wait3A_1700 : memref<100352xf32, #tpu.memory_space<vmem_shared>>)
      %dma_wait3A_1701 = arith.constant 5 : i32
      %dma_wait3A_1702 = arith.constant 5 : i32
      %dma_wait3A_1703 = arith.constant 0 : i32
      %dma_wait3A_1704 = tpu.memref_slice %arg11[%dma_wait3A_1701, %dma_wait3A_1703] : memref<16x128xf32, #tpu.memory_space<vmem>> -> memref<1x128xf32, #tpu.memory_space<vmem>>
      %dma_wait3A_1705 = tpu.memref_squeeze %dma_wait3A_1704 : memref<1x128xf32, #tpu.memory_space<vmem>> -> memref<128xf32, #tpu.memory_space<vmem>>
      %dma_wait3A_1706 = arith.constant 0 : i32
      %dma_wait3A_1707 = tpu.memref_slice %arg10[%dma_wait3A_1702, %dma_wait3A_1706] : memref<16x128xi32, #tpu.memory_space<vmem>> -> memref<1x128xi32, #tpu.memory_space<vmem>>
      %dma_wait3A_1708 = tpu.memref_squeeze %dma_wait3A_1707 : memref<1x128xi32, #tpu.memory_space<vmem>> -> memref<128xi32, #tpu.memory_space<vmem>>
      %dma_wait3A_1709 = arith.constant 0 : i32
      %dma_wait3A_1710 = tpu.memref_slice %arg13[%dma_wait3A_1709] : memref<100352xf32, #tpu.memory_space<vmem_shared>> -> memref<100352xf32, #tpu.memory_space<vmem_shared>>
      tpu.wait_indirect_dma semaphore(%arg17 : memref<!tpu.dma_semaphore, #tpu.memory_space<semaphore_mem>>) src(%dma_wait3A_1705 : memref<128xf32, #tpu.memory_space<vmem>>) dst(%dma_wait3A_1710 : memref<100352xf32, #tpu.memory_space<vmem_shared>>)
      %dma_wait3A_1711 = arith.constant 6 : i32
      %dma_wait3A_1712 = arith.constant 6 : i32
      %dma_wait3A_1713 = arith.constant 0 : i32
      %dma_wait3A_1714 = tpu.memref_slice %arg11[%dma_wait3A_1711, %dma_wait3A_1713] : memref<16x128xf32, #tpu.memory_space<vmem>> -> memref<1x128xf32, #tpu.memory_space<vmem>>
      %dma_wait3A_1715 = tpu.memref_squeeze %dma_wait3A_1714 : memref<1x128xf32, #tpu.memory_space<vmem>> -> memref<128xf32, #tpu.memory_space<vmem>>
      %dma_wait3A_1716 = arith.constant 0 : i32
      %dma_wait3A_1717 = tpu.memref_slice %arg10[%dma_wait3A_1712, %dma_wait3A_1716] : memref<16x128xi32, #tpu.memory_space<vmem>> -> memref<1x128xi32, #tpu.memory_space<vmem>>
      %dma_wait3A_1718 = tpu.memref_squeeze %dma_wait3A_1717 : memref<1x128xi32, #tpu.memory_space<vmem>> -> memref<128xi32, #tpu.memory_space<vmem>>
      %dma_wait3A_1719 = arith.constant 0 : i32
      %dma_wait3A_1720 = tpu.memref_slice %arg13[%dma_wait3A_1719] : memref<100352xf32, #tpu.memory_space<vmem_shared>> -> memref<100352xf32, #tpu.memory_space<vmem_shared>>
      tpu.wait_indirect_dma semaphore(%arg17 : memref<!tpu.dma_semaphore, #tpu.memory_space<semaphore_mem>>) src(%dma_wait3A_1715 : memref<128xf32, #tpu.memory_space<vmem>>) dst(%dma_wait3A_1720 : memref<100352xf32, #tpu.memory_space<vmem_shared>>)
      %dma_wait3A_1721 = arith.constant 7 : i32
      %dma_wait3A_1722 = arith.constant 7 : i32
      %dma_wait3A_1723 = arith.constant 0 : i32
      %dma_wait3A_1724 = tpu.memref_slice %arg11[%dma_wait3A_1721, %dma_wait3A_1723] : memref<16x128xf32, #tpu.memory_space<vmem>> -> memref<1x128xf32, #tpu.memory_space<vmem>>
      %dma_wait3A_1725 = tpu.memref_squeeze %dma_wait3A_1724 : memref<1x128xf32, #tpu.memory_space<vmem>> -> memref<128xf32, #tpu.memory_space<vmem>>
      %dma_wait3A_1726 = arith.constant 0 : i32
      %dma_wait3A_1727 = tpu.memref_slice %arg10[%dma_wait3A_1722, %dma_wait3A_1726] : memref<16x128xi32, #tpu.memory_space<vmem>> -> memref<1x128xi32, #tpu.memory_space<vmem>>
      %dma_wait3A_1728 = tpu.memref_squeeze %dma_wait3A_1727 : memref<1x128xi32, #tpu.memory_space<vmem>> -> memref<128xi32, #tpu.memory_space<vmem>>
      %dma_wait3A_1729 = arith.constant 0 : i32
      %dma_wait3A_1730 = tpu.memref_slice %arg13[%dma_wait3A_1729] : memref<100352xf32, #tpu.memory_space<vmem_shared>> -> memref<100352xf32, #tpu.memory_space<vmem_shared>>
      tpu.wait_indirect_dma semaphore(%arg17 : memref<!tpu.dma_semaphore, #tpu.memory_space<semaphore_mem>>) src(%dma_wait3A_1725 : memref<128xf32, #tpu.memory_space<vmem>>) dst(%dma_wait3A_1730 : memref<100352xf32, #tpu.memory_space<vmem_shared>>)
      %dma_wait3A_1731 = arith.constant 8 : i32
      %dma_wait3A_1732 = arith.constant 8 : i32
      %dma_wait3A_1733 = arith.constant 0 : i32
      %dma_wait3A_1734 = tpu.memref_slice %arg11[%dma_wait3A_1731, %dma_wait3A_1733] : memref<16x128xf32, #tpu.memory_space<vmem>> -> memref<1x128xf32, #tpu.memory_space<vmem>>
      %dma_wait3A_1735 = tpu.memref_squeeze %dma_wait3A_1734 : memref<1x128xf32, #tpu.memory_space<vmem>> -> memref<128xf32, #tpu.memory_space<vmem>>
      %dma_wait3A_1736 = arith.constant 0 : i32
      %dma_wait3A_1737 = tpu.memref_slice %arg10[%dma_wait3A_1732, %dma_wait3A_1736] : memref<16x128xi32, #tpu.memory_space<vmem>> -> memref<1x128xi32, #tpu.memory_space<vmem>>
      %dma_wait3A_1738 = tpu.memref_squeeze %dma_wait3A_1737 : memref<1x128xi32, #tpu.memory_space<vmem>> -> memref<128xi32, #tpu.memory_space<vmem>>
      %dma_wait3A_1739 = arith.constant 0 : i32
      %dma_wait3A_1740 = tpu.memref_slice %arg13[%dma_wait3A_1739] : memref<100352xf32, #tpu.memory_space<vmem_shared>> -> memref<100352xf32, #tpu.memory_space<vmem_shared>>
      tpu.wait_indirect_dma semaphore(%arg17 : memref<!tpu.dma_semaphore, #tpu.memory_space<semaphore_mem>>) src(%dma_wait3A_1735 : memref<128xf32, #tpu.memory_space<vmem>>) dst(%dma_wait3A_1740 : memref<100352xf32, #tpu.memory_space<vmem_shared>>)
      %dma_wait3A_1741 = arith.constant 9 : i32
      %dma_wait3A_1742 = arith.constant 9 : i32
      %dma_wait3A_1743 = arith.constant 0 : i32
      %dma_wait3A_1744 = tpu.memref_slice %arg11[%dma_wait3A_1741, %dma_wait3A_1743] : memref<16x128xf32, #tpu.memory_space<vmem>> -> memref<1x128xf32, #tpu.memory_space<vmem>>
      %dma_wait3A_1745 = tpu.memref_squeeze %dma_wait3A_1744 : memref<1x128xf32, #tpu.memory_space<vmem>> -> memref<128xf32, #tpu.memory_space<vmem>>
      %dma_wait3A_1746 = arith.constant 0 : i32
      %dma_wait3A_1747 = tpu.memref_slice %arg10[%dma_wait3A_1742, %dma_wait3A_1746] : memref<16x128xi32, #tpu.memory_space<vmem>> -> memref<1x128xi32, #tpu.memory_space<vmem>>
      %dma_wait3A_1748 = tpu.memref_squeeze %dma_wait3A_1747 : memref<1x128xi32, #tpu.memory_space<vmem>> -> memref<128xi32, #tpu.memory_space<vmem>>
      %dma_wait3A_1749 = arith.constant 0 : i32
      %dma_wait3A_1750 = tpu.memref_slice %arg13[%dma_wait3A_1749] : memref<100352xf32, #tpu.memory_space<vmem_shared>> -> memref<100352xf32, #tpu.memory_space<vmem_shared>>
      tpu.wait_indirect_dma semaphore(%arg17 : memref<!tpu.dma_semaphore, #tpu.memory_space<semaphore_mem>>) src(%dma_wait3A_1745 : memref<128xf32, #tpu.memory_space<vmem>>) dst(%dma_wait3A_1750 : memref<100352xf32, #tpu.memory_space<vmem_shared>>)
      %dma_wait3A_1751 = arith.constant 10 : i32
      %dma_wait3A_1752 = arith.constant 10 : i32
      %dma_wait3A_1753 = arith.constant 0 : i32
      %dma_wait3A_1754 = tpu.memref_slice %arg11[%dma_wait3A_1751, %dma_wait3A_1753] : memref<16x128xf32, #tpu.memory_space<vmem>> -> memref<1x128xf32, #tpu.memory_space<vmem>>
      %dma_wait3A_1755 = tpu.memref_squeeze %dma_wait3A_1754 : memref<1x128xf32, #tpu.memory_space<vmem>> -> memref<128xf32, #tpu.memory_space<vmem>>
      %dma_wait3A_1756 = arith.constant 0 : i32
      %dma_wait3A_1757 = tpu.memref_slice %arg10[%dma_wait3A_1752, %dma_wait3A_1756] : memref<16x128xi32, #tpu.memory_space<vmem>> -> memref<1x128xi32, #tpu.memory_space<vmem>>
      %dma_wait3A_1758 = tpu.memref_squeeze %dma_wait3A_1757 : memref<1x128xi32, #tpu.memory_space<vmem>> -> memref<128xi32, #tpu.memory_space<vmem>>
      %dma_wait3A_1759 = arith.constant 0 : i32
      %dma_wait3A_1760 = tpu.memref_slice %arg13[%dma_wait3A_1759] : memref<100352xf32, #tpu.memory_space<vmem_shared>> -> memref<100352xf32, #tpu.memory_space<vmem_shared>>
      tpu.wait_indirect_dma semaphore(%arg17 : memref<!tpu.dma_semaphore, #tpu.memory_space<semaphore_mem>>) src(%dma_wait3A_1755 : memref<128xf32, #tpu.memory_space<vmem>>) dst(%dma_wait3A_1760 : memref<100352xf32, #tpu.memory_space<vmem_shared>>)
      %dma_wait3A_1761 = arith.constant 11 : i32
      %dma_wait3A_1762 = arith.constant 11 : i32
      %dma_wait3A_1763 = arith.constant 0 : i32
      %dma_wait3A_1764 = tpu.memref_slice %arg11[%dma_wait3A_1761, %dma_wait3A_1763] : memref<16x128xf32, #tpu.memory_space<vmem>> -> memref<1x128xf32, #tpu.memory_space<vmem>>
      %dma_wait3A_1765 = tpu.memref_squeeze %dma_wait3A_1764 : memref<1x128xf32, #tpu.memory_space<vmem>> -> memref<128xf32, #tpu.memory_space<vmem>>
      %dma_wait3A_1766 = arith.constant 0 : i32
      %dma_wait3A_1767 = tpu.memref_slice %arg10[%dma_wait3A_1762, %dma_wait3A_1766] : memref<16x128xi32, #tpu.memory_space<vmem>> -> memref<1x128xi32, #tpu.memory_space<vmem>>
      %dma_wait3A_1768 = tpu.memref_squeeze %dma_wait3A_1767 : memref<1x128xi32, #tpu.memory_space<vmem>> -> memref<128xi32, #tpu.memory_space<vmem>>
      %dma_wait3A_1769 = arith.constant 0 : i32
      %dma_wait3A_1770 = tpu.memref_slice %arg13[%dma_wait3A_1769] : memref<100352xf32, #tpu.memory_space<vmem_shared>> -> memref<100352xf32, #tpu.memory_space<vmem_shared>>
      tpu.wait_indirect_dma semaphore(%arg17 : memref<!tpu.dma_semaphore, #tpu.memory_space<semaphore_mem>>) src(%dma_wait3A_1765 : memref<128xf32, #tpu.memory_space<vmem>>) dst(%dma_wait3A_1770 : memref<100352xf32, #tpu.memory_space<vmem_shared>>)
      %dma_wait3A_1771 = arith.constant 12 : i32
      %dma_wait3A_1772 = arith.constant 12 : i32
      %dma_wait3A_1773 = arith.constant 0 : i32
      %dma_wait3A_1774 = tpu.memref_slice %arg11[%dma_wait3A_1771, %dma_wait3A_1773] : memref<16x128xf32, #tpu.memory_space<vmem>> -> memref<1x128xf32, #tpu.memory_space<vmem>>
      %dma_wait3A_1775 = tpu.memref_squeeze %dma_wait3A_1774 : memref<1x128xf32, #tpu.memory_space<vmem>> -> memref<128xf32, #tpu.memory_space<vmem>>
      %dma_wait3A_1776 = arith.constant 0 : i32
      %dma_wait3A_1777 = tpu.memref_slice %arg10[%dma_wait3A_1772, %dma_wait3A_1776] : memref<16x128xi32, #tpu.memory_space<vmem>> -> memref<1x128xi32, #tpu.memory_space<vmem>>
      %dma_wait3A_1778 = tpu.memref_squeeze %dma_wait3A_1777 : memref<1x128xi32, #tpu.memory_space<vmem>> -> memref<128xi32, #tpu.memory_space<vmem>>
      %dma_wait3A_1779 = arith.constant 0 : i32
      %dma_wait3A_1780 = tpu.memref_slice %arg13[%dma_wait3A_1779] : memref<100352xf32, #tpu.memory_space<vmem_shared>> -> memref<100352xf32, #tpu.memory_space<vmem_shared>>
      tpu.wait_indirect_dma semaphore(%arg17 : memref<!tpu.dma_semaphore, #tpu.memory_space<semaphore_mem>>) src(%dma_wait3A_1775 : memref<128xf32, #tpu.memory_space<vmem>>) dst(%dma_wait3A_1780 : memref<100352xf32, #tpu.memory_space<vmem_shared>>)
      %dma_wait3A_1781 = arith.constant 13 : i32
      %dma_wait3A_1782 = arith.constant 13 : i32
      %dma_wait3A_1783 = arith.constant 0 : i32
      %dma_wait3A_1784 = tpu.memref_slice %arg11[%dma_wait3A_1781, %dma_wait3A_1783] : memref<16x128xf32, #tpu.memory_space<vmem>> -> memref<1x128xf32, #tpu.memory_space<vmem>>
      %dma_wait3A_1785 = tpu.memref_squeeze %dma_wait3A_1784 : memref<1x128xf32, #tpu.memory_space<vmem>> -> memref<128xf32, #tpu.memory_space<vmem>>
      %dma_wait3A_1786 = arith.constant 0 : i32
      %dma_wait3A_1787 = tpu.memref_slice %arg10[%dma_wait3A_1782, %dma_wait3A_1786] : memref<16x128xi32, #tpu.memory_space<vmem>> -> memref<1x128xi32, #tpu.memory_space<vmem>>
      %dma_wait3A_1788 = tpu.memref_squeeze %dma_wait3A_1787 : memref<1x128xi32, #tpu.memory_space<vmem>> -> memref<128xi32, #tpu.memory_space<vmem>>
      %dma_wait3A_1789 = arith.constant 0 : i32
      %dma_wait3A_1790 = tpu.memref_slice %arg13[%dma_wait3A_1789] : memref<100352xf32, #tpu.memory_space<vmem_shared>> -> memref<100352xf32, #tpu.memory_space<vmem_shared>>
      tpu.wait_indirect_dma semaphore(%arg17 : memref<!tpu.dma_semaphore, #tpu.memory_space<semaphore_mem>>) src(%dma_wait3A_1785 : memref<128xf32, #tpu.memory_space<vmem>>) dst(%dma_wait3A_1790 : memref<100352xf32, #tpu.memory_space<vmem_shared>>)
      %dma_wait3A_1791 = arith.constant 14 : i32
      %dma_wait3A_1792 = arith.constant 14 : i32
      %dma_wait3A_1793 = arith.constant 0 : i32
      %dma_wait3A_1794 = tpu.memref_slice %arg11[%dma_wait3A_1791, %dma_wait3A_1793] : memref<16x128xf32, #tpu.memory_space<vmem>> -> memref<1x128xf32, #tpu.memory_space<vmem>>
      %dma_wait3A_1795 = tpu.memref_squeeze %dma_wait3A_1794 : memref<1x128xf32, #tpu.memory_space<vmem>> -> memref<128xf32, #tpu.memory_space<vmem>>
      %dma_wait3A_1796 = arith.constant 0 : i32
      %dma_wait3A_1797 = tpu.memref_slice %arg10[%dma_wait3A_1792, %dma_wait3A_1796] : memref<16x128xi32, #tpu.memory_space<vmem>> -> memref<1x128xi32, #tpu.memory_space<vmem>>
      %dma_wait3A_1798 = tpu.memref_squeeze %dma_wait3A_1797 : memref<1x128xi32, #tpu.memory_space<vmem>> -> memref<128xi32, #tpu.memory_space<vmem>>
      %dma_wait3A_1799 = arith.constant 0 : i32
      %dma_wait3A_1800 = tpu.memref_slice %arg13[%dma_wait3A_1799] : memref<100352xf32, #tpu.memory_space<vmem_shared>> -> memref<100352xf32, #tpu.memory_space<vmem_shared>>
      tpu.wait_indirect_dma semaphore(%arg17 : memref<!tpu.dma_semaphore, #tpu.memory_space<semaphore_mem>>) src(%dma_wait3A_1795 : memref<128xf32, #tpu.memory_space<vmem>>) dst(%dma_wait3A_1800 : memref<100352xf32, #tpu.memory_space<vmem_shared>>)
      %dma_wait3A_1801 = arith.constant 15 : i32
      %dma_wait3A_1802 = arith.constant 15 : i32
      %dma_wait3A_1803 = arith.constant 0 : i32
      %dma_wait3A_1804 = tpu.memref_slice %arg11[%dma_wait3A_1801, %dma_wait3A_1803] : memref<16x128xf32, #tpu.memory_space<vmem>> -> memref<1x128xf32, #tpu.memory_space<vmem>>
      %dma_wait3A_1805 = tpu.memref_squeeze %dma_wait3A_1804 : memref<1x128xf32, #tpu.memory_space<vmem>> -> memref<128xf32, #tpu.memory_space<vmem>>
      %dma_wait3A_1806 = arith.constant 0 : i32
      %dma_wait3A_1807 = tpu.memref_slice %arg10[%dma_wait3A_1802, %dma_wait3A_1806] : memref<16x128xi32, #tpu.memory_space<vmem>> -> memref<1x128xi32, #tpu.memory_space<vmem>>
      %dma_wait3A_1808 = tpu.memref_squeeze %dma_wait3A_1807 : memref<1x128xi32, #tpu.memory_space<vmem>> -> memref<128xi32, #tpu.memory_space<vmem>>
      %dma_wait3A_1809 = arith.constant 0 : i32
      %dma_wait3A_1810 = tpu.memref_slice %arg13[%dma_wait3A_1809] : memref<100352xf32, #tpu.memory_space<vmem_shared>> -> memref<100352xf32, #tpu.memory_space<vmem_shared>>
      tpu.wait_indirect_dma semaphore(%arg17 : memref<!tpu.dma_semaphore, #tpu.memory_space<semaphore_mem>>) src(%dma_wait3A_1805 : memref<128xf32, #tpu.memory_space<vmem>>) dst(%dma_wait3A_1810 : memref<100352xf32, #tpu.memory_space<vmem_shared>>)
    }
    %while3A_62 = arith.constant 1 : i32
    scf.for %while3A_68 = %while3A_60 to %while3A_56 step %while3A_62  : i32 {
      %mul3A_69 = arith.constant 2048 : i32
      %mul3A_70 = arith.muli %while3A_68, %mul3A_69 : i32
      %dma_start3A = tpu.memref_slice %arg4[%mul3A_70] : memref<6400000xi32, #tpu.memory_space<hbm>> -> memref<2048xi32, #tpu.memory_space<hbm>>
      %dma_start3A_71 = tpu.memref_slice %arg4[%mul3A_70] : memref<6400000xi32, #tpu.memory_space<hbm>> -> memref<2048xi32, #tpu.memory_space<hbm>>
      tpu.enqueue_dma source(%dma_start3A_71 : memref<2048xi32, #tpu.memory_space<hbm>>) target(%arg8 : memref<2048xi32, #tpu.memory_space<vmem>>) target_semaphore(%arg14 : memref<!tpu.dma_semaphore, #tpu.memory_space<semaphore_mem>>)
      %dma_start3A_72 = tpu.memref_slice %arg3[%mul3A_70] : memref<6400000xf32, #tpu.memory_space<hbm>> -> memref<2048xf32, #tpu.memory_space<hbm>>
      %dma_start3A_73 = tpu.memref_slice %arg3[%mul3A_70] : memref<6400000xf32, #tpu.memory_space<hbm>> -> memref<2048xf32, #tpu.memory_space<hbm>>
      tpu.enqueue_dma source(%dma_start3A_73 : memref<2048xf32, #tpu.memory_space<hbm>>) target(%arg9 : memref<2048xf32, #tpu.memory_space<vmem>>) target_semaphore(%arg15 : memref<!tpu.dma_semaphore, #tpu.memory_space<semaphore_mem>>)
      %mul3A_74 = arith.constant 16 : i32
      %mul3A_75 = arith.muli %while3A_68, %mul3A_74 : i32
      %dma_start3A_76 = arith.constant 0 : i32
      %dma_start3A_77 = tpu.memref_slice %arg5[%mul3A_75, %dma_start3A_76] : memref<50000x128xi32, #tpu.memory_space<hbm>> -> memref<16x128xi32, #tpu.memory_space<hbm>>
      %dma_start3A_78 = arith.constant 0 : i32
      %dma_start3A_79 = tpu.memref_slice %arg5[%mul3A_75, %dma_start3A_78] : memref<50000x128xi32, #tpu.memory_space<hbm>> -> memref<16x128xi32, #tpu.memory_space<hbm>>
      tpu.enqueue_dma source(%dma_start3A_79 : memref<16x128xi32, #tpu.memory_space<hbm>>) target(%arg10 : memref<16x128xi32, #tpu.memory_space<vmem>>) target_semaphore(%arg16 : memref<!tpu.dma_semaphore, #tpu.memory_space<semaphore_mem>>)
      %dma_wait3A = tpu.memref_slice %arg4[%mul3A_70] : memref<6400000xi32, #tpu.memory_space<hbm>> -> memref<2048xi32, #tpu.memory_space<hbm>>
      %dma_wait3A_80 = tpu.memref_slice %arg4[%mul3A_70] : memref<6400000xi32, #tpu.memory_space<hbm>> -> memref<2048xi32, #tpu.memory_space<hbm>>
      tpu.wait_dma2 semaphore(%arg14 : memref<!tpu.dma_semaphore, #tpu.memory_space<semaphore_mem>>) src(%dma_wait3A_80 : memref<2048xi32, #tpu.memory_space<hbm>>) dst(%arg8 : memref<2048xi32, #tpu.memory_space<vmem>>)
      %dma_wait3A_81 = tpu.memref_slice %arg3[%mul3A_70] : memref<6400000xf32, #tpu.memory_space<hbm>> -> memref<2048xf32, #tpu.memory_space<hbm>>
      %dma_wait3A_82 = tpu.memref_slice %arg3[%mul3A_70] : memref<6400000xf32, #tpu.memory_space<hbm>> -> memref<2048xf32, #tpu.memory_space<hbm>>
      tpu.wait_dma2 semaphore(%arg15 : memref<!tpu.dma_semaphore, #tpu.memory_space<semaphore_mem>>) src(%dma_wait3A_82 : memref<2048xf32, #tpu.memory_space<hbm>>) dst(%arg9 : memref<2048xf32, #tpu.memory_space<vmem>>)
      %dma_wait3A_83 = arith.constant 0 : i32
      %dma_wait3A_84 = tpu.memref_slice %arg5[%mul3A_75, %dma_wait3A_83] : memref<50000x128xi32, #tpu.memory_space<hbm>> -> memref<16x128xi32, #tpu.memory_space<hbm>>
      %dma_wait3A_85 = arith.constant 0 : i32
      %dma_wait3A_86 = tpu.memref_slice %arg5[%mul3A_75, %dma_wait3A_85] : memref<50000x128xi32, #tpu.memory_space<hbm>> -> memref<16x128xi32, #tpu.memory_space<hbm>>
      tpu.wait_dma2 semaphore(%arg16 : memref<!tpu.dma_semaphore, #tpu.memory_space<semaphore_mem>>) src(%dma_wait3A_86 : memref<16x128xi32, #tpu.memory_space<hbm>>) dst(%arg10 : memref<16x128xi32, #tpu.memory_space<vmem>>)
      %get3A = arith.constant 0 : index
      %get3A_87 = tpu.vector_load %arg8[%get3A] {strides = array<i32>} : memref<2048xi32, #tpu.memory_space<vmem>>, vector<16xi32>,
      %gather3A = tpu.vector_load_idx %arg7[%get3A_87] : memref<100000xf32, #tpu.memory_space<vmem>>[vector<16xi32>], vector<16xf32>,
      %get3A_88 = arith.constant 0 : index
      %get3A_89 = tpu.vector_load %arg9[%get3A_88] {strides = array<i32>} : memref<2048xf32, #tpu.memory_space<vmem>>, vector<16xf32>,
      %add3A_90 = arith.addf %gather3A, %get3A_89 : vector<16xf32>
      %exp3A = math.exp %add3A_90 : vector<16xf32>
      %swap3A = arith.constant 0 : i32
      %swap3A_91 = arith.index_cast %swap3A : i32 to index
      %swap3A_92 = arith.constant 0 : index
      %swap3A_93 = tpu.vector_load %arg11[%swap3A_91, %swap3A_92] {strides = array<i32>} : memref<16x128xf32, #tpu.memory_space<vmem>>, vector<16xf32>,
      tpu.vector_store %arg11[%swap3A_91, %swap3A_92], %exp3A {strides = array<i32>} : memref<16x128xf32, #tpu.memory_space<vmem>>, vector<16xf32>,
      %get3A_94 = arith.constant 16 : index
      %get3A_95 = tpu.vector_load %arg8[%get3A_94] {strides = array<i32>} : memref<2048xi32, #tpu.memory_space<vmem>>, vector<16xi32>,
      %gather3A_96 = tpu.vector_load_idx %arg7[%get3A_95] : memref<100000xf32, #tpu.memory_space<vmem>>[vector<16xi32>], vector<16xf32>,
      %get3A_97 = arith.constant 16 : index
      %get3A_98 = tpu.vector_load %arg9[%get3A_97] {strides = array<i32>} : memref<2048xf32, #tpu.memory_space<vmem>>, vector<16xf32>,
      %add3A_99 = arith.addf %gather3A_96, %get3A_98 : vector<16xf32>
      %exp3A_100 = math.exp %add3A_99 : vector<16xf32>
      %swap3A_101 = arith.constant 0 : i32
      %swap3A_102 = arith.index_cast %swap3A_101 : i32 to index
      %swap3A_103 = arith.constant 16 : index
      %swap3A_104 = tpu.vector_load %arg11[%swap3A_102, %swap3A_103] {strides = array<i32>} : memref<16x128xf32, #tpu.memory_space<vmem>>, vector<16xf32>,
      tpu.vector_store %arg11[%swap3A_102, %swap3A_103], %exp3A_100 {strides = array<i32>} : memref<16x128xf32, #tpu.memory_space<vmem>>, vector<16xf32>,
      %get3A_105 = arith.constant 32 : index
      %get3A_106 = tpu.vector_load %arg8[%get3A_105] {strides = array<i32>} : memref<2048xi32, #tpu.memory_space<vmem>>, vector<16xi32>,
      %gather3A_107 = tpu.vector_load_idx %arg7[%get3A_106] : memref<100000xf32, #tpu.memory_space<vmem>>[vector<16xi32>], vector<16xf32>,
      %get3A_108 = arith.constant 32 : index
      %get3A_109 = tpu.vector_load %arg9[%get3A_108] {strides = array<i32>} : memref<2048xf32, #tpu.memory_space<vmem>>, vector<16xf32>,
      %add3A_110 = arith.addf %gather3A_107, %get3A_109 : vector<16xf32>
      %exp3A_111 = math.exp %add3A_110 : vector<16xf32>
      %swap3A_112 = arith.constant 0 : i32
      %swap3A_113 = arith.index_cast %swap3A_112 : i32 to index
      %swap3A_114 = arith.constant 32 : index
      %swap3A_115 = tpu.vector_load %arg11[%swap3A_113, %swap3A_114] {strides = array<i32>} : memref<16x128xf32, #tpu.memory_space<vmem>>, vector<16xf32>,
      tpu.vector_store %arg11[%swap3A_113, %swap3A_114], %exp3A_111 {strides = array<i32>} : memref<16x128xf32, #tpu.memory_space<vmem>>, vector<16xf32>,
      %get3A_116 = arith.constant 48 : index
      %get3A_117 = tpu.vector_load %arg8[%get3A_116] {strides = array<i32>} : memref<2048xi32, #tpu.memory_space<vmem>>, vector<16xi32>,
      %gather3A_118 = tpu.vector_load_idx %arg7[%get3A_117] : memref<100000xf32, #tpu.memory_space<vmem>>[vector<16xi32>], vector<16xf32>,
      %get3A_119 = arith.constant 48 : index
      %get3A_120 = tpu.vector_load %arg9[%get3A_119] {strides = array<i32>} : memref<2048xf32, #tpu.memory_space<vmem>>, vector<16xf32>,
      %add3A_121 = arith.addf %gather3A_118, %get3A_120 : vector<16xf32>
      %exp3A_122 = math.exp %add3A_121 : vector<16xf32>
      %swap3A_123 = arith.constant 0 : i32
      %swap3A_124 = arith.index_cast %swap3A_123 : i32 to index
      %swap3A_125 = arith.constant 48 : index
      %swap3A_126 = tpu.vector_load %arg11[%swap3A_124, %swap3A_125] {strides = array<i32>} : memref<16x128xf32, #tpu.memory_space<vmem>>, vector<16xf32>,
      tpu.vector_store %arg11[%swap3A_124, %swap3A_125], %exp3A_122 {strides = array<i32>} : memref<16x128xf32, #tpu.memory_space<vmem>>, vector<16xf32>,
      %get3A_127 = arith.constant 64 : index
      %get3A_128 = tpu.vector_load %arg8[%get3A_127] {strides = array<i32>} : memref<2048xi32, #tpu.memory_space<vmem>>, vector<16xi32>,
      %gather3A_129 = tpu.vector_load_idx %arg7[%get3A_128] : memref<100000xf32, #tpu.memory_space<vmem>>[vector<16xi32>], vector<16xf32>,
      %get3A_130 = arith.constant 64 : index
      %get3A_131 = tpu.vector_load %arg9[%get3A_130] {strides = array<i32>} : memref<2048xf32, #tpu.memory_space<vmem>>, vector<16xf32>,
      %add3A_132 = arith.addf %gather3A_129, %get3A_131 : vector<16xf32>
      %exp3A_133 = math.exp %add3A_132 : vector<16xf32>
      %swap3A_134 = arith.constant 0 : i32
      %swap3A_135 = arith.index_cast %swap3A_134 : i32 to index
      %swap3A_136 = arith.constant 64 : index
      %swap3A_137 = tpu.vector_load %arg11[%swap3A_135, %swap3A_136] {strides = array<i32>} : memref<16x128xf32, #tpu.memory_space<vmem>>, vector<16xf32>,
      tpu.vector_store %arg11[%swap3A_135, %swap3A_136], %exp3A_133 {strides = array<i32>} : memref<16x128xf32, #tpu.memory_space<vmem>>, vector<16xf32>,
      %get3A_138 = arith.constant 80 : index
      %get3A_139 = tpu.vector_load %arg8[%get3A_138] {strides = array<i32>} : memref<2048xi32, #tpu.memory_space<vmem>>, vector<16xi32>,
      %gather3A_140 = tpu.vector_load_idx %arg7[%get3A_139] : memref<100000xf32, #tpu.memory_space<vmem>>[vector<16xi32>], vector<16xf32>,
      %get3A_141 = arith.constant 80 : index
      %get3A_142 = tpu.vector_load %arg9[%get3A_141] {strides = array<i32>} : memref<2048xf32, #tpu.memory_space<vmem>>, vector<16xf32>,
      %add3A_143 = arith.addf %gather3A_140, %get3A_142 : vector<16xf32>
      %exp3A_144 = math.exp %add3A_143 : vector<16xf32>
      %swap3A_145 = arith.constant 0 : i32
      %swap3A_146 = arith.index_cast %swap3A_145 : i32 to index
      %swap3A_147 = arith.constant 80 : index
      %swap3A_148 = tpu.vector_load %arg11[%swap3A_146, %swap3A_147] {strides = array<i32>} : memref<16x128xf32, #tpu.memory_space<vmem>>, vector<16xf32>,
      tpu.vector_store %arg11[%swap3A_146, %swap3A_147], %exp3A_144 {strides = array<i32>} : memref<16x128xf32, #tpu.memory_space<vmem>>, vector<16xf32>,
      %get3A_149 = arith.constant 96 : index
      %get3A_150 = tpu.vector_load %arg8[%get3A_149] {strides = array<i32>} : memref<2048xi32, #tpu.memory_space<vmem>>, vector<16xi32>,
      %gather3A_151 = tpu.vector_load_idx %arg7[%get3A_150] : memref<100000xf32, #tpu.memory_space<vmem>>[vector<16xi32>], vector<16xf32>,
      %get3A_152 = arith.constant 96 : index
      %get3A_153 = tpu.vector_load %arg9[%get3A_152] {strides = array<i32>} : memref<2048xf32, #tpu.memory_space<vmem>>, vector<16xf32>,
      %add3A_154 = arith.addf %gather3A_151, %get3A_153 : vector<16xf32>
      %exp3A_155 = math.exp %add3A_154 : vector<16xf32>
      %swap3A_156 = arith.constant 0 : i32
      %swap3A_157 = arith.index_cast %swap3A_156 : i32 to index
      %swap3A_158 = arith.constant 96 : index
      %swap3A_159 = tpu.vector_load %arg11[%swap3A_157, %swap3A_158] {strides = array<i32>} : memref<16x128xf32, #tpu.memory_space<vmem>>, vector<16xf32>,
      tpu.vector_store %arg11[%swap3A_157, %swap3A_158], %exp3A_155 {strides = array<i32>} : memref<16x128xf32, #tpu.memory_space<vmem>>, vector<16xf32>,
      %get3A_160 = arith.constant 112 : index
      %get3A_161 = tpu.vector_load %arg8[%get3A_160] {strides = array<i32>} : memref<2048xi32, #tpu.memory_space<vmem>>, vector<16xi32>,
      %gather3A_162 = tpu.vector_load_idx %arg7[%get3A_161] : memref<100000xf32, #tpu.memory_space<vmem>>[vector<16xi32>], vector<16xf32>,
      %get3A_163 = arith.constant 112 : index
      %get3A_164 = tpu.vector_load %arg9[%get3A_163] {strides = array<i32>} : memref<2048xf32, #tpu.memory_space<vmem>>, vector<16xf32>,
      %add3A_165 = arith.addf %gather3A_162, %get3A_164 : vector<16xf32>
      %exp3A_166 = math.exp %add3A_165 : vector<16xf32>
      %swap3A_167 = arith.constant 0 : i32
      %swap3A_168 = arith.index_cast %swap3A_167 : i32 to index
      %swap3A_169 = arith.constant 112 : index
      %swap3A_170 = tpu.vector_load %arg11[%swap3A_168, %swap3A_169] {strides = array<i32>} : memref<16x128xf32, #tpu.memory_space<vmem>>, vector<16xf32>,
      tpu.vector_store %arg11[%swap3A_168, %swap3A_169], %exp3A_166 {strides = array<i32>} : memref<16x128xf32, #tpu.memory_space<vmem>>, vector<16xf32>,
      %get3A_171 = arith.constant 128 : index
      %get3A_172 = tpu.vector_load %arg8[%get3A_171] {strides = array<i32>} : memref<2048xi32, #tpu.memory_space<vmem>>, vector<16xi32>,
      %gather3A_173 = tpu.vector_load_idx %arg7[%get3A_172] : memref<100000xf32, #tpu.memory_space<vmem>>[vector<16xi32>], vector<16xf32>,
      %get3A_174 = arith.constant 128 : index
      %get3A_175 = tpu.vector_load %arg9[%get3A_174] {strides = array<i32>} : memref<2048xf32, #tpu.memory_space<vmem>>, vector<16xf32>,
      %add3A_176 = arith.addf %gather3A_173, %get3A_175 : vector<16xf32>
      %exp3A_177 = math.exp %add3A_176 : vector<16xf32>
      %swap3A_178 = arith.constant 1 : i32
      %swap3A_179 = arith.index_cast %swap3A_178 : i32 to index
      %swap3A_180 = arith.constant 0 : index
      %swap3A_181 = tpu.vector_load %arg11[%swap3A_179, %swap3A_180] {strides = array<i32>} : memref<16x128xf32, #tpu.memory_space<vmem>>, vector<16xf32>,
      tpu.vector_store %arg11[%swap3A_179, %swap3A_180], %exp3A_177 {strides = array<i32>} : memref<16x128xf32, #tpu.memory_space<vmem>>, vector<16xf32>,
      %get3A_182 = arith.constant 144 : index
      %get3A_183 = tpu.vector_load %arg8[%get3A_182] {strides = array<i32>} : memref<2048xi32, #tpu.memory_space<vmem>>, vector<16xi32>,
      %gather3A_184 = tpu.vector_load_idx %arg7[%get3A_183] : memref<100000xf32, #tpu.memory_space<vmem>>[vector<16xi32>], vector<16xf32>,
      %get3A_185 = arith.constant 144 : index
      %get3A_186 = tpu.vector_load %arg9[%get3A_185] {strides = array<i32>} : memref<2048xf32, #tpu.memory_space<vmem>>, vector<16xf32>,
      %add3A_187 = arith.addf %gather3A_184, %get3A_186 : vector<16xf32>
      %exp3A_188 = math.exp %add3A_187 : vector<16xf32>
      %swap3A_189 = arith.constant 1 : i32
      %swap3A_190 = arith.index_cast %swap3A_189 : i32 to index
      %swap3A_191 = arith.constant 16 : index
      %swap3A_192 = tpu.vector_load %arg11[%swap3A_190, %swap3A_191] {strides = array<i32>} : memref<16x128xf32, #tpu.memory_space<vmem>>, vector<16xf32>,
      tpu.vector_store %arg11[%swap3A_190, %swap3A_191], %exp3A_188 {strides = array<i32>} : memref<16x128xf32, #tpu.memory_space<vmem>>, vector<16xf32>,
      %get3A_193 = arith.constant 160 : index
      %get3A_194 = tpu.vector_load %arg8[%get3A_193] {strides = array<i32>} : memref<2048xi32, #tpu.memory_space<vmem>>, vector<16xi32>,
      %gather3A_195 = tpu.vector_load_idx %arg7[%get3A_194] : memref<100000xf32, #tpu.memory_space<vmem>>[vector<16xi32>], vector<16xf32>,
      %get3A_196 = arith.constant 160 : index
      %get3A_197 = tpu.vector_load %arg9[%get3A_196] {strides = array<i32>} : memref<2048xf32, #tpu.memory_space<vmem>>, vector<16xf32>,
      %add3A_198 = arith.addf %gather3A_195, %get3A_197 : vector<16xf32>
      %exp3A_199 = math.exp %add3A_198 : vector<16xf32>
      %swap3A_200 = arith.constant 1 : i32
      %swap3A_201 = arith.index_cast %swap3A_200 : i32 to index
      %swap3A_202 = arith.constant 32 : index
      %swap3A_203 = tpu.vector_load %arg11[%swap3A_201, %swap3A_202] {strides = array<i32>} : memref<16x128xf32, #tpu.memory_space<vmem>>, vector<16xf32>,
      tpu.vector_store %arg11[%swap3A_201, %swap3A_202], %exp3A_199 {strides = array<i32>} : memref<16x128xf32, #tpu.memory_space<vmem>>, vector<16xf32>,
      %get3A_204 = arith.constant 176 : index
      %get3A_205 = tpu.vector_load %arg8[%get3A_204] {strides = array<i32>} : memref<2048xi32, #tpu.memory_space<vmem>>, vector<16xi32>,
      %gather3A_206 = tpu.vector_load_idx %arg7[%get3A_205] : memref<100000xf32, #tpu.memory_space<vmem>>[vector<16xi32>], vector<16xf32>,
      %get3A_207 = arith.constant 176 : index
      %get3A_208 = tpu.vector_load %arg9[%get3A_207] {strides = array<i32>} : memref<2048xf32, #tpu.memory_space<vmem>>, vector<16xf32>,
      %add3A_209 = arith.addf %gather3A_206, %get3A_208 : vector<16xf32>
      %exp3A_210 = math.exp %add3A_209 : vector<16xf32>
      %swap3A_211 = arith.constant 1 : i32
      %swap3A_212 = arith.index_cast %swap3A_211 : i32 to index
      %swap3A_213 = arith.constant 48 : index
      %swap3A_214 = tpu.vector_load %arg11[%swap3A_212, %swap3A_213] {strides = array<i32>} : memref<16x128xf32, #tpu.memory_space<vmem>>, vector<16xf32>,
      tpu.vector_store %arg11[%swap3A_212, %swap3A_213], %exp3A_210 {strides = array<i32>} : memref<16x128xf32, #tpu.memory_space<vmem>>, vector<16xf32>,
      %get3A_215 = arith.constant 192 : index
      %get3A_216 = tpu.vector_load %arg8[%get3A_215] {strides = array<i32>} : memref<2048xi32, #tpu.memory_space<vmem>>, vector<16xi32>,
      %gather3A_217 = tpu.vector_load_idx %arg7[%get3A_216] : memref<100000xf32, #tpu.memory_space<vmem>>[vector<16xi32>], vector<16xf32>,
      %get3A_218 = arith.constant 192 : index
      %get3A_219 = tpu.vector_load %arg9[%get3A_218] {strides = array<i32>} : memref<2048xf32, #tpu.memory_space<vmem>>, vector<16xf32>,
      %add3A_220 = arith.addf %gather3A_217, %get3A_219 : vector<16xf32>
      %exp3A_221 = math.exp %add3A_220 : vector<16xf32>
      %swap3A_222 = arith.constant 1 : i32
      %swap3A_223 = arith.index_cast %swap3A_222 : i32 to index
      %swap3A_224 = arith.constant 64 : index
      %swap3A_225 = tpu.vector_load %arg11[%swap3A_223, %swap3A_224] {strides = array<i32>} : memref<16x128xf32, #tpu.memory_space<vmem>>, vector<16xf32>,
      tpu.vector_store %arg11[%swap3A_223, %swap3A_224], %exp3A_221 {strides = array<i32>} : memref<16x128xf32, #tpu.memory_space<vmem>>, vector<16xf32>,
      %get3A_226 = arith.constant 208 : index
      %get3A_227 = tpu.vector_load %arg8[%get3A_226] {strides = array<i32>} : memref<2048xi32, #tpu.memory_space<vmem>>, vector<16xi32>,
      %gather3A_228 = tpu.vector_load_idx %arg7[%get3A_227] : memref<100000xf32, #tpu.memory_space<vmem>>[vector<16xi32>], vector<16xf32>,
      %get3A_229 = arith.constant 208 : index
      %get3A_230 = tpu.vector_load %arg9[%get3A_229] {strides = array<i32>} : memref<2048xf32, #tpu.memory_space<vmem>>, vector<16xf32>,
      %add3A_231 = arith.addf %gather3A_228, %get3A_230 : vector<16xf32>
      %exp3A_232 = math.exp %add3A_231 : vector<16xf32>
      %swap3A_233 = arith.constant 1 : i32
      %swap3A_234 = arith.index_cast %swap3A_233 : i32 to index
      %swap3A_235 = arith.constant 80 : index
      %swap3A_236 = tpu.vector_load %arg11[%swap3A_234, %swap3A_235] {strides = array<i32>} : memref<16x128xf32, #tpu.memory_space<vmem>>, vector<16xf32>,
      tpu.vector_store %arg11[%swap3A_234, %swap3A_235], %exp3A_232 {strides = array<i32>} : memref<16x128xf32, #tpu.memory_space<vmem>>, vector<16xf32>,
      %get3A_237 = arith.constant 224 : index
      %get3A_238 = tpu.vector_load %arg8[%get3A_237] {strides = array<i32>} : memref<2048xi32, #tpu.memory_space<vmem>>, vector<16xi32>,
      %gather3A_239 = tpu.vector_load_idx %arg7[%get3A_238] : memref<100000xf32, #tpu.memory_space<vmem>>[vector<16xi32>], vector<16xf32>,
      %get3A_240 = arith.constant 224 : index
      %get3A_241 = tpu.vector_load %arg9[%get3A_240] {strides = array<i32>} : memref<2048xf32, #tpu.memory_space<vmem>>, vector<16xf32>,
      %add3A_242 = arith.addf %gather3A_239, %get3A_241 : vector<16xf32>
      %exp3A_243 = math.exp %add3A_242 : vector<16xf32>
      %swap3A_244 = arith.constant 1 : i32
      %swap3A_245 = arith.index_cast %swap3A_244 : i32 to index
      %swap3A_246 = arith.constant 96 : index
      %swap3A_247 = tpu.vector_load %arg11[%swap3A_245, %swap3A_246] {strides = array<i32>} : memref<16x128xf32, #tpu.memory_space<vmem>>, vector<16xf32>,
      tpu.vector_store %arg11[%swap3A_245, %swap3A_246], %exp3A_243 {strides = array<i32>} : memref<16x128xf32, #tpu.memory_space<vmem>>, vector<16xf32>,
      %get3A_248 = arith.constant 240 : index
      %get3A_249 = tpu.vector_load %arg8[%get3A_248] {strides = array<i32>} : memref<2048xi32, #tpu.memory_space<vmem>>, vector<16xi32>,
      %gather3A_250 = tpu.vector_load_idx %arg7[%get3A_249] : memref<100000xf32, #tpu.memory_space<vmem>>[vector<16xi32>], vector<16xf32>,
      %get3A_251 = arith.constant 240 : index
      %get3A_252 = tpu.vector_load %arg9[%get3A_251] {strides = array<i32>} : memref<2048xf32, #tpu.memory_space<vmem>>, vector<16xf32>,
      %add3A_253 = arith.addf %gather3A_250, %get3A_252 : vector<16xf32>
      %exp3A_254 = math.exp %add3A_253 : vector<16xf32>
      %swap3A_255 = arith.constant 1 : i32
      %swap3A_256 = arith.index_cast %swap3A_255 : i32 to index
      %swap3A_257 = arith.constant 112 : index
      %swap3A_258 = tpu.vector_load %arg11[%swap3A_256, %swap3A_257] {strides = array<i32>} : memref<16x128xf32, #tpu.memory_space<vmem>>, vector<16xf32>,
      tpu.vector_store %arg11[%swap3A_256, %swap3A_257], %exp3A_254 {strides = array<i32>} : memref<16x128xf32, #tpu.memory_space<vmem>>, vector<16xf32>,
      %get3A_259 = arith.constant 256 : index
      %get3A_260 = tpu.vector_load %arg8[%get3A_259] {strides = array<i32>} : memref<2048xi32, #tpu.memory_space<vmem>>, vector<16xi32>,
      %gather3A_261 = tpu.vector_load_idx %arg7[%get3A_260] : memref<100000xf32, #tpu.memory_space<vmem>>[vector<16xi32>], vector<16xf32>,
      %get3A_262 = arith.constant 256 : index
      %get3A_263 = tpu.vector_load %arg9[%get3A_262] {strides = array<i32>} : memref<2048xf32, #tpu.memory_space<vmem>>, vector<16xf32>,
      %add3A_264 = arith.addf %gather3A_261, %get3A_263 : vector<16xf32>
      %exp3A_265 = math.exp %add3A_264 : vector<16xf32>
      %swap3A_266 = arith.constant 2 : i32
      %swap3A_267 = arith.index_cast %swap3A_266 : i32 to index
      %swap3A_268 = arith.constant 0 : index
      %swap3A_269 = tpu.vector_load %arg11[%swap3A_267, %swap3A_268] {strides = array<i32>} : memref<16x128xf32, #tpu.memory_space<vmem>>, vector<16xf32>,
      tpu.vector_store %arg11[%swap3A_267, %swap3A_268], %exp3A_265 {strides = array<i32>} : memref<16x128xf32, #tpu.memory_space<vmem>>, vector<16xf32>,
      %get3A_270 = arith.constant 272 : index
      %get3A_271 = tpu.vector_load %arg8[%get3A_270] {strides = array<i32>} : memref<2048xi32, #tpu.memory_space<vmem>>, vector<16xi32>,
      %gather3A_272 = tpu.vector_load_idx %arg7[%get3A_271] : memref<100000xf32, #tpu.memory_space<vmem>>[vector<16xi32>], vector<16xf32>,
      %get3A_273 = arith.constant 272 : index
      %get3A_274 = tpu.vector_load %arg9[%get3A_273] {strides = array<i32>} : memref<2048xf32, #tpu.memory_space<vmem>>, vector<16xf32>,
      %add3A_275 = arith.addf %gather3A_272, %get3A_274 : vector<16xf32>
      %exp3A_276 = math.exp %add3A_275 : vector<16xf32>
      %swap3A_277 = arith.constant 2 : i32
      %swap3A_278 = arith.index_cast %swap3A_277 : i32 to index
      %swap3A_279 = arith.constant 16 : index
      %swap3A_280 = tpu.vector_load %arg11[%swap3A_278, %swap3A_279] {strides = array<i32>} : memref<16x128xf32, #tpu.memory_space<vmem>>, vector<16xf32>,
      tpu.vector_store %arg11[%swap3A_278, %swap3A_279], %exp3A_276 {strides = array<i32>} : memref<16x128xf32, #tpu.memory_space<vmem>>, vector<16xf32>,
      %get3A_281 = arith.constant 288 : index
      %get3A_282 = tpu.vector_load %arg8[%get3A_281] {strides = array<i32>} : memref<2048xi32, #tpu.memory_space<vmem>>, vector<16xi32>,
      %gather3A_283 = tpu.vector_load_idx %arg7[%get3A_282] : memref<100000xf32, #tpu.memory_space<vmem>>[vector<16xi32>], vector<16xf32>,
      %get3A_284 = arith.constant 288 : index
      %get3A_285 = tpu.vector_load %arg9[%get3A_284] {strides = array<i32>} : memref<2048xf32, #tpu.memory_space<vmem>>, vector<16xf32>,
      %add3A_286 = arith.addf %gather3A_283, %get3A_285 : vector<16xf32>
      %exp3A_287 = math.exp %add3A_286 : vector<16xf32>
      %swap3A_288 = arith.constant 2 : i32
      %swap3A_289 = arith.index_cast %swap3A_288 : i32 to index
      %swap3A_290 = arith.constant 32 : index
      %swap3A_291 = tpu.vector_load %arg11[%swap3A_289, %swap3A_290] {strides = array<i32>} : memref<16x128xf32, #tpu.memory_space<vmem>>, vector<16xf32>,
      tpu.vector_store %arg11[%swap3A_289, %swap3A_290], %exp3A_287 {strides = array<i32>} : memref<16x128xf32, #tpu.memory_space<vmem>>, vector<16xf32>,
      %get3A_292 = arith.constant 304 : index
      %get3A_293 = tpu.vector_load %arg8[%get3A_292] {strides = array<i32>} : memref<2048xi32, #tpu.memory_space<vmem>>, vector<16xi32>,
      %gather3A_294 = tpu.vector_load_idx %arg7[%get3A_293] : memref<100000xf32, #tpu.memory_space<vmem>>[vector<16xi32>], vector<16xf32>,
      %get3A_295 = arith.constant 304 : index
      %get3A_296 = tpu.vector_load %arg9[%get3A_295] {strides = array<i32>} : memref<2048xf32, #tpu.memory_space<vmem>>, vector<16xf32>,
      %add3A_297 = arith.addf %gather3A_294, %get3A_296 : vector<16xf32>
      %exp3A_298 = math.exp %add3A_297 : vector<16xf32>
      %swap3A_299 = arith.constant 2 : i32
      %swap3A_300 = arith.index_cast %swap3A_299 : i32 to index
      %swap3A_301 = arith.constant 48 : index
      %swap3A_302 = tpu.vector_load %arg11[%swap3A_300, %swap3A_301] {strides = array<i32>} : memref<16x128xf32, #tpu.memory_space<vmem>>, vector<16xf32>,
      tpu.vector_store %arg11[%swap3A_300, %swap3A_301], %exp3A_298 {strides = array<i32>} : memref<16x128xf32, #tpu.memory_space<vmem>>, vector<16xf32>,
      %get3A_303 = arith.constant 320 : index
      %get3A_304 = tpu.vector_load %arg8[%get3A_303] {strides = array<i32>} : memref<2048xi32, #tpu.memory_space<vmem>>, vector<16xi32>,
      %gather3A_305 = tpu.vector_load_idx %arg7[%get3A_304] : memref<100000xf32, #tpu.memory_space<vmem>>[vector<16xi32>], vector<16xf32>,
      %get3A_306 = arith.constant 320 : index
      %get3A_307 = tpu.vector_load %arg9[%get3A_306] {strides = array<i32>} : memref<2048xf32, #tpu.memory_space<vmem>>, vector<16xf32>,
      %add3A_308 = arith.addf %gather3A_305, %get3A_307 : vector<16xf32>
      %exp3A_309 = math.exp %add3A_308 : vector<16xf32>
      %swap3A_310 = arith.constant 2 : i32
      %swap3A_311 = arith.index_cast %swap3A_310 : i32 to index
      %swap3A_312 = arith.constant 64 : index
      %swap3A_313 = tpu.vector_load %arg11[%swap3A_311, %swap3A_312] {strides = array<i32>} : memref<16x128xf32, #tpu.memory_space<vmem>>, vector<16xf32>,
      tpu.vector_store %arg11[%swap3A_311, %swap3A_312], %exp3A_309 {strides = array<i32>} : memref<16x128xf32, #tpu.memory_space<vmem>>, vector<16xf32>,
      %get3A_314 = arith.constant 336 : index
      %get3A_315 = tpu.vector_load %arg8[%get3A_314] {strides = array<i32>} : memref<2048xi32, #tpu.memory_space<vmem>>, vector<16xi32>,
      %gather3A_316 = tpu.vector_load_idx %arg7[%get3A_315] : memref<100000xf32, #tpu.memory_space<vmem>>[vector<16xi32>], vector<16xf32>,
      %get3A_317 = arith.constant 336 : index
      %get3A_318 = tpu.vector_load %arg9[%get3A_317] {strides = array<i32>} : memref<2048xf32, #tpu.memory_space<vmem>>, vector<16xf32>,
      %add3A_319 = arith.addf %gather3A_316, %get3A_318 : vector<16xf32>
      %exp3A_320 = math.exp %add3A_319 : vector<16xf32>
      %swap3A_321 = arith.constant 2 : i32
      %swap3A_322 = arith.index_cast %swap3A_321 : i32 to index
      %swap3A_323 = arith.constant 80 : index
      %swap3A_324 = tpu.vector_load %arg11[%swap3A_322, %swap3A_323] {strides = array<i32>} : memref<16x128xf32, #tpu.memory_space<vmem>>, vector<16xf32>,
      tpu.vector_store %arg11[%swap3A_322, %swap3A_323], %exp3A_320 {strides = array<i32>} : memref<16x128xf32, #tpu.memory_space<vmem>>, vector<16xf32>,
      %get3A_325 = arith.constant 352 : index
      %get3A_326 = tpu.vector_load %arg8[%get3A_325] {strides = array<i32>} : memref<2048xi32, #tpu.memory_space<vmem>>, vector<16xi32>,
      %gather3A_327 = tpu.vector_load_idx %arg7[%get3A_326] : memref<100000xf32, #tpu.memory_space<vmem>>[vector<16xi32>], vector<16xf32>,
      %get3A_328 = arith.constant 352 : index
      %get3A_329 = tpu.vector_load %arg9[%get3A_328] {strides = array<i32>} : memref<2048xf32, #tpu.memory_space<vmem>>, vector<16xf32>,
      %add3A_330 = arith.addf %gather3A_327, %get3A_329 : vector<16xf32>
      %exp3A_331 = math.exp %add3A_330 : vector<16xf32>
      %swap3A_332 = arith.constant 2 : i32
      %swap3A_333 = arith.index_cast %swap3A_332 : i32 to index
      %swap3A_334 = arith.constant 96 : index
      %swap3A_335 = tpu.vector_load %arg11[%swap3A_333, %swap3A_334] {strides = array<i32>} : memref<16x128xf32, #tpu.memory_space<vmem>>, vector<16xf32>,
      tpu.vector_store %arg11[%swap3A_333, %swap3A_334], %exp3A_331 {strides = array<i32>} : memref<16x128xf32, #tpu.memory_space<vmem>>, vector<16xf32>,
      %get3A_336 = arith.constant 368 : index
      %get3A_337 = tpu.vector_load %arg8[%get3A_336] {strides = array<i32>} : memref<2048xi32, #tpu.memory_space<vmem>>, vector<16xi32>,
      %gather3A_338 = tpu.vector_load_idx %arg7[%get3A_337] : memref<100000xf32, #tpu.memory_space<vmem>>[vector<16xi32>], vector<16xf32>,
      %get3A_339 = arith.constant 368 : index
      %get3A_340 = tpu.vector_load %arg9[%get3A_339] {strides = array<i32>} : memref<2048xf32, #tpu.memory_space<vmem>>, vector<16xf32>,
      %add3A_341 = arith.addf %gather3A_338, %get3A_340 : vector<16xf32>
      %exp3A_342 = math.exp %add3A_341 : vector<16xf32>
      %swap3A_343 = arith.constant 2 : i32
      %swap3A_344 = arith.index_cast %swap3A_343 : i32 to index
      %swap3A_345 = arith.constant 112 : index
      %swap3A_346 = tpu.vector_load %arg11[%swap3A_344, %swap3A_345] {strides = array<i32>} : memref<16x128xf32, #tpu.memory_space<vmem>>, vector<16xf32>,
      tpu.vector_store %arg11[%swap3A_344, %swap3A_345], %exp3A_342 {strides = array<i32>} : memref<16x128xf32, #tpu.memory_space<vmem>>, vector<16xf32>,
      %get3A_347 = arith.constant 384 : index
      %get3A_348 = tpu.vector_load %arg8[%get3A_347] {strides = array<i32>} : memref<2048xi32, #tpu.memory_space<vmem>>, vector<16xi32>,
      %gather3A_349 = tpu.vector_load_idx %arg7[%get3A_348] : memref<100000xf32, #tpu.memory_space<vmem>>[vector<16xi32>], vector<16xf32>,
      %get3A_350 = arith.constant 384 : index
      %get3A_351 = tpu.vector_load %arg9[%get3A_350] {strides = array<i32>} : memref<2048xf32, #tpu.memory_space<vmem>>, vector<16xf32>,
      %add3A_352 = arith.addf %gather3A_349, %get3A_351 : vector<16xf32>
      %exp3A_353 = math.exp %add3A_352 : vector<16xf32>
      %swap3A_354 = arith.constant 3 : i32
      %swap3A_355 = arith.index_cast %swap3A_354 : i32 to index
      %swap3A_356 = arith.constant 0 : index
      %swap3A_357 = tpu.vector_load %arg11[%swap3A_355, %swap3A_356] {strides = array<i32>} : memref<16x128xf32, #tpu.memory_space<vmem>>, vector<16xf32>,
      tpu.vector_store %arg11[%swap3A_355, %swap3A_356], %exp3A_353 {strides = array<i32>} : memref<16x128xf32, #tpu.memory_space<vmem>>, vector<16xf32>,
      %get3A_358 = arith.constant 400 : index
      %get3A_359 = tpu.vector_load %arg8[%get3A_358] {strides = array<i32>} : memref<2048xi32, #tpu.memory_space<vmem>>, vector<16xi32>,
      %gather3A_360 = tpu.vector_load_idx %arg7[%get3A_359] : memref<100000xf32, #tpu.memory_space<vmem>>[vector<16xi32>], vector<16xf32>,
      %get3A_361 = arith.constant 400 : index
      %get3A_362 = tpu.vector_load %arg9[%get3A_361] {strides = array<i32>} : memref<2048xf32, #tpu.memory_space<vmem>>, vector<16xf32>,
      %add3A_363 = arith.addf %gather3A_360, %get3A_362 : vector<16xf32>
      %exp3A_364 = math.exp %add3A_363 : vector<16xf32>
      %swap3A_365 = arith.constant 3 : i32
      %swap3A_366 = arith.index_cast %swap3A_365 : i32 to index
      %swap3A_367 = arith.constant 16 : index
      %swap3A_368 = tpu.vector_load %arg11[%swap3A_366, %swap3A_367] {strides = array<i32>} : memref<16x128xf32, #tpu.memory_space<vmem>>, vector<16xf32>,
      tpu.vector_store %arg11[%swap3A_366, %swap3A_367], %exp3A_364 {strides = array<i32>} : memref<16x128xf32, #tpu.memory_space<vmem>>, vector<16xf32>,
      %get3A_369 = arith.constant 416 : index
      %get3A_370 = tpu.vector_load %arg8[%get3A_369] {strides = array<i32>} : memref<2048xi32, #tpu.memory_space<vmem>>, vector<16xi32>,
      %gather3A_371 = tpu.vector_load_idx %arg7[%get3A_370] : memref<100000xf32, #tpu.memory_space<vmem>>[vector<16xi32>], vector<16xf32>,
      %get3A_372 = arith.constant 416 : index
      %get3A_373 = tpu.vector_load %arg9[%get3A_372] {strides = array<i32>} : memref<2048xf32, #tpu.memory_space<vmem>>, vector<16xf32>,
      %add3A_374 = arith.addf %gather3A_371, %get3A_373 : vector<16xf32>
      %exp3A_375 = math.exp %add3A_374 : vector<16xf32>
      %swap3A_376 = arith.constant 3 : i32
      %swap3A_377 = arith.index_cast %swap3A_376 : i32 to index
      %swap3A_378 = arith.constant 32 : index
      %swap3A_379 = tpu.vector_load %arg11[%swap3A_377, %swap3A_378] {strides = array<i32>} : memref<16x128xf32, #tpu.memory_space<vmem>>, vector<16xf32>,
      tpu.vector_store %arg11[%swap3A_377, %swap3A_378], %exp3A_375 {strides = array<i32>} : memref<16x128xf32, #tpu.memory_space<vmem>>, vector<16xf32>,
      %get3A_380 = arith.constant 432 : index
      %get3A_381 = tpu.vector_load %arg8[%get3A_380] {strides = array<i32>} : memref<2048xi32, #tpu.memory_space<vmem>>, vector<16xi32>,
      %gather3A_382 = tpu.vector_load_idx %arg7[%get3A_381] : memref<100000xf32, #tpu.memory_space<vmem>>[vector<16xi32>], vector<16xf32>,
      %get3A_383 = arith.constant 432 : index
      %get3A_384 = tpu.vector_load %arg9[%get3A_383] {strides = array<i32>} : memref<2048xf32, #tpu.memory_space<vmem>>, vector<16xf32>,
      %add3A_385 = arith.addf %gather3A_382, %get3A_384 : vector<16xf32>
      %exp3A_386 = math.exp %add3A_385 : vector<16xf32>
      %swap3A_387 = arith.constant 3 : i32
      %swap3A_388 = arith.index_cast %swap3A_387 : i32 to index
      %swap3A_389 = arith.constant 48 : index
      %swap3A_390 = tpu.vector_load %arg11[%swap3A_388, %swap3A_389] {strides = array<i32>} : memref<16x128xf32, #tpu.memory_space<vmem>>, vector<16xf32>,
      tpu.vector_store %arg11[%swap3A_388, %swap3A_389], %exp3A_386 {strides = array<i32>} : memref<16x128xf32, #tpu.memory_space<vmem>>, vector<16xf32>,
      %get3A_391 = arith.constant 448 : index
      %get3A_392 = tpu.vector_load %arg8[%get3A_391] {strides = array<i32>} : memref<2048xi32, #tpu.memory_space<vmem>>, vector<16xi32>,
      %gather3A_393 = tpu.vector_load_idx %arg7[%get3A_392] : memref<100000xf32, #tpu.memory_space<vmem>>[vector<16xi32>], vector<16xf32>,
      %get3A_394 = arith.constant 448 : index
      %get3A_395 = tpu.vector_load %arg9[%get3A_394] {strides = array<i32>} : memref<2048xf32, #tpu.memory_space<vmem>>, vector<16xf32>,
      %add3A_396 = arith.addf %gather3A_393, %get3A_395 : vector<16xf32>
      %exp3A_397 = math.exp %add3A_396 : vector<16xf32>
      %swap3A_398 = arith.constant 3 : i32
      %swap3A_399 = arith.index_cast %swap3A_398 : i32 to index
      %swap3A_400 = arith.constant 64 : index
      %swap3A_401 = tpu.vector_load %arg11[%swap3A_399, %swap3A_400] {strides = array<i32>} : memref<16x128xf32, #tpu.memory_space<vmem>>, vector<16xf32>,
      tpu.vector_store %arg11[%swap3A_399, %swap3A_400], %exp3A_397 {strides = array<i32>} : memref<16x128xf32, #tpu.memory_space<vmem>>, vector<16xf32>,
      %get3A_402 = arith.constant 464 : index
      %get3A_403 = tpu.vector_load %arg8[%get3A_402] {strides = array<i32>} : memref<2048xi32, #tpu.memory_space<vmem>>, vector<16xi32>,
      %gather3A_404 = tpu.vector_load_idx %arg7[%get3A_403] : memref<100000xf32, #tpu.memory_space<vmem>>[vector<16xi32>], vector<16xf32>,
      %get3A_405 = arith.constant 464 : index
      %get3A_406 = tpu.vector_load %arg9[%get3A_405] {strides = array<i32>} : memref<2048xf32, #tpu.memory_space<vmem>>, vector<16xf32>,
      %add3A_407 = arith.addf %gather3A_404, %get3A_406 : vector<16xf32>
      %exp3A_408 = math.exp %add3A_407 : vector<16xf32>
      %swap3A_409 = arith.constant 3 : i32
      %swap3A_410 = arith.index_cast %swap3A_409 : i32 to index
      %swap3A_411 = arith.constant 80 : index
      %swap3A_412 = tpu.vector_load %arg11[%swap3A_410, %swap3A_411] {strides = array<i32>} : memref<16x128xf32, #tpu.memory_space<vmem>>, vector<16xf32>,
      tpu.vector_store %arg11[%swap3A_410, %swap3A_411], %exp3A_408 {strides = array<i32>} : memref<16x128xf32, #tpu.memory_space<vmem>>, vector<16xf32>,
      %get3A_413 = arith.constant 480 : index
      %get3A_414 = tpu.vector_load %arg8[%get3A_413] {strides = array<i32>} : memref<2048xi32, #tpu.memory_space<vmem>>, vector<16xi32>,
      %gather3A_415 = tpu.vector_load_idx %arg7[%get3A_414] : memref<100000xf32, #tpu.memory_space<vmem>>[vector<16xi32>], vector<16xf32>,
      %get3A_416 = arith.constant 480 : index
      %get3A_417 = tpu.vector_load %arg9[%get3A_416] {strides = array<i32>} : memref<2048xf32, #tpu.memory_space<vmem>>, vector<16xf32>,
      %add3A_418 = arith.addf %gather3A_415, %get3A_417 : vector<16xf32>
      %exp3A_419 = math.exp %add3A_418 : vector<16xf32>
      %swap3A_420 = arith.constant 3 : i32
      %swap3A_421 = arith.index_cast %swap3A_420 : i32 to index
      %swap3A_422 = arith.constant 96 : index
      %swap3A_423 = tpu.vector_load %arg11[%swap3A_421, %swap3A_422] {strides = array<i32>} : memref<16x128xf32, #tpu.memory_space<vmem>>, vector<16xf32>,
      tpu.vector_store %arg11[%swap3A_421, %swap3A_422], %exp3A_419 {strides = array<i32>} : memref<16x128xf32, #tpu.memory_space<vmem>>, vector<16xf32>,
      %get3A_424 = arith.constant 496 : index
      %get3A_425 = tpu.vector_load %arg8[%get3A_424] {strides = array<i32>} : memref<2048xi32, #tpu.memory_space<vmem>>, vector<16xi32>,
      %gather3A_426 = tpu.vector_load_idx %arg7[%get3A_425] : memref<100000xf32, #tpu.memory_space<vmem>>[vector<16xi32>], vector<16xf32>,
      %get3A_427 = arith.constant 496 : index
      %get3A_428 = tpu.vector_load %arg9[%get3A_427] {strides = array<i32>} : memref<2048xf32, #tpu.memory_space<vmem>>, vector<16xf32>,
      %add3A_429 = arith.addf %gather3A_426, %get3A_428 : vector<16xf32>
      %exp3A_430 = math.exp %add3A_429 : vector<16xf32>
      %swap3A_431 = arith.constant 3 : i32
      %swap3A_432 = arith.index_cast %swap3A_431 : i32 to index
      %swap3A_433 = arith.constant 112 : index
      %swap3A_434 = tpu.vector_load %arg11[%swap3A_432, %swap3A_433] {strides = array<i32>} : memref<16x128xf32, #tpu.memory_space<vmem>>, vector<16xf32>,
      tpu.vector_store %arg11[%swap3A_432, %swap3A_433], %exp3A_430 {strides = array<i32>} : memref<16x128xf32, #tpu.memory_space<vmem>>, vector<16xf32>,
      %get3A_435 = arith.constant 512 : index
      %get3A_436 = tpu.vector_load %arg8[%get3A_435] {strides = array<i32>} : memref<2048xi32, #tpu.memory_space<vmem>>, vector<16xi32>,
      %gather3A_437 = tpu.vector_load_idx %arg7[%get3A_436] : memref<100000xf32, #tpu.memory_space<vmem>>[vector<16xi32>], vector<16xf32>,
      %get3A_438 = arith.constant 512 : index
      %get3A_439 = tpu.vector_load %arg9[%get3A_438] {strides = array<i32>} : memref<2048xf32, #tpu.memory_space<vmem>>, vector<16xf32>,
      %add3A_440 = arith.addf %gather3A_437, %get3A_439 : vector<16xf32>
      %exp3A_441 = math.exp %add3A_440 : vector<16xf32>
      %swap3A_442 = arith.constant 4 : i32
      %swap3A_443 = arith.index_cast %swap3A_442 : i32 to index
      %swap3A_444 = arith.constant 0 : index
      %swap3A_445 = tpu.vector_load %arg11[%swap3A_443, %swap3A_444] {strides = array<i32>} : memref<16x128xf32, #tpu.memory_space<vmem>>, vector<16xf32>,
      tpu.vector_store %arg11[%swap3A_443, %swap3A_444], %exp3A_441 {strides = array<i32>} : memref<16x128xf32, #tpu.memory_space<vmem>>, vector<16xf32>,
      %get3A_446 = arith.constant 528 : index
      %get3A_447 = tpu.vector_load %arg8[%get3A_446] {strides = array<i32>} : memref<2048xi32, #tpu.memory_space<vmem>>, vector<16xi32>,
      %gather3A_448 = tpu.vector_load_idx %arg7[%get3A_447] : memref<100000xf32, #tpu.memory_space<vmem>>[vector<16xi32>], vector<16xf32>,
      %get3A_449 = arith.constant 528 : index
      %get3A_450 = tpu.vector_load %arg9[%get3A_449] {strides = array<i32>} : memref<2048xf32, #tpu.memory_space<vmem>>, vector<16xf32>,
      %add3A_451 = arith.addf %gather3A_448, %get3A_450 : vector<16xf32>
      %exp3A_452 = math.exp %add3A_451 : vector<16xf32>
      %swap3A_453 = arith.constant 4 : i32
      %swap3A_454 = arith.index_cast %swap3A_453 : i32 to index
      %swap3A_455 = arith.constant 16 : index
      %swap3A_456 = tpu.vector_load %arg11[%swap3A_454, %swap3A_455] {strides = array<i32>} : memref<16x128xf32, #tpu.memory_space<vmem>>, vector<16xf32>,
      tpu.vector_store %arg11[%swap3A_454, %swap3A_455], %exp3A_452 {strides = array<i32>} : memref<16x128xf32, #tpu.memory_space<vmem>>, vector<16xf32>,
      %get3A_457 = arith.constant 544 : index
      %get3A_458 = tpu.vector_load %arg8[%get3A_457] {strides = array<i32>} : memref<2048xi32, #tpu.memory_space<vmem>>, vector<16xi32>,
      %gather3A_459 = tpu.vector_load_idx %arg7[%get3A_458] : memref<100000xf32, #tpu.memory_space<vmem>>[vector<16xi32>], vector<16xf32>,
      %get3A_460 = arith.constant 544 : index
      %get3A_461 = tpu.vector_load %arg9[%get3A_460] {strides = array<i32>} : memref<2048xf32, #tpu.memory_space<vmem>>, vector<16xf32>,
      %add3A_462 = arith.addf %gather3A_459, %get3A_461 : vector<16xf32>
      %exp3A_463 = math.exp %add3A_462 : vector<16xf32>
      %swap3A_464 = arith.constant 4 : i32
      %swap3A_465 = arith.index_cast %swap3A_464 : i32 to index
      %swap3A_466 = arith.constant 32 : index
      %swap3A_467 = tpu.vector_load %arg11[%swap3A_465, %swap3A_466] {strides = array<i32>} : memref<16x128xf32, #tpu.memory_space<vmem>>, vector<16xf32>,
      tpu.vector_store %arg11[%swap3A_465, %swap3A_466], %exp3A_463 {strides = array<i32>} : memref<16x128xf32, #tpu.memory_space<vmem>>, vector<16xf32>,
      %get3A_468 = arith.constant 560 : index
      %get3A_469 = tpu.vector_load %arg8[%get3A_468] {strides = array<i32>} : memref<2048xi32, #tpu.memory_space<vmem>>, vector<16xi32>,
      %gather3A_470 = tpu.vector_load_idx %arg7[%get3A_469] : memref<100000xf32, #tpu.memory_space<vmem>>[vector<16xi32>], vector<16xf32>,
      %get3A_471 = arith.constant 560 : index
      %get3A_472 = tpu.vector_load %arg9[%get3A_471] {strides = array<i32>} : memref<2048xf32, #tpu.memory_space<vmem>>, vector<16xf32>,
      %add3A_473 = arith.addf %gather3A_470, %get3A_472 : vector<16xf32>
      %exp3A_474 = math.exp %add3A_473 : vector<16xf32>
      %swap3A_475 = arith.constant 4 : i32
      %swap3A_476 = arith.index_cast %swap3A_475 : i32 to index
      %swap3A_477 = arith.constant 48 : index
      %swap3A_478 = tpu.vector_load %arg11[%swap3A_476, %swap3A_477] {strides = array<i32>} : memref<16x128xf32, #tpu.memory_space<vmem>>, vector<16xf32>,
      tpu.vector_store %arg11[%swap3A_476, %swap3A_477], %exp3A_474 {strides = array<i32>} : memref<16x128xf32, #tpu.memory_space<vmem>>, vector<16xf32>,
      %get3A_479 = arith.constant 576 : index
      %get3A_480 = tpu.vector_load %arg8[%get3A_479] {strides = array<i32>} : memref<2048xi32, #tpu.memory_space<vmem>>, vector<16xi32>,
      %gather3A_481 = tpu.vector_load_idx %arg7[%get3A_480] : memref<100000xf32, #tpu.memory_space<vmem>>[vector<16xi32>], vector<16xf32>,
      %get3A_482 = arith.constant 576 : index
      %get3A_483 = tpu.vector_load %arg9[%get3A_482] {strides = array<i32>} : memref<2048xf32, #tpu.memory_space<vmem>>, vector<16xf32>,
      %add3A_484 = arith.addf %gather3A_481, %get3A_483 : vector<16xf32>
      %exp3A_485 = math.exp %add3A_484 : vector<16xf32>
      %swap3A_486 = arith.constant 4 : i32
      %swap3A_487 = arith.index_cast %swap3A_486 : i32 to index
      %swap3A_488 = arith.constant 64 : index
      %swap3A_489 = tpu.vector_load %arg11[%swap3A_487, %swap3A_488] {strides = array<i32>} : memref<16x128xf32, #tpu.memory_space<vmem>>, vector<16xf32>,
      tpu.vector_store %arg11[%swap3A_487, %swap3A_488], %exp3A_485 {strides = array<i32>} : memref<16x128xf32, #tpu.memory_space<vmem>>, vector<16xf32>,
      %get3A_490 = arith.constant 592 : index
      %get3A_491 = tpu.vector_load %arg8[%get3A_490] {strides = array<i32>} : memref<2048xi32, #tpu.memory_space<vmem>>, vector<16xi32>,
      %gather3A_492 = tpu.vector_load_idx %arg7[%get3A_491] : memref<100000xf32, #tpu.memory_space<vmem>>[vector<16xi32>], vector<16xf32>,
      %get3A_493 = arith.constant 592 : index
      %get3A_494 = tpu.vector_load %arg9[%get3A_493] {strides = array<i32>} : memref<2048xf32, #tpu.memory_space<vmem>>, vector<16xf32>,
      %add3A_495 = arith.addf %gather3A_492, %get3A_494 : vector<16xf32>
      %exp3A_496 = math.exp %add3A_495 : vector<16xf32>
      %swap3A_497 = arith.constant 4 : i32
      %swap3A_498 = arith.index_cast %swap3A_497 : i32 to index
      %swap3A_499 = arith.constant 80 : index
      %swap3A_500 = tpu.vector_load %arg11[%swap3A_498, %swap3A_499] {strides = array<i32>} : memref<16x128xf32, #tpu.memory_space<vmem>>, vector<16xf32>,
      tpu.vector_store %arg11[%swap3A_498, %swap3A_499], %exp3A_496 {strides = array<i32>} : memref<16x128xf32, #tpu.memory_space<vmem>>, vector<16xf32>,
      %get3A_501 = arith.constant 608 : index
      %get3A_502 = tpu.vector_load %arg8[%get3A_501] {strides = array<i32>} : memref<2048xi32, #tpu.memory_space<vmem>>, vector<16xi32>,
      %gather3A_503 = tpu.vector_load_idx %arg7[%get3A_502] : memref<100000xf32, #tpu.memory_space<vmem>>[vector<16xi32>], vector<16xf32>,
      %get3A_504 = arith.constant 608 : index
      %get3A_505 = tpu.vector_load %arg9[%get3A_504] {strides = array<i32>} : memref<2048xf32, #tpu.memory_space<vmem>>, vector<16xf32>,
      %add3A_506 = arith.addf %gather3A_503, %get3A_505 : vector<16xf32>
      %exp3A_507 = math.exp %add3A_506 : vector<16xf32>
      %swap3A_508 = arith.constant 4 : i32
      %swap3A_509 = arith.index_cast %swap3A_508 : i32 to index
      %swap3A_510 = arith.constant 96 : index
      %swap3A_511 = tpu.vector_load %arg11[%swap3A_509, %swap3A_510] {strides = array<i32>} : memref<16x128xf32, #tpu.memory_space<vmem>>, vector<16xf32>,
      tpu.vector_store %arg11[%swap3A_509, %swap3A_510], %exp3A_507 {strides = array<i32>} : memref<16x128xf32, #tpu.memory_space<vmem>>, vector<16xf32>,
      %get3A_512 = arith.constant 624 : index
      %get3A_513 = tpu.vector_load %arg8[%get3A_512] {strides = array<i32>} : memref<2048xi32, #tpu.memory_space<vmem>>, vector<16xi32>,
      %gather3A_514 = tpu.vector_load_idx %arg7[%get3A_513] : memref<100000xf32, #tpu.memory_space<vmem>>[vector<16xi32>], vector<16xf32>,
      %get3A_515 = arith.constant 624 : index
      %get3A_516 = tpu.vector_load %arg9[%get3A_515] {strides = array<i32>} : memref<2048xf32, #tpu.memory_space<vmem>>, vector<16xf32>,
      %add3A_517 = arith.addf %gather3A_514, %get3A_516 : vector<16xf32>
      %exp3A_518 = math.exp %add3A_517 : vector<16xf32>
      %swap3A_519 = arith.constant 4 : i32
      %swap3A_520 = arith.index_cast %swap3A_519 : i32 to index
      %swap3A_521 = arith.constant 112 : index
      %swap3A_522 = tpu.vector_load %arg11[%swap3A_520, %swap3A_521] {strides = array<i32>} : memref<16x128xf32, #tpu.memory_space<vmem>>, vector<16xf32>,
      tpu.vector_store %arg11[%swap3A_520, %swap3A_521], %exp3A_518 {strides = array<i32>} : memref<16x128xf32, #tpu.memory_space<vmem>>, vector<16xf32>,
      %get3A_523 = arith.constant 640 : index
      %get3A_524 = tpu.vector_load %arg8[%get3A_523] {strides = array<i32>} : memref<2048xi32, #tpu.memory_space<vmem>>, vector<16xi32>,
      %gather3A_525 = tpu.vector_load_idx %arg7[%get3A_524] : memref<100000xf32, #tpu.memory_space<vmem>>[vector<16xi32>], vector<16xf32>,
      %get3A_526 = arith.constant 640 : index
      %get3A_527 = tpu.vector_load %arg9[%get3A_526] {strides = array<i32>} : memref<2048xf32, #tpu.memory_space<vmem>>, vector<16xf32>,
      %add3A_528 = arith.addf %gather3A_525, %get3A_527 : vector<16xf32>
      %exp3A_529 = math.exp %add3A_528 : vector<16xf32>
      %swap3A_530 = arith.constant 5 : i32
      %swap3A_531 = arith.index_cast %swap3A_530 : i32 to index
      %swap3A_532 = arith.constant 0 : index
      %swap3A_533 = tpu.vector_load %arg11[%swap3A_531, %swap3A_532] {strides = array<i32>} : memref<16x128xf32, #tpu.memory_space<vmem>>, vector<16xf32>,
      tpu.vector_store %arg11[%swap3A_531, %swap3A_532], %exp3A_529 {strides = array<i32>} : memref<16x128xf32, #tpu.memory_space<vmem>>, vector<16xf32>,
      %get3A_534 = arith.constant 656 : index
      %get3A_535 = tpu.vector_load %arg8[%get3A_534] {strides = array<i32>} : memref<2048xi32, #tpu.memory_space<vmem>>, vector<16xi32>,
      %gather3A_536 = tpu.vector_load_idx %arg7[%get3A_535] : memref<100000xf32, #tpu.memory_space<vmem>>[vector<16xi32>], vector<16xf32>,
      %get3A_537 = arith.constant 656 : index
      %get3A_538 = tpu.vector_load %arg9[%get3A_537] {strides = array<i32>} : memref<2048xf32, #tpu.memory_space<vmem>>, vector<16xf32>,
      %add3A_539 = arith.addf %gather3A_536, %get3A_538 : vector<16xf32>
      %exp3A_540 = math.exp %add3A_539 : vector<16xf32>
      %swap3A_541 = arith.constant 5 : i32
      %swap3A_542 = arith.index_cast %swap3A_541 : i32 to index
      %swap3A_543 = arith.constant 16 : index
      %swap3A_544 = tpu.vector_load %arg11[%swap3A_542, %swap3A_543] {strides = array<i32>} : memref<16x128xf32, #tpu.memory_space<vmem>>, vector<16xf32>,
      tpu.vector_store %arg11[%swap3A_542, %swap3A_543], %exp3A_540 {strides = array<i32>} : memref<16x128xf32, #tpu.memory_space<vmem>>, vector<16xf32>,
      %get3A_545 = arith.constant 672 : index
      %get3A_546 = tpu.vector_load %arg8[%get3A_545] {strides = array<i32>} : memref<2048xi32, #tpu.memory_space<vmem>>, vector<16xi32>,
      %gather3A_547 = tpu.vector_load_idx %arg7[%get3A_546] : memref<100000xf32, #tpu.memory_space<vmem>>[vector<16xi32>], vector<16xf32>,
      %get3A_548 = arith.constant 672 : index
      %get3A_549 = tpu.vector_load %arg9[%get3A_548] {strides = array<i32>} : memref<2048xf32, #tpu.memory_space<vmem>>, vector<16xf32>,
      %add3A_550 = arith.addf %gather3A_547, %get3A_549 : vector<16xf32>
      %exp3A_551 = math.exp %add3A_550 : vector<16xf32>
      %swap3A_552 = arith.constant 5 : i32
      %swap3A_553 = arith.index_cast %swap3A_552 : i32 to index
      %swap3A_554 = arith.constant 32 : index
      %swap3A_555 = tpu.vector_load %arg11[%swap3A_553, %swap3A_554] {strides = array<i32>} : memref<16x128xf32, #tpu.memory_space<vmem>>, vector<16xf32>,
      tpu.vector_store %arg11[%swap3A_553, %swap3A_554], %exp3A_551 {strides = array<i32>} : memref<16x128xf32, #tpu.memory_space<vmem>>, vector<16xf32>,
      %get3A_556 = arith.constant 688 : index
      %get3A_557 = tpu.vector_load %arg8[%get3A_556] {strides = array<i32>} : memref<2048xi32, #tpu.memory_space<vmem>>, vector<16xi32>,
      %gather3A_558 = tpu.vector_load_idx %arg7[%get3A_557] : memref<100000xf32, #tpu.memory_space<vmem>>[vector<16xi32>], vector<16xf32>,
      %get3A_559 = arith.constant 688 : index
      %get3A_560 = tpu.vector_load %arg9[%get3A_559] {strides = array<i32>} : memref<2048xf32, #tpu.memory_space<vmem>>, vector<16xf32>,
      %add3A_561 = arith.addf %gather3A_558, %get3A_560 : vector<16xf32>
      %exp3A_562 = math.exp %add3A_561 : vector<16xf32>
      %swap3A_563 = arith.constant 5 : i32
      %swap3A_564 = arith.index_cast %swap3A_563 : i32 to index
      %swap3A_565 = arith.constant 48 : index
      %swap3A_566 = tpu.vector_load %arg11[%swap3A_564, %swap3A_565] {strides = array<i32>} : memref<16x128xf32, #tpu.memory_space<vmem>>, vector<16xf32>,
      tpu.vector_store %arg11[%swap3A_564, %swap3A_565], %exp3A_562 {strides = array<i32>} : memref<16x128xf32, #tpu.memory_space<vmem>>, vector<16xf32>,
      %get3A_567 = arith.constant 704 : index
      %get3A_568 = tpu.vector_load %arg8[%get3A_567] {strides = array<i32>} : memref<2048xi32, #tpu.memory_space<vmem>>, vector<16xi32>,
      %gather3A_569 = tpu.vector_load_idx %arg7[%get3A_568] : memref<100000xf32, #tpu.memory_space<vmem>>[vector<16xi32>], vector<16xf32>,
      %get3A_570 = arith.constant 704 : index
      %get3A_571 = tpu.vector_load %arg9[%get3A_570] {strides = array<i32>} : memref<2048xf32, #tpu.memory_space<vmem>>, vector<16xf32>,
      %add3A_572 = arith.addf %gather3A_569, %get3A_571 : vector<16xf32>
      %exp3A_573 = math.exp %add3A_572 : vector<16xf32>
      %swap3A_574 = arith.constant 5 : i32
      %swap3A_575 = arith.index_cast %swap3A_574 : i32 to index
      %swap3A_576 = arith.constant 64 : index
      %swap3A_577 = tpu.vector_load %arg11[%swap3A_575, %swap3A_576] {strides = array<i32>} : memref<16x128xf32, #tpu.memory_space<vmem>>, vector<16xf32>,
      tpu.vector_store %arg11[%swap3A_575, %swap3A_576], %exp3A_573 {strides = array<i32>} : memref<16x128xf32, #tpu.memory_space<vmem>>, vector<16xf32>,
      %get3A_578 = arith.constant 720 : index
      %get3A_579 = tpu.vector_load %arg8[%get3A_578] {strides = array<i32>} : memref<2048xi32, #tpu.memory_space<vmem>>, vector<16xi32>,
      %gather3A_580 = tpu.vector_load_idx %arg7[%get3A_579] : memref<100000xf32, #tpu.memory_space<vmem>>[vector<16xi32>], vector<16xf32>,
      %get3A_581 = arith.constant 720 : index
      %get3A_582 = tpu.vector_load %arg9[%get3A_581] {strides = array<i32>} : memref<2048xf32, #tpu.memory_space<vmem>>, vector<16xf32>,
      %add3A_583 = arith.addf %gather3A_580, %get3A_582 : vector<16xf32>
      %exp3A_584 = math.exp %add3A_583 : vector<16xf32>
      %swap3A_585 = arith.constant 5 : i32
      %swap3A_586 = arith.index_cast %swap3A_585 : i32 to index
      %swap3A_587 = arith.constant 80 : index
      %swap3A_588 = tpu.vector_load %arg11[%swap3A_586, %swap3A_587] {strides = array<i32>} : memref<16x128xf32, #tpu.memory_space<vmem>>, vector<16xf32>,
      tpu.vector_store %arg11[%swap3A_586, %swap3A_587], %exp3A_584 {strides = array<i32>} : memref<16x128xf32, #tpu.memory_space<vmem>>, vector<16xf32>,
      %get3A_589 = arith.constant 736 : index
      %get3A_590 = tpu.vector_load %arg8[%get3A_589] {strides = array<i32>} : memref<2048xi32, #tpu.memory_space<vmem>>, vector<16xi32>,
      %gather3A_591 = tpu.vector_load_idx %arg7[%get3A_590] : memref<100000xf32, #tpu.memory_space<vmem>>[vector<16xi32>], vector<16xf32>,
      %get3A_592 = arith.constant 736 : index
      %get3A_593 = tpu.vector_load %arg9[%get3A_592] {strides = array<i32>} : memref<2048xf32, #tpu.memory_space<vmem>>, vector<16xf32>,
      %add3A_594 = arith.addf %gather3A_591, %get3A_593 : vector<16xf32>
      %exp3A_595 = math.exp %add3A_594 : vector<16xf32>
      %swap3A_596 = arith.constant 5 : i32
      %swap3A_597 = arith.index_cast %swap3A_596 : i32 to index
      %swap3A_598 = arith.constant 96 : index
      %swap3A_599 = tpu.vector_load %arg11[%swap3A_597, %swap3A_598] {strides = array<i32>} : memref<16x128xf32, #tpu.memory_space<vmem>>, vector<16xf32>,
      tpu.vector_store %arg11[%swap3A_597, %swap3A_598], %exp3A_595 {strides = array<i32>} : memref<16x128xf32, #tpu.memory_space<vmem>>, vector<16xf32>,
      %get3A_600 = arith.constant 752 : index
      %get3A_601 = tpu.vector_load %arg8[%get3A_600] {strides = array<i32>} : memref<2048xi32, #tpu.memory_space<vmem>>, vector<16xi32>,
      %gather3A_602 = tpu.vector_load_idx %arg7[%get3A_601] : memref<100000xf32, #tpu.memory_space<vmem>>[vector<16xi32>], vector<16xf32>,
      %get3A_603 = arith.constant 752 : index
      %get3A_604 = tpu.vector_load %arg9[%get3A_603] {strides = array<i32>} : memref<2048xf32, #tpu.memory_space<vmem>>, vector<16xf32>,
      %add3A_605 = arith.addf %gather3A_602, %get3A_604 : vector<16xf32>
      %exp3A_606 = math.exp %add3A_605 : vector<16xf32>
      %swap3A_607 = arith.constant 5 : i32
      %swap3A_608 = arith.index_cast %swap3A_607 : i32 to index
      %swap3A_609 = arith.constant 112 : index
      %swap3A_610 = tpu.vector_load %arg11[%swap3A_608, %swap3A_609] {strides = array<i32>} : memref<16x128xf32, #tpu.memory_space<vmem>>, vector<16xf32>,
      tpu.vector_store %arg11[%swap3A_608, %swap3A_609], %exp3A_606 {strides = array<i32>} : memref<16x128xf32, #tpu.memory_space<vmem>>, vector<16xf32>,
      %get3A_611 = arith.constant 768 : index
      %get3A_612 = tpu.vector_load %arg8[%get3A_611] {strides = array<i32>} : memref<2048xi32, #tpu.memory_space<vmem>>, vector<16xi32>,
      %gather3A_613 = tpu.vector_load_idx %arg7[%get3A_612] : memref<100000xf32, #tpu.memory_space<vmem>>[vector<16xi32>], vector<16xf32>,
      %get3A_614 = arith.constant 768 : index
      %get3A_615 = tpu.vector_load %arg9[%get3A_614] {strides = array<i32>} : memref<2048xf32, #tpu.memory_space<vmem>>, vector<16xf32>,
      %add3A_616 = arith.addf %gather3A_613, %get3A_615 : vector<16xf32>
      %exp3A_617 = math.exp %add3A_616 : vector<16xf32>
      %swap3A_618 = arith.constant 6 : i32
      %swap3A_619 = arith.index_cast %swap3A_618 : i32 to index
      %swap3A_620 = arith.constant 0 : index
      %swap3A_621 = tpu.vector_load %arg11[%swap3A_619, %swap3A_620] {strides = array<i32>} : memref<16x128xf32, #tpu.memory_space<vmem>>, vector<16xf32>,
      tpu.vector_store %arg11[%swap3A_619, %swap3A_620], %exp3A_617 {strides = array<i32>} : memref<16x128xf32, #tpu.memory_space<vmem>>, vector<16xf32>,
      %get3A_622 = arith.constant 784 : index
      %get3A_623 = tpu.vector_load %arg8[%get3A_622] {strides = array<i32>} : memref<2048xi32, #tpu.memory_space<vmem>>, vector<16xi32>,
      %gather3A_624 = tpu.vector_load_idx %arg7[%get3A_623] : memref<100000xf32, #tpu.memory_space<vmem>>[vector<16xi32>], vector<16xf32>,
      %get3A_625 = arith.constant 784 : index
      %get3A_626 = tpu.vector_load %arg9[%get3A_625] {strides = array<i32>} : memref<2048xf32, #tpu.memory_space<vmem>>, vector<16xf32>,
      %add3A_627 = arith.addf %gather3A_624, %get3A_626 : vector<16xf32>
      %exp3A_628 = math.exp %add3A_627 : vector<16xf32>
      %swap3A_629 = arith.constant 6 : i32
      %swap3A_630 = arith.index_cast %swap3A_629 : i32 to index
      %swap3A_631 = arith.constant 16 : index
      %swap3A_632 = tpu.vector_load %arg11[%swap3A_630, %swap3A_631] {strides = array<i32>} : memref<16x128xf32, #tpu.memory_space<vmem>>, vector<16xf32>,
      tpu.vector_store %arg11[%swap3A_630, %swap3A_631], %exp3A_628 {strides = array<i32>} : memref<16x128xf32, #tpu.memory_space<vmem>>, vector<16xf32>,
      %get3A_633 = arith.constant 800 : index
      %get3A_634 = tpu.vector_load %arg8[%get3A_633] {strides = array<i32>} : memref<2048xi32, #tpu.memory_space<vmem>>, vector<16xi32>,
      %gather3A_635 = tpu.vector_load_idx %arg7[%get3A_634] : memref<100000xf32, #tpu.memory_space<vmem>>[vector<16xi32>], vector<16xf32>,
      %get3A_636 = arith.constant 800 : index
      %get3A_637 = tpu.vector_load %arg9[%get3A_636] {strides = array<i32>} : memref<2048xf32, #tpu.memory_space<vmem>>, vector<16xf32>,
      %add3A_638 = arith.addf %gather3A_635, %get3A_637 : vector<16xf32>
      %exp3A_639 = math.exp %add3A_638 : vector<16xf32>
      %swap3A_640 = arith.constant 6 : i32
      %swap3A_641 = arith.index_cast %swap3A_640 : i32 to index
      %swap3A_642 = arith.constant 32 : index
      %swap3A_643 = tpu.vector_load %arg11[%swap3A_641, %swap3A_642] {strides = array<i32>} : memref<16x128xf32, #tpu.memory_space<vmem>>, vector<16xf32>,
      tpu.vector_store %arg11[%swap3A_641, %swap3A_642], %exp3A_639 {strides = array<i32>} : memref<16x128xf32, #tpu.memory_space<vmem>>, vector<16xf32>,
      %get3A_644 = arith.constant 816 : index
      %get3A_645 = tpu.vector_load %arg8[%get3A_644] {strides = array<i32>} : memref<2048xi32, #tpu.memory_space<vmem>>, vector<16xi32>,
      %gather3A_646 = tpu.vector_load_idx %arg7[%get3A_645] : memref<100000xf32, #tpu.memory_space<vmem>>[vector<16xi32>], vector<16xf32>,
      %get3A_647 = arith.constant 816 : index
      %get3A_648 = tpu.vector_load %arg9[%get3A_647] {strides = array<i32>} : memref<2048xf32, #tpu.memory_space<vmem>>, vector<16xf32>,
      %add3A_649 = arith.addf %gather3A_646, %get3A_648 : vector<16xf32>
      %exp3A_650 = math.exp %add3A_649 : vector<16xf32>
      %swap3A_651 = arith.constant 6 : i32
      %swap3A_652 = arith.index_cast %swap3A_651 : i32 to index
      %swap3A_653 = arith.constant 48 : index
      %swap3A_654 = tpu.vector_load %arg11[%swap3A_652, %swap3A_653] {strides = array<i32>} : memref<16x128xf32, #tpu.memory_space<vmem>>, vector<16xf32>,
      tpu.vector_store %arg11[%swap3A_652, %swap3A_653], %exp3A_650 {strides = array<i32>} : memref<16x128xf32, #tpu.memory_space<vmem>>, vector<16xf32>,
      %get3A_655 = arith.constant 832 : index
      %get3A_656 = tpu.vector_load %arg8[%get3A_655] {strides = array<i32>} : memref<2048xi32, #tpu.memory_space<vmem>>, vector<16xi32>,
      %gather3A_657 = tpu.vector_load_idx %arg7[%get3A_656] : memref<100000xf32, #tpu.memory_space<vmem>>[vector<16xi32>], vector<16xf32>,
      %get3A_658 = arith.constant 832 : index
      %get3A_659 = tpu.vector_load %arg9[%get3A_658] {strides = array<i32>} : memref<2048xf32, #tpu.memory_space<vmem>>, vector<16xf32>,
      %add3A_660 = arith.addf %gather3A_657, %get3A_659 : vector<16xf32>
      %exp3A_661 = math.exp %add3A_660 : vector<16xf32>
      %swap3A_662 = arith.constant 6 : i32
      %swap3A_663 = arith.index_cast %swap3A_662 : i32 to index
      %swap3A_664 = arith.constant 64 : index
      %swap3A_665 = tpu.vector_load %arg11[%swap3A_663, %swap3A_664] {strides = array<i32>} : memref<16x128xf32, #tpu.memory_space<vmem>>, vector<16xf32>,
      tpu.vector_store %arg11[%swap3A_663, %swap3A_664], %exp3A_661 {strides = array<i32>} : memref<16x128xf32, #tpu.memory_space<vmem>>, vector<16xf32>,
      %get3A_666 = arith.constant 848 : index
      %get3A_667 = tpu.vector_load %arg8[%get3A_666] {strides = array<i32>} : memref<2048xi32, #tpu.memory_space<vmem>>, vector<16xi32>,
      %gather3A_668 = tpu.vector_load_idx %arg7[%get3A_667] : memref<100000xf32, #tpu.memory_space<vmem>>[vector<16xi32>], vector<16xf32>,
      %get3A_669 = arith.constant 848 : index
      %get3A_670 = tpu.vector_load %arg9[%get3A_669] {strides = array<i32>} : memref<2048xf32, #tpu.memory_space<vmem>>, vector<16xf32>,
      %add3A_671 = arith.addf %gather3A_668, %get3A_670 : vector<16xf32>
      %exp3A_672 = math.exp %add3A_671 : vector<16xf32>
      %swap3A_673 = arith.constant 6 : i32
      %swap3A_674 = arith.index_cast %swap3A_673 : i32 to index
      %swap3A_675 = arith.constant 80 : index
      %swap3A_676 = tpu.vector_load %arg11[%swap3A_674, %swap3A_675] {strides = array<i32>} : memref<16x128xf32, #tpu.memory_space<vmem>>, vector<16xf32>,
      tpu.vector_store %arg11[%swap3A_674, %swap3A_675], %exp3A_672 {strides = array<i32>} : memref<16x128xf32, #tpu.memory_space<vmem>>, vector<16xf32>,
      %get3A_677 = arith.constant 864 : index
      %get3A_678 = tpu.vector_load %arg8[%get3A_677] {strides = array<i32>} : memref<2048xi32, #tpu.memory_space<vmem>>, vector<16xi32>,
      %gather3A_679 = tpu.vector_load_idx %arg7[%get3A_678] : memref<100000xf32, #tpu.memory_space<vmem>>[vector<16xi32>], vector<16xf32>,
      %get3A_680 = arith.constant 864 : index
      %get3A_681 = tpu.vector_load %arg9[%get3A_680] {strides = array<i32>} : memref<2048xf32, #tpu.memory_space<vmem>>, vector<16xf32>,
      %add3A_682 = arith.addf %gather3A_679, %get3A_681 : vector<16xf32>
      %exp3A_683 = math.exp %add3A_682 : vector<16xf32>
      %swap3A_684 = arith.constant 6 : i32
      %swap3A_685 = arith.index_cast %swap3A_684 : i32 to index
      %swap3A_686 = arith.constant 96 : index
      %swap3A_687 = tpu.vector_load %arg11[%swap3A_685, %swap3A_686] {strides = array<i32>} : memref<16x128xf32, #tpu.memory_space<vmem>>, vector<16xf32>,
      tpu.vector_store %arg11[%swap3A_685, %swap3A_686], %exp3A_683 {strides = array<i32>} : memref<16x128xf32, #tpu.memory_space<vmem>>, vector<16xf32>,
      %get3A_688 = arith.constant 880 : index
      %get3A_689 = tpu.vector_load %arg8[%get3A_688] {strides = array<i32>} : memref<2048xi32, #tpu.memory_space<vmem>>, vector<16xi32>,
      %gather3A_690 = tpu.vector_load_idx %arg7[%get3A_689] : memref<100000xf32, #tpu.memory_space<vmem>>[vector<16xi32>], vector<16xf32>,
      %get3A_691 = arith.constant 880 : index
      %get3A_692 = tpu.vector_load %arg9[%get3A_691] {strides = array<i32>} : memref<2048xf32, #tpu.memory_space<vmem>>, vector<16xf32>,
      %add3A_693 = arith.addf %gather3A_690, %get3A_692 : vector<16xf32>
      %exp3A_694 = math.exp %add3A_693 : vector<16xf32>
      %swap3A_695 = arith.constant 6 : i32
      %swap3A_696 = arith.index_cast %swap3A_695 : i32 to index
      %swap3A_697 = arith.constant 112 : index
      %swap3A_698 = tpu.vector_load %arg11[%swap3A_696, %swap3A_697] {strides = array<i32>} : memref<16x128xf32, #tpu.memory_space<vmem>>, vector<16xf32>,
      tpu.vector_store %arg11[%swap3A_696, %swap3A_697], %exp3A_694 {strides = array<i32>} : memref<16x128xf32, #tpu.memory_space<vmem>>, vector<16xf32>,
      %get3A_699 = arith.constant 896 : index
      %get3A_700 = tpu.vector_load %arg8[%get3A_699] {strides = array<i32>} : memref<2048xi32, #tpu.memory_space<vmem>>, vector<16xi32>,
      %gather3A_701 = tpu.vector_load_idx %arg7[%get3A_700] : memref<100000xf32, #tpu.memory_space<vmem>>[vector<16xi32>], vector<16xf32>,
      %get3A_702 = arith.constant 896 : index
      %get3A_703 = tpu.vector_load %arg9[%get3A_702] {strides = array<i32>} : memref<2048xf32, #tpu.memory_space<vmem>>, vector<16xf32>,
      %add3A_704 = arith.addf %gather3A_701, %get3A_703 : vector<16xf32>
      %exp3A_705 = math.exp %add3A_704 : vector<16xf32>
      %swap3A_706 = arith.constant 7 : i32
      %swap3A_707 = arith.index_cast %swap3A_706 : i32 to index
      %swap3A_708 = arith.constant 0 : index
      %swap3A_709 = tpu.vector_load %arg11[%swap3A_707, %swap3A_708] {strides = array<i32>} : memref<16x128xf32, #tpu.memory_space<vmem>>, vector<16xf32>,
      tpu.vector_store %arg11[%swap3A_707, %swap3A_708], %exp3A_705 {strides = array<i32>} : memref<16x128xf32, #tpu.memory_space<vmem>>, vector<16xf32>,
      %get3A_710 = arith.constant 912 : index
      %get3A_711 = tpu.vector_load %arg8[%get3A_710] {strides = array<i32>} : memref<2048xi32, #tpu.memory_space<vmem>>, vector<16xi32>,
      %gather3A_712 = tpu.vector_load_idx %arg7[%get3A_711] : memref<100000xf32, #tpu.memory_space<vmem>>[vector<16xi32>], vector<16xf32>,
      %get3A_713 = arith.constant 912 : index
      %get3A_714 = tpu.vector_load %arg9[%get3A_713] {strides = array<i32>} : memref<2048xf32, #tpu.memory_space<vmem>>, vector<16xf32>,
      %add3A_715 = arith.addf %gather3A_712, %get3A_714 : vector<16xf32>
      %exp3A_716 = math.exp %add3A_715 : vector<16xf32>
      %swap3A_717 = arith.constant 7 : i32
      %swap3A_718 = arith.index_cast %swap3A_717 : i32 to index
      %swap3A_719 = arith.constant 16 : index
      %swap3A_720 = tpu.vector_load %arg11[%swap3A_718, %swap3A_719] {strides = array<i32>} : memref<16x128xf32, #tpu.memory_space<vmem>>, vector<16xf32>,
      tpu.vector_store %arg11[%swap3A_718, %swap3A_719], %exp3A_716 {strides = array<i32>} : memref<16x128xf32, #tpu.memory_space<vmem>>, vector<16xf32>,
      %get3A_721 = arith.constant 928 : index
      %get3A_722 = tpu.vector_load %arg8[%get3A_721] {strides = array<i32>} : memref<2048xi32, #tpu.memory_space<vmem>>, vector<16xi32>,
      %gather3A_723 = tpu.vector_load_idx %arg7[%get3A_722] : memref<100000xf32, #tpu.memory_space<vmem>>[vector<16xi32>], vector<16xf32>,
      %get3A_724 = arith.constant 928 : index
      %get3A_725 = tpu.vector_load %arg9[%get3A_724] {strides = array<i32>} : memref<2048xf32, #tpu.memory_space<vmem>>, vector<16xf32>,
      %add3A_726 = arith.addf %gather3A_723, %get3A_725 : vector<16xf32>
      %exp3A_727 = math.exp %add3A_726 : vector<16xf32>
      %swap3A_728 = arith.constant 7 : i32
      %swap3A_729 = arith.index_cast %swap3A_728 : i32 to index
      %swap3A_730 = arith.constant 32 : index
      %swap3A_731 = tpu.vector_load %arg11[%swap3A_729, %swap3A_730] {strides = array<i32>} : memref<16x128xf32, #tpu.memory_space<vmem>>, vector<16xf32>,
      tpu.vector_store %arg11[%swap3A_729, %swap3A_730], %exp3A_727 {strides = array<i32>} : memref<16x128xf32, #tpu.memory_space<vmem>>, vector<16xf32>,
      %get3A_732 = arith.constant 944 : index
      %get3A_733 = tpu.vector_load %arg8[%get3A_732] {strides = array<i32>} : memref<2048xi32, #tpu.memory_space<vmem>>, vector<16xi32>,
      %gather3A_734 = tpu.vector_load_idx %arg7[%get3A_733] : memref<100000xf32, #tpu.memory_space<vmem>>[vector<16xi32>], vector<16xf32>,
      %get3A_735 = arith.constant 944 : index
      %get3A_736 = tpu.vector_load %arg9[%get3A_735] {strides = array<i32>} : memref<2048xf32, #tpu.memory_space<vmem>>, vector<16xf32>,
      %add3A_737 = arith.addf %gather3A_734, %get3A_736 : vector<16xf32>
      %exp3A_738 = math.exp %add3A_737 : vector<16xf32>
      %swap3A_739 = arith.constant 7 : i32
      %swap3A_740 = arith.index_cast %swap3A_739 : i32 to index
      %swap3A_741 = arith.constant 48 : index
      %swap3A_742 = tpu.vector_load %arg11[%swap3A_740, %swap3A_741] {strides = array<i32>} : memref<16x128xf32, #tpu.memory_space<vmem>>, vector<16xf32>,
      tpu.vector_store %arg11[%swap3A_740, %swap3A_741], %exp3A_738 {strides = array<i32>} : memref<16x128xf32, #tpu.memory_space<vmem>>, vector<16xf32>,
      %get3A_743 = arith.constant 960 : index
      %get3A_744 = tpu.vector_load %arg8[%get3A_743] {strides = array<i32>} : memref<2048xi32, #tpu.memory_space<vmem>>, vector<16xi32>,
      %gather3A_745 = tpu.vector_load_idx %arg7[%get3A_744] : memref<100000xf32, #tpu.memory_space<vmem>>[vector<16xi32>], vector<16xf32>,
      %get3A_746 = arith.constant 960 : index
      %get3A_747 = tpu.vector_load %arg9[%get3A_746] {strides = array<i32>} : memref<2048xf32, #tpu.memory_space<vmem>>, vector<16xf32>,
      %add3A_748 = arith.addf %gather3A_745, %get3A_747 : vector<16xf32>
      %exp3A_749 = math.exp %add3A_748 : vector<16xf32>
      %swap3A_750 = arith.constant 7 : i32
      %swap3A_751 = arith.index_cast %swap3A_750 : i32 to index
      %swap3A_752 = arith.constant 64 : index
      %swap3A_753 = tpu.vector_load %arg11[%swap3A_751, %swap3A_752] {strides = array<i32>} : memref<16x128xf32, #tpu.memory_space<vmem>>, vector<16xf32>,
      tpu.vector_store %arg11[%swap3A_751, %swap3A_752], %exp3A_749 {strides = array<i32>} : memref<16x128xf32, #tpu.memory_space<vmem>>, vector<16xf32>,
      %get3A_754 = arith.constant 976 : index
      %get3A_755 = tpu.vector_load %arg8[%get3A_754] {strides = array<i32>} : memref<2048xi32, #tpu.memory_space<vmem>>, vector<16xi32>,
      %gather3A_756 = tpu.vector_load_idx %arg7[%get3A_755] : memref<100000xf32, #tpu.memory_space<vmem>>[vector<16xi32>], vector<16xf32>,
      %get3A_757 = arith.constant 976 : index
      %get3A_758 = tpu.vector_load %arg9[%get3A_757] {strides = array<i32>} : memref<2048xf32, #tpu.memory_space<vmem>>, vector<16xf32>,
      %add3A_759 = arith.addf %gather3A_756, %get3A_758 : vector<16xf32>
      %exp3A_760 = math.exp %add3A_759 : vector<16xf32>
      %swap3A_761 = arith.constant 7 : i32
      %swap3A_762 = arith.index_cast %swap3A_761 : i32 to index
      %swap3A_763 = arith.constant 80 : index
      %swap3A_764 = tpu.vector_load %arg11[%swap3A_762, %swap3A_763] {strides = array<i32>} : memref<16x128xf32, #tpu.memory_space<vmem>>, vector<16xf32>,
      tpu.vector_store %arg11[%swap3A_762, %swap3A_763], %exp3A_760 {strides = array<i32>} : memref<16x128xf32, #tpu.memory_space<vmem>>, vector<16xf32>,
      %get3A_765 = arith.constant 992 : index
      %get3A_766 = tpu.vector_load %arg8[%get3A_765] {strides = array<i32>} : memref<2048xi32, #tpu.memory_space<vmem>>, vector<16xi32>,
      %gather3A_767 = tpu.vector_load_idx %arg7[%get3A_766] : memref<100000xf32, #tpu.memory_space<vmem>>[vector<16xi32>], vector<16xf32>,
      %get3A_768 = arith.constant 992 : index
      %get3A_769 = tpu.vector_load %arg9[%get3A_768] {strides = array<i32>} : memref<2048xf32, #tpu.memory_space<vmem>>, vector<16xf32>,
      %add3A_770 = arith.addf %gather3A_767, %get3A_769 : vector<16xf32>
      %exp3A_771 = math.exp %add3A_770 : vector<16xf32>
      %swap3A_772 = arith.constant 7 : i32
      %swap3A_773 = arith.index_cast %swap3A_772 : i32 to index
      %swap3A_774 = arith.constant 96 : index
      %swap3A_775 = tpu.vector_load %arg11[%swap3A_773, %swap3A_774] {strides = array<i32>} : memref<16x128xf32, #tpu.memory_space<vmem>>, vector<16xf32>,
      tpu.vector_store %arg11[%swap3A_773, %swap3A_774], %exp3A_771 {strides = array<i32>} : memref<16x128xf32, #tpu.memory_space<vmem>>, vector<16xf32>,
      %get3A_776 = arith.constant 1008 : index
      %get3A_777 = tpu.vector_load %arg8[%get3A_776] {strides = array<i32>} : memref<2048xi32, #tpu.memory_space<vmem>>, vector<16xi32>,
      %gather3A_778 = tpu.vector_load_idx %arg7[%get3A_777] : memref<100000xf32, #tpu.memory_space<vmem>>[vector<16xi32>], vector<16xf32>,
      %get3A_779 = arith.constant 1008 : index
      %get3A_780 = tpu.vector_load %arg9[%get3A_779] {strides = array<i32>} : memref<2048xf32, #tpu.memory_space<vmem>>, vector<16xf32>,
      %add3A_781 = arith.addf %gather3A_778, %get3A_780 : vector<16xf32>
      %exp3A_782 = math.exp %add3A_781 : vector<16xf32>
      %swap3A_783 = arith.constant 7 : i32
      %swap3A_784 = arith.index_cast %swap3A_783 : i32 to index
      %swap3A_785 = arith.constant 112 : index
      %swap3A_786 = tpu.vector_load %arg11[%swap3A_784, %swap3A_785] {strides = array<i32>} : memref<16x128xf32, #tpu.memory_space<vmem>>, vector<16xf32>,
      tpu.vector_store %arg11[%swap3A_784, %swap3A_785], %exp3A_782 {strides = array<i32>} : memref<16x128xf32, #tpu.memory_space<vmem>>, vector<16xf32>,
      %get3A_787 = arith.constant 1024 : index
      %get3A_788 = tpu.vector_load %arg8[%get3A_787] {strides = array<i32>} : memref<2048xi32, #tpu.memory_space<vmem>>, vector<16xi32>,
      %gather3A_789 = tpu.vector_load_idx %arg7[%get3A_788] : memref<100000xf32, #tpu.memory_space<vmem>>[vector<16xi32>], vector<16xf32>,
      %get3A_790 = arith.constant 1024 : index
      %get3A_791 = tpu.vector_load %arg9[%get3A_790] {strides = array<i32>} : memref<2048xf32, #tpu.memory_space<vmem>>, vector<16xf32>,
      %add3A_792 = arith.addf %gather3A_789, %get3A_791 : vector<16xf32>
      %exp3A_793 = math.exp %add3A_792 : vector<16xf32>
      %swap3A_794 = arith.constant 8 : i32
      %swap3A_795 = arith.index_cast %swap3A_794 : i32 to index
      %swap3A_796 = arith.constant 0 : index
      %swap3A_797 = tpu.vector_load %arg11[%swap3A_795, %swap3A_796] {strides = array<i32>} : memref<16x128xf32, #tpu.memory_space<vmem>>, vector<16xf32>,
      tpu.vector_store %arg11[%swap3A_795, %swap3A_796], %exp3A_793 {strides = array<i32>} : memref<16x128xf32, #tpu.memory_space<vmem>>, vector<16xf32>,
      %get3A_798 = arith.constant 1040 : index
      %get3A_799 = tpu.vector_load %arg8[%get3A_798] {strides = array<i32>} : memref<2048xi32, #tpu.memory_space<vmem>>, vector<16xi32>,
      %gather3A_800 = tpu.vector_load_idx %arg7[%get3A_799] : memref<100000xf32, #tpu.memory_space<vmem>>[vector<16xi32>], vector<16xf32>,
      %get3A_801 = arith.constant 1040 : index
      %get3A_802 = tpu.vector_load %arg9[%get3A_801] {strides = array<i32>} : memref<2048xf32, #tpu.memory_space<vmem>>, vector<16xf32>,
      %add3A_803 = arith.addf %gather3A_800, %get3A_802 : vector<16xf32>
      %exp3A_804 = math.exp %add3A_803 : vector<16xf32>
      %swap3A_805 = arith.constant 8 : i32
      %swap3A_806 = arith.index_cast %swap3A_805 : i32 to index
      %swap3A_807 = arith.constant 16 : index
      %swap3A_808 = tpu.vector_load %arg11[%swap3A_806, %swap3A_807] {strides = array<i32>} : memref<16x128xf32, #tpu.memory_space<vmem>>, vector<16xf32>,
      tpu.vector_store %arg11[%swap3A_806, %swap3A_807], %exp3A_804 {strides = array<i32>} : memref<16x128xf32, #tpu.memory_space<vmem>>, vector<16xf32>,
      %get3A_809 = arith.constant 1056 : index
      %get3A_810 = tpu.vector_load %arg8[%get3A_809] {strides = array<i32>} : memref<2048xi32, #tpu.memory_space<vmem>>, vector<16xi32>,
      %gather3A_811 = tpu.vector_load_idx %arg7[%get3A_810] : memref<100000xf32, #tpu.memory_space<vmem>>[vector<16xi32>], vector<16xf32>,
      %get3A_812 = arith.constant 1056 : index
      %get3A_813 = tpu.vector_load %arg9[%get3A_812] {strides = array<i32>} : memref<2048xf32, #tpu.memory_space<vmem>>, vector<16xf32>,
      %add3A_814 = arith.addf %gather3A_811, %get3A_813 : vector<16xf32>
      %exp3A_815 = math.exp %add3A_814 : vector<16xf32>
      %swap3A_816 = arith.constant 8 : i32
      %swap3A_817 = arith.index_cast %swap3A_816 : i32 to index
      %swap3A_818 = arith.constant 32 : index
      %swap3A_819 = tpu.vector_load %arg11[%swap3A_817, %swap3A_818] {strides = array<i32>} : memref<16x128xf32, #tpu.memory_space<vmem>>, vector<16xf32>,
      tpu.vector_store %arg11[%swap3A_817, %swap3A_818], %exp3A_815 {strides = array<i32>} : memref<16x128xf32, #tpu.memory_space<vmem>>, vector<16xf32>,
      %get3A_820 = arith.constant 1072 : index
      %get3A_821 = tpu.vector_load %arg8[%get3A_820] {strides = array<i32>} : memref<2048xi32, #tpu.memory_space<vmem>>, vector<16xi32>,
      %gather3A_822 = tpu.vector_load_idx %arg7[%get3A_821] : memref<100000xf32, #tpu.memory_space<vmem>>[vector<16xi32>], vector<16xf32>,
      %get3A_823 = arith.constant 1072 : index
      %get3A_824 = tpu.vector_load %arg9[%get3A_823] {strides = array<i32>} : memref<2048xf32, #tpu.memory_space<vmem>>, vector<16xf32>,
      %add3A_825 = arith.addf %gather3A_822, %get3A_824 : vector<16xf32>
      %exp3A_826 = math.exp %add3A_825 : vector<16xf32>
      %swap3A_827 = arith.constant 8 : i32
      %swap3A_828 = arith.index_cast %swap3A_827 : i32 to index
      %swap3A_829 = arith.constant 48 : index
      %swap3A_830 = tpu.vector_load %arg11[%swap3A_828, %swap3A_829] {strides = array<i32>} : memref<16x128xf32, #tpu.memory_space<vmem>>, vector<16xf32>,
      tpu.vector_store %arg11[%swap3A_828, %swap3A_829], %exp3A_826 {strides = array<i32>} : memref<16x128xf32, #tpu.memory_space<vmem>>, vector<16xf32>,
      %get3A_831 = arith.constant 1088 : index
      %get3A_832 = tpu.vector_load %arg8[%get3A_831] {strides = array<i32>} : memref<2048xi32, #tpu.memory_space<vmem>>, vector<16xi32>,
      %gather3A_833 = tpu.vector_load_idx %arg7[%get3A_832] : memref<100000xf32, #tpu.memory_space<vmem>>[vector<16xi32>], vector<16xf32>,
      %get3A_834 = arith.constant 1088 : index
      %get3A_835 = tpu.vector_load %arg9[%get3A_834] {strides = array<i32>} : memref<2048xf32, #tpu.memory_space<vmem>>, vector<16xf32>,
      %add3A_836 = arith.addf %gather3A_833, %get3A_835 : vector<16xf32>
      %exp3A_837 = math.exp %add3A_836 : vector<16xf32>
      %swap3A_838 = arith.constant 8 : i32
      %swap3A_839 = arith.index_cast %swap3A_838 : i32 to index
      %swap3A_840 = arith.constant 64 : index
      %swap3A_841 = tpu.vector_load %arg11[%swap3A_839, %swap3A_840] {strides = array<i32>} : memref<16x128xf32, #tpu.memory_space<vmem>>, vector<16xf32>,
      tpu.vector_store %arg11[%swap3A_839, %swap3A_840], %exp3A_837 {strides = array<i32>} : memref<16x128xf32, #tpu.memory_space<vmem>>, vector<16xf32>,
      %get3A_842 = arith.constant 1104 : index
      %get3A_843 = tpu.vector_load %arg8[%get3A_842] {strides = array<i32>} : memref<2048xi32, #tpu.memory_space<vmem>>, vector<16xi32>,
      %gather3A_844 = tpu.vector_load_idx %arg7[%get3A_843] : memref<100000xf32, #tpu.memory_space<vmem>>[vector<16xi32>], vector<16xf32>,
      %get3A_845 = arith.constant 1104 : index
      %get3A_846 = tpu.vector_load %arg9[%get3A_845] {strides = array<i32>} : memref<2048xf32, #tpu.memory_space<vmem>>, vector<16xf32>,
      %add3A_847 = arith.addf %gather3A_844, %get3A_846 : vector<16xf32>
      %exp3A_848 = math.exp %add3A_847 : vector<16xf32>
      %swap3A_849 = arith.constant 8 : i32
      %swap3A_850 = arith.index_cast %swap3A_849 : i32 to index
      %swap3A_851 = arith.constant 80 : index
      %swap3A_852 = tpu.vector_load %arg11[%swap3A_850, %swap3A_851] {strides = array<i32>} : memref<16x128xf32, #tpu.memory_space<vmem>>, vector<16xf32>,
      tpu.vector_store %arg11[%swap3A_850, %swap3A_851], %exp3A_848 {strides = array<i32>} : memref<16x128xf32, #tpu.memory_space<vmem>>, vector<16xf32>,
      %get3A_853 = arith.constant 1120 : index
      %get3A_854 = tpu.vector_load %arg8[%get3A_853] {strides = array<i32>} : memref<2048xi32, #tpu.memory_space<vmem>>, vector<16xi32>,
      %gather3A_855 = tpu.vector_load_idx %arg7[%get3A_854] : memref<100000xf32, #tpu.memory_space<vmem>>[vector<16xi32>], vector<16xf32>,
      %get3A_856 = arith.constant 1120 : index
      %get3A_857 = tpu.vector_load %arg9[%get3A_856] {strides = array<i32>} : memref<2048xf32, #tpu.memory_space<vmem>>, vector<16xf32>,
      %add3A_858 = arith.addf %gather3A_855, %get3A_857 : vector<16xf32>
      %exp3A_859 = math.exp %add3A_858 : vector<16xf32>
      %swap3A_860 = arith.constant 8 : i32
      %swap3A_861 = arith.index_cast %swap3A_860 : i32 to index
      %swap3A_862 = arith.constant 96 : index
      %swap3A_863 = tpu.vector_load %arg11[%swap3A_861, %swap3A_862] {strides = array<i32>} : memref<16x128xf32, #tpu.memory_space<vmem>>, vector<16xf32>,
      tpu.vector_store %arg11[%swap3A_861, %swap3A_862], %exp3A_859 {strides = array<i32>} : memref<16x128xf32, #tpu.memory_space<vmem>>, vector<16xf32>,
      %get3A_864 = arith.constant 1136 : index
      %get3A_865 = tpu.vector_load %arg8[%get3A_864] {strides = array<i32>} : memref<2048xi32, #tpu.memory_space<vmem>>, vector<16xi32>,
      %gather3A_866 = tpu.vector_load_idx %arg7[%get3A_865] : memref<100000xf32, #tpu.memory_space<vmem>>[vector<16xi32>], vector<16xf32>,
      %get3A_867 = arith.constant 1136 : index
      %get3A_868 = tpu.vector_load %arg9[%get3A_867] {strides = array<i32>} : memref<2048xf32, #tpu.memory_space<vmem>>, vector<16xf32>,
      %add3A_869 = arith.addf %gather3A_866, %get3A_868 : vector<16xf32>
      %exp3A_870 = math.exp %add3A_869 : vector<16xf32>
      %swap3A_871 = arith.constant 8 : i32
      %swap3A_872 = arith.index_cast %swap3A_871 : i32 to index
      %swap3A_873 = arith.constant 112 : index
      %swap3A_874 = tpu.vector_load %arg11[%swap3A_872, %swap3A_873] {strides = array<i32>} : memref<16x128xf32, #tpu.memory_space<vmem>>, vector<16xf32>,
      tpu.vector_store %arg11[%swap3A_872, %swap3A_873], %exp3A_870 {strides = array<i32>} : memref<16x128xf32, #tpu.memory_space<vmem>>, vector<16xf32>,
      %get3A_875 = arith.constant 1152 : index
      %get3A_876 = tpu.vector_load %arg8[%get3A_875] {strides = array<i32>} : memref<2048xi32, #tpu.memory_space<vmem>>, vector<16xi32>,
      %gather3A_877 = tpu.vector_load_idx %arg7[%get3A_876] : memref<100000xf32, #tpu.memory_space<vmem>>[vector<16xi32>], vector<16xf32>,
      %get3A_878 = arith.constant 1152 : index
      %get3A_879 = tpu.vector_load %arg9[%get3A_878] {strides = array<i32>} : memref<2048xf32, #tpu.memory_space<vmem>>, vector<16xf32>,
      %add3A_880 = arith.addf %gather3A_877, %get3A_879 : vector<16xf32>
      %exp3A_881 = math.exp %add3A_880 : vector<16xf32>
      %swap3A_882 = arith.constant 9 : i32
      %swap3A_883 = arith.index_cast %swap3A_882 : i32 to index
      %swap3A_884 = arith.constant 0 : index
      %swap3A_885 = tpu.vector_load %arg11[%swap3A_883, %swap3A_884] {strides = array<i32>} : memref<16x128xf32, #tpu.memory_space<vmem>>, vector<16xf32>,
      tpu.vector_store %arg11[%swap3A_883, %swap3A_884], %exp3A_881 {strides = array<i32>} : memref<16x128xf32, #tpu.memory_space<vmem>>, vector<16xf32>,
      %get3A_886 = arith.constant 1168 : index
      %get3A_887 = tpu.vector_load %arg8[%get3A_886] {strides = array<i32>} : memref<2048xi32, #tpu.memory_space<vmem>>, vector<16xi32>,
      %gather3A_888 = tpu.vector_load_idx %arg7[%get3A_887] : memref<100000xf32, #tpu.memory_space<vmem>>[vector<16xi32>], vector<16xf32>,
      %get3A_889 = arith.constant 1168 : index
      %get3A_890 = tpu.vector_load %arg9[%get3A_889] {strides = array<i32>} : memref<2048xf32, #tpu.memory_space<vmem>>, vector<16xf32>,
      %add3A_891 = arith.addf %gather3A_888, %get3A_890 : vector<16xf32>
      %exp3A_892 = math.exp %add3A_891 : vector<16xf32>
      %swap3A_893 = arith.constant 9 : i32
      %swap3A_894 = arith.index_cast %swap3A_893 : i32 to index
      %swap3A_895 = arith.constant 16 : index
      %swap3A_896 = tpu.vector_load %arg11[%swap3A_894, %swap3A_895] {strides = array<i32>} : memref<16x128xf32, #tpu.memory_space<vmem>>, vector<16xf32>,
      tpu.vector_store %arg11[%swap3A_894, %swap3A_895], %exp3A_892 {strides = array<i32>} : memref<16x128xf32, #tpu.memory_space<vmem>>, vector<16xf32>,
      %get3A_897 = arith.constant 1184 : index
      %get3A_898 = tpu.vector_load %arg8[%get3A_897] {strides = array<i32>} : memref<2048xi32, #tpu.memory_space<vmem>>, vector<16xi32>,
      %gather3A_899 = tpu.vector_load_idx %arg7[%get3A_898] : memref<100000xf32, #tpu.memory_space<vmem>>[vector<16xi32>], vector<16xf32>,
      %get3A_900 = arith.constant 1184 : index
      %get3A_901 = tpu.vector_load %arg9[%get3A_900] {strides = array<i32>} : memref<2048xf32, #tpu.memory_space<vmem>>, vector<16xf32>,
      %add3A_902 = arith.addf %gather3A_899, %get3A_901 : vector<16xf32>
      %exp3A_903 = math.exp %add3A_902 : vector<16xf32>
      %swap3A_904 = arith.constant 9 : i32
      %swap3A_905 = arith.index_cast %swap3A_904 : i32 to index
      %swap3A_906 = arith.constant 32 : index
      %swap3A_907 = tpu.vector_load %arg11[%swap3A_905, %swap3A_906] {strides = array<i32>} : memref<16x128xf32, #tpu.memory_space<vmem>>, vector<16xf32>,
      tpu.vector_store %arg11[%swap3A_905, %swap3A_906], %exp3A_903 {strides = array<i32>} : memref<16x128xf32, #tpu.memory_space<vmem>>, vector<16xf32>,
      %get3A_908 = arith.constant 1200 : index
      %get3A_909 = tpu.vector_load %arg8[%get3A_908] {strides = array<i32>} : memref<2048xi32, #tpu.memory_space<vmem>>, vector<16xi32>,
      %gather3A_910 = tpu.vector_load_idx %arg7[%get3A_909] : memref<100000xf32, #tpu.memory_space<vmem>>[vector<16xi32>], vector<16xf32>,
      %get3A_911 = arith.constant 1200 : index
      %get3A_912 = tpu.vector_load %arg9[%get3A_911] {strides = array<i32>} : memref<2048xf32, #tpu.memory_space<vmem>>, vector<16xf32>,
      %add3A_913 = arith.addf %gather3A_910, %get3A_912 : vector<16xf32>
      %exp3A_914 = math.exp %add3A_913 : vector<16xf32>
      %swap3A_915 = arith.constant 9 : i32
      %swap3A_916 = arith.index_cast %swap3A_915 : i32 to index
      %swap3A_917 = arith.constant 48 : index
      %swap3A_918 = tpu.vector_load %arg11[%swap3A_916, %swap3A_917] {strides = array<i32>} : memref<16x128xf32, #tpu.memory_space<vmem>>, vector<16xf32>,
      tpu.vector_store %arg11[%swap3A_916, %swap3A_917], %exp3A_914 {strides = array<i32>} : memref<16x128xf32, #tpu.memory_space<vmem>>, vector<16xf32>,
      %get3A_919 = arith.constant 1216 : index
      %get3A_920 = tpu.vector_load %arg8[%get3A_919] {strides = array<i32>} : memref<2048xi32, #tpu.memory_space<vmem>>, vector<16xi32>,
      %gather3A_921 = tpu.vector_load_idx %arg7[%get3A_920] : memref<100000xf32, #tpu.memory_space<vmem>>[vector<16xi32>], vector<16xf32>,
      %get3A_922 = arith.constant 1216 : index
      %get3A_923 = tpu.vector_load %arg9[%get3A_922] {strides = array<i32>} : memref<2048xf32, #tpu.memory_space<vmem>>, vector<16xf32>,
      %add3A_924 = arith.addf %gather3A_921, %get3A_923 : vector<16xf32>
      %exp3A_925 = math.exp %add3A_924 : vector<16xf32>
      %swap3A_926 = arith.constant 9 : i32
      %swap3A_927 = arith.index_cast %swap3A_926 : i32 to index
      %swap3A_928 = arith.constant 64 : index
      %swap3A_929 = tpu.vector_load %arg11[%swap3A_927, %swap3A_928] {strides = array<i32>} : memref<16x128xf32, #tpu.memory_space<vmem>>, vector<16xf32>,
      tpu.vector_store %arg11[%swap3A_927, %swap3A_928], %exp3A_925 {strides = array<i32>} : memref<16x128xf32, #tpu.memory_space<vmem>>, vector<16xf32>,
      %get3A_930 = arith.constant 1232 : index
      %get3A_931 = tpu.vector_load %arg8[%get3A_930] {strides = array<i32>} : memref<2048xi32, #tpu.memory_space<vmem>>, vector<16xi32>,
      %gather3A_932 = tpu.vector_load_idx %arg7[%get3A_931] : memref<100000xf32, #tpu.memory_space<vmem>>[vector<16xi32>], vector<16xf32>,
      %get3A_933 = arith.constant 1232 : index
      %get3A_934 = tpu.vector_load %arg9[%get3A_933] {strides = array<i32>} : memref<2048xf32, #tpu.memory_space<vmem>>, vector<16xf32>,
      %add3A_935 = arith.addf %gather3A_932, %get3A_934 : vector<16xf32>
      %exp3A_936 = math.exp %add3A_935 : vector<16xf32>
      %swap3A_937 = arith.constant 9 : i32
      %swap3A_938 = arith.index_cast %swap3A_937 : i32 to index
      %swap3A_939 = arith.constant 80 : index
      %swap3A_940 = tpu.vector_load %arg11[%swap3A_938, %swap3A_939] {strides = array<i32>} : memref<16x128xf32, #tpu.memory_space<vmem>>, vector<16xf32>,
      tpu.vector_store %arg11[%swap3A_938, %swap3A_939], %exp3A_936 {strides = array<i32>} : memref<16x128xf32, #tpu.memory_space<vmem>>, vector<16xf32>,
      %get3A_941 = arith.constant 1248 : index
      %get3A_942 = tpu.vector_load %arg8[%get3A_941] {strides = array<i32>} : memref<2048xi32, #tpu.memory_space<vmem>>, vector<16xi32>,
      %gather3A_943 = tpu.vector_load_idx %arg7[%get3A_942] : memref<100000xf32, #tpu.memory_space<vmem>>[vector<16xi32>], vector<16xf32>,
      %get3A_944 = arith.constant 1248 : index
      %get3A_945 = tpu.vector_load %arg9[%get3A_944] {strides = array<i32>} : memref<2048xf32, #tpu.memory_space<vmem>>, vector<16xf32>,
      %add3A_946 = arith.addf %gather3A_943, %get3A_945 : vector<16xf32>
      %exp3A_947 = math.exp %add3A_946 : vector<16xf32>
      %swap3A_948 = arith.constant 9 : i32
      %swap3A_949 = arith.index_cast %swap3A_948 : i32 to index
      %swap3A_950 = arith.constant 96 : index
      %swap3A_951 = tpu.vector_load %arg11[%swap3A_949, %swap3A_950] {strides = array<i32>} : memref<16x128xf32, #tpu.memory_space<vmem>>, vector<16xf32>,
      tpu.vector_store %arg11[%swap3A_949, %swap3A_950], %exp3A_947 {strides = array<i32>} : memref<16x128xf32, #tpu.memory_space<vmem>>, vector<16xf32>,
      %get3A_952 = arith.constant 1264 : index
      %get3A_953 = tpu.vector_load %arg8[%get3A_952] {strides = array<i32>} : memref<2048xi32, #tpu.memory_space<vmem>>, vector<16xi32>,
      %gather3A_954 = tpu.vector_load_idx %arg7[%get3A_953] : memref<100000xf32, #tpu.memory_space<vmem>>[vector<16xi32>], vector<16xf32>,
      %get3A_955 = arith.constant 1264 : index
      %get3A_956 = tpu.vector_load %arg9[%get3A_955] {strides = array<i32>} : memref<2048xf32, #tpu.memory_space<vmem>>, vector<16xf32>,
      %add3A_957 = arith.addf %gather3A_954, %get3A_956 : vector<16xf32>
      %exp3A_958 = math.exp %add3A_957 : vector<16xf32>
      %swap3A_959 = arith.constant 9 : i32
      %swap3A_960 = arith.index_cast %swap3A_959 : i32 to index
      %swap3A_961 = arith.constant 112 : index
      %swap3A_962 = tpu.vector_load %arg11[%swap3A_960, %swap3A_961] {strides = array<i32>} : memref<16x128xf32, #tpu.memory_space<vmem>>, vector<16xf32>,
      tpu.vector_store %arg11[%swap3A_960, %swap3A_961], %exp3A_958 {strides = array<i32>} : memref<16x128xf32, #tpu.memory_space<vmem>>, vector<16xf32>,
      %get3A_963 = arith.constant 1280 : index
      %get3A_964 = tpu.vector_load %arg8[%get3A_963] {strides = array<i32>} : memref<2048xi32, #tpu.memory_space<vmem>>, vector<16xi32>,
      %gather3A_965 = tpu.vector_load_idx %arg7[%get3A_964] : memref<100000xf32, #tpu.memory_space<vmem>>[vector<16xi32>], vector<16xf32>,
      %get3A_966 = arith.constant 1280 : index
      %get3A_967 = tpu.vector_load %arg9[%get3A_966] {strides = array<i32>} : memref<2048xf32, #tpu.memory_space<vmem>>, vector<16xf32>,
      %add3A_968 = arith.addf %gather3A_965, %get3A_967 : vector<16xf32>
      %exp3A_969 = math.exp %add3A_968 : vector<16xf32>
      %swap3A_970 = arith.constant 10 : i32
      %swap3A_971 = arith.index_cast %swap3A_970 : i32 to index
      %swap3A_972 = arith.constant 0 : index
      %swap3A_973 = tpu.vector_load %arg11[%swap3A_971, %swap3A_972] {strides = array<i32>} : memref<16x128xf32, #tpu.memory_space<vmem>>, vector<16xf32>,
      tpu.vector_store %arg11[%swap3A_971, %swap3A_972], %exp3A_969 {strides = array<i32>} : memref<16x128xf32, #tpu.memory_space<vmem>>, vector<16xf32>,
      %get3A_974 = arith.constant 1296 : index
      %get3A_975 = tpu.vector_load %arg8[%get3A_974] {strides = array<i32>} : memref<2048xi32, #tpu.memory_space<vmem>>, vector<16xi32>,
      %gather3A_976 = tpu.vector_load_idx %arg7[%get3A_975] : memref<100000xf32, #tpu.memory_space<vmem>>[vector<16xi32>], vector<16xf32>,
      %get3A_977 = arith.constant 1296 : index
      %get3A_978 = tpu.vector_load %arg9[%get3A_977] {strides = array<i32>} : memref<2048xf32, #tpu.memory_space<vmem>>, vector<16xf32>,
      %add3A_979 = arith.addf %gather3A_976, %get3A_978 : vector<16xf32>
      %exp3A_980 = math.exp %add3A_979 : vector<16xf32>
      %swap3A_981 = arith.constant 10 : i32
      %swap3A_982 = arith.index_cast %swap3A_981 : i32 to index
      %swap3A_983 = arith.constant 16 : index
      %swap3A_984 = tpu.vector_load %arg11[%swap3A_982, %swap3A_983] {strides = array<i32>} : memref<16x128xf32, #tpu.memory_space<vmem>>, vector<16xf32>,
      tpu.vector_store %arg11[%swap3A_982, %swap3A_983], %exp3A_980 {strides = array<i32>} : memref<16x128xf32, #tpu.memory_space<vmem>>, vector<16xf32>,
      %get3A_985 = arith.constant 1312 : index
      %get3A_986 = tpu.vector_load %arg8[%get3A_985] {strides = array<i32>} : memref<2048xi32, #tpu.memory_space<vmem>>, vector<16xi32>,
      %gather3A_987 = tpu.vector_load_idx %arg7[%get3A_986] : memref<100000xf32, #tpu.memory_space<vmem>>[vector<16xi32>], vector<16xf32>,
      %get3A_988 = arith.constant 1312 : index
      %get3A_989 = tpu.vector_load %arg9[%get3A_988] {strides = array<i32>} : memref<2048xf32, #tpu.memory_space<vmem>>, vector<16xf32>,
      %add3A_990 = arith.addf %gather3A_987, %get3A_989 : vector<16xf32>
      %exp3A_991 = math.exp %add3A_990 : vector<16xf32>
      %swap3A_992 = arith.constant 10 : i32
      %swap3A_993 = arith.index_cast %swap3A_992 : i32 to index
      %swap3A_994 = arith.constant 32 : index
      %swap3A_995 = tpu.vector_load %arg11[%swap3A_993, %swap3A_994] {strides = array<i32>} : memref<16x128xf32, #tpu.memory_space<vmem>>, vector<16xf32>,
      tpu.vector_store %arg11[%swap3A_993, %swap3A_994], %exp3A_991 {strides = array<i32>} : memref<16x128xf32, #tpu.memory_space<vmem>>, vector<16xf32>,
      %get3A_996 = arith.constant 1328 : index
      %get3A_997 = tpu.vector_load %arg8[%get3A_996] {strides = array<i32>} : memref<2048xi32, #tpu.memory_space<vmem>>, vector<16xi32>,
      %gather3A_998 = tpu.vector_load_idx %arg7[%get3A_997] : memref<100000xf32, #tpu.memory_space<vmem>>[vector<16xi32>], vector<16xf32>,
      %get3A_999 = arith.constant 1328 : index
      %get3A_1000 = tpu.vector_load %arg9[%get3A_999] {strides = array<i32>} : memref<2048xf32, #tpu.memory_space<vmem>>, vector<16xf32>,
      %add3A_1001 = arith.addf %gather3A_998, %get3A_1000 : vector<16xf32>
      %exp3A_1002 = math.exp %add3A_1001 : vector<16xf32>
      %swap3A_1003 = arith.constant 10 : i32
      %swap3A_1004 = arith.index_cast %swap3A_1003 : i32 to index
      %swap3A_1005 = arith.constant 48 : index
      %swap3A_1006 = tpu.vector_load %arg11[%swap3A_1004, %swap3A_1005] {strides = array<i32>} : memref<16x128xf32, #tpu.memory_space<vmem>>, vector<16xf32>,
      tpu.vector_store %arg11[%swap3A_1004, %swap3A_1005], %exp3A_1002 {strides = array<i32>} : memref<16x128xf32, #tpu.memory_space<vmem>>, vector<16xf32>,
      %get3A_1007 = arith.constant 1344 : index
      %get3A_1008 = tpu.vector_load %arg8[%get3A_1007] {strides = array<i32>} : memref<2048xi32, #tpu.memory_space<vmem>>, vector<16xi32>,
      %gather3A_1009 = tpu.vector_load_idx %arg7[%get3A_1008] : memref<100000xf32, #tpu.memory_space<vmem>>[vector<16xi32>], vector<16xf32>,
      %get3A_1010 = arith.constant 1344 : index
      %get3A_1011 = tpu.vector_load %arg9[%get3A_1010] {strides = array<i32>} : memref<2048xf32, #tpu.memory_space<vmem>>, vector<16xf32>,
      %add3A_1012 = arith.addf %gather3A_1009, %get3A_1011 : vector<16xf32>
      %exp3A_1013 = math.exp %add3A_1012 : vector<16xf32>
      %swap3A_1014 = arith.constant 10 : i32
      %swap3A_1015 = arith.index_cast %swap3A_1014 : i32 to index
      %swap3A_1016 = arith.constant 64 : index
      %swap3A_1017 = tpu.vector_load %arg11[%swap3A_1015, %swap3A_1016] {strides = array<i32>} : memref<16x128xf32, #tpu.memory_space<vmem>>, vector<16xf32>,
      tpu.vector_store %arg11[%swap3A_1015, %swap3A_1016], %exp3A_1013 {strides = array<i32>} : memref<16x128xf32, #tpu.memory_space<vmem>>, vector<16xf32>,
      %get3A_1018 = arith.constant 1360 : index
      %get3A_1019 = tpu.vector_load %arg8[%get3A_1018] {strides = array<i32>} : memref<2048xi32, #tpu.memory_space<vmem>>, vector<16xi32>,
      %gather3A_1020 = tpu.vector_load_idx %arg7[%get3A_1019] : memref<100000xf32, #tpu.memory_space<vmem>>[vector<16xi32>], vector<16xf32>,
      %get3A_1021 = arith.constant 1360 : index
      %get3A_1022 = tpu.vector_load %arg9[%get3A_1021] {strides = array<i32>} : memref<2048xf32, #tpu.memory_space<vmem>>, vector<16xf32>,
      %add3A_1023 = arith.addf %gather3A_1020, %get3A_1022 : vector<16xf32>
      %exp3A_1024 = math.exp %add3A_1023 : vector<16xf32>
      %swap3A_1025 = arith.constant 10 : i32
      %swap3A_1026 = arith.index_cast %swap3A_1025 : i32 to index
      %swap3A_1027 = arith.constant 80 : index
      %swap3A_1028 = tpu.vector_load %arg11[%swap3A_1026, %swap3A_1027] {strides = array<i32>} : memref<16x128xf32, #tpu.memory_space<vmem>>, vector<16xf32>,
      tpu.vector_store %arg11[%swap3A_1026, %swap3A_1027], %exp3A_1024 {strides = array<i32>} : memref<16x128xf32, #tpu.memory_space<vmem>>, vector<16xf32>,
      %get3A_1029 = arith.constant 1376 : index
      %get3A_1030 = tpu.vector_load %arg8[%get3A_1029] {strides = array<i32>} : memref<2048xi32, #tpu.memory_space<vmem>>, vector<16xi32>,
      %gather3A_1031 = tpu.vector_load_idx %arg7[%get3A_1030] : memref<100000xf32, #tpu.memory_space<vmem>>[vector<16xi32>], vector<16xf32>,
      %get3A_1032 = arith.constant 1376 : index
      %get3A_1033 = tpu.vector_load %arg9[%get3A_1032] {strides = array<i32>} : memref<2048xf32, #tpu.memory_space<vmem>>, vector<16xf32>,
      %add3A_1034 = arith.addf %gather3A_1031, %get3A_1033 : vector<16xf32>
      %exp3A_1035 = math.exp %add3A_1034 : vector<16xf32>
      %swap3A_1036 = arith.constant 10 : i32
      %swap3A_1037 = arith.index_cast %swap3A_1036 : i32 to index
      %swap3A_1038 = arith.constant 96 : index
      %swap3A_1039 = tpu.vector_load %arg11[%swap3A_1037, %swap3A_1038] {strides = array<i32>} : memref<16x128xf32, #tpu.memory_space<vmem>>, vector<16xf32>,
      tpu.vector_store %arg11[%swap3A_1037, %swap3A_1038], %exp3A_1035 {strides = array<i32>} : memref<16x128xf32, #tpu.memory_space<vmem>>, vector<16xf32>,
      %get3A_1040 = arith.constant 1392 : index
      %get3A_1041 = tpu.vector_load %arg8[%get3A_1040] {strides = array<i32>} : memref<2048xi32, #tpu.memory_space<vmem>>, vector<16xi32>,
      %gather3A_1042 = tpu.vector_load_idx %arg7[%get3A_1041] : memref<100000xf32, #tpu.memory_space<vmem>>[vector<16xi32>], vector<16xf32>,
      %get3A_1043 = arith.constant 1392 : index
      %get3A_1044 = tpu.vector_load %arg9[%get3A_1043] {strides = array<i32>} : memref<2048xf32, #tpu.memory_space<vmem>>, vector<16xf32>,
      %add3A_1045 = arith.addf %gather3A_1042, %get3A_1044 : vector<16xf32>
      %exp3A_1046 = math.exp %add3A_1045 : vector<16xf32>
      %swap3A_1047 = arith.constant 10 : i32
      %swap3A_1048 = arith.index_cast %swap3A_1047 : i32 to index
      %swap3A_1049 = arith.constant 112 : index
      %swap3A_1050 = tpu.vector_load %arg11[%swap3A_1048, %swap3A_1049] {strides = array<i32>} : memref<16x128xf32, #tpu.memory_space<vmem>>, vector<16xf32>,
      tpu.vector_store %arg11[%swap3A_1048, %swap3A_1049], %exp3A_1046 {strides = array<i32>} : memref<16x128xf32, #tpu.memory_space<vmem>>, vector<16xf32>,
      %get3A_1051 = arith.constant 1408 : index
      %get3A_1052 = tpu.vector_load %arg8[%get3A_1051] {strides = array<i32>} : memref<2048xi32, #tpu.memory_space<vmem>>, vector<16xi32>,
      %gather3A_1053 = tpu.vector_load_idx %arg7[%get3A_1052] : memref<100000xf32, #tpu.memory_space<vmem>>[vector<16xi32>], vector<16xf32>,
      %get3A_1054 = arith.constant 1408 : index
      %get3A_1055 = tpu.vector_load %arg9[%get3A_1054] {strides = array<i32>} : memref<2048xf32, #tpu.memory_space<vmem>>, vector<16xf32>,
      %add3A_1056 = arith.addf %gather3A_1053, %get3A_1055 : vector<16xf32>
      %exp3A_1057 = math.exp %add3A_1056 : vector<16xf32>
      %swap3A_1058 = arith.constant 11 : i32
      %swap3A_1059 = arith.index_cast %swap3A_1058 : i32 to index
      %swap3A_1060 = arith.constant 0 : index
      %swap3A_1061 = tpu.vector_load %arg11[%swap3A_1059, %swap3A_1060] {strides = array<i32>} : memref<16x128xf32, #tpu.memory_space<vmem>>, vector<16xf32>,
      tpu.vector_store %arg11[%swap3A_1059, %swap3A_1060], %exp3A_1057 {strides = array<i32>} : memref<16x128xf32, #tpu.memory_space<vmem>>, vector<16xf32>,
      %get3A_1062 = arith.constant 1424 : index
      %get3A_1063 = tpu.vector_load %arg8[%get3A_1062] {strides = array<i32>} : memref<2048xi32, #tpu.memory_space<vmem>>, vector<16xi32>,
      %gather3A_1064 = tpu.vector_load_idx %arg7[%get3A_1063] : memref<100000xf32, #tpu.memory_space<vmem>>[vector<16xi32>], vector<16xf32>,
      %get3A_1065 = arith.constant 1424 : index
      %get3A_1066 = tpu.vector_load %arg9[%get3A_1065] {strides = array<i32>} : memref<2048xf32, #tpu.memory_space<vmem>>, vector<16xf32>,
      %add3A_1067 = arith.addf %gather3A_1064, %get3A_1066 : vector<16xf32>
      %exp3A_1068 = math.exp %add3A_1067 : vector<16xf32>
      %swap3A_1069 = arith.constant 11 : i32
      %swap3A_1070 = arith.index_cast %swap3A_1069 : i32 to index
      %swap3A_1071 = arith.constant 16 : index
      %swap3A_1072 = tpu.vector_load %arg11[%swap3A_1070, %swap3A_1071] {strides = array<i32>} : memref<16x128xf32, #tpu.memory_space<vmem>>, vector<16xf32>,
      tpu.vector_store %arg11[%swap3A_1070, %swap3A_1071], %exp3A_1068 {strides = array<i32>} : memref<16x128xf32, #tpu.memory_space<vmem>>, vector<16xf32>,
      %get3A_1073 = arith.constant 1440 : index
      %get3A_1074 = tpu.vector_load %arg8[%get3A_1073] {strides = array<i32>} : memref<2048xi32, #tpu.memory_space<vmem>>, vector<16xi32>,
      %gather3A_1075 = tpu.vector_load_idx %arg7[%get3A_1074] : memref<100000xf32, #tpu.memory_space<vmem>>[vector<16xi32>], vector<16xf32>,
      %get3A_1076 = arith.constant 1440 : index
      %get3A_1077 = tpu.vector_load %arg9[%get3A_1076] {strides = array<i32>} : memref<2048xf32, #tpu.memory_space<vmem>>, vector<16xf32>,
      %add3A_1078 = arith.addf %gather3A_1075, %get3A_1077 : vector<16xf32>
      %exp3A_1079 = math.exp %add3A_1078 : vector<16xf32>
      %swap3A_1080 = arith.constant 11 : i32
      %swap3A_1081 = arith.index_cast %swap3A_1080 : i32 to index
      %swap3A_1082 = arith.constant 32 : index
      %swap3A_1083 = tpu.vector_load %arg11[%swap3A_1081, %swap3A_1082] {strides = array<i32>} : memref<16x128xf32, #tpu.memory_space<vmem>>, vector<16xf32>,
      tpu.vector_store %arg11[%swap3A_1081, %swap3A_1082], %exp3A_1079 {strides = array<i32>} : memref<16x128xf32, #tpu.memory_space<vmem>>, vector<16xf32>,
      %get3A_1084 = arith.constant 1456 : index
      %get3A_1085 = tpu.vector_load %arg8[%get3A_1084] {strides = array<i32>} : memref<2048xi32, #tpu.memory_space<vmem>>, vector<16xi32>,
      %gather3A_1086 = tpu.vector_load_idx %arg7[%get3A_1085] : memref<100000xf32, #tpu.memory_space<vmem>>[vector<16xi32>], vector<16xf32>,
      %get3A_1087 = arith.constant 1456 : index
      %get3A_1088 = tpu.vector_load %arg9[%get3A_1087] {strides = array<i32>} : memref<2048xf32, #tpu.memory_space<vmem>>, vector<16xf32>,
      %add3A_1089 = arith.addf %gather3A_1086, %get3A_1088 : vector<16xf32>
      %exp3A_1090 = math.exp %add3A_1089 : vector<16xf32>
      %swap3A_1091 = arith.constant 11 : i32
      %swap3A_1092 = arith.index_cast %swap3A_1091 : i32 to index
      %swap3A_1093 = arith.constant 48 : index
      %swap3A_1094 = tpu.vector_load %arg11[%swap3A_1092, %swap3A_1093] {strides = array<i32>} : memref<16x128xf32, #tpu.memory_space<vmem>>, vector<16xf32>,
      tpu.vector_store %arg11[%swap3A_1092, %swap3A_1093], %exp3A_1090 {strides = array<i32>} : memref<16x128xf32, #tpu.memory_space<vmem>>, vector<16xf32>,
      %get3A_1095 = arith.constant 1472 : index
      %get3A_1096 = tpu.vector_load %arg8[%get3A_1095] {strides = array<i32>} : memref<2048xi32, #tpu.memory_space<vmem>>, vector<16xi32>,
      %gather3A_1097 = tpu.vector_load_idx %arg7[%get3A_1096] : memref<100000xf32, #tpu.memory_space<vmem>>[vector<16xi32>], vector<16xf32>,
      %get3A_1098 = arith.constant 1472 : index
      %get3A_1099 = tpu.vector_load %arg9[%get3A_1098] {strides = array<i32>} : memref<2048xf32, #tpu.memory_space<vmem>>, vector<16xf32>,
      %add3A_1100 = arith.addf %gather3A_1097, %get3A_1099 : vector<16xf32>
      %exp3A_1101 = math.exp %add3A_1100 : vector<16xf32>
      %swap3A_1102 = arith.constant 11 : i32
      %swap3A_1103 = arith.index_cast %swap3A_1102 : i32 to index
      %swap3A_1104 = arith.constant 64 : index
      %swap3A_1105 = tpu.vector_load %arg11[%swap3A_1103, %swap3A_1104] {strides = array<i32>} : memref<16x128xf32, #tpu.memory_space<vmem>>, vector<16xf32>,
      tpu.vector_store %arg11[%swap3A_1103, %swap3A_1104], %exp3A_1101 {strides = array<i32>} : memref<16x128xf32, #tpu.memory_space<vmem>>, vector<16xf32>,
      %get3A_1106 = arith.constant 1488 : index
      %get3A_1107 = tpu.vector_load %arg8[%get3A_1106] {strides = array<i32>} : memref<2048xi32, #tpu.memory_space<vmem>>, vector<16xi32>,
      %gather3A_1108 = tpu.vector_load_idx %arg7[%get3A_1107] : memref<100000xf32, #tpu.memory_space<vmem>>[vector<16xi32>], vector<16xf32>,
      %get3A_1109 = arith.constant 1488 : index
      %get3A_1110 = tpu.vector_load %arg9[%get3A_1109] {strides = array<i32>} : memref<2048xf32, #tpu.memory_space<vmem>>, vector<16xf32>,
      %add3A_1111 = arith.addf %gather3A_1108, %get3A_1110 : vector<16xf32>
      %exp3A_1112 = math.exp %add3A_1111 : vector<16xf32>
      %swap3A_1113 = arith.constant 11 : i32
      %swap3A_1114 = arith.index_cast %swap3A_1113 : i32 to index
      %swap3A_1115 = arith.constant 80 : index
      %swap3A_1116 = tpu.vector_load %arg11[%swap3A_1114, %swap3A_1115] {strides = array<i32>} : memref<16x128xf32, #tpu.memory_space<vmem>>, vector<16xf32>,
      tpu.vector_store %arg11[%swap3A_1114, %swap3A_1115], %exp3A_1112 {strides = array<i32>} : memref<16x128xf32, #tpu.memory_space<vmem>>, vector<16xf32>,
      %get3A_1117 = arith.constant 1504 : index
      %get3A_1118 = tpu.vector_load %arg8[%get3A_1117] {strides = array<i32>} : memref<2048xi32, #tpu.memory_space<vmem>>, vector<16xi32>,
      %gather3A_1119 = tpu.vector_load_idx %arg7[%get3A_1118] : memref<100000xf32, #tpu.memory_space<vmem>>[vector<16xi32>], vector<16xf32>,
      %get3A_1120 = arith.constant 1504 : index
      %get3A_1121 = tpu.vector_load %arg9[%get3A_1120] {strides = array<i32>} : memref<2048xf32, #tpu.memory_space<vmem>>, vector<16xf32>,
      %add3A_1122 = arith.addf %gather3A_1119, %get3A_1121 : vector<16xf32>
      %exp3A_1123 = math.exp %add3A_1122 : vector<16xf32>
      %swap3A_1124 = arith.constant 11 : i32
      %swap3A_1125 = arith.index_cast %swap3A_1124 : i32 to index
      %swap3A_1126 = arith.constant 96 : index
      %swap3A_1127 = tpu.vector_load %arg11[%swap3A_1125, %swap3A_1126] {strides = array<i32>} : memref<16x128xf32, #tpu.memory_space<vmem>>, vector<16xf32>,
      tpu.vector_store %arg11[%swap3A_1125, %swap3A_1126], %exp3A_1123 {strides = array<i32>} : memref<16x128xf32, #tpu.memory_space<vmem>>, vector<16xf32>,
      %get3A_1128 = arith.constant 1520 : index
      %get3A_1129 = tpu.vector_load %arg8[%get3A_1128] {strides = array<i32>} : memref<2048xi32, #tpu.memory_space<vmem>>, vector<16xi32>,
      %gather3A_1130 = tpu.vector_load_idx %arg7[%get3A_1129] : memref<100000xf32, #tpu.memory_space<vmem>>[vector<16xi32>], vector<16xf32>,
      %get3A_1131 = arith.constant 1520 : index
      %get3A_1132 = tpu.vector_load %arg9[%get3A_1131] {strides = array<i32>} : memref<2048xf32, #tpu.memory_space<vmem>>, vector<16xf32>,
      %add3A_1133 = arith.addf %gather3A_1130, %get3A_1132 : vector<16xf32>
      %exp3A_1134 = math.exp %add3A_1133 : vector<16xf32>
      %swap3A_1135 = arith.constant 11 : i32
      %swap3A_1136 = arith.index_cast %swap3A_1135 : i32 to index
      %swap3A_1137 = arith.constant 112 : index
      %swap3A_1138 = tpu.vector_load %arg11[%swap3A_1136, %swap3A_1137] {strides = array<i32>} : memref<16x128xf32, #tpu.memory_space<vmem>>, vector<16xf32>,
      tpu.vector_store %arg11[%swap3A_1136, %swap3A_1137], %exp3A_1134 {strides = array<i32>} : memref<16x128xf32, #tpu.memory_space<vmem>>, vector<16xf32>,
      %get3A_1139 = arith.constant 1536 : index
      %get3A_1140 = tpu.vector_load %arg8[%get3A_1139] {strides = array<i32>} : memref<2048xi32, #tpu.memory_space<vmem>>, vector<16xi32>,
      %gather3A_1141 = tpu.vector_load_idx %arg7[%get3A_1140] : memref<100000xf32, #tpu.memory_space<vmem>>[vector<16xi32>], vector<16xf32>,
      %get3A_1142 = arith.constant 1536 : index
      %get3A_1143 = tpu.vector_load %arg9[%get3A_1142] {strides = array<i32>} : memref<2048xf32, #tpu.memory_space<vmem>>, vector<16xf32>,
      %add3A_1144 = arith.addf %gather3A_1141, %get3A_1143 : vector<16xf32>
      %exp3A_1145 = math.exp %add3A_1144 : vector<16xf32>
      %swap3A_1146 = arith.constant 12 : i32
      %swap3A_1147 = arith.index_cast %swap3A_1146 : i32 to index
      %swap3A_1148 = arith.constant 0 : index
      %swap3A_1149 = tpu.vector_load %arg11[%swap3A_1147, %swap3A_1148] {strides = array<i32>} : memref<16x128xf32, #tpu.memory_space<vmem>>, vector<16xf32>,
      tpu.vector_store %arg11[%swap3A_1147, %swap3A_1148], %exp3A_1145 {strides = array<i32>} : memref<16x128xf32, #tpu.memory_space<vmem>>, vector<16xf32>,
      %get3A_1150 = arith.constant 1552 : index
      %get3A_1151 = tpu.vector_load %arg8[%get3A_1150] {strides = array<i32>} : memref<2048xi32, #tpu.memory_space<vmem>>, vector<16xi32>,
      %gather3A_1152 = tpu.vector_load_idx %arg7[%get3A_1151] : memref<100000xf32, #tpu.memory_space<vmem>>[vector<16xi32>], vector<16xf32>,
      %get3A_1153 = arith.constant 1552 : index
      %get3A_1154 = tpu.vector_load %arg9[%get3A_1153] {strides = array<i32>} : memref<2048xf32, #tpu.memory_space<vmem>>, vector<16xf32>,
      %add3A_1155 = arith.addf %gather3A_1152, %get3A_1154 : vector<16xf32>
      %exp3A_1156 = math.exp %add3A_1155 : vector<16xf32>
      %swap3A_1157 = arith.constant 12 : i32
      %swap3A_1158 = arith.index_cast %swap3A_1157 : i32 to index
      %swap3A_1159 = arith.constant 16 : index
      %swap3A_1160 = tpu.vector_load %arg11[%swap3A_1158, %swap3A_1159] {strides = array<i32>} : memref<16x128xf32, #tpu.memory_space<vmem>>, vector<16xf32>,
      tpu.vector_store %arg11[%swap3A_1158, %swap3A_1159], %exp3A_1156 {strides = array<i32>} : memref<16x128xf32, #tpu.memory_space<vmem>>, vector<16xf32>,
      %get3A_1161 = arith.constant 1568 : index
      %get3A_1162 = tpu.vector_load %arg8[%get3A_1161] {strides = array<i32>} : memref<2048xi32, #tpu.memory_space<vmem>>, vector<16xi32>,
      %gather3A_1163 = tpu.vector_load_idx %arg7[%get3A_1162] : memref<100000xf32, #tpu.memory_space<vmem>>[vector<16xi32>], vector<16xf32>,
      %get3A_1164 = arith.constant 1568 : index
      %get3A_1165 = tpu.vector_load %arg9[%get3A_1164] {strides = array<i32>} : memref<2048xf32, #tpu.memory_space<vmem>>, vector<16xf32>,
      %add3A_1166 = arith.addf %gather3A_1163, %get3A_1165 : vector<16xf32>
      %exp3A_1167 = math.exp %add3A_1166 : vector<16xf32>
      %swap3A_1168 = arith.constant 12 : i32
      %swap3A_1169 = arith.index_cast %swap3A_1168 : i32 to index
      %swap3A_1170 = arith.constant 32 : index
      %swap3A_1171 = tpu.vector_load %arg11[%swap3A_1169, %swap3A_1170] {strides = array<i32>} : memref<16x128xf32, #tpu.memory_space<vmem>>, vector<16xf32>,
      tpu.vector_store %arg11[%swap3A_1169, %swap3A_1170], %exp3A_1167 {strides = array<i32>} : memref<16x128xf32, #tpu.memory_space<vmem>>, vector<16xf32>,
      %get3A_1172 = arith.constant 1584 : index
      %get3A_1173 = tpu.vector_load %arg8[%get3A_1172] {strides = array<i32>} : memref<2048xi32, #tpu.memory_space<vmem>>, vector<16xi32>,
      %gather3A_1174 = tpu.vector_load_idx %arg7[%get3A_1173] : memref<100000xf32, #tpu.memory_space<vmem>>[vector<16xi32>], vector<16xf32>,
      %get3A_1175 = arith.constant 1584 : index
      %get3A_1176 = tpu.vector_load %arg9[%get3A_1175] {strides = array<i32>} : memref<2048xf32, #tpu.memory_space<vmem>>, vector<16xf32>,
      %add3A_1177 = arith.addf %gather3A_1174, %get3A_1176 : vector<16xf32>
      %exp3A_1178 = math.exp %add3A_1177 : vector<16xf32>
      %swap3A_1179 = arith.constant 12 : i32
      %swap3A_1180 = arith.index_cast %swap3A_1179 : i32 to index
      %swap3A_1181 = arith.constant 48 : index
      %swap3A_1182 = tpu.vector_load %arg11[%swap3A_1180, %swap3A_1181] {strides = array<i32>} : memref<16x128xf32, #tpu.memory_space<vmem>>, vector<16xf32>,
      tpu.vector_store %arg11[%swap3A_1180, %swap3A_1181], %exp3A_1178 {strides = array<i32>} : memref<16x128xf32, #tpu.memory_space<vmem>>, vector<16xf32>,
      %get3A_1183 = arith.constant 1600 : index
      %get3A_1184 = tpu.vector_load %arg8[%get3A_1183] {strides = array<i32>} : memref<2048xi32, #tpu.memory_space<vmem>>, vector<16xi32>,
      %gather3A_1185 = tpu.vector_load_idx %arg7[%get3A_1184] : memref<100000xf32, #tpu.memory_space<vmem>>[vector<16xi32>], vector<16xf32>,
      %get3A_1186 = arith.constant 1600 : index
      %get3A_1187 = tpu.vector_load %arg9[%get3A_1186] {strides = array<i32>} : memref<2048xf32, #tpu.memory_space<vmem>>, vector<16xf32>,
      %add3A_1188 = arith.addf %gather3A_1185, %get3A_1187 : vector<16xf32>
      %exp3A_1189 = math.exp %add3A_1188 : vector<16xf32>
      %swap3A_1190 = arith.constant 12 : i32
      %swap3A_1191 = arith.index_cast %swap3A_1190 : i32 to index
      %swap3A_1192 = arith.constant 64 : index
      %swap3A_1193 = tpu.vector_load %arg11[%swap3A_1191, %swap3A_1192] {strides = array<i32>} : memref<16x128xf32, #tpu.memory_space<vmem>>, vector<16xf32>,
      tpu.vector_store %arg11[%swap3A_1191, %swap3A_1192], %exp3A_1189 {strides = array<i32>} : memref<16x128xf32, #tpu.memory_space<vmem>>, vector<16xf32>,
      %get3A_1194 = arith.constant 1616 : index
      %get3A_1195 = tpu.vector_load %arg8[%get3A_1194] {strides = array<i32>} : memref<2048xi32, #tpu.memory_space<vmem>>, vector<16xi32>,
      %gather3A_1196 = tpu.vector_load_idx %arg7[%get3A_1195] : memref<100000xf32, #tpu.memory_space<vmem>>[vector<16xi32>], vector<16xf32>,
      %get3A_1197 = arith.constant 1616 : index
      %get3A_1198 = tpu.vector_load %arg9[%get3A_1197] {strides = array<i32>} : memref<2048xf32, #tpu.memory_space<vmem>>, vector<16xf32>,
      %add3A_1199 = arith.addf %gather3A_1196, %get3A_1198 : vector<16xf32>
      %exp3A_1200 = math.exp %add3A_1199 : vector<16xf32>
      %swap3A_1201 = arith.constant 12 : i32
      %swap3A_1202 = arith.index_cast %swap3A_1201 : i32 to index
      %swap3A_1203 = arith.constant 80 : index
      %swap3A_1204 = tpu.vector_load %arg11[%swap3A_1202, %swap3A_1203] {strides = array<i32>} : memref<16x128xf32, #tpu.memory_space<vmem>>, vector<16xf32>,
      tpu.vector_store %arg11[%swap3A_1202, %swap3A_1203], %exp3A_1200 {strides = array<i32>} : memref<16x128xf32, #tpu.memory_space<vmem>>, vector<16xf32>,
      %get3A_1205 = arith.constant 1632 : index
      %get3A_1206 = tpu.vector_load %arg8[%get3A_1205] {strides = array<i32>} : memref<2048xi32, #tpu.memory_space<vmem>>, vector<16xi32>,
      %gather3A_1207 = tpu.vector_load_idx %arg7[%get3A_1206] : memref<100000xf32, #tpu.memory_space<vmem>>[vector<16xi32>], vector<16xf32>,
      %get3A_1208 = arith.constant 1632 : index
      %get3A_1209 = tpu.vector_load %arg9[%get3A_1208] {strides = array<i32>} : memref<2048xf32, #tpu.memory_space<vmem>>, vector<16xf32>,
      %add3A_1210 = arith.addf %gather3A_1207, %get3A_1209 : vector<16xf32>
      %exp3A_1211 = math.exp %add3A_1210 : vector<16xf32>
      %swap3A_1212 = arith.constant 12 : i32
      %swap3A_1213 = arith.index_cast %swap3A_1212 : i32 to index
      %swap3A_1214 = arith.constant 96 : index
      %swap3A_1215 = tpu.vector_load %arg11[%swap3A_1213, %swap3A_1214] {strides = array<i32>} : memref<16x128xf32, #tpu.memory_space<vmem>>, vector<16xf32>,
      tpu.vector_store %arg11[%swap3A_1213, %swap3A_1214], %exp3A_1211 {strides = array<i32>} : memref<16x128xf32, #tpu.memory_space<vmem>>, vector<16xf32>,
      %get3A_1216 = arith.constant 1648 : index
      %get3A_1217 = tpu.vector_load %arg8[%get3A_1216] {strides = array<i32>} : memref<2048xi32, #tpu.memory_space<vmem>>, vector<16xi32>,
      %gather3A_1218 = tpu.vector_load_idx %arg7[%get3A_1217] : memref<100000xf32, #tpu.memory_space<vmem>>[vector<16xi32>], vector<16xf32>,
      %get3A_1219 = arith.constant 1648 : index
      %get3A_1220 = tpu.vector_load %arg9[%get3A_1219] {strides = array<i32>} : memref<2048xf32, #tpu.memory_space<vmem>>, vector<16xf32>,
      %add3A_1221 = arith.addf %gather3A_1218, %get3A_1220 : vector<16xf32>
      %exp3A_1222 = math.exp %add3A_1221 : vector<16xf32>
      %swap3A_1223 = arith.constant 12 : i32
      %swap3A_1224 = arith.index_cast %swap3A_1223 : i32 to index
      %swap3A_1225 = arith.constant 112 : index
      %swap3A_1226 = tpu.vector_load %arg11[%swap3A_1224, %swap3A_1225] {strides = array<i32>} : memref<16x128xf32, #tpu.memory_space<vmem>>, vector<16xf32>,
      tpu.vector_store %arg11[%swap3A_1224, %swap3A_1225], %exp3A_1222 {strides = array<i32>} : memref<16x128xf32, #tpu.memory_space<vmem>>, vector<16xf32>,
      %get3A_1227 = arith.constant 1664 : index
      %get3A_1228 = tpu.vector_load %arg8[%get3A_1227] {strides = array<i32>} : memref<2048xi32, #tpu.memory_space<vmem>>, vector<16xi32>,
      %gather3A_1229 = tpu.vector_load_idx %arg7[%get3A_1228] : memref<100000xf32, #tpu.memory_space<vmem>>[vector<16xi32>], vector<16xf32>,
      %get3A_1230 = arith.constant 1664 : index
      %get3A_1231 = tpu.vector_load %arg9[%get3A_1230] {strides = array<i32>} : memref<2048xf32, #tpu.memory_space<vmem>>, vector<16xf32>,
      %add3A_1232 = arith.addf %gather3A_1229, %get3A_1231 : vector<16xf32>
      %exp3A_1233 = math.exp %add3A_1232 : vector<16xf32>
      %swap3A_1234 = arith.constant 13 : i32
      %swap3A_1235 = arith.index_cast %swap3A_1234 : i32 to index
      %swap3A_1236 = arith.constant 0 : index
      %swap3A_1237 = tpu.vector_load %arg11[%swap3A_1235, %swap3A_1236] {strides = array<i32>} : memref<16x128xf32, #tpu.memory_space<vmem>>, vector<16xf32>,
      tpu.vector_store %arg11[%swap3A_1235, %swap3A_1236], %exp3A_1233 {strides = array<i32>} : memref<16x128xf32, #tpu.memory_space<vmem>>, vector<16xf32>,
      %get3A_1238 = arith.constant 1680 : index
      %get3A_1239 = tpu.vector_load %arg8[%get3A_1238] {strides = array<i32>} : memref<2048xi32, #tpu.memory_space<vmem>>, vector<16xi32>,
      %gather3A_1240 = tpu.vector_load_idx %arg7[%get3A_1239] : memref<100000xf32, #tpu.memory_space<vmem>>[vector<16xi32>], vector<16xf32>,
      %get3A_1241 = arith.constant 1680 : index
      %get3A_1242 = tpu.vector_load %arg9[%get3A_1241] {strides = array<i32>} : memref<2048xf32, #tpu.memory_space<vmem>>, vector<16xf32>,
      %add3A_1243 = arith.addf %gather3A_1240, %get3A_1242 : vector<16xf32>
      %exp3A_1244 = math.exp %add3A_1243 : vector<16xf32>
      %swap3A_1245 = arith.constant 13 : i32
      %swap3A_1246 = arith.index_cast %swap3A_1245 : i32 to index
      %swap3A_1247 = arith.constant 16 : index
      %swap3A_1248 = tpu.vector_load %arg11[%swap3A_1246, %swap3A_1247] {strides = array<i32>} : memref<16x128xf32, #tpu.memory_space<vmem>>, vector<16xf32>,
      tpu.vector_store %arg11[%swap3A_1246, %swap3A_1247], %exp3A_1244 {strides = array<i32>} : memref<16x128xf32, #tpu.memory_space<vmem>>, vector<16xf32>,
      %get3A_1249 = arith.constant 1696 : index
      %get3A_1250 = tpu.vector_load %arg8[%get3A_1249] {strides = array<i32>} : memref<2048xi32, #tpu.memory_space<vmem>>, vector<16xi32>,
      %gather3A_1251 = tpu.vector_load_idx %arg7[%get3A_1250] : memref<100000xf32, #tpu.memory_space<vmem>>[vector<16xi32>], vector<16xf32>,
      %get3A_1252 = arith.constant 1696 : index
      %get3A_1253 = tpu.vector_load %arg9[%get3A_1252] {strides = array<i32>} : memref<2048xf32, #tpu.memory_space<vmem>>, vector<16xf32>,
      %add3A_1254 = arith.addf %gather3A_1251, %get3A_1253 : vector<16xf32>
      %exp3A_1255 = math.exp %add3A_1254 : vector<16xf32>
      %swap3A_1256 = arith.constant 13 : i32
      %swap3A_1257 = arith.index_cast %swap3A_1256 : i32 to index
      %swap3A_1258 = arith.constant 32 : index
      %swap3A_1259 = tpu.vector_load %arg11[%swap3A_1257, %swap3A_1258] {strides = array<i32>} : memref<16x128xf32, #tpu.memory_space<vmem>>, vector<16xf32>,
      tpu.vector_store %arg11[%swap3A_1257, %swap3A_1258], %exp3A_1255 {strides = array<i32>} : memref<16x128xf32, #tpu.memory_space<vmem>>, vector<16xf32>,
      %get3A_1260 = arith.constant 1712 : index
      %get3A_1261 = tpu.vector_load %arg8[%get3A_1260] {strides = array<i32>} : memref<2048xi32, #tpu.memory_space<vmem>>, vector<16xi32>,
      %gather3A_1262 = tpu.vector_load_idx %arg7[%get3A_1261] : memref<100000xf32, #tpu.memory_space<vmem>>[vector<16xi32>], vector<16xf32>,
      %get3A_1263 = arith.constant 1712 : index
      %get3A_1264 = tpu.vector_load %arg9[%get3A_1263] {strides = array<i32>} : memref<2048xf32, #tpu.memory_space<vmem>>, vector<16xf32>,
      %add3A_1265 = arith.addf %gather3A_1262, %get3A_1264 : vector<16xf32>
      %exp3A_1266 = math.exp %add3A_1265 : vector<16xf32>
      %swap3A_1267 = arith.constant 13 : i32
      %swap3A_1268 = arith.index_cast %swap3A_1267 : i32 to index
      %swap3A_1269 = arith.constant 48 : index
      %swap3A_1270 = tpu.vector_load %arg11[%swap3A_1268, %swap3A_1269] {strides = array<i32>} : memref<16x128xf32, #tpu.memory_space<vmem>>, vector<16xf32>,
      tpu.vector_store %arg11[%swap3A_1268, %swap3A_1269], %exp3A_1266 {strides = array<i32>} : memref<16x128xf32, #tpu.memory_space<vmem>>, vector<16xf32>,
      %get3A_1271 = arith.constant 1728 : index
      %get3A_1272 = tpu.vector_load %arg8[%get3A_1271] {strides = array<i32>} : memref<2048xi32, #tpu.memory_space<vmem>>, vector<16xi32>,
      %gather3A_1273 = tpu.vector_load_idx %arg7[%get3A_1272] : memref<100000xf32, #tpu.memory_space<vmem>>[vector<16xi32>], vector<16xf32>,
      %get3A_1274 = arith.constant 1728 : index
      %get3A_1275 = tpu.vector_load %arg9[%get3A_1274] {strides = array<i32>} : memref<2048xf32, #tpu.memory_space<vmem>>, vector<16xf32>,
      %add3A_1276 = arith.addf %gather3A_1273, %get3A_1275 : vector<16xf32>
      %exp3A_1277 = math.exp %add3A_1276 : vector<16xf32>
      %swap3A_1278 = arith.constant 13 : i32
      %swap3A_1279 = arith.index_cast %swap3A_1278 : i32 to index
      %swap3A_1280 = arith.constant 64 : index
      %swap3A_1281 = tpu.vector_load %arg11[%swap3A_1279, %swap3A_1280] {strides = array<i32>} : memref<16x128xf32, #tpu.memory_space<vmem>>, vector<16xf32>,
      tpu.vector_store %arg11[%swap3A_1279, %swap3A_1280], %exp3A_1277 {strides = array<i32>} : memref<16x128xf32, #tpu.memory_space<vmem>>, vector<16xf32>,
      %get3A_1282 = arith.constant 1744 : index
      %get3A_1283 = tpu.vector_load %arg8[%get3A_1282] {strides = array<i32>} : memref<2048xi32, #tpu.memory_space<vmem>>, vector<16xi32>,
      %gather3A_1284 = tpu.vector_load_idx %arg7[%get3A_1283] : memref<100000xf32, #tpu.memory_space<vmem>>[vector<16xi32>], vector<16xf32>,
      %get3A_1285 = arith.constant 1744 : index
      %get3A_1286 = tpu.vector_load %arg9[%get3A_1285] {strides = array<i32>} : memref<2048xf32, #tpu.memory_space<vmem>>, vector<16xf32>,
      %add3A_1287 = arith.addf %gather3A_1284, %get3A_1286 : vector<16xf32>
      %exp3A_1288 = math.exp %add3A_1287 : vector<16xf32>
      %swap3A_1289 = arith.constant 13 : i32
      %swap3A_1290 = arith.index_cast %swap3A_1289 : i32 to index
      %swap3A_1291 = arith.constant 80 : index
      %swap3A_1292 = tpu.vector_load %arg11[%swap3A_1290, %swap3A_1291] {strides = array<i32>} : memref<16x128xf32, #tpu.memory_space<vmem>>, vector<16xf32>,
      tpu.vector_store %arg11[%swap3A_1290, %swap3A_1291], %exp3A_1288 {strides = array<i32>} : memref<16x128xf32, #tpu.memory_space<vmem>>, vector<16xf32>,
      %get3A_1293 = arith.constant 1760 : index
      %get3A_1294 = tpu.vector_load %arg8[%get3A_1293] {strides = array<i32>} : memref<2048xi32, #tpu.memory_space<vmem>>, vector<16xi32>,
      %gather3A_1295 = tpu.vector_load_idx %arg7[%get3A_1294] : memref<100000xf32, #tpu.memory_space<vmem>>[vector<16xi32>], vector<16xf32>,
      %get3A_1296 = arith.constant 1760 : index
      %get3A_1297 = tpu.vector_load %arg9[%get3A_1296] {strides = array<i32>} : memref<2048xf32, #tpu.memory_space<vmem>>, vector<16xf32>,
      %add3A_1298 = arith.addf %gather3A_1295, %get3A_1297 : vector<16xf32>
      %exp3A_1299 = math.exp %add3A_1298 : vector<16xf32>
      %swap3A_1300 = arith.constant 13 : i32
      %swap3A_1301 = arith.index_cast %swap3A_1300 : i32 to index
      %swap3A_1302 = arith.constant 96 : index
      %swap3A_1303 = tpu.vector_load %arg11[%swap3A_1301, %swap3A_1302] {strides = array<i32>} : memref<16x128xf32, #tpu.memory_space<vmem>>, vector<16xf32>,
      tpu.vector_store %arg11[%swap3A_1301, %swap3A_1302], %exp3A_1299 {strides = array<i32>} : memref<16x128xf32, #tpu.memory_space<vmem>>, vector<16xf32>,
      %get3A_1304 = arith.constant 1776 : index
      %get3A_1305 = tpu.vector_load %arg8[%get3A_1304] {strides = array<i32>} : memref<2048xi32, #tpu.memory_space<vmem>>, vector<16xi32>,
      %gather3A_1306 = tpu.vector_load_idx %arg7[%get3A_1305] : memref<100000xf32, #tpu.memory_space<vmem>>[vector<16xi32>], vector<16xf32>,
      %get3A_1307 = arith.constant 1776 : index
      %get3A_1308 = tpu.vector_load %arg9[%get3A_1307] {strides = array<i32>} : memref<2048xf32, #tpu.memory_space<vmem>>, vector<16xf32>,
      %add3A_1309 = arith.addf %gather3A_1306, %get3A_1308 : vector<16xf32>
      %exp3A_1310 = math.exp %add3A_1309 : vector<16xf32>
      %swap3A_1311 = arith.constant 13 : i32
      %swap3A_1312 = arith.index_cast %swap3A_1311 : i32 to index
      %swap3A_1313 = arith.constant 112 : index
      %swap3A_1314 = tpu.vector_load %arg11[%swap3A_1312, %swap3A_1313] {strides = array<i32>} : memref<16x128xf32, #tpu.memory_space<vmem>>, vector<16xf32>,
      tpu.vector_store %arg11[%swap3A_1312, %swap3A_1313], %exp3A_1310 {strides = array<i32>} : memref<16x128xf32, #tpu.memory_space<vmem>>, vector<16xf32>,
      %get3A_1315 = arith.constant 1792 : index
      %get3A_1316 = tpu.vector_load %arg8[%get3A_1315] {strides = array<i32>} : memref<2048xi32, #tpu.memory_space<vmem>>, vector<16xi32>,
      %gather3A_1317 = tpu.vector_load_idx %arg7[%get3A_1316] : memref<100000xf32, #tpu.memory_space<vmem>>[vector<16xi32>], vector<16xf32>,
      %get3A_1318 = arith.constant 1792 : index
      %get3A_1319 = tpu.vector_load %arg9[%get3A_1318] {strides = array<i32>} : memref<2048xf32, #tpu.memory_space<vmem>>, vector<16xf32>,
      %add3A_1320 = arith.addf %gather3A_1317, %get3A_1319 : vector<16xf32>
      %exp3A_1321 = math.exp %add3A_1320 : vector<16xf32>
      %swap3A_1322 = arith.constant 14 : i32
      %swap3A_1323 = arith.index_cast %swap3A_1322 : i32 to index
      %swap3A_1324 = arith.constant 0 : index
      %swap3A_1325 = tpu.vector_load %arg11[%swap3A_1323, %swap3A_1324] {strides = array<i32>} : memref<16x128xf32, #tpu.memory_space<vmem>>, vector<16xf32>,
      tpu.vector_store %arg11[%swap3A_1323, %swap3A_1324], %exp3A_1321 {strides = array<i32>} : memref<16x128xf32, #tpu.memory_space<vmem>>, vector<16xf32>,
      %get3A_1326 = arith.constant 1808 : index
      %get3A_1327 = tpu.vector_load %arg8[%get3A_1326] {strides = array<i32>} : memref<2048xi32, #tpu.memory_space<vmem>>, vector<16xi32>,
      %gather3A_1328 = tpu.vector_load_idx %arg7[%get3A_1327] : memref<100000xf32, #tpu.memory_space<vmem>>[vector<16xi32>], vector<16xf32>,
      %get3A_1329 = arith.constant 1808 : index
      %get3A_1330 = tpu.vector_load %arg9[%get3A_1329] {strides = array<i32>} : memref<2048xf32, #tpu.memory_space<vmem>>, vector<16xf32>,
      %add3A_1331 = arith.addf %gather3A_1328, %get3A_1330 : vector<16xf32>
      %exp3A_1332 = math.exp %add3A_1331 : vector<16xf32>
      %swap3A_1333 = arith.constant 14 : i32
      %swap3A_1334 = arith.index_cast %swap3A_1333 : i32 to index
      %swap3A_1335 = arith.constant 16 : index
      %swap3A_1336 = tpu.vector_load %arg11[%swap3A_1334, %swap3A_1335] {strides = array<i32>} : memref<16x128xf32, #tpu.memory_space<vmem>>, vector<16xf32>,
      tpu.vector_store %arg11[%swap3A_1334, %swap3A_1335], %exp3A_1332 {strides = array<i32>} : memref<16x128xf32, #tpu.memory_space<vmem>>, vector<16xf32>,
      %get3A_1337 = arith.constant 1824 : index
      %get3A_1338 = tpu.vector_load %arg8[%get3A_1337] {strides = array<i32>} : memref<2048xi32, #tpu.memory_space<vmem>>, vector<16xi32>,
      %gather3A_1339 = tpu.vector_load_idx %arg7[%get3A_1338] : memref<100000xf32, #tpu.memory_space<vmem>>[vector<16xi32>], vector<16xf32>,
      %get3A_1340 = arith.constant 1824 : index
      %get3A_1341 = tpu.vector_load %arg9[%get3A_1340] {strides = array<i32>} : memref<2048xf32, #tpu.memory_space<vmem>>, vector<16xf32>,
      %add3A_1342 = arith.addf %gather3A_1339, %get3A_1341 : vector<16xf32>
      %exp3A_1343 = math.exp %add3A_1342 : vector<16xf32>
      %swap3A_1344 = arith.constant 14 : i32
      %swap3A_1345 = arith.index_cast %swap3A_1344 : i32 to index
      %swap3A_1346 = arith.constant 32 : index
      %swap3A_1347 = tpu.vector_load %arg11[%swap3A_1345, %swap3A_1346] {strides = array<i32>} : memref<16x128xf32, #tpu.memory_space<vmem>>, vector<16xf32>,
      tpu.vector_store %arg11[%swap3A_1345, %swap3A_1346], %exp3A_1343 {strides = array<i32>} : memref<16x128xf32, #tpu.memory_space<vmem>>, vector<16xf32>,
      %get3A_1348 = arith.constant 1840 : index
      %get3A_1349 = tpu.vector_load %arg8[%get3A_1348] {strides = array<i32>} : memref<2048xi32, #tpu.memory_space<vmem>>, vector<16xi32>,
      %gather3A_1350 = tpu.vector_load_idx %arg7[%get3A_1349] : memref<100000xf32, #tpu.memory_space<vmem>>[vector<16xi32>], vector<16xf32>,
      %get3A_1351 = arith.constant 1840 : index
      %get3A_1352 = tpu.vector_load %arg9[%get3A_1351] {strides = array<i32>} : memref<2048xf32, #tpu.memory_space<vmem>>, vector<16xf32>,
      %add3A_1353 = arith.addf %gather3A_1350, %get3A_1352 : vector<16xf32>
      %exp3A_1354 = math.exp %add3A_1353 : vector<16xf32>
      %swap3A_1355 = arith.constant 14 : i32
      %swap3A_1356 = arith.index_cast %swap3A_1355 : i32 to index
      %swap3A_1357 = arith.constant 48 : index
      %swap3A_1358 = tpu.vector_load %arg11[%swap3A_1356, %swap3A_1357] {strides = array<i32>} : memref<16x128xf32, #tpu.memory_space<vmem>>, vector<16xf32>,
      tpu.vector_store %arg11[%swap3A_1356, %swap3A_1357], %exp3A_1354 {strides = array<i32>} : memref<16x128xf32, #tpu.memory_space<vmem>>, vector<16xf32>,
      %get3A_1359 = arith.constant 1856 : index
      %get3A_1360 = tpu.vector_load %arg8[%get3A_1359] {strides = array<i32>} : memref<2048xi32, #tpu.memory_space<vmem>>, vector<16xi32>,
      %gather3A_1361 = tpu.vector_load_idx %arg7[%get3A_1360] : memref<100000xf32, #tpu.memory_space<vmem>>[vector<16xi32>], vector<16xf32>,
      %get3A_1362 = arith.constant 1856 : index
      %get3A_1363 = tpu.vector_load %arg9[%get3A_1362] {strides = array<i32>} : memref<2048xf32, #tpu.memory_space<vmem>>, vector<16xf32>,
      %add3A_1364 = arith.addf %gather3A_1361, %get3A_1363 : vector<16xf32>
      %exp3A_1365 = math.exp %add3A_1364 : vector<16xf32>
      %swap3A_1366 = arith.constant 14 : i32
      %swap3A_1367 = arith.index_cast %swap3A_1366 : i32 to index
      %swap3A_1368 = arith.constant 64 : index
      %swap3A_1369 = tpu.vector_load %arg11[%swap3A_1367, %swap3A_1368] {strides = array<i32>} : memref<16x128xf32, #tpu.memory_space<vmem>>, vector<16xf32>,
      tpu.vector_store %arg11[%swap3A_1367, %swap3A_1368], %exp3A_1365 {strides = array<i32>} : memref<16x128xf32, #tpu.memory_space<vmem>>, vector<16xf32>,
      %get3A_1370 = arith.constant 1872 : index
      %get3A_1371 = tpu.vector_load %arg8[%get3A_1370] {strides = array<i32>} : memref<2048xi32, #tpu.memory_space<vmem>>, vector<16xi32>,
      %gather3A_1372 = tpu.vector_load_idx %arg7[%get3A_1371] : memref<100000xf32, #tpu.memory_space<vmem>>[vector<16xi32>], vector<16xf32>,
      %get3A_1373 = arith.constant 1872 : index
      %get3A_1374 = tpu.vector_load %arg9[%get3A_1373] {strides = array<i32>} : memref<2048xf32, #tpu.memory_space<vmem>>, vector<16xf32>,
      %add3A_1375 = arith.addf %gather3A_1372, %get3A_1374 : vector<16xf32>
      %exp3A_1376 = math.exp %add3A_1375 : vector<16xf32>
      %swap3A_1377 = arith.constant 14 : i32
      %swap3A_1378 = arith.index_cast %swap3A_1377 : i32 to index
      %swap3A_1379 = arith.constant 80 : index
      %swap3A_1380 = tpu.vector_load %arg11[%swap3A_1378, %swap3A_1379] {strides = array<i32>} : memref<16x128xf32, #tpu.memory_space<vmem>>, vector<16xf32>,
      tpu.vector_store %arg11[%swap3A_1378, %swap3A_1379], %exp3A_1376 {strides = array<i32>} : memref<16x128xf32, #tpu.memory_space<vmem>>, vector<16xf32>,
      %get3A_1381 = arith.constant 1888 : index
      %get3A_1382 = tpu.vector_load %arg8[%get3A_1381] {strides = array<i32>} : memref<2048xi32, #tpu.memory_space<vmem>>, vector<16xi32>,
      %gather3A_1383 = tpu.vector_load_idx %arg7[%get3A_1382] : memref<100000xf32, #tpu.memory_space<vmem>>[vector<16xi32>], vector<16xf32>,
      %get3A_1384 = arith.constant 1888 : index
      %get3A_1385 = tpu.vector_load %arg9[%get3A_1384] {strides = array<i32>} : memref<2048xf32, #tpu.memory_space<vmem>>, vector<16xf32>,
      %add3A_1386 = arith.addf %gather3A_1383, %get3A_1385 : vector<16xf32>
      %exp3A_1387 = math.exp %add3A_1386 : vector<16xf32>
      %swap3A_1388 = arith.constant 14 : i32
      %swap3A_1389 = arith.index_cast %swap3A_1388 : i32 to index
      %swap3A_1390 = arith.constant 96 : index
      %swap3A_1391 = tpu.vector_load %arg11[%swap3A_1389, %swap3A_1390] {strides = array<i32>} : memref<16x128xf32, #tpu.memory_space<vmem>>, vector<16xf32>,
      tpu.vector_store %arg11[%swap3A_1389, %swap3A_1390], %exp3A_1387 {strides = array<i32>} : memref<16x128xf32, #tpu.memory_space<vmem>>, vector<16xf32>,
      %get3A_1392 = arith.constant 1904 : index
      %get3A_1393 = tpu.vector_load %arg8[%get3A_1392] {strides = array<i32>} : memref<2048xi32, #tpu.memory_space<vmem>>, vector<16xi32>,
      %gather3A_1394 = tpu.vector_load_idx %arg7[%get3A_1393] : memref<100000xf32, #tpu.memory_space<vmem>>[vector<16xi32>], vector<16xf32>,
      %get3A_1395 = arith.constant 1904 : index
      %get3A_1396 = tpu.vector_load %arg9[%get3A_1395] {strides = array<i32>} : memref<2048xf32, #tpu.memory_space<vmem>>, vector<16xf32>,
      %add3A_1397 = arith.addf %gather3A_1394, %get3A_1396 : vector<16xf32>
      %exp3A_1398 = math.exp %add3A_1397 : vector<16xf32>
      %swap3A_1399 = arith.constant 14 : i32
      %swap3A_1400 = arith.index_cast %swap3A_1399 : i32 to index
      %swap3A_1401 = arith.constant 112 : index
      %swap3A_1402 = tpu.vector_load %arg11[%swap3A_1400, %swap3A_1401] {strides = array<i32>} : memref<16x128xf32, #tpu.memory_space<vmem>>, vector<16xf32>,
      tpu.vector_store %arg11[%swap3A_1400, %swap3A_1401], %exp3A_1398 {strides = array<i32>} : memref<16x128xf32, #tpu.memory_space<vmem>>, vector<16xf32>,
      %get3A_1403 = arith.constant 1920 : index
      %get3A_1404 = tpu.vector_load %arg8[%get3A_1403] {strides = array<i32>} : memref<2048xi32, #tpu.memory_space<vmem>>, vector<16xi32>,
      %gather3A_1405 = tpu.vector_load_idx %arg7[%get3A_1404] : memref<100000xf32, #tpu.memory_space<vmem>>[vector<16xi32>], vector<16xf32>,
      %get3A_1406 = arith.constant 1920 : index
      %get3A_1407 = tpu.vector_load %arg9[%get3A_1406] {strides = array<i32>} : memref<2048xf32, #tpu.memory_space<vmem>>, vector<16xf32>,
      %add3A_1408 = arith.addf %gather3A_1405, %get3A_1407 : vector<16xf32>
      %exp3A_1409 = math.exp %add3A_1408 : vector<16xf32>
      %swap3A_1410 = arith.constant 15 : i32
      %swap3A_1411 = arith.index_cast %swap3A_1410 : i32 to index
      %swap3A_1412 = arith.constant 0 : index
      %swap3A_1413 = tpu.vector_load %arg11[%swap3A_1411, %swap3A_1412] {strides = array<i32>} : memref<16x128xf32, #tpu.memory_space<vmem>>, vector<16xf32>,
      tpu.vector_store %arg11[%swap3A_1411, %swap3A_1412], %exp3A_1409 {strides = array<i32>} : memref<16x128xf32, #tpu.memory_space<vmem>>, vector<16xf32>,
      %get3A_1414 = arith.constant 1936 : index
      %get3A_1415 = tpu.vector_load %arg8[%get3A_1414] {strides = array<i32>} : memref<2048xi32, #tpu.memory_space<vmem>>, vector<16xi32>,
      %gather3A_1416 = tpu.vector_load_idx %arg7[%get3A_1415] : memref<100000xf32, #tpu.memory_space<vmem>>[vector<16xi32>], vector<16xf32>,
      %get3A_1417 = arith.constant 1936 : index
      %get3A_1418 = tpu.vector_load %arg9[%get3A_1417] {strides = array<i32>} : memref<2048xf32, #tpu.memory_space<vmem>>, vector<16xf32>,
      %add3A_1419 = arith.addf %gather3A_1416, %get3A_1418 : vector<16xf32>
      %exp3A_1420 = math.exp %add3A_1419 : vector<16xf32>
      %swap3A_1421 = arith.constant 15 : i32
      %swap3A_1422 = arith.index_cast %swap3A_1421 : i32 to index
      %swap3A_1423 = arith.constant 16 : index
      %swap3A_1424 = tpu.vector_load %arg11[%swap3A_1422, %swap3A_1423] {strides = array<i32>} : memref<16x128xf32, #tpu.memory_space<vmem>>, vector<16xf32>,
      tpu.vector_store %arg11[%swap3A_1422, %swap3A_1423], %exp3A_1420 {strides = array<i32>} : memref<16x128xf32, #tpu.memory_space<vmem>>, vector<16xf32>,
      %get3A_1425 = arith.constant 1952 : index
      %get3A_1426 = tpu.vector_load %arg8[%get3A_1425] {strides = array<i32>} : memref<2048xi32, #tpu.memory_space<vmem>>, vector<16xi32>,
      %gather3A_1427 = tpu.vector_load_idx %arg7[%get3A_1426] : memref<100000xf32, #tpu.memory_space<vmem>>[vector<16xi32>], vector<16xf32>,
      %get3A_1428 = arith.constant 1952 : index
      %get3A_1429 = tpu.vector_load %arg9[%get3A_1428] {strides = array<i32>} : memref<2048xf32, #tpu.memory_space<vmem>>, vector<16xf32>,
      %add3A_1430 = arith.addf %gather3A_1427, %get3A_1429 : vector<16xf32>
      %exp3A_1431 = math.exp %add3A_1430 : vector<16xf32>
      %swap3A_1432 = arith.constant 15 : i32
      %swap3A_1433 = arith.index_cast %swap3A_1432 : i32 to index
      %swap3A_1434 = arith.constant 32 : index
      %swap3A_1435 = tpu.vector_load %arg11[%swap3A_1433, %swap3A_1434] {strides = array<i32>} : memref<16x128xf32, #tpu.memory_space<vmem>>, vector<16xf32>,
      tpu.vector_store %arg11[%swap3A_1433, %swap3A_1434], %exp3A_1431 {strides = array<i32>} : memref<16x128xf32, #tpu.memory_space<vmem>>, vector<16xf32>,
      %get3A_1436 = arith.constant 1968 : index
      %get3A_1437 = tpu.vector_load %arg8[%get3A_1436] {strides = array<i32>} : memref<2048xi32, #tpu.memory_space<vmem>>, vector<16xi32>,
      %gather3A_1438 = tpu.vector_load_idx %arg7[%get3A_1437] : memref<100000xf32, #tpu.memory_space<vmem>>[vector<16xi32>], vector<16xf32>,
      %get3A_1439 = arith.constant 1968 : index
      %get3A_1440 = tpu.vector_load %arg9[%get3A_1439] {strides = array<i32>} : memref<2048xf32, #tpu.memory_space<vmem>>, vector<16xf32>,
      %add3A_1441 = arith.addf %gather3A_1438, %get3A_1440 : vector<16xf32>
      %exp3A_1442 = math.exp %add3A_1441 : vector<16xf32>
      %swap3A_1443 = arith.constant 15 : i32
      %swap3A_1444 = arith.index_cast %swap3A_1443 : i32 to index
      %swap3A_1445 = arith.constant 48 : index
      %swap3A_1446 = tpu.vector_load %arg11[%swap3A_1444, %swap3A_1445] {strides = array<i32>} : memref<16x128xf32, #tpu.memory_space<vmem>>, vector<16xf32>,
      tpu.vector_store %arg11[%swap3A_1444, %swap3A_1445], %exp3A_1442 {strides = array<i32>} : memref<16x128xf32, #tpu.memory_space<vmem>>, vector<16xf32>,
      %get3A_1447 = arith.constant 1984 : index
      %get3A_1448 = tpu.vector_load %arg8[%get3A_1447] {strides = array<i32>} : memref<2048xi32, #tpu.memory_space<vmem>>, vector<16xi32>,
      %gather3A_1449 = tpu.vector_load_idx %arg7[%get3A_1448] : memref<100000xf32, #tpu.memory_space<vmem>>[vector<16xi32>], vector<16xf32>,
      %get3A_1450 = arith.constant 1984 : index
      %get3A_1451 = tpu.vector_load %arg9[%get3A_1450] {strides = array<i32>} : memref<2048xf32, #tpu.memory_space<vmem>>, vector<16xf32>,
      %add3A_1452 = arith.addf %gather3A_1449, %get3A_1451 : vector<16xf32>
      %exp3A_1453 = math.exp %add3A_1452 : vector<16xf32>
      %swap3A_1454 = arith.constant 15 : i32
      %swap3A_1455 = arith.index_cast %swap3A_1454 : i32 to index
      %swap3A_1456 = arith.constant 64 : index
      %swap3A_1457 = tpu.vector_load %arg11[%swap3A_1455, %swap3A_1456] {strides = array<i32>} : memref<16x128xf32, #tpu.memory_space<vmem>>, vector<16xf32>,
      tpu.vector_store %arg11[%swap3A_1455, %swap3A_1456], %exp3A_1453 {strides = array<i32>} : memref<16x128xf32, #tpu.memory_space<vmem>>, vector<16xf32>,
      %get3A_1458 = arith.constant 2000 : index
      %get3A_1459 = tpu.vector_load %arg8[%get3A_1458] {strides = array<i32>} : memref<2048xi32, #tpu.memory_space<vmem>>, vector<16xi32>,
      %gather3A_1460 = tpu.vector_load_idx %arg7[%get3A_1459] : memref<100000xf32, #tpu.memory_space<vmem>>[vector<16xi32>], vector<16xf32>,
      %get3A_1461 = arith.constant 2000 : index
      %get3A_1462 = tpu.vector_load %arg9[%get3A_1461] {strides = array<i32>} : memref<2048xf32, #tpu.memory_space<vmem>>, vector<16xf32>,
      %add3A_1463 = arith.addf %gather3A_1460, %get3A_1462 : vector<16xf32>
      %exp3A_1464 = math.exp %add3A_1463 : vector<16xf32>
      %swap3A_1465 = arith.constant 15 : i32
      %swap3A_1466 = arith.index_cast %swap3A_1465 : i32 to index
      %swap3A_1467 = arith.constant 80 : index
      %swap3A_1468 = tpu.vector_load %arg11[%swap3A_1466, %swap3A_1467] {strides = array<i32>} : memref<16x128xf32, #tpu.memory_space<vmem>>, vector<16xf32>,
      tpu.vector_store %arg11[%swap3A_1466, %swap3A_1467], %exp3A_1464 {strides = array<i32>} : memref<16x128xf32, #tpu.memory_space<vmem>>, vector<16xf32>,
      %get3A_1469 = arith.constant 2016 : index
      %get3A_1470 = tpu.vector_load %arg8[%get3A_1469] {strides = array<i32>} : memref<2048xi32, #tpu.memory_space<vmem>>, vector<16xi32>,
      %gather3A_1471 = tpu.vector_load_idx %arg7[%get3A_1470] : memref<100000xf32, #tpu.memory_space<vmem>>[vector<16xi32>], vector<16xf32>,
      %get3A_1472 = arith.constant 2016 : index
      %get3A_1473 = tpu.vector_load %arg9[%get3A_1472] {strides = array<i32>} : memref<2048xf32, #tpu.memory_space<vmem>>, vector<16xf32>,
      %add3A_1474 = arith.addf %gather3A_1471, %get3A_1473 : vector<16xf32>
      %exp3A_1475 = math.exp %add3A_1474 : vector<16xf32>
      %swap3A_1476 = arith.constant 15 : i32
      %swap3A_1477 = arith.index_cast %swap3A_1476 : i32 to index
      %swap3A_1478 = arith.constant 96 : index
      %swap3A_1479 = tpu.vector_load %arg11[%swap3A_1477, %swap3A_1478] {strides = array<i32>} : memref<16x128xf32, #tpu.memory_space<vmem>>, vector<16xf32>,
      tpu.vector_store %arg11[%swap3A_1477, %swap3A_1478], %exp3A_1475 {strides = array<i32>} : memref<16x128xf32, #tpu.memory_space<vmem>>, vector<16xf32>,
      %get3A_1480 = arith.constant 2032 : index
      %get3A_1481 = tpu.vector_load %arg8[%get3A_1480] {strides = array<i32>} : memref<2048xi32, #tpu.memory_space<vmem>>, vector<16xi32>,
      %gather3A_1482 = tpu.vector_load_idx %arg7[%get3A_1481] : memref<100000xf32, #tpu.memory_space<vmem>>[vector<16xi32>], vector<16xf32>,
      %get3A_1483 = arith.constant 2032 : index
      %get3A_1484 = tpu.vector_load %arg9[%get3A_1483] {strides = array<i32>} : memref<2048xf32, #tpu.memory_space<vmem>>, vector<16xf32>,
      %add3A_1485 = arith.addf %gather3A_1482, %get3A_1484 : vector<16xf32>
      %exp3A_1486 = math.exp %add3A_1485 : vector<16xf32>
      %swap3A_1487 = arith.constant 15 : i32
      %swap3A_1488 = arith.index_cast %swap3A_1487 : i32 to index
      %swap3A_1489 = arith.constant 112 : index
      %swap3A_1490 = tpu.vector_load %arg11[%swap3A_1488, %swap3A_1489] {strides = array<i32>} : memref<16x128xf32, #tpu.memory_space<vmem>>, vector<16xf32>,
      tpu.vector_store %arg11[%swap3A_1488, %swap3A_1489], %exp3A_1486 {strides = array<i32>} : memref<16x128xf32, #tpu.memory_space<vmem>>, vector<16xf32>,
      %dma_start3A_1491 = arith.constant 0 : i32
      %dma_start3A_1492 = arith.constant 0 : i32
      %dma_start3A_1493 = arith.constant 0 : i32
      %dma_start3A_1494 = tpu.memref_slice %arg11[%dma_start3A_1491, %dma_start3A_1493] : memref<16x128xf32, #tpu.memory_space<vmem>> -> memref<1x128xf32, #tpu.memory_space<vmem>>
      %dma_start3A_1495 = tpu.memref_squeeze %dma_start3A_1494 : memref<1x128xf32, #tpu.memory_space<vmem>> -> memref<128xf32, #tpu.memory_space<vmem>>
      %dma_start3A_1496 = arith.constant 0 : i32
      %dma_start3A_1497 = tpu.memref_slice %arg10[%dma_start3A_1492, %dma_start3A_1496] : memref<16x128xi32, #tpu.memory_space<vmem>> -> memref<1x128xi32, #tpu.memory_space<vmem>>
      %dma_start3A_1498 = tpu.memref_squeeze %dma_start3A_1497 : memref<1x128xi32, #tpu.memory_space<vmem>> -> memref<128xi32, #tpu.memory_space<vmem>>
      %dma_start3A_1499 = arith.constant 0 : i32
      %dma_start3A_1500 = tpu.memref_slice %arg13[%dma_start3A_1499] : memref<100352xf32, #tpu.memory_space<vmem_shared>> -> memref<100352xf32, #tpu.memory_space<vmem_shared>>
      tpu.enqueue_indirect_dma source(%dma_start3A_1495 : memref<128xf32, #tpu.memory_space<vmem>>) target(%dma_start3A_1500 : memref<100352xf32, #tpu.memory_space<vmem_shared>>) offsets(%dma_start3A_1498 : memref<128xi32, #tpu.memory_space<vmem>>) semaphore(%arg17 : memref<!tpu.dma_semaphore, #tpu.memory_space<semaphore_mem>>) {add = true}
      %dma_start3A_1501 = arith.constant 1 : i32
      %dma_start3A_1502 = arith.constant 1 : i32
      %dma_start3A_1503 = arith.constant 0 : i32
      %dma_start3A_1504 = tpu.memref_slice %arg11[%dma_start3A_1501, %dma_start3A_1503] : memref<16x128xf32, #tpu.memory_space<vmem>> -> memref<1x128xf32, #tpu.memory_space<vmem>>
      %dma_start3A_1505 = tpu.memref_squeeze %dma_start3A_1504 : memref<1x128xf32, #tpu.memory_space<vmem>> -> memref<128xf32, #tpu.memory_space<vmem>>
      %dma_start3A_1506 = arith.constant 0 : i32
      %dma_start3A_1507 = tpu.memref_slice %arg10[%dma_start3A_1502, %dma_start3A_1506] : memref<16x128xi32, #tpu.memory_space<vmem>> -> memref<1x128xi32, #tpu.memory_space<vmem>>
      %dma_start3A_1508 = tpu.memref_squeeze %dma_start3A_1507 : memref<1x128xi32, #tpu.memory_space<vmem>> -> memref<128xi32, #tpu.memory_space<vmem>>
      %dma_start3A_1509 = arith.constant 0 : i32
      %dma_start3A_1510 = tpu.memref_slice %arg13[%dma_start3A_1509] : memref<100352xf32, #tpu.memory_space<vmem_shared>> -> memref<100352xf32, #tpu.memory_space<vmem_shared>>
      tpu.enqueue_indirect_dma source(%dma_start3A_1505 : memref<128xf32, #tpu.memory_space<vmem>>) target(%dma_start3A_1510 : memref<100352xf32, #tpu.memory_space<vmem_shared>>) offsets(%dma_start3A_1508 : memref<128xi32, #tpu.memory_space<vmem>>) semaphore(%arg17 : memref<!tpu.dma_semaphore, #tpu.memory_space<semaphore_mem>>) {add = true}
      %dma_start3A_1511 = arith.constant 2 : i32
      %dma_start3A_1512 = arith.constant 2 : i32
      %dma_start3A_1513 = arith.constant 0 : i32
      %dma_start3A_1514 = tpu.memref_slice %arg11[%dma_start3A_1511, %dma_start3A_1513] : memref<16x128xf32, #tpu.memory_space<vmem>> -> memref<1x128xf32, #tpu.memory_space<vmem>>
      %dma_start3A_1515 = tpu.memref_squeeze %dma_start3A_1514 : memref<1x128xf32, #tpu.memory_space<vmem>> -> memref<128xf32, #tpu.memory_space<vmem>>
      %dma_start3A_1516 = arith.constant 0 : i32
      %dma_start3A_1517 = tpu.memref_slice %arg10[%dma_start3A_1512, %dma_start3A_1516] : memref<16x128xi32, #tpu.memory_space<vmem>> -> memref<1x128xi32, #tpu.memory_space<vmem>>
      %dma_start3A_1518 = tpu.memref_squeeze %dma_start3A_1517 : memref<1x128xi32, #tpu.memory_space<vmem>> -> memref<128xi32, #tpu.memory_space<vmem>>
      %dma_start3A_1519 = arith.constant 0 : i32
      %dma_start3A_1520 = tpu.memref_slice %arg13[%dma_start3A_1519] : memref<100352xf32, #tpu.memory_space<vmem_shared>> -> memref<100352xf32, #tpu.memory_space<vmem_shared>>
      tpu.enqueue_indirect_dma source(%dma_start3A_1515 : memref<128xf32, #tpu.memory_space<vmem>>) target(%dma_start3A_1520 : memref<100352xf32, #tpu.memory_space<vmem_shared>>) offsets(%dma_start3A_1518 : memref<128xi32, #tpu.memory_space<vmem>>) semaphore(%arg17 : memref<!tpu.dma_semaphore, #tpu.memory_space<semaphore_mem>>) {add = true}
      %dma_start3A_1521 = arith.constant 3 : i32
      %dma_start3A_1522 = arith.constant 3 : i32
      %dma_start3A_1523 = arith.constant 0 : i32
      %dma_start3A_1524 = tpu.memref_slice %arg11[%dma_start3A_1521, %dma_start3A_1523] : memref<16x128xf32, #tpu.memory_space<vmem>> -> memref<1x128xf32, #tpu.memory_space<vmem>>
      %dma_start3A_1525 = tpu.memref_squeeze %dma_start3A_1524 : memref<1x128xf32, #tpu.memory_space<vmem>> -> memref<128xf32, #tpu.memory_space<vmem>>
      %dma_start3A_1526 = arith.constant 0 : i32
      %dma_start3A_1527 = tpu.memref_slice %arg10[%dma_start3A_1522, %dma_start3A_1526] : memref<16x128xi32, #tpu.memory_space<vmem>> -> memref<1x128xi32, #tpu.memory_space<vmem>>
      %dma_start3A_1528 = tpu.memref_squeeze %dma_start3A_1527 : memref<1x128xi32, #tpu.memory_space<vmem>> -> memref<128xi32, #tpu.memory_space<vmem>>
      %dma_start3A_1529 = arith.constant 0 : i32
      %dma_start3A_1530 = tpu.memref_slice %arg13[%dma_start3A_1529] : memref<100352xf32, #tpu.memory_space<vmem_shared>> -> memref<100352xf32, #tpu.memory_space<vmem_shared>>
      tpu.enqueue_indirect_dma source(%dma_start3A_1525 : memref<128xf32, #tpu.memory_space<vmem>>) target(%dma_start3A_1530 : memref<100352xf32, #tpu.memory_space<vmem_shared>>) offsets(%dma_start3A_1528 : memref<128xi32, #tpu.memory_space<vmem>>) semaphore(%arg17 : memref<!tpu.dma_semaphore, #tpu.memory_space<semaphore_mem>>) {add = true}
      %dma_start3A_1531 = arith.constant 4 : i32
      %dma_start3A_1532 = arith.constant 4 : i32
      %dma_start3A_1533 = arith.constant 0 : i32
      %dma_start3A_1534 = tpu.memref_slice %arg11[%dma_start3A_1531, %dma_start3A_1533] : memref<16x128xf32, #tpu.memory_space<vmem>> -> memref<1x128xf32, #tpu.memory_space<vmem>>
      %dma_start3A_1535 = tpu.memref_squeeze %dma_start3A_1534 : memref<1x128xf32, #tpu.memory_space<vmem>> -> memref<128xf32, #tpu.memory_space<vmem>>
      %dma_start3A_1536 = arith.constant 0 : i32
      %dma_start3A_1537 = tpu.memref_slice %arg10[%dma_start3A_1532, %dma_start3A_1536] : memref<16x128xi32, #tpu.memory_space<vmem>> -> memref<1x128xi32, #tpu.memory_space<vmem>>
      %dma_start3A_1538 = tpu.memref_squeeze %dma_start3A_1537 : memref<1x128xi32, #tpu.memory_space<vmem>> -> memref<128xi32, #tpu.memory_space<vmem>>
      %dma_start3A_1539 = arith.constant 0 : i32
      %dma_start3A_1540 = tpu.memref_slice %arg13[%dma_start3A_1539] : memref<100352xf32, #tpu.memory_space<vmem_shared>> -> memref<100352xf32, #tpu.memory_space<vmem_shared>>
      tpu.enqueue_indirect_dma source(%dma_start3A_1535 : memref<128xf32, #tpu.memory_space<vmem>>) target(%dma_start3A_1540 : memref<100352xf32, #tpu.memory_space<vmem_shared>>) offsets(%dma_start3A_1538 : memref<128xi32, #tpu.memory_space<vmem>>) semaphore(%arg17 : memref<!tpu.dma_semaphore, #tpu.memory_space<semaphore_mem>>) {add = true}
      %dma_start3A_1541 = arith.constant 5 : i32
      %dma_start3A_1542 = arith.constant 5 : i32
      %dma_start3A_1543 = arith.constant 0 : i32
      %dma_start3A_1544 = tpu.memref_slice %arg11[%dma_start3A_1541, %dma_start3A_1543] : memref<16x128xf32, #tpu.memory_space<vmem>> -> memref<1x128xf32, #tpu.memory_space<vmem>>
      %dma_start3A_1545 = tpu.memref_squeeze %dma_start3A_1544 : memref<1x128xf32, #tpu.memory_space<vmem>> -> memref<128xf32, #tpu.memory_space<vmem>>
      %dma_start3A_1546 = arith.constant 0 : i32
      %dma_start3A_1547 = tpu.memref_slice %arg10[%dma_start3A_1542, %dma_start3A_1546] : memref<16x128xi32, #tpu.memory_space<vmem>> -> memref<1x128xi32, #tpu.memory_space<vmem>>
      %dma_start3A_1548 = tpu.memref_squeeze %dma_start3A_1547 : memref<1x128xi32, #tpu.memory_space<vmem>> -> memref<128xi32, #tpu.memory_space<vmem>>
      %dma_start3A_1549 = arith.constant 0 : i32
      %dma_start3A_1550 = tpu.memref_slice %arg13[%dma_start3A_1549] : memref<100352xf32, #tpu.memory_space<vmem_shared>> -> memref<100352xf32, #tpu.memory_space<vmem_shared>>
      tpu.enqueue_indirect_dma source(%dma_start3A_1545 : memref<128xf32, #tpu.memory_space<vmem>>) target(%dma_start3A_1550 : memref<100352xf32, #tpu.memory_space<vmem_shared>>) offsets(%dma_start3A_1548 : memref<128xi32, #tpu.memory_space<vmem>>) semaphore(%arg17 : memref<!tpu.dma_semaphore, #tpu.memory_space<semaphore_mem>>) {add = true}
      %dma_start3A_1551 = arith.constant 6 : i32
      %dma_start3A_1552 = arith.constant 6 : i32
      %dma_start3A_1553 = arith.constant 0 : i32
      %dma_start3A_1554 = tpu.memref_slice %arg11[%dma_start3A_1551, %dma_start3A_1553] : memref<16x128xf32, #tpu.memory_space<vmem>> -> memref<1x128xf32, #tpu.memory_space<vmem>>
      %dma_start3A_1555 = tpu.memref_squeeze %dma_start3A_1554 : memref<1x128xf32, #tpu.memory_space<vmem>> -> memref<128xf32, #tpu.memory_space<vmem>>
      %dma_start3A_1556 = arith.constant 0 : i32
      %dma_start3A_1557 = tpu.memref_slice %arg10[%dma_start3A_1552, %dma_start3A_1556] : memref<16x128xi32, #tpu.memory_space<vmem>> -> memref<1x128xi32, #tpu.memory_space<vmem>>
      %dma_start3A_1558 = tpu.memref_squeeze %dma_start3A_1557 : memref<1x128xi32, #tpu.memory_space<vmem>> -> memref<128xi32, #tpu.memory_space<vmem>>
      %dma_start3A_1559 = arith.constant 0 : i32
      %dma_start3A_1560 = tpu.memref_slice %arg13[%dma_start3A_1559] : memref<100352xf32, #tpu.memory_space<vmem_shared>> -> memref<100352xf32, #tpu.memory_space<vmem_shared>>
      tpu.enqueue_indirect_dma source(%dma_start3A_1555 : memref<128xf32, #tpu.memory_space<vmem>>) target(%dma_start3A_1560 : memref<100352xf32, #tpu.memory_space<vmem_shared>>) offsets(%dma_start3A_1558 : memref<128xi32, #tpu.memory_space<vmem>>) semaphore(%arg17 : memref<!tpu.dma_semaphore, #tpu.memory_space<semaphore_mem>>) {add = true}
      %dma_start3A_1561 = arith.constant 7 : i32
      %dma_start3A_1562 = arith.constant 7 : i32
      %dma_start3A_1563 = arith.constant 0 : i32
      %dma_start3A_1564 = tpu.memref_slice %arg11[%dma_start3A_1561, %dma_start3A_1563] : memref<16x128xf32, #tpu.memory_space<vmem>> -> memref<1x128xf32, #tpu.memory_space<vmem>>
      %dma_start3A_1565 = tpu.memref_squeeze %dma_start3A_1564 : memref<1x128xf32, #tpu.memory_space<vmem>> -> memref<128xf32, #tpu.memory_space<vmem>>
      %dma_start3A_1566 = arith.constant 0 : i32
      %dma_start3A_1567 = tpu.memref_slice %arg10[%dma_start3A_1562, %dma_start3A_1566] : memref<16x128xi32, #tpu.memory_space<vmem>> -> memref<1x128xi32, #tpu.memory_space<vmem>>
      %dma_start3A_1568 = tpu.memref_squeeze %dma_start3A_1567 : memref<1x128xi32, #tpu.memory_space<vmem>> -> memref<128xi32, #tpu.memory_space<vmem>>
      %dma_start3A_1569 = arith.constant 0 : i32
      %dma_start3A_1570 = tpu.memref_slice %arg13[%dma_start3A_1569] : memref<100352xf32, #tpu.memory_space<vmem_shared>> -> memref<100352xf32, #tpu.memory_space<vmem_shared>>
      tpu.enqueue_indirect_dma source(%dma_start3A_1565 : memref<128xf32, #tpu.memory_space<vmem>>) target(%dma_start3A_1570 : memref<100352xf32, #tpu.memory_space<vmem_shared>>) offsets(%dma_start3A_1568 : memref<128xi32, #tpu.memory_space<vmem>>) semaphore(%arg17 : memref<!tpu.dma_semaphore, #tpu.memory_space<semaphore_mem>>) {add = true}
      %dma_start3A_1571 = arith.constant 8 : i32
      %dma_start3A_1572 = arith.constant 8 : i32
      %dma_start3A_1573 = arith.constant 0 : i32
      %dma_start3A_1574 = tpu.memref_slice %arg11[%dma_start3A_1571, %dma_start3A_1573] : memref<16x128xf32, #tpu.memory_space<vmem>> -> memref<1x128xf32, #tpu.memory_space<vmem>>
      %dma_start3A_1575 = tpu.memref_squeeze %dma_start3A_1574 : memref<1x128xf32, #tpu.memory_space<vmem>> -> memref<128xf32, #tpu.memory_space<vmem>>
      %dma_start3A_1576 = arith.constant 0 : i32
      %dma_start3A_1577 = tpu.memref_slice %arg10[%dma_start3A_1572, %dma_start3A_1576] : memref<16x128xi32, #tpu.memory_space<vmem>> -> memref<1x128xi32, #tpu.memory_space<vmem>>
      %dma_start3A_1578 = tpu.memref_squeeze %dma_start3A_1577 : memref<1x128xi32, #tpu.memory_space<vmem>> -> memref<128xi32, #tpu.memory_space<vmem>>
      %dma_start3A_1579 = arith.constant 0 : i32
      %dma_start3A_1580 = tpu.memref_slice %arg13[%dma_start3A_1579] : memref<100352xf32, #tpu.memory_space<vmem_shared>> -> memref<100352xf32, #tpu.memory_space<vmem_shared>>
      tpu.enqueue_indirect_dma source(%dma_start3A_1575 : memref<128xf32, #tpu.memory_space<vmem>>) target(%dma_start3A_1580 : memref<100352xf32, #tpu.memory_space<vmem_shared>>) offsets(%dma_start3A_1578 : memref<128xi32, #tpu.memory_space<vmem>>) semaphore(%arg17 : memref<!tpu.dma_semaphore, #tpu.memory_space<semaphore_mem>>) {add = true}
      %dma_start3A_1581 = arith.constant 9 : i32
      %dma_start3A_1582 = arith.constant 9 : i32
      %dma_start3A_1583 = arith.constant 0 : i32
      %dma_start3A_1584 = tpu.memref_slice %arg11[%dma_start3A_1581, %dma_start3A_1583] : memref<16x128xf32, #tpu.memory_space<vmem>> -> memref<1x128xf32, #tpu.memory_space<vmem>>
      %dma_start3A_1585 = tpu.memref_squeeze %dma_start3A_1584 : memref<1x128xf32, #tpu.memory_space<vmem>> -> memref<128xf32, #tpu.memory_space<vmem>>
      %dma_start3A_1586 = arith.constant 0 : i32
      %dma_start3A_1587 = tpu.memref_slice %arg10[%dma_start3A_1582, %dma_start3A_1586] : memref<16x128xi32, #tpu.memory_space<vmem>> -> memref<1x128xi32, #tpu.memory_space<vmem>>
      %dma_start3A_1588 = tpu.memref_squeeze %dma_start3A_1587 : memref<1x128xi32, #tpu.memory_space<vmem>> -> memref<128xi32, #tpu.memory_space<vmem>>
      %dma_start3A_1589 = arith.constant 0 : i32
      %dma_start3A_1590 = tpu.memref_slice %arg13[%dma_start3A_1589] : memref<100352xf32, #tpu.memory_space<vmem_shared>> -> memref<100352xf32, #tpu.memory_space<vmem_shared>>
      tpu.enqueue_indirect_dma source(%dma_start3A_1585 : memref<128xf32, #tpu.memory_space<vmem>>) target(%dma_start3A_1590 : memref<100352xf32, #tpu.memory_space<vmem_shared>>) offsets(%dma_start3A_1588 : memref<128xi32, #tpu.memory_space<vmem>>) semaphore(%arg17 : memref<!tpu.dma_semaphore, #tpu.memory_space<semaphore_mem>>) {add = true}
      %dma_start3A_1591 = arith.constant 10 : i32
      %dma_start3A_1592 = arith.constant 10 : i32
      %dma_start3A_1593 = arith.constant 0 : i32
      %dma_start3A_1594 = tpu.memref_slice %arg11[%dma_start3A_1591, %dma_start3A_1593] : memref<16x128xf32, #tpu.memory_space<vmem>> -> memref<1x128xf32, #tpu.memory_space<vmem>>
      %dma_start3A_1595 = tpu.memref_squeeze %dma_start3A_1594 : memref<1x128xf32, #tpu.memory_space<vmem>> -> memref<128xf32, #tpu.memory_space<vmem>>
      %dma_start3A_1596 = arith.constant 0 : i32
      %dma_start3A_1597 = tpu.memref_slice %arg10[%dma_start3A_1592, %dma_start3A_1596] : memref<16x128xi32, #tpu.memory_space<vmem>> -> memref<1x128xi32, #tpu.memory_space<vmem>>
      %dma_start3A_1598 = tpu.memref_squeeze %dma_start3A_1597 : memref<1x128xi32, #tpu.memory_space<vmem>> -> memref<128xi32, #tpu.memory_space<vmem>>
      %dma_start3A_1599 = arith.constant 0 : i32
      %dma_start3A_1600 = tpu.memref_slice %arg13[%dma_start3A_1599] : memref<100352xf32, #tpu.memory_space<vmem_shared>> -> memref<100352xf32, #tpu.memory_space<vmem_shared>>
      tpu.enqueue_indirect_dma source(%dma_start3A_1595 : memref<128xf32, #tpu.memory_space<vmem>>) target(%dma_start3A_1600 : memref<100352xf32, #tpu.memory_space<vmem_shared>>) offsets(%dma_start3A_1598 : memref<128xi32, #tpu.memory_space<vmem>>) semaphore(%arg17 : memref<!tpu.dma_semaphore, #tpu.memory_space<semaphore_mem>>) {add = true}
      %dma_start3A_1601 = arith.constant 11 : i32
      %dma_start3A_1602 = arith.constant 11 : i32
      %dma_start3A_1603 = arith.constant 0 : i32
      %dma_start3A_1604 = tpu.memref_slice %arg11[%dma_start3A_1601, %dma_start3A_1603] : memref<16x128xf32, #tpu.memory_space<vmem>> -> memref<1x128xf32, #tpu.memory_space<vmem>>
      %dma_start3A_1605 = tpu.memref_squeeze %dma_start3A_1604 : memref<1x128xf32, #tpu.memory_space<vmem>> -> memref<128xf32, #tpu.memory_space<vmem>>
      %dma_start3A_1606 = arith.constant 0 : i32
      %dma_start3A_1607 = tpu.memref_slice %arg10[%dma_start3A_1602, %dma_start3A_1606] : memref<16x128xi32, #tpu.memory_space<vmem>> -> memref<1x128xi32, #tpu.memory_space<vmem>>
      %dma_start3A_1608 = tpu.memref_squeeze %dma_start3A_1607 : memref<1x128xi32, #tpu.memory_space<vmem>> -> memref<128xi32, #tpu.memory_space<vmem>>
      %dma_start3A_1609 = arith.constant 0 : i32
      %dma_start3A_1610 = tpu.memref_slice %arg13[%dma_start3A_1609] : memref<100352xf32, #tpu.memory_space<vmem_shared>> -> memref<100352xf32, #tpu.memory_space<vmem_shared>>
      tpu.enqueue_indirect_dma source(%dma_start3A_1605 : memref<128xf32, #tpu.memory_space<vmem>>) target(%dma_start3A_1610 : memref<100352xf32, #tpu.memory_space<vmem_shared>>) offsets(%dma_start3A_1608 : memref<128xi32, #tpu.memory_space<vmem>>) semaphore(%arg17 : memref<!tpu.dma_semaphore, #tpu.memory_space<semaphore_mem>>) {add = true}
      %dma_start3A_1611 = arith.constant 12 : i32
      %dma_start3A_1612 = arith.constant 12 : i32
      %dma_start3A_1613 = arith.constant 0 : i32
      %dma_start3A_1614 = tpu.memref_slice %arg11[%dma_start3A_1611, %dma_start3A_1613] : memref<16x128xf32, #tpu.memory_space<vmem>> -> memref<1x128xf32, #tpu.memory_space<vmem>>
      %dma_start3A_1615 = tpu.memref_squeeze %dma_start3A_1614 : memref<1x128xf32, #tpu.memory_space<vmem>> -> memref<128xf32, #tpu.memory_space<vmem>>
      %dma_start3A_1616 = arith.constant 0 : i32
      %dma_start3A_1617 = tpu.memref_slice %arg10[%dma_start3A_1612, %dma_start3A_1616] : memref<16x128xi32, #tpu.memory_space<vmem>> -> memref<1x128xi32, #tpu.memory_space<vmem>>
      %dma_start3A_1618 = tpu.memref_squeeze %dma_start3A_1617 : memref<1x128xi32, #tpu.memory_space<vmem>> -> memref<128xi32, #tpu.memory_space<vmem>>
      %dma_start3A_1619 = arith.constant 0 : i32
      %dma_start3A_1620 = tpu.memref_slice %arg13[%dma_start3A_1619] : memref<100352xf32, #tpu.memory_space<vmem_shared>> -> memref<100352xf32, #tpu.memory_space<vmem_shared>>
      tpu.enqueue_indirect_dma source(%dma_start3A_1615 : memref<128xf32, #tpu.memory_space<vmem>>) target(%dma_start3A_1620 : memref<100352xf32, #tpu.memory_space<vmem_shared>>) offsets(%dma_start3A_1618 : memref<128xi32, #tpu.memory_space<vmem>>) semaphore(%arg17 : memref<!tpu.dma_semaphore, #tpu.memory_space<semaphore_mem>>) {add = true}
      %dma_start3A_1621 = arith.constant 13 : i32
      %dma_start3A_1622 = arith.constant 13 : i32
      %dma_start3A_1623 = arith.constant 0 : i32
      %dma_start3A_1624 = tpu.memref_slice %arg11[%dma_start3A_1621, %dma_start3A_1623] : memref<16x128xf32, #tpu.memory_space<vmem>> -> memref<1x128xf32, #tpu.memory_space<vmem>>
      %dma_start3A_1625 = tpu.memref_squeeze %dma_start3A_1624 : memref<1x128xf32, #tpu.memory_space<vmem>> -> memref<128xf32, #tpu.memory_space<vmem>>
      %dma_start3A_1626 = arith.constant 0 : i32
      %dma_start3A_1627 = tpu.memref_slice %arg10[%dma_start3A_1622, %dma_start3A_1626] : memref<16x128xi32, #tpu.memory_space<vmem>> -> memref<1x128xi32, #tpu.memory_space<vmem>>
      %dma_start3A_1628 = tpu.memref_squeeze %dma_start3A_1627 : memref<1x128xi32, #tpu.memory_space<vmem>> -> memref<128xi32, #tpu.memory_space<vmem>>
      %dma_start3A_1629 = arith.constant 0 : i32
      %dma_start3A_1630 = tpu.memref_slice %arg13[%dma_start3A_1629] : memref<100352xf32, #tpu.memory_space<vmem_shared>> -> memref<100352xf32, #tpu.memory_space<vmem_shared>>
      tpu.enqueue_indirect_dma source(%dma_start3A_1625 : memref<128xf32, #tpu.memory_space<vmem>>) target(%dma_start3A_1630 : memref<100352xf32, #tpu.memory_space<vmem_shared>>) offsets(%dma_start3A_1628 : memref<128xi32, #tpu.memory_space<vmem>>) semaphore(%arg17 : memref<!tpu.dma_semaphore, #tpu.memory_space<semaphore_mem>>) {add = true}
      %dma_start3A_1631 = arith.constant 14 : i32
      %dma_start3A_1632 = arith.constant 14 : i32
      %dma_start3A_1633 = arith.constant 0 : i32
      %dma_start3A_1634 = tpu.memref_slice %arg11[%dma_start3A_1631, %dma_start3A_1633] : memref<16x128xf32, #tpu.memory_space<vmem>> -> memref<1x128xf32, #tpu.memory_space<vmem>>
      %dma_start3A_1635 = tpu.memref_squeeze %dma_start3A_1634 : memref<1x128xf32, #tpu.memory_space<vmem>> -> memref<128xf32, #tpu.memory_space<vmem>>
      %dma_start3A_1636 = arith.constant 0 : i32
      %dma_start3A_1637 = tpu.memref_slice %arg10[%dma_start3A_1632, %dma_start3A_1636] : memref<16x128xi32, #tpu.memory_space<vmem>> -> memref<1x128xi32, #tpu.memory_space<vmem>>
      %dma_start3A_1638 = tpu.memref_squeeze %dma_start3A_1637 : memref<1x128xi32, #tpu.memory_space<vmem>> -> memref<128xi32, #tpu.memory_space<vmem>>
      %dma_start3A_1639 = arith.constant 0 : i32
      %dma_start3A_1640 = tpu.memref_slice %arg13[%dma_start3A_1639] : memref<100352xf32, #tpu.memory_space<vmem_shared>> -> memref<100352xf32, #tpu.memory_space<vmem_shared>>
      tpu.enqueue_indirect_dma source(%dma_start3A_1635 : memref<128xf32, #tpu.memory_space<vmem>>) target(%dma_start3A_1640 : memref<100352xf32, #tpu.memory_space<vmem_shared>>) offsets(%dma_start3A_1638 : memref<128xi32, #tpu.memory_space<vmem>>) semaphore(%arg17 : memref<!tpu.dma_semaphore, #tpu.memory_space<semaphore_mem>>) {add = true}
      %dma_start3A_1641 = arith.constant 15 : i32
      %dma_start3A_1642 = arith.constant 15 : i32
      %dma_start3A_1643 = arith.constant 0 : i32
      %dma_start3A_1644 = tpu.memref_slice %arg11[%dma_start3A_1641, %dma_start3A_1643] : memref<16x128xf32, #tpu.memory_space<vmem>> -> memref<1x128xf32, #tpu.memory_space<vmem>>
      %dma_start3A_1645 = tpu.memref_squeeze %dma_start3A_1644 : memref<1x128xf32, #tpu.memory_space<vmem>> -> memref<128xf32, #tpu.memory_space<vmem>>
      %dma_start3A_1646 = arith.constant 0 : i32
      %dma_start3A_1647 = tpu.memref_slice %arg10[%dma_start3A_1642, %dma_start3A_1646] : memref<16x128xi32, #tpu.memory_space<vmem>> -> memref<1x128xi32, #tpu.memory_space<vmem>>
      %dma_start3A_1648 = tpu.memref_squeeze %dma_start3A_1647 : memref<1x128xi32, #tpu.memory_space<vmem>> -> memref<128xi32, #tpu.memory_space<vmem>>
      %dma_start3A_1649 = arith.constant 0 : i32
      %dma_start3A_1650 = tpu.memref_slice %arg13[%dma_start3A_1649] : memref<100352xf32, #tpu.memory_space<vmem_shared>> -> memref<100352xf32, #tpu.memory_space<vmem_shared>>
      tpu.enqueue_indirect_dma source(%dma_start3A_1645 : memref<128xf32, #tpu.memory_space<vmem>>) target(%dma_start3A_1650 : memref<100352xf32, #tpu.memory_space<vmem_shared>>) offsets(%dma_start3A_1648 : memref<128xi32, #tpu.memory_space<vmem>>) semaphore(%arg17 : memref<!tpu.dma_semaphore, #tpu.memory_space<semaphore_mem>>) {add = true}
      %dma_wait3A_1651 = arith.constant 0 : i32
      %dma_wait3A_1652 = arith.constant 0 : i32
      %dma_wait3A_1653 = arith.constant 0 : i32
      %dma_wait3A_1654 = tpu.memref_slice %arg11[%dma_wait3A_1651, %dma_wait3A_1653] : memref<16x128xf32, #tpu.memory_space<vmem>> -> memref<1x128xf32, #tpu.memory_space<vmem>>
      %dma_wait3A_1655 = tpu.memref_squeeze %dma_wait3A_1654 : memref<1x128xf32, #tpu.memory_space<vmem>> -> memref<128xf32, #tpu.memory_space<vmem>>
      %dma_wait3A_1656 = arith.constant 0 : i32
      %dma_wait3A_1657 = tpu.memref_slice %arg10[%dma_wait3A_1652, %dma_wait3A_1656] : memref<16x128xi32, #tpu.memory_space<vmem>> -> memref<1x128xi32, #tpu.memory_space<vmem>>
      %dma_wait3A_1658 = tpu.memref_squeeze %dma_wait3A_1657 : memref<1x128xi32, #tpu.memory_space<vmem>> -> memref<128xi32, #tpu.memory_space<vmem>>
      %dma_wait3A_1659 = arith.constant 0 : i32
      %dma_wait3A_1660 = tpu.memref_slice %arg13[%dma_wait3A_1659] : memref<100352xf32, #tpu.memory_space<vmem_shared>> -> memref<100352xf32, #tpu.memory_space<vmem_shared>>
      tpu.wait_indirect_dma semaphore(%arg17 : memref<!tpu.dma_semaphore, #tpu.memory_space<semaphore_mem>>) src(%dma_wait3A_1655 : memref<128xf32, #tpu.memory_space<vmem>>) dst(%dma_wait3A_1660 : memref<100352xf32, #tpu.memory_space<vmem_shared>>)
      %dma_wait3A_1661 = arith.constant 1 : i32
      %dma_wait3A_1662 = arith.constant 1 : i32
      %dma_wait3A_1663 = arith.constant 0 : i32
      %dma_wait3A_1664 = tpu.memref_slice %arg11[%dma_wait3A_1661, %dma_wait3A_1663] : memref<16x128xf32, #tpu.memory_space<vmem>> -> memref<1x128xf32, #tpu.memory_space<vmem>>
      %dma_wait3A_1665 = tpu.memref_squeeze %dma_wait3A_1664 : memref<1x128xf32, #tpu.memory_space<vmem>> -> memref<128xf32, #tpu.memory_space<vmem>>
      %dma_wait3A_1666 = arith.constant 0 : i32
      %dma_wait3A_1667 = tpu.memref_slice %arg10[%dma_wait3A_1662, %dma_wait3A_1666] : memref<16x128xi32, #tpu.memory_space<vmem>> -> memref<1x128xi32, #tpu.memory_space<vmem>>
      %dma_wait3A_1668 = tpu.memref_squeeze %dma_wait3A_1667 : memref<1x128xi32, #tpu.memory_space<vmem>> -> memref<128xi32, #tpu.memory_space<vmem>>
      %dma_wait3A_1669 = arith.constant 0 : i32
      %dma_wait3A_1670 = tpu.memref_slice %arg13[%dma_wait3A_1669] : memref<100352xf32, #tpu.memory_space<vmem_shared>> -> memref<100352xf32, #tpu.memory_space<vmem_shared>>
      tpu.wait_indirect_dma semaphore(%arg17 : memref<!tpu.dma_semaphore, #tpu.memory_space<semaphore_mem>>) src(%dma_wait3A_1665 : memref<128xf32, #tpu.memory_space<vmem>>) dst(%dma_wait3A_1670 : memref<100352xf32, #tpu.memory_space<vmem_shared>>)
      %dma_wait3A_1671 = arith.constant 2 : i32
      %dma_wait3A_1672 = arith.constant 2 : i32
      %dma_wait3A_1673 = arith.constant 0 : i32
      %dma_wait3A_1674 = tpu.memref_slice %arg11[%dma_wait3A_1671, %dma_wait3A_1673] : memref<16x128xf32, #tpu.memory_space<vmem>> -> memref<1x128xf32, #tpu.memory_space<vmem>>
      %dma_wait3A_1675 = tpu.memref_squeeze %dma_wait3A_1674 : memref<1x128xf32, #tpu.memory_space<vmem>> -> memref<128xf32, #tpu.memory_space<vmem>>
      %dma_wait3A_1676 = arith.constant 0 : i32
      %dma_wait3A_1677 = tpu.memref_slice %arg10[%dma_wait3A_1672, %dma_wait3A_1676] : memref<16x128xi32, #tpu.memory_space<vmem>> -> memref<1x128xi32, #tpu.memory_space<vmem>>
      %dma_wait3A_1678 = tpu.memref_squeeze %dma_wait3A_1677 : memref<1x128xi32, #tpu.memory_space<vmem>> -> memref<128xi32, #tpu.memory_space<vmem>>
      %dma_wait3A_1679 = arith.constant 0 : i32
      %dma_wait3A_1680 = tpu.memref_slice %arg13[%dma_wait3A_1679] : memref<100352xf32, #tpu.memory_space<vmem_shared>> -> memref<100352xf32, #tpu.memory_space<vmem_shared>>
      tpu.wait_indirect_dma semaphore(%arg17 : memref<!tpu.dma_semaphore, #tpu.memory_space<semaphore_mem>>) src(%dma_wait3A_1675 : memref<128xf32, #tpu.memory_space<vmem>>) dst(%dma_wait3A_1680 : memref<100352xf32, #tpu.memory_space<vmem_shared>>)
      %dma_wait3A_1681 = arith.constant 3 : i32
      %dma_wait3A_1682 = arith.constant 3 : i32
      %dma_wait3A_1683 = arith.constant 0 : i32
      %dma_wait3A_1684 = tpu.memref_slice %arg11[%dma_wait3A_1681, %dma_wait3A_1683] : memref<16x128xf32, #tpu.memory_space<vmem>> -> memref<1x128xf32, #tpu.memory_space<vmem>>
      %dma_wait3A_1685 = tpu.memref_squeeze %dma_wait3A_1684 : memref<1x128xf32, #tpu.memory_space<vmem>> -> memref<128xf32, #tpu.memory_space<vmem>>
      %dma_wait3A_1686 = arith.constant 0 : i32
      %dma_wait3A_1687 = tpu.memref_slice %arg10[%dma_wait3A_1682, %dma_wait3A_1686] : memref<16x128xi32, #tpu.memory_space<vmem>> -> memref<1x128xi32, #tpu.memory_space<vmem>>
      %dma_wait3A_1688 = tpu.memref_squeeze %dma_wait3A_1687 : memref<1x128xi32, #tpu.memory_space<vmem>> -> memref<128xi32, #tpu.memory_space<vmem>>
      %dma_wait3A_1689 = arith.constant 0 : i32
      %dma_wait3A_1690 = tpu.memref_slice %arg13[%dma_wait3A_1689] : memref<100352xf32, #tpu.memory_space<vmem_shared>> -> memref<100352xf32, #tpu.memory_space<vmem_shared>>
      tpu.wait_indirect_dma semaphore(%arg17 : memref<!tpu.dma_semaphore, #tpu.memory_space<semaphore_mem>>) src(%dma_wait3A_1685 : memref<128xf32, #tpu.memory_space<vmem>>) dst(%dma_wait3A_1690 : memref<100352xf32, #tpu.memory_space<vmem_shared>>)
      %dma_wait3A_1691 = arith.constant 4 : i32
      %dma_wait3A_1692 = arith.constant 4 : i32
      %dma_wait3A_1693 = arith.constant 0 : i32
      %dma_wait3A_1694 = tpu.memref_slice %arg11[%dma_wait3A_1691, %dma_wait3A_1693] : memref<16x128xf32, #tpu.memory_space<vmem>> -> memref<1x128xf32, #tpu.memory_space<vmem>>
      %dma_wait3A_1695 = tpu.memref_squeeze %dma_wait3A_1694 : memref<1x128xf32, #tpu.memory_space<vmem>> -> memref<128xf32, #tpu.memory_space<vmem>>
      %dma_wait3A_1696 = arith.constant 0 : i32
      %dma_wait3A_1697 = tpu.memref_slice %arg10[%dma_wait3A_1692, %dma_wait3A_1696] : memref<16x128xi32, #tpu.memory_space<vmem>> -> memref<1x128xi32, #tpu.memory_space<vmem>>
      %dma_wait3A_1698 = tpu.memref_squeeze %dma_wait3A_1697 : memref<1x128xi32, #tpu.memory_space<vmem>> -> memref<128xi32, #tpu.memory_space<vmem>>
      %dma_wait3A_1699 = arith.constant 0 : i32
      %dma_wait3A_1700 = tpu.memref_slice %arg13[%dma_wait3A_1699] : memref<100352xf32, #tpu.memory_space<vmem_shared>> -> memref<100352xf32, #tpu.memory_space<vmem_shared>>
      tpu.wait_indirect_dma semaphore(%arg17 : memref<!tpu.dma_semaphore, #tpu.memory_space<semaphore_mem>>) src(%dma_wait3A_1695 : memref<128xf32, #tpu.memory_space<vmem>>) dst(%dma_wait3A_1700 : memref<100352xf32, #tpu.memory_space<vmem_shared>>)
      %dma_wait3A_1701 = arith.constant 5 : i32
      %dma_wait3A_1702 = arith.constant 5 : i32
      %dma_wait3A_1703 = arith.constant 0 : i32
      %dma_wait3A_1704 = tpu.memref_slice %arg11[%dma_wait3A_1701, %dma_wait3A_1703] : memref<16x128xf32, #tpu.memory_space<vmem>> -> memref<1x128xf32, #tpu.memory_space<vmem>>
      %dma_wait3A_1705 = tpu.memref_squeeze %dma_wait3A_1704 : memref<1x128xf32, #tpu.memory_space<vmem>> -> memref<128xf32, #tpu.memory_space<vmem>>
      %dma_wait3A_1706 = arith.constant 0 : i32
      %dma_wait3A_1707 = tpu.memref_slice %arg10[%dma_wait3A_1702, %dma_wait3A_1706] : memref<16x128xi32, #tpu.memory_space<vmem>> -> memref<1x128xi32, #tpu.memory_space<vmem>>
      %dma_wait3A_1708 = tpu.memref_squeeze %dma_wait3A_1707 : memref<1x128xi32, #tpu.memory_space<vmem>> -> memref<128xi32, #tpu.memory_space<vmem>>
      %dma_wait3A_1709 = arith.constant 0 : i32
      %dma_wait3A_1710 = tpu.memref_slice %arg13[%dma_wait3A_1709] : memref<100352xf32, #tpu.memory_space<vmem_shared>> -> memref<100352xf32, #tpu.memory_space<vmem_shared>>
      tpu.wait_indirect_dma semaphore(%arg17 : memref<!tpu.dma_semaphore, #tpu.memory_space<semaphore_mem>>) src(%dma_wait3A_1705 : memref<128xf32, #tpu.memory_space<vmem>>) dst(%dma_wait3A_1710 : memref<100352xf32, #tpu.memory_space<vmem_shared>>)
      %dma_wait3A_1711 = arith.constant 6 : i32
      %dma_wait3A_1712 = arith.constant 6 : i32
      %dma_wait3A_1713 = arith.constant 0 : i32
      %dma_wait3A_1714 = tpu.memref_slice %arg11[%dma_wait3A_1711, %dma_wait3A_1713] : memref<16x128xf32, #tpu.memory_space<vmem>> -> memref<1x128xf32, #tpu.memory_space<vmem>>
      %dma_wait3A_1715 = tpu.memref_squeeze %dma_wait3A_1714 : memref<1x128xf32, #tpu.memory_space<vmem>> -> memref<128xf32, #tpu.memory_space<vmem>>
      %dma_wait3A_1716 = arith.constant 0 : i32
      %dma_wait3A_1717 = tpu.memref_slice %arg10[%dma_wait3A_1712, %dma_wait3A_1716] : memref<16x128xi32, #tpu.memory_space<vmem>> -> memref<1x128xi32, #tpu.memory_space<vmem>>
      %dma_wait3A_1718 = tpu.memref_squeeze %dma_wait3A_1717 : memref<1x128xi32, #tpu.memory_space<vmem>> -> memref<128xi32, #tpu.memory_space<vmem>>
      %dma_wait3A_1719 = arith.constant 0 : i32
      %dma_wait3A_1720 = tpu.memref_slice %arg13[%dma_wait3A_1719] : memref<100352xf32, #tpu.memory_space<vmem_shared>> -> memref<100352xf32, #tpu.memory_space<vmem_shared>>
      tpu.wait_indirect_dma semaphore(%arg17 : memref<!tpu.dma_semaphore, #tpu.memory_space<semaphore_mem>>) src(%dma_wait3A_1715 : memref<128xf32, #tpu.memory_space<vmem>>) dst(%dma_wait3A_1720 : memref<100352xf32, #tpu.memory_space<vmem_shared>>)
      %dma_wait3A_1721 = arith.constant 7 : i32
      %dma_wait3A_1722 = arith.constant 7 : i32
      %dma_wait3A_1723 = arith.constant 0 : i32
      %dma_wait3A_1724 = tpu.memref_slice %arg11[%dma_wait3A_1721, %dma_wait3A_1723] : memref<16x128xf32, #tpu.memory_space<vmem>> -> memref<1x128xf32, #tpu.memory_space<vmem>>
      %dma_wait3A_1725 = tpu.memref_squeeze %dma_wait3A_1724 : memref<1x128xf32, #tpu.memory_space<vmem>> -> memref<128xf32, #tpu.memory_space<vmem>>
      %dma_wait3A_1726 = arith.constant 0 : i32
      %dma_wait3A_1727 = tpu.memref_slice %arg10[%dma_wait3A_1722, %dma_wait3A_1726] : memref<16x128xi32, #tpu.memory_space<vmem>> -> memref<1x128xi32, #tpu.memory_space<vmem>>
      %dma_wait3A_1728 = tpu.memref_squeeze %dma_wait3A_1727 : memref<1x128xi32, #tpu.memory_space<vmem>> -> memref<128xi32, #tpu.memory_space<vmem>>
      %dma_wait3A_1729 = arith.constant 0 : i32
      %dma_wait3A_1730 = tpu.memref_slice %arg13[%dma_wait3A_1729] : memref<100352xf32, #tpu.memory_space<vmem_shared>> -> memref<100352xf32, #tpu.memory_space<vmem_shared>>
      tpu.wait_indirect_dma semaphore(%arg17 : memref<!tpu.dma_semaphore, #tpu.memory_space<semaphore_mem>>) src(%dma_wait3A_1725 : memref<128xf32, #tpu.memory_space<vmem>>) dst(%dma_wait3A_1730 : memref<100352xf32, #tpu.memory_space<vmem_shared>>)
      %dma_wait3A_1731 = arith.constant 8 : i32
      %dma_wait3A_1732 = arith.constant 8 : i32
      %dma_wait3A_1733 = arith.constant 0 : i32
      %dma_wait3A_1734 = tpu.memref_slice %arg11[%dma_wait3A_1731, %dma_wait3A_1733] : memref<16x128xf32, #tpu.memory_space<vmem>> -> memref<1x128xf32, #tpu.memory_space<vmem>>
      %dma_wait3A_1735 = tpu.memref_squeeze %dma_wait3A_1734 : memref<1x128xf32, #tpu.memory_space<vmem>> -> memref<128xf32, #tpu.memory_space<vmem>>
      %dma_wait3A_1736 = arith.constant 0 : i32
      %dma_wait3A_1737 = tpu.memref_slice %arg10[%dma_wait3A_1732, %dma_wait3A_1736] : memref<16x128xi32, #tpu.memory_space<vmem>> -> memref<1x128xi32, #tpu.memory_space<vmem>>
      %dma_wait3A_1738 = tpu.memref_squeeze %dma_wait3A_1737 : memref<1x128xi32, #tpu.memory_space<vmem>> -> memref<128xi32, #tpu.memory_space<vmem>>
      %dma_wait3A_1739 = arith.constant 0 : i32
      %dma_wait3A_1740 = tpu.memref_slice %arg13[%dma_wait3A_1739] : memref<100352xf32, #tpu.memory_space<vmem_shared>> -> memref<100352xf32, #tpu.memory_space<vmem_shared>>
      tpu.wait_indirect_dma semaphore(%arg17 : memref<!tpu.dma_semaphore, #tpu.memory_space<semaphore_mem>>) src(%dma_wait3A_1735 : memref<128xf32, #tpu.memory_space<vmem>>) dst(%dma_wait3A_1740 : memref<100352xf32, #tpu.memory_space<vmem_shared>>)
      %dma_wait3A_1741 = arith.constant 9 : i32
      %dma_wait3A_1742 = arith.constant 9 : i32
      %dma_wait3A_1743 = arith.constant 0 : i32
      %dma_wait3A_1744 = tpu.memref_slice %arg11[%dma_wait3A_1741, %dma_wait3A_1743] : memref<16x128xf32, #tpu.memory_space<vmem>> -> memref<1x128xf32, #tpu.memory_space<vmem>>
      %dma_wait3A_1745 = tpu.memref_squeeze %dma_wait3A_1744 : memref<1x128xf32, #tpu.memory_space<vmem>> -> memref<128xf32, #tpu.memory_space<vmem>>
      %dma_wait3A_1746 = arith.constant 0 : i32
      %dma_wait3A_1747 = tpu.memref_slice %arg10[%dma_wait3A_1742, %dma_wait3A_1746] : memref<16x128xi32, #tpu.memory_space<vmem>> -> memref<1x128xi32, #tpu.memory_space<vmem>>
      %dma_wait3A_1748 = tpu.memref_squeeze %dma_wait3A_1747 : memref<1x128xi32, #tpu.memory_space<vmem>> -> memref<128xi32, #tpu.memory_space<vmem>>
      %dma_wait3A_1749 = arith.constant 0 : i32
      %dma_wait3A_1750 = tpu.memref_slice %arg13[%dma_wait3A_1749] : memref<100352xf32, #tpu.memory_space<vmem_shared>> -> memref<100352xf32, #tpu.memory_space<vmem_shared>>
      tpu.wait_indirect_dma semaphore(%arg17 : memref<!tpu.dma_semaphore, #tpu.memory_space<semaphore_mem>>) src(%dma_wait3A_1745 : memref<128xf32, #tpu.memory_space<vmem>>) dst(%dma_wait3A_1750 : memref<100352xf32, #tpu.memory_space<vmem_shared>>)
      %dma_wait3A_1751 = arith.constant 10 : i32
      %dma_wait3A_1752 = arith.constant 10 : i32
      %dma_wait3A_1753 = arith.constant 0 : i32
      %dma_wait3A_1754 = tpu.memref_slice %arg11[%dma_wait3A_1751, %dma_wait3A_1753] : memref<16x128xf32, #tpu.memory_space<vmem>> -> memref<1x128xf32, #tpu.memory_space<vmem>>
      %dma_wait3A_1755 = tpu.memref_squeeze %dma_wait3A_1754 : memref<1x128xf32, #tpu.memory_space<vmem>> -> memref<128xf32, #tpu.memory_space<vmem>>
      %dma_wait3A_1756 = arith.constant 0 : i32
      %dma_wait3A_1757 = tpu.memref_slice %arg10[%dma_wait3A_1752, %dma_wait3A_1756] : memref<16x128xi32, #tpu.memory_space<vmem>> -> memref<1x128xi32, #tpu.memory_space<vmem>>
      %dma_wait3A_1758 = tpu.memref_squeeze %dma_wait3A_1757 : memref<1x128xi32, #tpu.memory_space<vmem>> -> memref<128xi32, #tpu.memory_space<vmem>>
      %dma_wait3A_1759 = arith.constant 0 : i32
      %dma_wait3A_1760 = tpu.memref_slice %arg13[%dma_wait3A_1759] : memref<100352xf32, #tpu.memory_space<vmem_shared>> -> memref<100352xf32, #tpu.memory_space<vmem_shared>>
      tpu.wait_indirect_dma semaphore(%arg17 : memref<!tpu.dma_semaphore, #tpu.memory_space<semaphore_mem>>) src(%dma_wait3A_1755 : memref<128xf32, #tpu.memory_space<vmem>>) dst(%dma_wait3A_1760 : memref<100352xf32, #tpu.memory_space<vmem_shared>>)
      %dma_wait3A_1761 = arith.constant 11 : i32
      %dma_wait3A_1762 = arith.constant 11 : i32
      %dma_wait3A_1763 = arith.constant 0 : i32
      %dma_wait3A_1764 = tpu.memref_slice %arg11[%dma_wait3A_1761, %dma_wait3A_1763] : memref<16x128xf32, #tpu.memory_space<vmem>> -> memref<1x128xf32, #tpu.memory_space<vmem>>
      %dma_wait3A_1765 = tpu.memref_squeeze %dma_wait3A_1764 : memref<1x128xf32, #tpu.memory_space<vmem>> -> memref<128xf32, #tpu.memory_space<vmem>>
      %dma_wait3A_1766 = arith.constant 0 : i32
      %dma_wait3A_1767 = tpu.memref_slice %arg10[%dma_wait3A_1762, %dma_wait3A_1766] : memref<16x128xi32, #tpu.memory_space<vmem>> -> memref<1x128xi32, #tpu.memory_space<vmem>>
      %dma_wait3A_1768 = tpu.memref_squeeze %dma_wait3A_1767 : memref<1x128xi32, #tpu.memory_space<vmem>> -> memref<128xi32, #tpu.memory_space<vmem>>
      %dma_wait3A_1769 = arith.constant 0 : i32
      %dma_wait3A_1770 = tpu.memref_slice %arg13[%dma_wait3A_1769] : memref<100352xf32, #tpu.memory_space<vmem_shared>> -> memref<100352xf32, #tpu.memory_space<vmem_shared>>
      tpu.wait_indirect_dma semaphore(%arg17 : memref<!tpu.dma_semaphore, #tpu.memory_space<semaphore_mem>>) src(%dma_wait3A_1765 : memref<128xf32, #tpu.memory_space<vmem>>) dst(%dma_wait3A_1770 : memref<100352xf32, #tpu.memory_space<vmem_shared>>)
      %dma_wait3A_1771 = arith.constant 12 : i32
      %dma_wait3A_1772 = arith.constant 12 : i32
      %dma_wait3A_1773 = arith.constant 0 : i32
      %dma_wait3A_1774 = tpu.memref_slice %arg11[%dma_wait3A_1771, %dma_wait3A_1773] : memref<16x128xf32, #tpu.memory_space<vmem>> -> memref<1x128xf32, #tpu.memory_space<vmem>>
      %dma_wait3A_1775 = tpu.memref_squeeze %dma_wait3A_1774 : memref<1x128xf32, #tpu.memory_space<vmem>> -> memref<128xf32, #tpu.memory_space<vmem>>
      %dma_wait3A_1776 = arith.constant 0 : i32
      %dma_wait3A_1777 = tpu.memref_slice %arg10[%dma_wait3A_1772, %dma_wait3A_1776] : memref<16x128xi32, #tpu.memory_space<vmem>> -> memref<1x128xi32, #tpu.memory_space<vmem>>
      %dma_wait3A_1778 = tpu.memref_squeeze %dma_wait3A_1777 : memref<1x128xi32, #tpu.memory_space<vmem>> -> memref<128xi32, #tpu.memory_space<vmem>>
      %dma_wait3A_1779 = arith.constant 0 : i32
      %dma_wait3A_1780 = tpu.memref_slice %arg13[%dma_wait3A_1779] : memref<100352xf32, #tpu.memory_space<vmem_shared>> -> memref<100352xf32, #tpu.memory_space<vmem_shared>>
      tpu.wait_indirect_dma semaphore(%arg17 : memref<!tpu.dma_semaphore, #tpu.memory_space<semaphore_mem>>) src(%dma_wait3A_1775 : memref<128xf32, #tpu.memory_space<vmem>>) dst(%dma_wait3A_1780 : memref<100352xf32, #tpu.memory_space<vmem_shared>>)
      %dma_wait3A_1781 = arith.constant 13 : i32
      %dma_wait3A_1782 = arith.constant 13 : i32
      %dma_wait3A_1783 = arith.constant 0 : i32
      %dma_wait3A_1784 = tpu.memref_slice %arg11[%dma_wait3A_1781, %dma_wait3A_1783] : memref<16x128xf32, #tpu.memory_space<vmem>> -> memref<1x128xf32, #tpu.memory_space<vmem>>
      %dma_wait3A_1785 = tpu.memref_squeeze %dma_wait3A_1784 : memref<1x128xf32, #tpu.memory_space<vmem>> -> memref<128xf32, #tpu.memory_space<vmem>>
      %dma_wait3A_1786 = arith.constant 0 : i32
      %dma_wait3A_1787 = tpu.memref_slice %arg10[%dma_wait3A_1782, %dma_wait3A_1786] : memref<16x128xi32, #tpu.memory_space<vmem>> -> memref<1x128xi32, #tpu.memory_space<vmem>>
      %dma_wait3A_1788 = tpu.memref_squeeze %dma_wait3A_1787 : memref<1x128xi32, #tpu.memory_space<vmem>> -> memref<128xi32, #tpu.memory_space<vmem>>
      %dma_wait3A_1789 = arith.constant 0 : i32
      %dma_wait3A_1790 = tpu.memref_slice %arg13[%dma_wait3A_1789] : memref<100352xf32, #tpu.memory_space<vmem_shared>> -> memref<100352xf32, #tpu.memory_space<vmem_shared>>
      tpu.wait_indirect_dma semaphore(%arg17 : memref<!tpu.dma_semaphore, #tpu.memory_space<semaphore_mem>>) src(%dma_wait3A_1785 : memref<128xf32, #tpu.memory_space<vmem>>) dst(%dma_wait3A_1790 : memref<100352xf32, #tpu.memory_space<vmem_shared>>)
      %dma_wait3A_1791 = arith.constant 14 : i32
      %dma_wait3A_1792 = arith.constant 14 : i32
      %dma_wait3A_1793 = arith.constant 0 : i32
      %dma_wait3A_1794 = tpu.memref_slice %arg11[%dma_wait3A_1791, %dma_wait3A_1793] : memref<16x128xf32, #tpu.memory_space<vmem>> -> memref<1x128xf32, #tpu.memory_space<vmem>>
      %dma_wait3A_1795 = tpu.memref_squeeze %dma_wait3A_1794 : memref<1x128xf32, #tpu.memory_space<vmem>> -> memref<128xf32, #tpu.memory_space<vmem>>
      %dma_wait3A_1796 = arith.constant 0 : i32
      %dma_wait3A_1797 = tpu.memref_slice %arg10[%dma_wait3A_1792, %dma_wait3A_1796] : memref<16x128xi32, #tpu.memory_space<vmem>> -> memref<1x128xi32, #tpu.memory_space<vmem>>
      %dma_wait3A_1798 = tpu.memref_squeeze %dma_wait3A_1797 : memref<1x128xi32, #tpu.memory_space<vmem>> -> memref<128xi32, #tpu.memory_space<vmem>>
      %dma_wait3A_1799 = arith.constant 0 : i32
      %dma_wait3A_1800 = tpu.memref_slice %arg13[%dma_wait3A_1799] : memref<100352xf32, #tpu.memory_space<vmem_shared>> -> memref<100352xf32, #tpu.memory_space<vmem_shared>>
      tpu.wait_indirect_dma semaphore(%arg17 : memref<!tpu.dma_semaphore, #tpu.memory_space<semaphore_mem>>) src(%dma_wait3A_1795 : memref<128xf32, #tpu.memory_space<vmem>>) dst(%dma_wait3A_1800 : memref<100352xf32, #tpu.memory_space<vmem_shared>>)
      %dma_wait3A_1801 = arith.constant 15 : i32
      %dma_wait3A_1802 = arith.constant 15 : i32
      %dma_wait3A_1803 = arith.constant 0 : i32
      %dma_wait3A_1804 = tpu.memref_slice %arg11[%dma_wait3A_1801, %dma_wait3A_1803] : memref<16x128xf32, #tpu.memory_space<vmem>> -> memref<1x128xf32, #tpu.memory_space<vmem>>
      %dma_wait3A_1805 = tpu.memref_squeeze %dma_wait3A_1804 : memref<1x128xf32, #tpu.memory_space<vmem>> -> memref<128xf32, #tpu.memory_space<vmem>>
      %dma_wait3A_1806 = arith.constant 0 : i32
      %dma_wait3A_1807 = tpu.memref_slice %arg10[%dma_wait3A_1802, %dma_wait3A_1806] : memref<16x128xi32, #tpu.memory_space<vmem>> -> memref<1x128xi32, #tpu.memory_space<vmem>>
      %dma_wait3A_1808 = tpu.memref_squeeze %dma_wait3A_1807 : memref<1x128xi32, #tpu.memory_space<vmem>> -> memref<128xi32, #tpu.memory_space<vmem>>
      %dma_wait3A_1809 = arith.constant 0 : i32
      %dma_wait3A_1810 = tpu.memref_slice %arg13[%dma_wait3A_1809] : memref<100352xf32, #tpu.memory_space<vmem_shared>> -> memref<100352xf32, #tpu.memory_space<vmem_shared>>
      tpu.wait_indirect_dma semaphore(%arg17 : memref<!tpu.dma_semaphore, #tpu.memory_space<semaphore_mem>>) src(%dma_wait3A_1805 : memref<128xf32, #tpu.memory_space<vmem>>) dst(%dma_wait3A_1810 : memref<100352xf32, #tpu.memory_space<vmem_shared>>)
    }
    %barrier3A_63 = arith.constant 0 : index
    tpu.barrier barrier_id(%barrier3A_63)
    %mul3A_64 = arith.constant 6272 : i32
    %mul3A_65 = arith.muli %arg1, %mul3A_64 : i32
    %mul3A_66 = arith.constant 6272 : i32
    %mul3A_67 = arith.muli %arg1, %mul3A_66 : i32
    "tpu.region"() ({
      %run_scoped3A = tpu.sem_alloc : memref<!tpu.dma_semaphore, #tpu.memory_space<semaphore_mem>>
      %dma_start3A = tpu.memref_slice %arg6[%arg0, %mul3A_67] : memref<2x100352xf32, #tpu.memory_space<hbm>> -> memref<1x6272xf32, #tpu.memory_space<hbm>>
      %dma_start3A_68 = tpu.memref_squeeze %dma_start3A : memref<1x6272xf32, #tpu.memory_space<hbm>> -> memref<6272xf32, #tpu.memory_space<hbm>>
      %dma_start3A_69 = tpu.memref_slice %arg13[%mul3A_65] : memref<100352xf32, #tpu.memory_space<vmem_shared>> -> memref<6272xf32, #tpu.memory_space<vmem_shared>>
      tpu.enqueue_dma source(%dma_start3A_69 : memref<6272xf32, #tpu.memory_space<vmem_shared>>) target(%dma_start3A_68 : memref<6272xf32, #tpu.memory_space<hbm>>) target_semaphore(%run_scoped3A : memref<!tpu.dma_semaphore, #tpu.memory_space<semaphore_mem>>)
      %dma_wait3A = tpu.memref_slice %arg6[%arg0, %mul3A_67] : memref<2x100352xf32, #tpu.memory_space<hbm>> -> memref<1x6272xf32, #tpu.memory_space<hbm>>
      %dma_wait3A_70 = tpu.memref_squeeze %dma_wait3A : memref<1x6272xf32, #tpu.memory_space<hbm>> -> memref<6272xf32, #tpu.memory_space<hbm>>
      %dma_wait3A_71 = tpu.memref_slice %arg13[%mul3A_65] : memref<100352xf32, #tpu.memory_space<vmem_shared>> -> memref<6272xf32, #tpu.memory_space<vmem_shared>>
      tpu.wait_dma2 semaphore(%run_scoped3A : memref<!tpu.dma_semaphore, #tpu.memory_space<semaphore_mem>>) src(%dma_wait3A_71 : memref<6272xf32, #tpu.memory_space<vmem_shared>>) dst(%dma_wait3A_70 : memref<6272xf32, #tpu.memory_space<hbm>>)
      tpu.yield
    }) : () -> ()
    return
  }
}

module attributes {stable_mosaic.version = 14 : i64} {
  func.func @_log_tc(%arg0: memref<2x784x128xf32, #tpu.memory_space<vmem>>, %arg1: memref<784x128xf32, #tpu.memory_space<vmem>>) attributes {dimension_semantics = [], scalar_prefetch = 0 : i64, scratch_operands = 0 : i64, tpu.core_type = #tpu.core_type<tc>} {
    %get3A = arith.constant 0 : index
    %get3A_0 = arith.constant 0 : index
    %get3A_1 = arith.constant 0 : index
    %get3A_2 = vector.load %arg0[%get3A, %get3A_0, %get3A_1] : memref<2x784x128xf32, #tpu.memory_space<vmem>>, vector<1x784x128xf32>
    %get3A_3 = vector.shape_cast %get3A_2 : vector<1x784x128xf32> to vector<784x128xf32>
    %get3A_4 = arith.constant 1 : index
    %get3A_5 = arith.constant 0 : index
    %get3A_6 = arith.constant 0 : index
    %get3A_7 = vector.load %arg0[%get3A_4, %get3A_5, %get3A_6] : memref<2x784x128xf32, #tpu.memory_space<vmem>>, vector<1x784x128xf32>
    %get3A_8 = vector.shape_cast %get3A_7 : vector<1x784x128xf32> to vector<784x128xf32>
    %add3A = arith.addf %get3A_3, %get3A_8 : vector<784x128xf32>
    %max3A = arith.constant 9.99999935E-39 : f32
    %max3A_9 = vector.broadcast %max3A : f32 to vector<784x128xf32>
    %max3A_10 = arith.maximumf %add3A, %max3A_9 : vector<784x128xf32>
    %log3A = math.log %max3A_10 : vector<784x128xf32>
    %swap3A = arith.constant 0 : index
    %swap3A_11 = arith.constant 0 : index
    %swap3A_12 = vector.load %arg1[%swap3A, %swap3A_11] : memref<784x128xf32, #tpu.memory_space<vmem>>, vector<784x128xf32>
    tpu.vector_store %arg1[%swap3A, %swap3A_11], %log3A {strides = array<i32>} : memref<784x128xf32, #tpu.memory_space<vmem>>, vector<784x128xf32>,
    return
  }
}

</mosaic_0001>

<sc_bundles>
// kernel: kernel.4.cloned.1.call-start
scs
__scs_entry_jumppad:
0x0: {  	(pc) =	sbr.rel $0x88, $3  }
0x1: {  	(tag) =	ssettag $0x0;
	lr =	simm.s32 $0x1  }
0x2: {  	[smem:$0x3F9D] =	sst lr;
	_ =	strace $0xD0000000  }
0x3: {  	_ = 	snop  }
0x4: {  	_ = 	snop  }
0x5: {  	_ = 	snop  }
0x6: {  	_ = 	snop  }
0x7: {  	_ = 	snop  }
__scs_overlays_trampoline_lowered:
0x8: {  	[smem:$0x3FAC] =	sst s0  }
0x9: {  	[smem:$0x3FAD] =	sst s1  }
0xa: {  	[smem:$0x3FAE] =	sst s2  }
0xb: {  	[smem:$0x3FAF] =	sst s3  }
0xc: {  	[smem:$0x3FB0] =	sst s4  }
0xd: {  	[smem:$0x3FB1] =	sst s5  }
0xe: {  	[smem:$0x3FB2] =	sst s6  }
0xf: {  	[smem:$0x3FB3] =	sst s7  }
0x10: {  	[smem:$0x3FB4] =	sst s8  }
0x11: {  	[smem:$0x3FB5] =	sst s9;
	s0 =	simm.s32 @!p0 $0x0  }
0x12: {  	s1 =	sld [smem:$0x3F9B];
	s0 =	simm.s32 @p0 $0x1  }
0x13: {  	[smem:$0x3FB6] =	sst s0;
	s0 =	simm.s32 @!p1 $0x0  }
0x14: {  	s2 =	sld [smem:$0x3F9A];
	s0 =	simm.s32 @p1 $0x1  }
0x15: {  	[smem:$0x3FB7] =	sst s0;
	s0 =	simm.s32 @!p2 $0x0  }
0x16: {  	s3 =	sld [smem:$0x3FDB];
	s0 =	simm.s32 @p2 $0x1  }
0x17: {  	s4 =	simm.s32 $0x1BF5;
	[smem:$0x3FB9] =	sst s0  }
0x18: {  	s0 =	sld [smem:$0x3F9C];
	_ =	swait.ge [sflag:s4], $0x0  }
0x19: {  	s7 =	sld [smem:$0x3F9D]  }
0x1a: {  	s8 =	sadd.s32 $0xFFFFE003, lr  }
0x1b: {  	s9 =	sadd.s32 $0xFFFFFEF7, lr;
	s5 =	simm.s32 $0xFFFFFFFF;
	p2 =	slt.u32 s8, $0xFFFFF086  }
0x1c: {  	p1 =	slt.u32 s9, $0xF7A;
	s5 =	simm.s32 @!p2 $0x0  }
0x1d: {  	s5 =	simm.s32 @p1 $0x1;
	p0 =	seq.s32 s7, s2  }
0x1e: {  	s7 =	smul.u32 @!p0 $0xF7A, s2;
	p2 =	seq.s32 @!p0 s5, $0x0  }
0x1f: {  	s9 =	smul.u32 $0xF7A, s1;
	s8 =	simm.s32 @!p0 $0x1BF5;
	p2 =	por !p2, p0  }
0x20: {  	[sflag:s8] =	ssyncset.s32 @!p0 $0xFFFFF086;
	s6 =	sadd.s32 @!p0 s3, s7;
	s7 =	simm.s32 @!p0 $0x108  }
0x21: {  	s3 =	sadd.s32 s3, s9;
	s6 =	sadd.s32 @!p0 $0x88, s6;
	s7 =	simm.s32 @p2 $0x1082  }
0x22: {  	[simem:s7], [sflag:s8] =	dma.local @!p0 [hbm:s6], $0xF7A  }
0x23: {  	s9 =	sor.u32 $0xD0000000, s2;
	s6 =	simm.s32 $0x108;
	_ =	swait.ge @!p0 [sflag:s8], $0x0  }
0x24: {  	s3 =	sadd.s32 $0x88, s3;
	s6 =	simm.s32 @!p1 $0x1082;
	[sflag:s4] =	ssyncset.s32 $0xFFFFF086  }
0x25: {  	[simem:s6], [sflag:s4] =	dma.local [hbm:s3], $0xF7A  }
0x26: {  	[smem:$0x3F9D] =	sst s1;
	(tag) =	ssettag s2;
	_ =	strace s9  }
0x27: {  	s1 =	sld [smem:$0x3FAD]  }
0x28: {  	s2 =	sld [smem:$0x3FAE]  }
0x29: {  	s4 =	sld [smem:$0x3FB0]  }
0x2a: {  	p0 =	seq.s32 s5, $0x0;
	s5 =	sld [smem:$0x3FB1]  }
0x2b: {  	s6 =	sld [smem:$0x3FB2]  }
0x2c: {  	s7 =	sld [smem:$0x3FB3]  }
0x2d: {  	s3 =	simm.s32 $0x108;
	s8 =	sld [smem:$0x3FB4]  }
0x2e: {  	s3 =	simm.s32 @!p0 $0x1082;
	s9 =	sld [smem:$0x3FB5]  }
0x2f: {  	lr =	sadd.s32 s0, s3;
	s0 =	sld [smem:$0x3FAC]  }
0x30: {  	s3 =	sld [smem:$0x3FAF]  }
0x31: {  	[smem:$0x3FB8] =	sst s10  }
0x32: {  	s10 =	sld [smem:$0x3FB6];
	_ =	sdelay $0x3  }
0x33: {  	p0 =	seq.s32 s10, $0x1;
	s10 =	sld [smem:$0x3FB8];
	_ =	sdelay $0x3  }
0x34: {  	[smem:$0x3FB8] =	sst s10  }
0x35: {  	s10 =	sld [smem:$0x3FB7];
	_ =	sdelay $0x3  }
0x36: {  	p1 =	seq.s32 s10, $0x1;
	s10 =	sld [smem:$0x3FB8];
	_ =	sdelay $0x3  }
0x37: {  	[smem:$0x3FB8] =	sst s10  }
0x38: {  	s10 =	sld [smem:$0x3FB9]  }
0x39: {  	_ = 	snop;
	(pc) =	sbr.ind lr, $3  }
0x3a: {  	_ = 	snop  }
0x3b: {  	_ = 	snop  }
0x3c: {  	p2 =	seq.s32 s10, $0x1;
	s10 =	sld [smem:$0x3FB8]  }
0x3d: {  	_ =	shalt  }
0x3e: {  	_ =	shalt  }
0x3f: {  	_ =	shalt  }
0x40: {  	_ =	shalt  }
0x41: {  	_ =	shalt  }
0x42: {  	_ =	shalt  }
0x43: {  	_ =	shalt  }
0x44: {  	_ =	shalt  }
0x45: {  	_ =	shalt  }
0x46: {  	_ =	shalt  }
0x47: {  	_ =	shalt  }
0x48: {  	_ =	shalt  }
0x49: {  	_ =	shalt  }
0x4a: {  	_ =	shalt  }
0x4b: {  	_ =	shalt  }
0x4c: {  	_ =	shalt  }
0x4d: {  	_ =	shalt  }
0x4e: {  	_ =	shalt  }
0x4f: {  	_ =	shalt  }
0x50: {  	_ =	shalt  }
0x51: {  	_ =	shalt  }
0x52: {  	_ =	shalt  }
0x53: {  	_ =	shalt  }
0x54: {  	_ =	shalt  }
0x55: {  	_ =	shalt  }
0x56: {  	_ =	shalt  }
0x57: {  	_ =	shalt  }
0x58: {  	_ =	shalt  }
0x59: {  	_ =	shalt  }
0x5a: {  	_ =	shalt  }
0x5b: {  	_ =	shalt  }
0x5c: {  	_ =	shalt  }
0x5d: {  	_ =	shalt  }
0x5e: {  	_ =	shalt  }
0x5f: {  	_ =	shalt  }
0x60: {  	_ =	shalt  }
0x61: {  	_ =	shalt  }
0x62: {  	_ =	shalt  }
0x63: {  	_ =	shalt  }
0x64: {  	_ =	shalt  }
0x65: {  	_ =	shalt  }
0x66: {  	_ =	shalt  }
0x67: {  	_ =	shalt  }
0x68: {  	_ =	shalt  }
0x69: {  	_ =	shalt  }
0x6a: {  	_ =	shalt  }
0x6b: {  	_ =	shalt  }
0x6c: {  	_ =	shalt  }
0x6d: {  	_ =	shalt  }
0x6e: {  	_ =	shalt  }
0x6f: {  	_ =	shalt  }
0x70: {  	_ =	shalt  }
0x71: {  	_ =	shalt  }
0x72: {  	_ =	shalt  }
0x73: {  	_ =	shalt  }
0x74: {  	_ =	shalt  }
0x75: {  	_ =	shalt  }
0x76: {  	_ =	shalt  }
0x77: {  	_ =	shalt  }
0x78: {  	_ =	shalt  }
0x79: {  	_ =	shalt  }
0x7a: {  	_ =	shalt  }
0x7b: {  	_ =	shalt  }
0x7c: {  	_ =	shalt  }
0x7d: {  	_ =	shalt  }
0x7e: {  	_ =	shalt  }
0x7f: {  	_ =	shalt  }
0x80: {  	_ =	shalt  }
0x81: {  	_ =	shalt  }
0x82: {  	_ =	shalt  }
0x83: {  	_ =	shalt  }
0x84: {  	_ =	shalt  }
0x85: {  	_ =	shalt  }
0x86: {  	_ =	shalt  }
0x87: {  	_ =	shalt  }
.Lfunc_end0:
.L_simem_size_0:
called_computation_lowered:
.L_overlay_start_0:
0x88: {  	s2 =	sld [smem:$0x3FD9]  }
0x89: {  	s3 =	sld [smem:$0x3FFE];
	_ =	sdelay $0x1  }
0x8a: {  	s1 =	srdreg.scid  }
0x8b: {  	s0 =	sand.u32 $0x1, s1  }
0x8c: {  	s17 =	sshll.u32 s0, $0xA;
	s2 =	sadd.s32 s3, s2  }
0x8d: {  	s2 =	sadd.s32 s2, s17  }
0x8e: {  	[smem:$0x3FC4] =	sst s2  }
0x8f: {  	_ = 	snop  }
0x90: {  	s2 =	sld [smem:$0x3FC9]  }
0x91: {  	s18 =	sld [smem:$0x3FC8]  }
0x92: {  	s4 =	sld [smem:$0x3FC7]  }
0x93: {  	s5 =	sld [smem:$0x3FC6];
	(tm) =	ssettm $0x1  }
0x94: {  	s6 =	sld [smem:$0x3FFB];
	_ =	sdelay $0x3  }
0x95: {  	_ =	strace s6  }
0x96: {  	s6 =	sld [smem:$0x3FFC];
	_ =	sdelay $0x3  }
0x97: {  	_ =	strace s6  }
0x98: {  	s6 =	sld [smem:$0x3FFD];
	_ =	sdelay $0x3  }
0x99: {  	_ =	strace s6  }
0x9a: {  	_ =	strace $0x8FFFFFFF  }
0x9b: {  	s19 =	sld [smem:$0x3FDB];
	_ =	sdelay $0x1  }
0x9c: {  	s7 =	simm.s32 $_scs_section_size  }
0x9d: {  	s8 =	simm.s32 $_size__tile_overlayer_lowered;
	s9 =	simm.s32 $_tile_overlayer_lowered  }
0x9e: {  	s22 =	simm.s32 $0x1BFF;
	s21 =	sshll.u32 s9, $0x1;
	s6 =	sadd.s32 s7, s19  }
0x9f: {  	s10 =	simm.s32 $0x0;
	s20 =	sshll.u32 s8, $0x1;
	s8 =	sadd.s32 s21, s6  }
0xa0: {  	[timem:s10], [sflag:s22] =	dma.local [hbm:s8], s20  }
0xa1: {  	_ =	swait.ge [sflag:s22], s20  }
0xa2: {  	s7 =	ssub.s32 $0x0, s20;
	[sflag:s22] =	ssyncset.done $0x0  }
0xa3: {  	[sflag:s22] =	ssyncadd.s32 s7;
	_ =	sdelay $0x1  }
0xa4: {  	s23 =	simm.s32 $0x1B8B  }
0xa5: {  	_ =	swait.ge [sflag:s23], $0x1  }
0xa6: {  	[sflag:s23] =	ssyncset.done $0x0  }
0xa7: {  	s25 =	simm.s32 $0x1B8E;
	s24 =	sld [smem:$0x3FFE];
	[sflag:s23] =	ssyncadd.s32 $0xFFFFFFFF  }
0xa8: {  	s26 =	simm.s32 $execute0_lowered;
	[smem:$0x3FD2] =	sst s25  }
0xa9: {  	s8 =	sshll.u32 s26, $0x1;
	_ =	strace $0x80000046;
	[dreg:$0x1] =	wrdreg $0xFFFFFFFF  }
0xaa: {  	s28 =	simm.s32 $_size_execute0_lowered;
	s6 =	sadd.s32 s6, s8;
	[dreg:$0x0] =	wrdreg $0x0  }
0xab: {  	s8 =	sshll.u32 s28, $0x1;
	[dreg:$0x2] =	wrdreg s6  }
0xac: {  	[dreg:$0x3] =	wrdreg s8  }
0xad: {  	[dreg:$0x4] =	wrdreg $0xC0  }
0xae: {  	_ =	task [dreg:s10], $0x5FFFF  }
0xaf: {  	[dreg:$0x1] =	wrdreg $0xFFFFFFFF  }
0xb0: {  	[dreg:$0x0] =	wrdreg $0x60  }
0xb1: {  	[dreg:$0x2] =	wrdreg s2  }
0xb2: {  	[dreg:$0x3] =	wrdreg s18  }
0xb3: {  	[dreg:$0x4] =	wrdreg s4  }
0xb4: {  	[dreg:$0x5] =	wrdreg s5  }
0xb5: {  	[dreg:$0x6] =	wrdreg s24  }
0xb6: {  	[dreg:$0x7] =	wrdreg $0x1BF800  }
0xb7: {  	[dreg:$0x8] =	wrdreg $0x9  }
0xb8: {  	_ =	task.clear_ibuf [dreg:s10], $0x9FFFF;
	_ =	strace $0x90000046  }
0xb9: {  	s29 =	simm.s32 $0x9;
	_ =	strace $0x80000048  }
0xba: {  	_ =	swait.ge [sflag:s29], $0x1  }
0xbb: {  	[sflag:s29] =	ssyncadd.s32 $0xFFFFFFFF  }
0xbc: {  	_ =	strace $0x90000048  }
0xbd: {  	_ =	sfence  }
0xbe: {  	s30 =	sld [smem:$0x0];
	_ =	sdelay $0x2  }
0xbf: {  	s31 =	sshll.u32 s1, $0xD;
	s1 =	sshrl.u32 s1, $0x2  }
0xc0: {  	s3 =	sand.u32 $0x4000, s31;
	s1 =	sadd.s32 s1, s30  }
0xc1: {  	s0 =	sor.u32 s3, s0;
	s1 =	sshll.u32 s1, $0x11  }
0xc2: {  	s0 =	sor.u32 s1, s0  }
0xc3: {  	s0 =	sadd.s32 $0x8F2B, s0  }
0xc4: {  	[sflag:s0] =	ssyncadd.remote.s32 $0x1  }
0xc5: {  	_ =	sfence.sel $0xFFFF  }
0xc6: {  	[dreg:$0x0] =	wrdreg $0xFFFFFFFF;
	(pc) =	sbr.abs _section_cstart, $3  }
0xc7: {  	[dreg:$0x1] =	wrdreg $0xFFFFFFFF  }
0xc8: {  	_ =	task.clear_ibuf [dreg:s10], $0x2FFFF;
	_ =	strace $0x9FFFFFFF  }
0xc9: {  	(tm) =	ssettm $0x7FFFFFFF  }
tec
execute0_lowered:
.L_overlay_start_1:
0x0: {  	(tag) =	ssettag $0x1  }
0x1: {  	s0 =	rddreg [dreg:$0x1]  }
0x2: {  	s1 =	rddreg [dreg:$0x2]  }
0x3: {  	s2 =	rddreg [dreg:$0x3]  }
0x4: {  	s5 =	rddreg [dreg:$0x4]  }
0x5: {  	s3 =	rddreg [dreg:$0x5]  }
0x6: {  	s6 =	srdreg.scid;
	s13 =	stileid.u32;
	s4 =	simm.s32 $0x0  }
0x7: {  	s20 =	simm.s32 $0x18700;
	s21 =	simm.s32 $0x18F00;
	s22 =	simm.s32 $0x19F00  }
0x8: {  	s24 =	simm.s32 $0x19780;
	s25 =	simm.s32 $0x19F80;
	[smem:$0x7FF] =	sst s4  }
0x9: {  	s14 =	simm.s32 $0x19880;
	_ =	strace $0x80000047;
	[dreg:$0x7] =	wrdreg s20  }
0xa: {  	s15 =	simm.s32 $0x1A080;
	s16 =	simm.s32 $0x19900;
	[dreg:$0x8] =	wrdreg s21  }
0xb: {  	s17 =	simm.s32 $0x1A100;
	s28 =	simm.s32 $0x1A500;
	[dreg:$0x9] =	wrdreg s22  }
0xc: {  	s29 =	simm.s32 $0x19D80;
	s30 =	simm.s32 $0x1A580;
	[dreg:$0xa] =	wrdreg s24  }
0xd: {  	s31 =	simm.s32 $0x19E00;
	s7 =	smul.u32 $0x3100, s13;
	[dreg:$0xb] =	wrdreg s25  }
0xe: {  	s6 =	sand.u32 $0x1, s6;
	s10 =	smul.u32 $0x6200, s13;
	[dreg:$0xe] =	wrdreg s14  }
0xf: {  	s26 =	smul.u32 $0xC35, s13;
	s8 =	sshll.u32 s6, $0x7;
	[dreg:$0xf] =	wrdreg s15  }
0x10: {  	s18 =	sshll.u32 s6, $0x4;
	s9 =	ssub.s32 $0x2, s6;
	[dreg:$0x10] =	wrdreg s16  }
0x11: {  	s6 =	smul.u32 $0xC350, s6;
	[dreg:$0x11] =	wrdreg s17;
	s20 =	simm.s32 $0x1A180  }
0x12: {  	s21 =	simm.s32 $0x19A00;
	s22 =	simm.s32 $0x1A200;
	s15 =	simm.s32 $0x1  }
0x13: {  	s24 =	simm.s32 $0x1A280;
	s16 =	simm.s32 $0x19700;
	[dreg:$0x13] =	wrdreg s20  }
0x14: {  	s25 =	simm.s32 $0x19B00;
	s17 =	simm.s32 $0x2;
	[dreg:$0x14] =	wrdreg s21  }
0x15: {  	s7 =	sor.u32 s8, s7;
	s8 =	sor.u32 s13, s18;
	[dreg:$0x15] =	wrdreg s22  }
0x16: {  	s11 =	sshrl.u32 s9, $0x1;
	s19 =	sshrl.u32 s10, $0x2;
	[dreg:$0x17] =	wrdreg s24  }
0x17: {  	s13 =	simm.s32 $0x1A000;
	s18 =	simm.s32 $0x19980;
	[dreg:$0x18] =	wrdreg s25  }
0x18: {  	s20 =	simm.s32 $0x19B80;
	s21 =	simm.s32 $0x1A380;
	s22 =	simm.s32 $0x19C00  }
0x19: {  	s24 =	simm.s32 $0x19C80;
	s25 =	simm.s32 $0x1A480;
	s7 =	sshrl.u32 s7, $0x3  }
0x1a: {  	s8 =	smul.u32 $0xC35, s8;
	s11 =	ssub.s32 s9, s11;
	[dreg:$0xd] =	wrdreg s13  }
0x1b: {  	s9 =	sadd.s32 s19, s3;
	s6 =	sadd.s32 s26, s6;
	[dreg:$0x12] =	wrdreg s18  }
0x1c: {  	s26 =	simm.s32 $0x1A300;
	s18 =	simm.s32 $0x3;
	s13 =	simm.s32 $0x1A680  }
0x1d: {  	s12 =	sadd.s32 s7, s5;
	s11 =	smax.u32 s11, $0x1;
	[dreg:$0x19] =	wrdreg s26  }
0x1e: {  	s6 =	sshll.u32 s6, $0x3;
	s26 =	simm.s32 $0x19D00;
	[dreg:$0x1a] =	wrdreg s9  }
0x1f: {  	s5 =	sshrl.u32 s8, $0x5;
	s23 =	sadd.s32 $0x400, s12;
	[dreg:$0x1d] =	wrdreg s11  }
0x20: {  	s8 =	sadd.s32 $0xC35, s8;
	s12 =	simm.s32 $0x19800;
	[dreg:$0x1c] =	wrdreg s23  }
0x21: {  	s6 =	sand.u32 $0xFFF00, s6;
	s7 =	sshrl.u32 s8, $0x5;
	[dreg:$0xc] =	wrdreg s12  }
0x22: {  	s0 =	sadd.s32 s6, s0;
	s1 =	sadd.s32 s6, s1;
	[dreg:$0x1b] =	wrdreg s5  }
.Ltmp0:
0x23: {  	s19 =	sadd.s32 s6, s2;
	[dreg:$0x1e] =	wrdreg s0;
	(pc) =	sbr.rel .LBB2_1-.Ltmp0, $4  }
0x24: {  	s8 =	simm.s32 $0x5;
	s23 =	simm.s32 $0x19A80;
	[dreg:$0x1f] =	wrdreg s1  }
0x25: {  	s2 =	simm.s32 $0x4;
	s6 =	simm.s32 $0x0;
	[smem:$0x7FD] =	sst s19  }
0x26: {  	p0 =	sge.u32 s5, s7;
	[dreg:$0x16] =	wrdreg s23;
	s19 =	simm.s32 $0x80  }
0x27: {  	v0 =	vimm.f32 $0.0e+00;
	s23 =	simm.s32 $0x1A400;
	s0 =	simm.s32 $0x1A600;
	s1 =	simm.s32 $0x19E80  }
.LBB2_5:
0x28: {  	s5 =	stileid.u32;
	[bflag:$0x0] =	sbarrier.arrive $0xFFFF;
	s10 =	simm.s32 $0x20  }
0x29: {  	s11 =	simm.s32 $0x10;
	s5 =	sshll.u32 s5, $0x6;
	s9 =	rddreg [dreg:$0x1a]  }
0x2a: {  	s8 =	rddreg [dreg:$0x1c];
	s5 =	sor.u32 $0x1C05, s5;
	s6 =	sshrl.u32 s9, $0x3  }
0x2b: {  	[hbm:s8@s10], [sflag:s5] =	dma.strided [spmem:s6@s11], $0x310, s15, $0x10   }
0x2c: {  	s8 =	simm.s32 $0x5  }
0x2d: {  	_ =	swait.ge [sflag:s8], $0x310  }
0x2e: {  	s12 =	sld [smem:$0x7FC];
	_ =	sdelay $0x2  }
0x2f: {  	s14 =	rddreg [dreg:$0x1d];
	s6 =	sadd.s32 $0x1, s12  }
0x30: {  	p1 =	sne.s32 s6, s14  }
.Ltmp1:
0x31: {  	_ = 	snop;
	(pc) =	sbr.rel @!p1 .LBB2_6-.Ltmp1, $3  }
0x32: {  	_ =	sdelay $0x1  }
0x33: {  	[sflag:s8] =	ssyncset.done $0x0  }
0x34: {  	[sflag:s8] =	ssyncadd.s32 $0xFFFFFCF0  }
.LBB2_1:
0x35: {  	[smem:$0x7FC] =	sst s6  }
0x36: {  	s5 =	rddreg [dreg:$0x0];
	s6 =	simm.s32 $0x40;
	s10 =	simm.s32 $0x0  }
0x37: {  	[tilespmem:s4], [sflag:$0x1] =	stream.linear.gather [hbm4b:s5+s4], $0x18700, $0x38;
	[tilespmem:$0x1D800] =	vst v63  }
.LBB2_2:
0x38: {  	p1 =	sne.s32 s6, $0x61C0;
	[tilespmem:s10+$0x1A700] =	vst v0;
	s10 =	smov.u32 s6;
	s6 =	sadd.s32 $0x40, s6  }
.Ltmp2:
0x39: {  	(pc) =	sbr.rel @p1 .LBB2_2-.Ltmp2, $2  }
0x3a: {  	_ =	sdelay $0x2  }
0x3b: {  	s10 =	sshra.s32 s10, $0x2  }
0x3c: {  	[tilespmem:s10+$0x1A700] =	vst v0;
	s5 =	simm.s32 $0x1A700  }
0x3d: {  	[spmem:s9] =	stream.linear.scatter [tilespmem:s5], [sflag:$0x5], $0x1880, $0x38;
	[tilespmem:$0x1D800] =	vst v63  }
0x3e: {  	_ =	swait.ge [sflag:s8], $0x1880  }
0x3f: {  	[sflag:s8] =	ssyncset.done $0x0  }
0x40: {  	[sflag:s8] =	ssyncadd.s32 $0xFFFFE780  }
0x41: {  	_ =	swait.ge [sflag:s15], $0x18700  }
0x42: {  	[sflag:s15] =	ssyncset.done $0x0  }
0x43: {  	[sflag:s15] =	ssyncadd.s32 $0xFFFE7900  }
.Ltmp3:
0x44: {  	[bflag:$0x0] =	sbarrier.arrive $0xFFFF;
	(pc) =	sbr.rel @p0 .LBB2_5-.Ltmp3, $4  }
0x45: {  	s12 =	sld [smem:$0x7FD]  }
0x46: {  	s11 =	rddreg [dreg:$0x1f]  }
0x47: {  	s10 =	rddreg [dreg:$0x1e]  }
0x48: {  	s6 =	rddreg [dreg:$0x1b]  }
.LBB2_4:
0x49: {  	s9 =	rddreg [dreg:$0x7]  }
0x4a: {  	[tilespmem:s9], [sflag:$0x1] =	stream.linear.gather [hbm4b:s11+s4], $0x800, $0x38;
	[tilespmem:$0x1D800] =	vst v63  }
0x4b: {  	s5 =	rddreg [dreg:$0x8]  }
0x4c: {  	[tilespmem:s5], [sflag:$0x2] =	stream.linear.gather [hbm4b:s10+s4], $0x800, $0x38;
	[tilespmem:$0x1D800] =	vst v63  }
0x4d: {  	_ = 	snop  }
0x4e: {  	[tilespmem:s16], [sflag:$0x3] =	stream.linear.gather [hbm4b:s12+s4], $0x800, $0x38;
	[tilespmem:$0x1D800] =	vst v63  }
0x4f: {  	_ =	swait.ge [sflag:s15], $0x800  }
0x50: {  	[sflag:s15] =	ssyncset.done $0x0  }
0x51: {  	[sflag:s15] =	ssyncadd.s32 $0xFFFFF800  }
0x52: {  	_ =	swait.ge [sflag:s17], $0x800  }
0x53: {  	[sflag:s17] =	ssyncset.done $0x0  }
0x54: {  	[sflag:s17] =	ssyncadd.s32 $0xFFFFF800  }
0x55: {  	_ =	swait.ge [sflag:s18], $0x800  }
0x56: {  	[sflag:s18] =	ssyncset.done $0x0  }
0x57: {  	[sflag:s18] =	ssyncadd.s32 $0xFFFFF800  }
0x58: {  	v1 =	vld [tilespmem:$0x18700];
	_ =	sdelay $0x6  }
0x59: {  	v2 =	vld [tilespmem:$0x18F00]  }
0x5a: {  	v1 =	vld.idx.msk [tilespmem:v1+s4+$0x0], $0xffff;
	_ =	sdelay $0x4  }
0x5b: {  	v1 =	vadd.f32 v2, v1;
	_ =	sdelay $0x1  }
0x5c: {  	v1 =	vmul.f32 $1.442695020e+00, v1;
	_ =	sdelay $0x1  }
0x5d: {  	(erf) = vpow2.f32 v1;
	_ =	sdelay $0x2  }
0x5e: {  	v1 =	vld [tilespmem:$0x18710];
	_ =	sdelay $0x5  }
0x5f: {  	v2 =	vpop (erf)  }
0x60: {  	[tilespmem:$0x19F00] =	vst v2;
	v2 =	vld [tilespmem:$0x18F10]  }
0x61: {  	v1 =	vld.idx.msk [tilespmem:v1+s4+$0x0], $0xffff;
	_ =	sdelay $0x4  }
0x62: {  	v1 =	vadd.f32 v2, v1;
	_ =	sdelay $0x1  }
0x63: {  	v1 =	vmul.f32 $1.442695020e+00, v1;
	_ =	sdelay $0x1  }
0x64: {  	(erf) = vpow2.f32 v1;
	_ =	sdelay $0x2  }
0x65: {  	v1 =	vld [tilespmem:$0x18720];
	_ =	sdelay $0x5  }
0x66: {  	v2 =	vpop (erf)  }
0x67: {  	[tilespmem:$0x19F10] =	vst v2;
	v2 =	vld [tilespmem:$0x18F20]  }
0x68: {  	v1 =	vld.idx.msk [tilespmem:v1+s4+$0x0], $0xffff;
	_ =	sdelay $0x4  }
0x69: {  	v1 =	vadd.f32 v2, v1;
	_ =	sdelay $0x1  }
0x6a: {  	v1 =	vmul.f32 $1.442695020e+00, v1;
	_ =	sdelay $0x1  }
0x6b: {  	(erf) = vpow2.f32 v1;
	_ =	sdelay $0x2  }
0x6c: {  	v1 =	vld [tilespmem:$0x18730];
	_ =	sdelay $0x5  }
0x6d: {  	v2 =	vpop (erf)  }
0x6e: {  	[tilespmem:$0x19F20] =	vst v2;
	v2 =	vld [tilespmem:$0x18F30]  }
0x6f: {  	v1 =	vld.idx.msk [tilespmem:v1+s4+$0x0], $0xffff;
	_ =	sdelay $0x4  }
0x70: {  	v1 =	vadd.f32 v2, v1;
	_ =	sdelay $0x1  }
0x71: {  	v1 =	vmul.f32 $1.442695020e+00, v1;
	_ =	sdelay $0x1  }
0x72: {  	(erf) = vpow2.f32 v1;
	_ =	sdelay $0x2  }
0x73: {  	v1 =	vld [tilespmem:$0x18740];
	_ =	sdelay $0x5  }
0x74: {  	v2 =	vpop (erf)  }
0x75: {  	[tilespmem:$0x19F30] =	vst v2;
	v2 =	vld [tilespmem:$0x18F40]  }
0x76: {  	v1 =	vld.idx.msk [tilespmem:v1+s4+$0x0], $0xffff;
	_ =	sdelay $0x4  }
0x77: {  	v1 =	vadd.f32 v2, v1;
	_ =	sdelay $0x1  }
0x78: {  	v1 =	vmul.f32 $1.442695020e+00, v1;
	_ =	sdelay $0x1  }
0x79: {  	(erf) = vpow2.f32 v1;
	_ =	sdelay $0x2  }
0x7a: {  	v1 =	vld [tilespmem:$0x18750];
	_ =	sdelay $0x5  }
0x7b: {  	v2 =	vpop (erf)  }
0x7c: {  	[tilespmem:$0x19F40] =	vst v2;
	v2 =	vld [tilespmem:$0x18F50]  }
0x7d: {  	v1 =	vld.idx.msk [tilespmem:v1+s4+$0x0], $0xffff;
	_ =	sdelay $0x4  }
0x7e: {  	v1 =	vadd.f32 v2, v1;
	_ =	sdelay $0x1  }
0x7f: {  	v1 =	vmul.f32 $1.442695020e+00, v1;
	_ =	sdelay $0x1  }
0x80: {  	(erf) = vpow2.f32 v1;
	_ =	sdelay $0x2  }
0x81: {  	v1 =	vld [tilespmem:$0x18760];
	_ =	sdelay $0x5  }
0x82: {  	v2 =	vpop (erf)  }
0x83: {  	[tilespmem:$0x19F50] =	vst v2;
	v2 =	vld [tilespmem:$0x18F60]  }
0x84: {  	v1 =	vld.idx.msk [tilespmem:v1+s4+$0x0], $0xffff;
	_ =	sdelay $0x4  }
0x85: {  	v1 =	vadd.f32 v2, v1;
	_ =	sdelay $0x1  }
0x86: {  	v1 =	vmul.f32 $1.442695020e+00, v1;
	_ =	sdelay $0x1  }
0x87: {  	(erf) = vpow2.f32 v1;
	_ =	sdelay $0x2  }
0x88: {  	v1 =	vld [tilespmem:$0x18770];
	_ =	sdelay $0x5  }
0x89: {  	v2 =	vpop (erf)  }
0x8a: {  	[tilespmem:$0x19F60] =	vst v2;
	v2 =	vld [tilespmem:$0x18F70]  }
0x8b: {  	v1 =	vld.idx.msk [tilespmem:v1+s4+$0x0], $0xffff;
	_ =	sdelay $0x4  }
0x8c: {  	v1 =	vadd.f32 v2, v1;
	_ =	sdelay $0x1  }
0x8d: {  	v1 =	vmul.f32 $1.442695020e+00, v1;
	_ =	sdelay $0x1  }
0x8e: {  	(erf) = vpow2.f32 v1;
	_ =	sdelay $0x2  }
0x8f: {  	v1 =	vld [tilespmem:$0x18780];
	_ =	sdelay $0x5  }
0x90: {  	v2 =	vpop (erf)  }
0x91: {  	[tilespmem:$0x19F70] =	vst v2;
	v2 =	vld [tilespmem:$0x18F80]  }
0x92: {  	v1 =	vld.idx.msk [tilespmem:v1+s4+$0x0], $0xffff;
	_ =	sdelay $0x4  }
0x93: {  	v1 =	vadd.f32 v2, v1;
	_ =	sdelay $0x1  }
0x94: {  	v1 =	vmul.f32 $1.442695020e+00, v1;
	_ =	sdelay $0x1  }
0x95: {  	(erf) = vpow2.f32 v1;
	_ =	sdelay $0x2  }
0x96: {  	v1 =	vld [tilespmem:$0x18790];
	_ =	sdelay $0x5  }
0x97: {  	v2 =	vpop (erf)  }
0x98: {  	[tilespmem:$0x19F80] =	vst v2;
	v2 =	vld [tilespmem:$0x18F90]  }
0x99: {  	v1 =	vld.idx.msk [tilespmem:v1+s4+$0x0], $0xffff;
	_ =	sdelay $0x4  }
0x9a: {  	v1 =	vadd.f32 v2, v1;
	_ =	sdelay $0x1  }
0x9b: {  	v1 =	vmul.f32 $1.442695020e+00, v1;
	_ =	sdelay $0x1  }
0x9c: {  	(erf) = vpow2.f32 v1;
	_ =	sdelay $0x2  }
0x9d: {  	v1 =	vld [tilespmem:$0x187A0];
	_ =	sdelay $0x5  }
0x9e: {  	v2 =	vpop (erf)  }
0x9f: {  	[tilespmem:$0x19F90] =	vst v2;
	v2 =	vld [tilespmem:$0x18FA0]  }
0xa0: {  	v1 =	vld.idx.msk [tilespmem:v1+s4+$0x0], $0xffff;
	_ =	sdelay $0x4  }
0xa1: {  	v1 =	vadd.f32 v2, v1;
	_ =	sdelay $0x1  }
0xa2: {  	v1 =	vmul.f32 $1.442695020e+00, v1;
	_ =	sdelay $0x1  }
0xa3: {  	(erf) = vpow2.f32 v1;
	_ =	sdelay $0x2  }
0xa4: {  	v1 =	vld [tilespmem:$0x187B0];
	_ =	sdelay $0x5  }
0xa5: {  	v2 =	vpop (erf)  }
0xa6: {  	[tilespmem:$0x19FA0] =	vst v2;
	v2 =	vld [tilespmem:$0x18FB0]  }
0xa7: {  	v1 =	vld.idx.msk [tilespmem:v1+s4+$0x0], $0xffff;
	_ =	sdelay $0x4  }
0xa8: {  	v1 =	vadd.f32 v2, v1;
	_ =	sdelay $0x1  }
0xa9: {  	v1 =	vmul.f32 $1.442695020e+00, v1;
	_ =	sdelay $0x1  }
0xaa: {  	(erf) = vpow2.f32 v1;
	_ =	sdelay $0x2  }
0xab: {  	v1 =	vld [tilespmem:$0x187C0];
	_ =	sdelay $0x5  }
0xac: {  	v2 =	vpop (erf)  }
0xad: {  	[tilespmem:$0x19FB0] =	vst v2;
	v2 =	vld [tilespmem:$0x18FC0]  }
0xae: {  	v1 =	vld.idx.msk [tilespmem:v1+s4+$0x0], $0xffff;
	_ =	sdelay $0x4  }
0xaf: {  	v1 =	vadd.f32 v2, v1;
	_ =	sdelay $0x1  }
0xb0: {  	v1 =	vmul.f32 $1.442695020e+00, v1;
	_ =	sdelay $0x1  }
0xb1: {  	(erf) = vpow2.f32 v1;
	_ =	sdelay $0x2  }
0xb2: {  	v1 =	vld [tilespmem:$0x187D0];
	_ =	sdelay $0x5  }
0xb3: {  	v2 =	vpop (erf)  }
0xb4: {  	[tilespmem:$0x19FC0] =	vst v2;
	v2 =	vld [tilespmem:$0x18FD0]  }
0xb5: {  	v1 =	vld.idx.msk [tilespmem:v1+s4+$0x0], $0xffff;
	_ =	sdelay $0x4  }
0xb6: {  	v1 =	vadd.f32 v2, v1;
	_ =	sdelay $0x1  }
0xb7: {  	v1 =	vmul.f32 $1.442695020e+00, v1;
	_ =	sdelay $0x1  }
0xb8: {  	(erf) = vpow2.f32 v1;
	_ =	sdelay $0x2  }
0xb9: {  	v1 =	vld [tilespmem:$0x187E0];
	_ =	sdelay $0x5  }
0xba: {  	v2 =	vpop (erf)  }
0xbb: {  	[tilespmem:$0x19FD0] =	vst v2;
	v2 =	vld [tilespmem:$0x18FE0]  }
0xbc: {  	v1 =	vld.idx.msk [tilespmem:v1+s4+$0x0], $0xffff;
	_ =	sdelay $0x4  }
0xbd: {  	v1 =	vadd.f32 v2, v1;
	_ =	sdelay $0x1  }
0xbe: {  	v1 =	vmul.f32 $1.442695020e+00, v1;
	_ =	sdelay $0x1  }
0xbf: {  	(erf) = vpow2.f32 v1;
	_ =	sdelay $0x2  }
0xc0: {  	v1 =	vld [tilespmem:$0x187F0];
	_ =	sdelay $0x5  }
0xc1: {  	v2 =	vpop (erf)  }
0xc2: {  	[tilespmem:$0x19FE0] =	vst v2;
	v2 =	vld [tilespmem:$0x18FF0]  }
0xc3: {  	v1 =	vld.idx.msk [tilespmem:v1+s4+$0x0], $0xffff;
	_ =	sdelay $0x4  }
0xc4: {  	v1 =	vadd.f32 v2, v1;
	_ =	sdelay $0x1  }
0xc5: {  	v1 =	vmul.f32 $1.442695020e+00, v1;
	_ =	sdelay $0x1  }
0xc6: {  	(erf) = vpow2.f32 v1;
	_ =	sdelay $0x2  }
0xc7: {  	v1 =	vld [tilespmem:$0x18800];
	_ =	sdelay $0x5  }
0xc8: {  	v2 =	vpop (erf)  }
0xc9: {  	[tilespmem:$0x19FF0] =	vst v2;
	v2 =	vld [tilespmem:$0x19000]  }
0xca: {  	v1 =	vld.idx.msk [tilespmem:v1+s4+$0x0], $0xffff;
	_ =	sdelay $0x4  }
0xcb: {  	v1 =	vadd.f32 v2, v1;
	_ =	sdelay $0x1  }
0xcc: {  	v1 =	vmul.f32 $1.442695020e+00, v1;
	_ =	sdelay $0x1  }
0xcd: {  	(erf) = vpow2.f32 v1;
	_ =	sdelay $0x2  }
0xce: {  	v1 =	vld [tilespmem:$0x18810];
	_ =	sdelay $0x5  }
0xcf: {  	v2 =	vpop (erf)  }
0xd0: {  	[tilespmem:$0x1A000] =	vst v2;
	v2 =	vld [tilespmem:$0x19010]  }
0xd1: {  	v1 =	vld.idx.msk [tilespmem:v1+s4+$0x0], $0xffff;
	_ =	sdelay $0x4  }
0xd2: {  	v1 =	vadd.f32 v2, v1;
	_ =	sdelay $0x1  }
0xd3: {  	v1 =	vmul.f32 $1.442695020e+00, v1;
	_ =	sdelay $0x1  }
0xd4: {  	(erf) = vpow2.f32 v1;
	_ =	sdelay $0x2  }
0xd5: {  	v1 =	vld [tilespmem:$0x18820];
	_ =	sdelay $0x5  }
0xd6: {  	v2 =	vpop (erf)  }
0xd7: {  	[tilespmem:$0x1A010] =	vst v2;
	v2 =	vld [tilespmem:$0x19020]  }
0xd8: {  	v1 =	vld.idx.msk [tilespmem:v1+s4+$0x0], $0xffff;
	_ =	sdelay $0x4  }
0xd9: {  	v1 =	vadd.f32 v2, v1;
	_ =	sdelay $0x1  }
0xda: {  	v1 =	vmul.f32 $1.442695020e+00, v1;
	_ =	sdelay $0x1  }
0xdb: {  	(erf) = vpow2.f32 v1;
	_ =	sdelay $0x2  }
0xdc: {  	v1 =	vld [tilespmem:$0x18830];
	_ =	sdelay $0x5  }
0xdd: {  	v2 =	vpop (erf)  }
0xde: {  	[tilespmem:$0x1A020] =	vst v2;
	v2 =	vld [tilespmem:$0x19030]  }
0xdf: {  	v1 =	vld.idx.msk [tilespmem:v1+s4+$0x0], $0xffff;
	_ =	sdelay $0x4  }
0xe0: {  	v1 =	vadd.f32 v2, v1;
	_ =	sdelay $0x1  }
0xe1: {  	v1 =	vmul.f32 $1.442695020e+00, v1;
	_ =	sdelay $0x1  }
0xe2: {  	(erf) = vpow2.f32 v1;
	_ =	sdelay $0x2  }
0xe3: {  	v1 =	vld [tilespmem:$0x18840];
	_ =	sdelay $0x5  }
0xe4: {  	v2 =	vpop (erf)  }
0xe5: {  	[tilespmem:$0x1A030] =	vst v2;
	v2 =	vld [tilespmem:$0x19040]  }
0xe6: {  	v1 =	vld.idx.msk [tilespmem:v1+s4+$0x0], $0xffff;
	_ =	sdelay $0x4  }
0xe7: {  	v1 =	vadd.f32 v2, v1;
	_ =	sdelay $0x1  }
0xe8: {  	v1 =	vmul.f32 $1.442695020e+00, v1;
	_ =	sdelay $0x1  }
0xe9: {  	(erf) = vpow2.f32 v1;
	_ =	sdelay $0x2  }
0xea: {  	v1 =	vld [tilespmem:$0x18850];
	_ =	sdelay $0x5  }
0xeb: {  	v2 =	vpop (erf)  }
0xec: {  	[tilespmem:$0x1A040] =	vst v2;
	v2 =	vld [tilespmem:$0x19050]  }
0xed: {  	v1 =	vld.idx.msk [tilespmem:v1+s4+$0x0], $0xffff;
	_ =	sdelay $0x4  }
0xee: {  	v1 =	vadd.f32 v2, v1;
	_ =	sdelay $0x1  }
0xef: {  	v1 =	vmul.f32 $1.442695020e+00, v1;
	_ =	sdelay $0x1  }
0xf0: {  	(erf) = vpow2.f32 v1;
	_ =	sdelay $0x2  }
0xf1: {  	v1 =	vld [tilespmem:$0x18860];
	_ =	sdelay $0x5  }
0xf2: {  	v2 =	vpop (erf)  }
0xf3: {  	[tilespmem:$0x1A050] =	vst v2;
	v2 =	vld [tilespmem:$0x19060]  }
0xf4: {  	v1 =	vld.idx.msk [tilespmem:v1+s4+$0x0], $0xffff;
	_ =	sdelay $0x4  }
0xf5: {  	v1 =	vadd.f32 v2, v1;
	_ =	sdelay $0x1  }
0xf6: {  	v1 =	vmul.f32 $1.442695020e+00, v1;
	_ =	sdelay $0x1  }
0xf7: {  	(erf) = vpow2.f32 v1;
	_ =	sdelay $0x2  }
0xf8: {  	v1 =	vld [tilespmem:$0x18870];
	_ =	sdelay $0x5  }
0xf9: {  	v2 =	vpop (erf)  }
0xfa: {  	[tilespmem:$0x1A060] =	vst v2;
	v2 =	vld [tilespmem:$0x19070]  }
0xfb: {  	v1 =	vld.idx.msk [tilespmem:v1+s4+$0x0], $0xffff;
	_ =	sdelay $0x4  }
0xfc: {  	v1 =	vadd.f32 v2, v1;
	_ =	sdelay $0x1  }
0xfd: {  	v1 =	vmul.f32 $1.442695020e+00, v1;
	_ =	sdelay $0x1  }
0xfe: {  	(erf) = vpow2.f32 v1;
	_ =	sdelay $0x2  }
0xff: {  	v1 =	vld [tilespmem:$0x18880];
	_ =	sdelay $0x5  }
0x100: {  	v2 =	vpop (erf)  }
0x101: {  	[tilespmem:$0x1A070] =	vst v2;
	v2 =	vld [tilespmem:$0x19080]  }
0x102: {  	v1 =	vld.idx.msk [tilespmem:v1+s4+$0x0], $0xffff;
	_ =	sdelay $0x4  }
0x103: {  	v1 =	vadd.f32 v2, v1;
	_ =	sdelay $0x1  }
0x104: {  	v1 =	vmul.f32 $1.442695020e+00, v1;
	_ =	sdelay $0x1  }
0x105: {  	(erf) = vpow2.f32 v1;
	_ =	sdelay $0x2  }
0x106: {  	v1 =	vld [tilespmem:$0x18890];
	_ =	sdelay $0x5  }
0x107: {  	v2 =	vpop (erf)  }
0x108: {  	[tilespmem:$0x1A080] =	vst v2;
	v2 =	vld [tilespmem:$0x19090]  }
0x109: {  	v1 =	vld.idx.msk [tilespmem:v1+s4+$0x0], $0xffff;
	_ =	sdelay $0x4  }
0x10a: {  	v1 =	vadd.f32 v2, v1;
	_ =	sdelay $0x1  }
0x10b: {  	v1 =	vmul.f32 $1.442695020e+00, v1;
	_ =	sdelay $0x1  }
0x10c: {  	(erf) = vpow2.f32 v1;
	_ =	sdelay $0x2  }
0x10d: {  	v1 =	vld [tilespmem:$0x188A0];
	_ =	sdelay $0x5  }
0x10e: {  	v2 =	vpop (erf)  }
0x10f: {  	[tilespmem:$0x1A090] =	vst v2;
	v2 =	vld [tilespmem:$0x190A0]  }
0x110: {  	v1 =	vld.idx.msk [tilespmem:v1+s4+$0x0], $0xffff;
	_ =	sdelay $0x4  }
0x111: {  	v1 =	vadd.f32 v2, v1;
	_ =	sdelay $0x1  }
0x112: {  	v1 =	vmul.f32 $1.442695020e+00, v1;
	_ =	sdelay $0x1  }
0x113: {  	(erf) = vpow2.f32 v1;
	_ =	sdelay $0x2  }
0x114: {  	v1 =	vld [tilespmem:$0x188B0];
	_ =	sdelay $0x5  }
0x115: {  	v2 =	vpop (erf)  }
0x116: {  	[tilespmem:$0x1A0A0] =	vst v2;
	v2 =	vld [tilespmem:$0x190B0]  }
0x117: {  	v1 =	vld.idx.msk [tilespmem:v1+s4+$0x0], $0xffff;
	_ =	sdelay $0x4  }
0x118: {  	v1 =	vadd.f32 v2, v1;
	_ =	sdelay $0x1  }
0x119: {  	v1 =	vmul.f32 $1.442695020e+00, v1;
	_ =	sdelay $0x1  }
0x11a: {  	(erf) = vpow2.f32 v1;
	_ =	sdelay $0x2  }
0x11b: {  	v1 =	vld [tilespmem:$0x188C0];
	_ =	sdelay $0x5  }
0x11c: {  	v2 =	vpop (erf)  }
0x11d: {  	[tilespmem:$0x1A0B0] =	vst v2;
	v2 =	vld [tilespmem:$0x190C0]  }
0x11e: {  	v1 =	vld.idx.msk [tilespmem:v1+s4+$0x0], $0xffff;
	_ =	sdelay $0x4  }
0x11f: {  	v1 =	vadd.f32 v2, v1;
	_ =	sdelay $0x1  }
0x120: {  	v1 =	vmul.f32 $1.442695020e+00, v1;
	_ =	sdelay $0x1  }
0x121: {  	(erf) = vpow2.f32 v1;
	_ =	sdelay $0x2  }
0x122: {  	v1 =	vld [tilespmem:$0x188D0];
	_ =	sdelay $0x5  }
0x123: {  	v2 =	vpop (erf)  }
0x124: {  	[tilespmem:$0x1A0C0] =	vst v2;
	v2 =	vld [tilespmem:$0x190D0]  }
0x125: {  	v1 =	vld.idx.msk [tilespmem:v1+s4+$0x0], $0xffff;
	_ =	sdelay $0x4  }
0x126: {  	v1 =	vadd.f32 v2, v1;
	_ =	sdelay $0x1  }
0x127: {  	v1 =	vmul.f32 $1.442695020e+00, v1;
	_ =	sdelay $0x1  }
0x128: {  	(erf) = vpow2.f32 v1;
	_ =	sdelay $0x2  }
0x129: {  	v1 =	vld [tilespmem:$0x188E0];
	_ =	sdelay $0x5  }
0x12a: {  	v2 =	vpop (erf)  }
0x12b: {  	[tilespmem:$0x1A0D0] =	vst v2;
	v2 =	vld [tilespmem:$0x190E0]  }
0x12c: {  	v1 =	vld.idx.msk [tilespmem:v1+s4+$0x0], $0xffff;
	_ =	sdelay $0x4  }
0x12d: {  	v1 =	vadd.f32 v2, v1;
	_ =	sdelay $0x1  }
0x12e: {  	v1 =	vmul.f32 $1.442695020e+00, v1;
	_ =	sdelay $0x1  }
0x12f: {  	(erf) = vpow2.f32 v1;
	_ =	sdelay $0x2  }
0x130: {  	v1 =	vld [tilespmem:$0x188F0];
	_ =	sdelay $0x5  }
0x131: {  	v2 =	vpop (erf)  }
0x132: {  	[tilespmem:$0x1A0E0] =	vst v2;
	v2 =	vld [tilespmem:$0x190F0]  }
0x133: {  	v1 =	vld.idx.msk [tilespmem:v1+s4+$0x0], $0xffff;
	_ =	sdelay $0x4  }
0x134: {  	v1 =	vadd.f32 v2, v1;
	_ =	sdelay $0x1  }
0x135: {  	v1 =	vmul.f32 $1.442695020e+00, v1;
	_ =	sdelay $0x1  }
0x136: {  	(erf) = vpow2.f32 v1;
	_ =	sdelay $0x2  }
0x137: {  	v1 =	vld [tilespmem:$0x18900];
	_ =	sdelay $0x5  }
0x138: {  	v2 =	vpop (erf)  }
0x139: {  	[tilespmem:$0x1A0F0] =	vst v2;
	v2 =	vld [tilespmem:$0x19100]  }
0x13a: {  	v1 =	vld.idx.msk [tilespmem:v1+s4+$0x0], $0xffff;
	_ =	sdelay $0x4  }
0x13b: {  	v1 =	vadd.f32 v2, v1;
	_ =	sdelay $0x1  }
0x13c: {  	v1 =	vmul.f32 $1.442695020e+00, v1;
	_ =	sdelay $0x1  }
0x13d: {  	(erf) = vpow2.f32 v1;
	_ =	sdelay $0x2  }
0x13e: {  	v1 =	vld [tilespmem:$0x18910];
	_ =	sdelay $0x5  }
0x13f: {  	v2 =	vpop (erf)  }
0x140: {  	[tilespmem:$0x1A100] =	vst v2;
	v2 =	vld [tilespmem:$0x19110]  }
0x141: {  	v1 =	vld.idx.msk [tilespmem:v1+s4+$0x0], $0xffff;
	_ =	sdelay $0x4  }
0x142: {  	v1 =	vadd.f32 v2, v1;
	_ =	sdelay $0x1  }
0x143: {  	v1 =	vmul.f32 $1.442695020e+00, v1;
	_ =	sdelay $0x1  }
0x144: {  	(erf) = vpow2.f32 v1;
	_ =	sdelay $0x2  }
0x145: {  	v1 =	vld [tilespmem:$0x18920];
	_ =	sdelay $0x5  }
0x146: {  	v2 =	vpop (erf)  }
0x147: {  	[tilespmem:$0x1A110] =	vst v2;
	v2 =	vld [tilespmem:$0x19120]  }
0x148: {  	v1 =	vld.idx.msk [tilespmem:v1+s4+$0x0], $0xffff;
	_ =	sdelay $0x4  }
0x149: {  	v1 =	vadd.f32 v2, v1;
	_ =	sdelay $0x1  }
0x14a: {  	v1 =	vmul.f32 $1.442695020e+00, v1;
	_ =	sdelay $0x1  }
0x14b: {  	(erf) = vpow2.f32 v1;
	_ =	sdelay $0x2  }
0x14c: {  	v1 =	vld [tilespmem:$0x18930];
	_ =	sdelay $0x5  }
0x14d: {  	v2 =	vpop (erf)  }
0x14e: {  	[tilespmem:$0x1A120] =	vst v2;
	v2 =	vld [tilespmem:$0x19130]  }
0x14f: {  	v1 =	vld.idx.msk [tilespmem:v1+s4+$0x0], $0xffff;
	_ =	sdelay $0x4  }
0x150: {  	v1 =	vadd.f32 v2, v1;
	_ =	sdelay $0x1  }
0x151: {  	v1 =	vmul.f32 $1.442695020e+00, v1;
	_ =	sdelay $0x1  }
0x152: {  	(erf) = vpow2.f32 v1;
	_ =	sdelay $0x2  }
0x153: {  	v1 =	vld [tilespmem:$0x18940];
	_ =	sdelay $0x5  }
0x154: {  	v2 =	vpop (erf)  }
0x155: {  	[tilespmem:$0x1A130] =	vst v2;
	v2 =	vld [tilespmem:$0x19140]  }
0x156: {  	v1 =	vld.idx.msk [tilespmem:v1+s4+$0x0], $0xffff;
	_ =	sdelay $0x4  }
0x157: {  	v1 =	vadd.f32 v2, v1;
	_ =	sdelay $0x1  }
0x158: {  	v1 =	vmul.f32 $1.442695020e+00, v1;
	_ =	sdelay $0x1  }
0x159: {  	(erf) = vpow2.f32 v1;
	_ =	sdelay $0x2  }
0x15a: {  	v1 =	vld [tilespmem:$0x18950];
	_ =	sdelay $0x5  }
0x15b: {  	v2 =	vpop (erf)  }
0x15c: {  	[tilespmem:$0x1A140] =	vst v2;
	v2 =	vld [tilespmem:$0x19150]  }
0x15d: {  	v1 =	vld.idx.msk [tilespmem:v1+s4+$0x0], $0xffff;
	_ =	sdelay $0x4  }
0x15e: {  	v1 =	vadd.f32 v2, v1;
	_ =	sdelay $0x1  }
0x15f: {  	v1 =	vmul.f32 $1.442695020e+00, v1;
	_ =	sdelay $0x1  }
0x160: {  	(erf) = vpow2.f32 v1;
	_ =	sdelay $0x2  }
0x161: {  	v1 =	vld [tilespmem:$0x18960];
	_ =	sdelay $0x5  }
0x162: {  	v2 =	vpop (erf)  }
0x163: {  	[tilespmem:$0x1A150] =	vst v2;
	v2 =	vld [tilespmem:$0x19160]  }
0x164: {  	v1 =	vld.idx.msk [tilespmem:v1+s4+$0x0], $0xffff;
	_ =	sdelay $0x4  }
0x165: {  	v1 =	vadd.f32 v2, v1;
	_ =	sdelay $0x1  }
0x166: {  	v1 =	vmul.f32 $1.442695020e+00, v1;
	_ =	sdelay $0x1  }
0x167: {  	(erf) = vpow2.f32 v1;
	_ =	sdelay $0x2  }
0x168: {  	v1 =	vld [tilespmem:$0x18970];
	_ =	sdelay $0x5  }
0x169: {  	v2 =	vpop (erf)  }
0x16a: {  	[tilespmem:$0x1A160] =	vst v2;
	v2 =	vld [tilespmem:$0x19170]  }
0x16b: {  	v1 =	vld.idx.msk [tilespmem:v1+s4+$0x0], $0xffff;
	_ =	sdelay $0x4  }
0x16c: {  	v1 =	vadd.f32 v2, v1;
	_ =	sdelay $0x1  }
0x16d: {  	v1 =	vmul.f32 $1.442695020e+00, v1;
	_ =	sdelay $0x1  }
0x16e: {  	(erf) = vpow2.f32 v1;
	_ =	sdelay $0x2  }
0x16f: {  	v1 =	vld [tilespmem:$0x18980];
	_ =	sdelay $0x5  }
0x170: {  	v2 =	vpop (erf)  }
0x171: {  	[tilespmem:$0x1A170] =	vst v2;
	v2 =	vld [tilespmem:$0x19180]  }
0x172: {  	v1 =	vld.idx.msk [tilespmem:v1+s4+$0x0], $0xffff;
	_ =	sdelay $0x4  }
0x173: {  	v1 =	vadd.f32 v2, v1;
	_ =	sdelay $0x1  }
0x174: {  	v1 =	vmul.f32 $1.442695020e+00, v1;
	_ =	sdelay $0x1  }
0x175: {  	(erf) = vpow2.f32 v1;
	_ =	sdelay $0x2  }
0x176: {  	v1 =	vld [tilespmem:$0x18990];
	_ =	sdelay $0x5  }
0x177: {  	v2 =	vpop (erf)  }
0x178: {  	[tilespmem:$0x1A180] =	vst v2;
	v2 =	vld [tilespmem:$0x19190]  }
0x179: {  	v1 =	vld.idx.msk [tilespmem:v1+s4+$0x0], $0xffff;
	_ =	sdelay $0x4  }
0x17a: {  	v1 =	vadd.f32 v2, v1;
	_ =	sdelay $0x1  }
0x17b: {  	v1 =	vmul.f32 $1.442695020e+00, v1;
	_ =	sdelay $0x1  }
0x17c: {  	(erf) = vpow2.f32 v1;
	_ =	sdelay $0x2  }
0x17d: {  	v1 =	vld [tilespmem:$0x189A0];
	_ =	sdelay $0x5  }
0x17e: {  	v2 =	vpop (erf)  }
0x17f: {  	[tilespmem:$0x1A190] =	vst v2;
	v2 =	vld [tilespmem:$0x191A0]  }
0x180: {  	v1 =	vld.idx.msk [tilespmem:v1+s4+$0x0], $0xffff;
	_ =	sdelay $0x4  }
0x181: {  	v1 =	vadd.f32 v2, v1;
	_ =	sdelay $0x1  }
0x182: {  	v1 =	vmul.f32 $1.442695020e+00, v1;
	_ =	sdelay $0x1  }
0x183: {  	(erf) = vpow2.f32 v1;
	_ =	sdelay $0x2  }
0x184: {  	v1 =	vld [tilespmem:$0x189B0];
	_ =	sdelay $0x5  }
0x185: {  	v2 =	vpop (erf)  }
0x186: {  	[tilespmem:$0x1A1A0] =	vst v2;
	v2 =	vld [tilespmem:$0x191B0]  }
0x187: {  	v1 =	vld.idx.msk [tilespmem:v1+s4+$0x0], $0xffff;
	_ =	sdelay $0x4  }
0x188: {  	v1 =	vadd.f32 v2, v1;
	_ =	sdelay $0x1  }
0x189: {  	v1 =	vmul.f32 $1.442695020e+00, v1;
	_ =	sdelay $0x1  }
0x18a: {  	(erf) = vpow2.f32 v1;
	_ =	sdelay $0x2  }
0x18b: {  	v1 =	vld [tilespmem:$0x189C0];
	_ =	sdelay $0x5  }
0x18c: {  	v2 =	vpop (erf)  }
0x18d: {  	[tilespmem:$0x1A1B0] =	vst v2;
	v2 =	vld [tilespmem:$0x191C0]  }
0x18e: {  	v1 =	vld.idx.msk [tilespmem:v1+s4+$0x0], $0xffff;
	_ =	sdelay $0x4  }
0x18f: {  	v1 =	vadd.f32 v2, v1;
	_ =	sdelay $0x1  }
0x190: {  	v1 =	vmul.f32 $1.442695020e+00, v1;
	_ =	sdelay $0x1  }
0x191: {  	(erf) = vpow2.f32 v1;
	_ =	sdelay $0x2  }
0x192: {  	v1 =	vld [tilespmem:$0x189D0];
	_ =	sdelay $0x5  }
0x193: {  	v2 =	vpop (erf)  }
0x194: {  	[tilespmem:$0x1A1C0] =	vst v2;
	v2 =	vld [tilespmem:$0x191D0]  }
0x195: {  	v1 =	vld.idx.msk [tilespmem:v1+s4+$0x0], $0xffff;
	_ =	sdelay $0x4  }
0x196: {  	v1 =	vadd.f32 v2, v1;
	_ =	sdelay $0x1  }
0x197: {  	v1 =	vmul.f32 $1.442695020e+00, v1;
	_ =	sdelay $0x1  }
0x198: {  	(erf) = vpow2.f32 v1;
	_ =	sdelay $0x2  }
0x199: {  	v1 =	vld [tilespmem:$0x189E0];
	_ =	sdelay $0x5  }
0x19a: {  	v2 =	vpop (erf)  }
0x19b: {  	[tilespmem:$0x1A1D0] =	vst v2;
	v2 =	vld [tilespmem:$0x191E0]  }
0x19c: {  	v1 =	vld.idx.msk [tilespmem:v1+s4+$0x0], $0xffff;
	_ =	sdelay $0x4  }
0x19d: {  	v1 =	vadd.f32 v2, v1;
	_ =	sdelay $0x1  }
0x19e: {  	v1 =	vmul.f32 $1.442695020e+00, v1;
	_ =	sdelay $0x1  }
0x19f: {  	(erf) = vpow2.f32 v1;
	_ =	sdelay $0x2  }
0x1a0: {  	v1 =	vld [tilespmem:$0x189F0];
	_ =	sdelay $0x5  }
0x1a1: {  	v2 =	vpop (erf)  }
0x1a2: {  	[tilespmem:$0x1A1E0] =	vst v2;
	v2 =	vld [tilespmem:$0x191F0]  }
0x1a3: {  	v1 =	vld.idx.msk [tilespmem:v1+s4+$0x0], $0xffff;
	_ =	sdelay $0x4  }
0x1a4: {  	v1 =	vadd.f32 v2, v1;
	_ =	sdelay $0x1  }
0x1a5: {  	v1 =	vmul.f32 $1.442695020e+00, v1;
	_ =	sdelay $0x1  }
0x1a6: {  	(erf) = vpow2.f32 v1;
	_ =	sdelay $0x2  }
0x1a7: {  	v1 =	vld [tilespmem:$0x18A00];
	_ =	sdelay $0x5  }
0x1a8: {  	v2 =	vpop (erf)  }
0x1a9: {  	[tilespmem:$0x1A1F0] =	vst v2;
	v2 =	vld [tilespmem:$0x19200]  }
0x1aa: {  	v1 =	vld.idx.msk [tilespmem:v1+s4+$0x0], $0xffff;
	_ =	sdelay $0x4  }
0x1ab: {  	v1 =	vadd.f32 v2, v1;
	_ =	sdelay $0x1  }
0x1ac: {  	v1 =	vmul.f32 $1.442695020e+00, v1;
	_ =	sdelay $0x1  }
0x1ad: {  	(erf) = vpow2.f32 v1;
	_ =	sdelay $0x2  }
0x1ae: {  	v1 =	vld [tilespmem:$0x18A10];
	_ =	sdelay $0x5  }
0x1af: {  	v2 =	vpop (erf)  }
0x1b0: {  	[tilespmem:$0x1A200] =	vst v2;
	v2 =	vld [tilespmem:$0x19210]  }
0x1b1: {  	v1 =	vld.idx.msk [tilespmem:v1+s4+$0x0], $0xffff;
	_ =	sdelay $0x4  }
0x1b2: {  	v1 =	vadd.f32 v2, v1;
	_ =	sdelay $0x1  }
0x1b3: {  	v1 =	vmul.f32 $1.442695020e+00, v1;
	_ =	sdelay $0x1  }
0x1b4: {  	(erf) = vpow2.f32 v1;
	_ =	sdelay $0x2  }
0x1b5: {  	v1 =	vld [tilespmem:$0x18A20];
	_ =	sdelay $0x5  }
0x1b6: {  	v2 =	vpop (erf)  }
0x1b7: {  	[tilespmem:$0x1A210] =	vst v2;
	v2 =	vld [tilespmem:$0x19220]  }
0x1b8: {  	v1 =	vld.idx.msk [tilespmem:v1+s4+$0x0], $0xffff;
	_ =	sdelay $0x4  }
0x1b9: {  	v1 =	vadd.f32 v2, v1;
	_ =	sdelay $0x1  }
0x1ba: {  	v1 =	vmul.f32 $1.442695020e+00, v1;
	_ =	sdelay $0x1  }
0x1bb: {  	(erf) = vpow2.f32 v1;
	_ =	sdelay $0x2  }
0x1bc: {  	v1 =	vld [tilespmem:$0x18A30];
	_ =	sdelay $0x5  }
0x1bd: {  	v2 =	vpop (erf)  }
0x1be: {  	[tilespmem:$0x1A220] =	vst v2;
	v2 =	vld [tilespmem:$0x19230]  }
0x1bf: {  	v1 =	vld.idx.msk [tilespmem:v1+s4+$0x0], $0xffff;
	_ =	sdelay $0x4  }
0x1c0: {  	v1 =	vadd.f32 v2, v1;
	_ =	sdelay $0x1  }
0x1c1: {  	v1 =	vmul.f32 $1.442695020e+00, v1;
	_ =	sdelay $0x1  }
0x1c2: {  	(erf) = vpow2.f32 v1;
	_ =	sdelay $0x2  }
0x1c3: {  	v1 =	vld [tilespmem:$0x18A40];
	_ =	sdelay $0x5  }
0x1c4: {  	v2 =	vpop (erf)  }
0x1c5: {  	[tilespmem:$0x1A230] =	vst v2;
	v2 =	vld [tilespmem:$0x19240]  }
0x1c6: {  	v1 =	vld.idx.msk [tilespmem:v1+s4+$0x0], $0xffff;
	_ =	sdelay $0x4  }
0x1c7: {  	v1 =	vadd.f32 v2, v1;
	_ =	sdelay $0x1  }
0x1c8: {  	v1 =	vmul.f32 $1.442695020e+00, v1;
	_ =	sdelay $0x1  }
0x1c9: {  	(erf) = vpow2.f32 v1;
	_ =	sdelay $0x2  }
0x1ca: {  	v1 =	vld [tilespmem:$0x18A50];
	_ =	sdelay $0x5  }
0x1cb: {  	v2 =	vpop (erf)  }
0x1cc: {  	[tilespmem:$0x1A240] =	vst v2;
	v2 =	vld [tilespmem:$0x19250]  }
0x1cd: {  	v1 =	vld.idx.msk [tilespmem:v1+s4+$0x0], $0xffff;
	_ =	sdelay $0x4  }
0x1ce: {  	v1 =	vadd.f32 v2, v1;
	_ =	sdelay $0x1  }
0x1cf: {  	v1 =	vmul.f32 $1.442695020e+00, v1;
	_ =	sdelay $0x1  }
0x1d0: {  	(erf) = vpow2.f32 v1;
	_ =	sdelay $0x2  }
0x1d1: {  	v1 =	vld [tilespmem:$0x18A60];
	_ =	sdelay $0x5  }
0x1d2: {  	v2 =	vpop (erf)  }
0x1d3: {  	[tilespmem:$0x1A250] =	vst v2;
	v2 =	vld [tilespmem:$0x19260]  }
0x1d4: {  	v1 =	vld.idx.msk [tilespmem:v1+s4+$0x0], $0xffff;
	_ =	sdelay $0x4  }
0x1d5: {  	v1 =	vadd.f32 v2, v1;
	_ =	sdelay $0x1  }
0x1d6: {  	v1 =	vmul.f32 $1.442695020e+00, v1;
	_ =	sdelay $0x1  }
0x1d7: {  	(erf) = vpow2.f32 v1;
	_ =	sdelay $0x2  }
0x1d8: {  	v1 =	vld [tilespmem:$0x18A70];
	_ =	sdelay $0x5  }
0x1d9: {  	v2 =	vpop (erf)  }
0x1da: {  	[tilespmem:$0x1A260] =	vst v2;
	v2 =	vld [tilespmem:$0x19270]  }
0x1db: {  	v1 =	vld.idx.msk [tilespmem:v1+s4+$0x0], $0xffff;
	_ =	sdelay $0x4  }
0x1dc: {  	v1 =	vadd.f32 v2, v1;
	_ =	sdelay $0x1  }
0x1dd: {  	v1 =	vmul.f32 $1.442695020e+00, v1;
	_ =	sdelay $0x1  }
0x1de: {  	(erf) = vpow2.f32 v1;
	_ =	sdelay $0x2  }
0x1df: {  	v1 =	vld [tilespmem:$0x18A80];
	_ =	sdelay $0x5  }
0x1e0: {  	v2 =	vpop (erf)  }
0x1e1: {  	[tilespmem:$0x1A270] =	vst v2;
	v2 =	vld [tilespmem:$0x19280]  }
0x1e2: {  	v1 =	vld.idx.msk [tilespmem:v1+s4+$0x0], $0xffff;
	_ =	sdelay $0x4  }
0x1e3: {  	v1 =	vadd.f32 v2, v1;
	_ =	sdelay $0x1  }
0x1e4: {  	v1 =	vmul.f32 $1.442695020e+00, v1;
	_ =	sdelay $0x1  }
0x1e5: {  	(erf) = vpow2.f32 v1;
	_ =	sdelay $0x2  }
0x1e6: {  	v1 =	vld [tilespmem:$0x18A90];
	_ =	sdelay $0x5  }
0x1e7: {  	v2 =	vpop (erf)  }
0x1e8: {  	[tilespmem:$0x1A280] =	vst v2;
	v2 =	vld [tilespmem:$0x19290]  }
0x1e9: {  	v1 =	vld.idx.msk [tilespmem:v1+s4+$0x0], $0xffff;
	_ =	sdelay $0x4  }
0x1ea: {  	v1 =	vadd.f32 v2, v1;
	_ =	sdelay $0x1  }
0x1eb: {  	v1 =	vmul.f32 $1.442695020e+00, v1;
	_ =	sdelay $0x1  }
0x1ec: {  	(erf) = vpow2.f32 v1;
	_ =	sdelay $0x2  }
0x1ed: {  	v1 =	vld [tilespmem:$0x18AA0];
	_ =	sdelay $0x5  }
0x1ee: {  	v2 =	vpop (erf)  }
0x1ef: {  	[tilespmem:$0x1A290] =	vst v2;
	v2 =	vld [tilespmem:$0x192A0]  }
0x1f0: {  	v1 =	vld.idx.msk [tilespmem:v1+s4+$0x0], $0xffff;
	_ =	sdelay $0x4  }
0x1f1: {  	v1 =	vadd.f32 v2, v1;
	_ =	sdelay $0x1  }
0x1f2: {  	v1 =	vmul.f32 $1.442695020e+00, v1;
	_ =	sdelay $0x1  }
0x1f3: {  	(erf) = vpow2.f32 v1;
	_ =	sdelay $0x2  }
0x1f4: {  	v1 =	vld [tilespmem:$0x18AB0];
	_ =	sdelay $0x5  }
0x1f5: {  	v2 =	vpop (erf)  }
0x1f6: {  	[tilespmem:$0x1A2A0] =	vst v2;
	v2 =	vld [tilespmem:$0x192B0]  }
0x1f7: {  	v1 =	vld.idx.msk [tilespmem:v1+s4+$0x0], $0xffff;
	_ =	sdelay $0x4  }
0x1f8: {  	v1 =	vadd.f32 v2, v1;
	_ =	sdelay $0x1  }
0x1f9: {  	v1 =	vmul.f32 $1.442695020e+00, v1;
	_ =	sdelay $0x1  }
0x1fa: {  	(erf) = vpow2.f32 v1;
	_ =	sdelay $0x2  }
0x1fb: {  	v1 =	vld [tilespmem:$0x18AC0];
	_ =	sdelay $0x5  }
0x1fc: {  	v2 =	vpop (erf)  }
0x1fd: {  	[tilespmem:$0x1A2B0] =	vst v2;
	v2 =	vld [tilespmem:$0x192C0]  }
0x1fe: {  	v1 =	vld.idx.msk [tilespmem:v1+s4+$0x0], $0xffff;
	_ =	sdelay $0x4  }
0x1ff: {  	v1 =	vadd.f32 v2, v1;
	_ =	sdelay $0x1  }
0x200: {  	v1 =	vmul.f32 $1.442695020e+00, v1;
	_ =	sdelay $0x1  }
0x201: {  	(erf) = vpow2.f32 v1;
	_ =	sdelay $0x2  }
0x202: {  	v1 =	vld [tilespmem:$0x18AD0];
	_ =	sdelay $0x5  }
0x203: {  	v2 =	vpop (erf)  }
0x204: {  	[tilespmem:$0x1A2C0] =	vst v2;
	v2 =	vld [tilespmem:$0x192D0]  }
0x205: {  	v1 =	vld.idx.msk [tilespmem:v1+s4+$0x0], $0xffff;
	_ =	sdelay $0x4  }
0x206: {  	v1 =	vadd.f32 v2, v1;
	_ =	sdelay $0x1  }
0x207: {  	v1 =	vmul.f32 $1.442695020e+00, v1;
	_ =	sdelay $0x1  }
0x208: {  	(erf) = vpow2.f32 v1;
	_ =	sdelay $0x2  }
0x209: {  	v1 =	vld [tilespmem:$0x18AE0];
	_ =	sdelay $0x5  }
0x20a: {  	v2 =	vpop (erf)  }
0x20b: {  	[tilespmem:$0x1A2D0] =	vst v2;
	v2 =	vld [tilespmem:$0x192E0]  }
0x20c: {  	v1 =	vld.idx.msk [tilespmem:v1+s4+$0x0], $0xffff;
	_ =	sdelay $0x4  }
0x20d: {  	v1 =	vadd.f32 v2, v1;
	_ =	sdelay $0x1  }
0x20e: {  	v1 =	vmul.f32 $1.442695020e+00, v1;
	_ =	sdelay $0x1  }
0x20f: {  	(erf) = vpow2.f32 v1;
	_ =	sdelay $0x2  }
0x210: {  	v1 =	vld [tilespmem:$0x18AF0];
	_ =	sdelay $0x5  }
0x211: {  	v2 =	vpop (erf)  }
0x212: {  	[tilespmem:$0x1A2E0] =	vst v2;
	v2 =	vld [tilespmem:$0x192F0]  }
0x213: {  	v1 =	vld.idx.msk [tilespmem:v1+s4+$0x0], $0xffff;
	_ =	sdelay $0x4  }
0x214: {  	v1 =	vadd.f32 v2, v1;
	_ =	sdelay $0x1  }
0x215: {  	v1 =	vmul.f32 $1.442695020e+00, v1;
	_ =	sdelay $0x1  }
0x216: {  	(erf) = vpow2.f32 v1;
	_ =	sdelay $0x2  }
0x217: {  	v1 =	vld [tilespmem:$0x18B00];
	_ =	sdelay $0x5  }
0x218: {  	v2 =	vpop (erf)  }
0x219: {  	[tilespmem:$0x1A2F0] =	vst v2;
	v2 =	vld [tilespmem:$0x19300]  }
0x21a: {  	v1 =	vld.idx.msk [tilespmem:v1+s4+$0x0], $0xffff;
	_ =	sdelay $0x4  }
0x21b: {  	v1 =	vadd.f32 v2, v1;
	_ =	sdelay $0x1  }
0x21c: {  	v1 =	vmul.f32 $1.442695020e+00, v1;
	_ =	sdelay $0x1  }
0x21d: {  	(erf) = vpow2.f32 v1;
	_ =	sdelay $0x2  }
0x21e: {  	v1 =	vld [tilespmem:$0x18B10];
	_ =	sdelay $0x5  }
0x21f: {  	v2 =	vpop (erf)  }
0x220: {  	[tilespmem:$0x1A300] =	vst v2;
	v2 =	vld [tilespmem:$0x19310]  }
0x221: {  	v1 =	vld.idx.msk [tilespmem:v1+s4+$0x0], $0xffff;
	_ =	sdelay $0x4  }
0x222: {  	v1 =	vadd.f32 v2, v1;
	_ =	sdelay $0x1  }
0x223: {  	v1 =	vmul.f32 $1.442695020e+00, v1;
	_ =	sdelay $0x1  }
0x224: {  	(erf) = vpow2.f32 v1;
	_ =	sdelay $0x2  }
0x225: {  	v1 =	vld [tilespmem:$0x18B20];
	_ =	sdelay $0x5  }
0x226: {  	v2 =	vpop (erf)  }
0x227: {  	[tilespmem:$0x1A310] =	vst v2;
	v2 =	vld [tilespmem:$0x19320]  }
0x228: {  	v1 =	vld.idx.msk [tilespmem:v1+s4+$0x0], $0xffff;
	_ =	sdelay $0x4  }
0x229: {  	v1 =	vadd.f32 v2, v1;
	_ =	sdelay $0x1  }
0x22a: {  	v1 =	vmul.f32 $1.442695020e+00, v1;
	_ =	sdelay $0x1  }
0x22b: {  	(erf) = vpow2.f32 v1;
	_ =	sdelay $0x2  }
0x22c: {  	v1 =	vld [tilespmem:$0x18B30];
	_ =	sdelay $0x5  }
0x22d: {  	v2 =	vpop (erf)  }
0x22e: {  	[tilespmem:$0x1A320] =	vst v2;
	v2 =	vld [tilespmem:$0x19330]  }
0x22f: {  	v1 =	vld.idx.msk [tilespmem:v1+s4+$0x0], $0xffff;
	_ =	sdelay $0x4  }
0x230: {  	v1 =	vadd.f32 v2, v1;
	_ =	sdelay $0x1  }
0x231: {  	v1 =	vmul.f32 $1.442695020e+00, v1;
	_ =	sdelay $0x1  }
0x232: {  	(erf) = vpow2.f32 v1;
	_ =	sdelay $0x2  }
0x233: {  	v1 =	vld [tilespmem:$0x18B40];
	_ =	sdelay $0x5  }
0x234: {  	v2 =	vpop (erf)  }
0x235: {  	[tilespmem:$0x1A330] =	vst v2;
	v2 =	vld [tilespmem:$0x19340]  }
0x236: {  	v1 =	vld.idx.msk [tilespmem:v1+s4+$0x0], $0xffff;
	_ =	sdelay $0x4  }
0x237: {  	v1 =	vadd.f32 v2, v1;
	_ =	sdelay $0x1  }
0x238: {  	v1 =	vmul.f32 $1.442695020e+00, v1;
	_ =	sdelay $0x1  }
0x239: {  	(erf) = vpow2.f32 v1;
	_ =	sdelay $0x2  }
0x23a: {  	v1 =	vld [tilespmem:$0x18B50];
	_ =	sdelay $0x5  }
0x23b: {  	v2 =	vpop (erf)  }
0x23c: {  	[tilespmem:$0x1A340] =	vst v2;
	v2 =	vld [tilespmem:$0x19350]  }
0x23d: {  	v1 =	vld.idx.msk [tilespmem:v1+s4+$0x0], $0xffff;
	_ =	sdelay $0x4  }
0x23e: {  	v1 =	vadd.f32 v2, v1;
	_ =	sdelay $0x1  }
0x23f: {  	v1 =	vmul.f32 $1.442695020e+00, v1;
	_ =	sdelay $0x1  }
0x240: {  	(erf) = vpow2.f32 v1;
	_ =	sdelay $0x2  }
0x241: {  	v1 =	vld [tilespmem:$0x18B60];
	_ =	sdelay $0x5  }
0x242: {  	v2 =	vpop (erf)  }
0x243: {  	[tilespmem:$0x1A350] =	vst v2;
	v2 =	vld [tilespmem:$0x19360]  }
0x244: {  	v1 =	vld.idx.msk [tilespmem:v1+s4+$0x0], $0xffff;
	_ =	sdelay $0x4  }
0x245: {  	v1 =	vadd.f32 v2, v1;
	_ =	sdelay $0x1  }
0x246: {  	v1 =	vmul.f32 $1.442695020e+00, v1;
	_ =	sdelay $0x1  }
0x247: {  	(erf) = vpow2.f32 v1;
	_ =	sdelay $0x2  }
0x248: {  	v1 =	vld [tilespmem:$0x18B70];
	_ =	sdelay $0x5  }
0x249: {  	v2 =	vpop (erf)  }
0x24a: {  	[tilespmem:$0x1A360] =	vst v2;
	v2 =	vld [tilespmem:$0x19370]  }
0x24b: {  	v1 =	vld.idx.msk [tilespmem:v1+s4+$0x0], $0xffff;
	_ =	sdelay $0x4  }
0x24c: {  	v1 =	vadd.f32 v2, v1;
	_ =	sdelay $0x1  }
0x24d: {  	v1 =	vmul.f32 $1.442695020e+00, v1;
	_ =	sdelay $0x1  }
0x24e: {  	(erf) = vpow2.f32 v1;
	_ =	sdelay $0x2  }
0x24f: {  	v1 =	vld [tilespmem:$0x18B80];
	_ =	sdelay $0x5  }
0x250: {  	v2 =	vpop (erf)  }
0x251: {  	[tilespmem:$0x1A370] =	vst v2;
	v2 =	vld [tilespmem:$0x19380]  }
0x252: {  	v1 =	vld.idx.msk [tilespmem:v1+s4+$0x0], $0xffff;
	_ =	sdelay $0x4  }
0x253: {  	v1 =	vadd.f32 v2, v1;
	_ =	sdelay $0x1  }
0x254: {  	v1 =	vmul.f32 $1.442695020e+00, v1;
	_ =	sdelay $0x1  }
0x255: {  	(erf) = vpow2.f32 v1;
	_ =	sdelay $0x2  }
0x256: {  	v1 =	vld [tilespmem:$0x18B90];
	_ =	sdelay $0x5  }
0x257: {  	v2 =	vpop (erf)  }
0x258: {  	[tilespmem:$0x1A380] =	vst v2;
	v2 =	vld [tilespmem:$0x19390]  }
0x259: {  	v1 =	vld.idx.msk [tilespmem:v1+s4+$0x0], $0xffff;
	_ =	sdelay $0x4  }
0x25a: {  	v1 =	vadd.f32 v2, v1;
	_ =	sdelay $0x1  }
0x25b: {  	v1 =	vmul.f32 $1.442695020e+00, v1;
	_ =	sdelay $0x1  }
0x25c: {  	(erf) = vpow2.f32 v1;
	_ =	sdelay $0x2  }
0x25d: {  	v1 =	vld [tilespmem:$0x18BA0];
	_ =	sdelay $0x5  }
0x25e: {  	v2 =	vpop (erf)  }
0x25f: {  	[tilespmem:$0x1A390] =	vst v2;
	v2 =	vld [tilespmem:$0x193A0]  }
0x260: {  	v1 =	vld.idx.msk [tilespmem:v1+s4+$0x0], $0xffff;
	_ =	sdelay $0x4  }
0x261: {  	v1 =	vadd.f32 v2, v1;
	_ =	sdelay $0x1  }
0x262: {  	v1 =	vmul.f32 $1.442695020e+00, v1;
	_ =	sdelay $0x1  }
0x263: {  	(erf) = vpow2.f32 v1;
	_ =	sdelay $0x2  }
0x264: {  	v1 =	vld [tilespmem:$0x18BB0];
	_ =	sdelay $0x5  }
0x265: {  	v2 =	vpop (erf)  }
0x266: {  	[tilespmem:$0x1A3A0] =	vst v2;
	v2 =	vld [tilespmem:$0x193B0]  }
0x267: {  	v1 =	vld.idx.msk [tilespmem:v1+s4+$0x0], $0xffff;
	_ =	sdelay $0x4  }
0x268: {  	v1 =	vadd.f32 v2, v1;
	_ =	sdelay $0x1  }
0x269: {  	v1 =	vmul.f32 $1.442695020e+00, v1;
	_ =	sdelay $0x1  }
0x26a: {  	(erf) = vpow2.f32 v1;
	_ =	sdelay $0x2  }
0x26b: {  	v1 =	vld [tilespmem:$0x18BC0];
	_ =	sdelay $0x5  }
0x26c: {  	v2 =	vpop (erf)  }
0x26d: {  	[tilespmem:$0x1A3B0] =	vst v2;
	v2 =	vld [tilespmem:$0x193C0]  }
0x26e: {  	v1 =	vld.idx.msk [tilespmem:v1+s4+$0x0], $0xffff;
	_ =	sdelay $0x4  }
0x26f: {  	v1 =	vadd.f32 v2, v1;
	_ =	sdelay $0x1  }
0x270: {  	v1 =	vmul.f32 $1.442695020e+00, v1;
	_ =	sdelay $0x1  }
0x271: {  	(erf) = vpow2.f32 v1;
	_ =	sdelay $0x2  }
0x272: {  	v1 =	vld [tilespmem:$0x18BD0];
	_ =	sdelay $0x5  }
0x273: {  	v2 =	vpop (erf)  }
0x274: {  	[tilespmem:$0x1A3C0] =	vst v2;
	v2 =	vld [tilespmem:$0x193D0]  }
0x275: {  	v1 =	vld.idx.msk [tilespmem:v1+s4+$0x0], $0xffff;
	_ =	sdelay $0x4  }
0x276: {  	v1 =	vadd.f32 v2, v1;
	_ =	sdelay $0x1  }
0x277: {  	v1 =	vmul.f32 $1.442695020e+00, v1;
	_ =	sdelay $0x1  }
0x278: {  	(erf) = vpow2.f32 v1;
	_ =	sdelay $0x2  }
0x279: {  	v1 =	vld [tilespmem:$0x18BE0];
	_ =	sdelay $0x5  }
0x27a: {  	v2 =	vpop (erf)  }
0x27b: {  	[tilespmem:$0x1A3D0] =	vst v2;
	v2 =	vld [tilespmem:$0x193E0]  }
0x27c: {  	v1 =	vld.idx.msk [tilespmem:v1+s4+$0x0], $0xffff;
	_ =	sdelay $0x4  }
0x27d: {  	v1 =	vadd.f32 v2, v1;
	_ =	sdelay $0x1  }
0x27e: {  	v1 =	vmul.f32 $1.442695020e+00, v1;
	_ =	sdelay $0x1  }
0x27f: {  	(erf) = vpow2.f32 v1;
	_ =	sdelay $0x2  }
0x280: {  	v1 =	vld [tilespmem:$0x18BF0];
	_ =	sdelay $0x5  }
0x281: {  	v2 =	vpop (erf)  }
0x282: {  	[tilespmem:$0x1A3E0] =	vst v2;
	v2 =	vld [tilespmem:$0x193F0]  }
0x283: {  	v1 =	vld.idx.msk [tilespmem:v1+s4+$0x0], $0xffff;
	_ =	sdelay $0x4  }
0x284: {  	v1 =	vadd.f32 v2, v1;
	_ =	sdelay $0x1  }
0x285: {  	v1 =	vmul.f32 $1.442695020e+00, v1;
	_ =	sdelay $0x1  }
0x286: {  	(erf) = vpow2.f32 v1;
	_ =	sdelay $0x2  }
0x287: {  	v1 =	vld [tilespmem:$0x18C00];
	_ =	sdelay $0x5  }
0x288: {  	v2 =	vpop (erf)  }
0x289: {  	[tilespmem:$0x1A3F0] =	vst v2;
	v2 =	vld [tilespmem:$0x19400]  }
0x28a: {  	v1 =	vld.idx.msk [tilespmem:v1+s4+$0x0], $0xffff;
	_ =	sdelay $0x4  }
0x28b: {  	v1 =	vadd.f32 v2, v1;
	_ =	sdelay $0x1  }
0x28c: {  	v1 =	vmul.f32 $1.442695020e+00, v1;
	_ =	sdelay $0x1  }
0x28d: {  	(erf) = vpow2.f32 v1;
	_ =	sdelay $0x2  }
0x28e: {  	v1 =	vld [tilespmem:$0x18C10];
	_ =	sdelay $0x5  }
0x28f: {  	v2 =	vpop (erf)  }
0x290: {  	[tilespmem:$0x1A400] =	vst v2;
	v2 =	vld [tilespmem:$0x19410]  }
0x291: {  	v1 =	vld.idx.msk [tilespmem:v1+s4+$0x0], $0xffff;
	_ =	sdelay $0x4  }
0x292: {  	v1 =	vadd.f32 v2, v1;
	_ =	sdelay $0x1  }
0x293: {  	v1 =	vmul.f32 $1.442695020e+00, v1;
	_ =	sdelay $0x1  }
0x294: {  	(erf) = vpow2.f32 v1;
	_ =	sdelay $0x2  }
0x295: {  	v1 =	vld [tilespmem:$0x18C20];
	_ =	sdelay $0x5  }
0x296: {  	v2 =	vpop (erf)  }
0x297: {  	[tilespmem:$0x1A410] =	vst v2;
	v2 =	vld [tilespmem:$0x19420]  }
0x298: {  	v1 =	vld.idx.msk [tilespmem:v1+s4+$0x0], $0xffff;
	_ =	sdelay $0x4  }
0x299: {  	v1 =	vadd.f32 v2, v1;
	_ =	sdelay $0x1  }
0x29a: {  	v1 =	vmul.f32 $1.442695020e+00, v1;
	_ =	sdelay $0x1  }
0x29b: {  	(erf) = vpow2.f32 v1;
	_ =	sdelay $0x2  }
0x29c: {  	v1 =	vld [tilespmem:$0x18C30];
	_ =	sdelay $0x5  }
0x29d: {  	v2 =	vpop (erf)  }
0x29e: {  	[tilespmem:$0x1A420] =	vst v2;
	v2 =	vld [tilespmem:$0x19430]  }
0x29f: {  	v1 =	vld.idx.msk [tilespmem:v1+s4+$0x0], $0xffff;
	_ =	sdelay $0x4  }
0x2a0: {  	v1 =	vadd.f32 v2, v1;
	_ =	sdelay $0x1  }
0x2a1: {  	v1 =	vmul.f32 $1.442695020e+00, v1;
	_ =	sdelay $0x1  }
0x2a2: {  	(erf) = vpow2.f32 v1;
	_ =	sdelay $0x2  }
0x2a3: {  	v1 =	vld [tilespmem:$0x18C40];
	_ =	sdelay $0x5  }
0x2a4: {  	v2 =	vpop (erf)  }
0x2a5: {  	[tilespmem:$0x1A430] =	vst v2;
	v2 =	vld [tilespmem:$0x19440]  }
0x2a6: {  	v1 =	vld.idx.msk [tilespmem:v1+s4+$0x0], $0xffff;
	_ =	sdelay $0x4  }
0x2a7: {  	v1 =	vadd.f32 v2, v1;
	_ =	sdelay $0x1  }
0x2a8: {  	v1 =	vmul.f32 $1.442695020e+00, v1;
	_ =	sdelay $0x1  }
0x2a9: {  	(erf) = vpow2.f32 v1;
	_ =	sdelay $0x2  }
0x2aa: {  	v1 =	vld [tilespmem:$0x18C50];
	_ =	sdelay $0x5  }
0x2ab: {  	v2 =	vpop (erf)  }
0x2ac: {  	[tilespmem:$0x1A440] =	vst v2;
	v2 =	vld [tilespmem:$0x19450]  }
0x2ad: {  	v1 =	vld.idx.msk [tilespmem:v1+s4+$0x0], $0xffff;
	_ =	sdelay $0x4  }
0x2ae: {  	v1 =	vadd.f32 v2, v1;
	_ =	sdelay $0x1  }
0x2af: {  	v1 =	vmul.f32 $1.442695020e+00, v1;
	_ =	sdelay $0x1  }
0x2b0: {  	(erf) = vpow2.f32 v1;
	_ =	sdelay $0x2  }
0x2b1: {  	v1 =	vld [tilespmem:$0x18C60];
	_ =	sdelay $0x5  }
0x2b2: {  	v2 =	vpop (erf)  }
0x2b3: {  	[tilespmem:$0x1A450] =	vst v2;
	v2 =	vld [tilespmem:$0x19460]  }
0x2b4: {  	v1 =	vld.idx.msk [tilespmem:v1+s4+$0x0], $0xffff;
	_ =	sdelay $0x4  }
0x2b5: {  	v1 =	vadd.f32 v2, v1;
	_ =	sdelay $0x1  }
0x2b6: {  	v1 =	vmul.f32 $1.442695020e+00, v1;
	_ =	sdelay $0x1  }
0x2b7: {  	(erf) = vpow2.f32 v1;
	_ =	sdelay $0x2  }
0x2b8: {  	v1 =	vld [tilespmem:$0x18C70];
	_ =	sdelay $0x5  }
0x2b9: {  	v2 =	vpop (erf)  }
0x2ba: {  	[tilespmem:$0x1A460] =	vst v2;
	v2 =	vld [tilespmem:$0x19470]  }
0x2bb: {  	v1 =	vld.idx.msk [tilespmem:v1+s4+$0x0], $0xffff;
	_ =	sdelay $0x4  }
0x2bc: {  	v1 =	vadd.f32 v2, v1;
	_ =	sdelay $0x1  }
0x2bd: {  	v1 =	vmul.f32 $1.442695020e+00, v1;
	_ =	sdelay $0x1  }
0x2be: {  	(erf) = vpow2.f32 v1;
	_ =	sdelay $0x2  }
0x2bf: {  	v1 =	vld [tilespmem:$0x18C80];
	_ =	sdelay $0x5  }
0x2c0: {  	v2 =	vpop (erf)  }
0x2c1: {  	[tilespmem:$0x1A470] =	vst v2;
	v2 =	vld [tilespmem:$0x19480]  }
0x2c2: {  	v1 =	vld.idx.msk [tilespmem:v1+s4+$0x0], $0xffff;
	_ =	sdelay $0x4  }
0x2c3: {  	v1 =	vadd.f32 v2, v1;
	_ =	sdelay $0x1  }
0x2c4: {  	v1 =	vmul.f32 $1.442695020e+00, v1;
	_ =	sdelay $0x1  }
0x2c5: {  	(erf) = vpow2.f32 v1;
	_ =	sdelay $0x2  }
0x2c6: {  	v1 =	vld [tilespmem:$0x18C90];
	_ =	sdelay $0x5  }
0x2c7: {  	v2 =	vpop (erf)  }
0x2c8: {  	[tilespmem:$0x1A480] =	vst v2;
	v2 =	vld [tilespmem:$0x19490]  }
0x2c9: {  	v1 =	vld.idx.msk [tilespmem:v1+s4+$0x0], $0xffff;
	_ =	sdelay $0x4  }
0x2ca: {  	v1 =	vadd.f32 v2, v1;
	_ =	sdelay $0x1  }
0x2cb: {  	v1 =	vmul.f32 $1.442695020e+00, v1;
	_ =	sdelay $0x1  }
0x2cc: {  	(erf) = vpow2.f32 v1;
	_ =	sdelay $0x2  }
0x2cd: {  	v1 =	vld [tilespmem:$0x18CA0];
	_ =	sdelay $0x5  }
0x2ce: {  	v2 =	vpop (erf)  }
0x2cf: {  	[tilespmem:$0x1A490] =	vst v2;
	v2 =	vld [tilespmem:$0x194A0]  }
0x2d0: {  	v1 =	vld.idx.msk [tilespmem:v1+s4+$0x0], $0xffff;
	_ =	sdelay $0x4  }
0x2d1: {  	v1 =	vadd.f32 v2, v1;
	_ =	sdelay $0x1  }
0x2d2: {  	v1 =	vmul.f32 $1.442695020e+00, v1;
	_ =	sdelay $0x1  }
0x2d3: {  	(erf) = vpow2.f32 v1;
	_ =	sdelay $0x2  }
0x2d4: {  	v1 =	vld [tilespmem:$0x18CB0];
	_ =	sdelay $0x5  }
0x2d5: {  	v2 =	vpop (erf)  }
0x2d6: {  	[tilespmem:$0x1A4A0] =	vst v2;
	v2 =	vld [tilespmem:$0x194B0]  }
0x2d7: {  	v1 =	vld.idx.msk [tilespmem:v1+s4+$0x0], $0xffff;
	_ =	sdelay $0x4  }
0x2d8: {  	v1 =	vadd.f32 v2, v1;
	_ =	sdelay $0x1  }
0x2d9: {  	v1 =	vmul.f32 $1.442695020e+00, v1;
	_ =	sdelay $0x1  }
0x2da: {  	(erf) = vpow2.f32 v1;
	_ =	sdelay $0x2  }
0x2db: {  	v1 =	vld [tilespmem:$0x18CC0];
	_ =	sdelay $0x5  }
0x2dc: {  	v2 =	vpop (erf)  }
0x2dd: {  	[tilespmem:$0x1A4B0] =	vst v2;
	v2 =	vld [tilespmem:$0x194C0]  }
0x2de: {  	v1 =	vld.idx.msk [tilespmem:v1+s4+$0x0], $0xffff;
	_ =	sdelay $0x4  }
0x2df: {  	v1 =	vadd.f32 v2, v1;
	_ =	sdelay $0x1  }
0x2e0: {  	v1 =	vmul.f32 $1.442695020e+00, v1;
	_ =	sdelay $0x1  }
0x2e1: {  	(erf) = vpow2.f32 v1;
	_ =	sdelay $0x2  }
0x2e2: {  	v1 =	vld [tilespmem:$0x18CD0];
	_ =	sdelay $0x5  }
0x2e3: {  	v2 =	vpop (erf)  }
0x2e4: {  	[tilespmem:$0x1A4C0] =	vst v2;
	v2 =	vld [tilespmem:$0x194D0]  }
0x2e5: {  	v1 =	vld.idx.msk [tilespmem:v1+s4+$0x0], $0xffff;
	_ =	sdelay $0x4  }
0x2e6: {  	v1 =	vadd.f32 v2, v1;
	_ =	sdelay $0x1  }
0x2e7: {  	v1 =	vmul.f32 $1.442695020e+00, v1;
	_ =	sdelay $0x1  }
0x2e8: {  	(erf) = vpow2.f32 v1;
	_ =	sdelay $0x2  }
0x2e9: {  	v1 =	vld [tilespmem:$0x18CE0];
	_ =	sdelay $0x5  }
0x2ea: {  	v2 =	vpop (erf)  }
0x2eb: {  	[tilespmem:$0x1A4D0] =	vst v2;
	v2 =	vld [tilespmem:$0x194E0]  }
0x2ec: {  	v1 =	vld.idx.msk [tilespmem:v1+s4+$0x0], $0xffff;
	_ =	sdelay $0x4  }
0x2ed: {  	v1 =	vadd.f32 v2, v1;
	_ =	sdelay $0x1  }
0x2ee: {  	v1 =	vmul.f32 $1.442695020e+00, v1;
	_ =	sdelay $0x1  }
0x2ef: {  	(erf) = vpow2.f32 v1;
	_ =	sdelay $0x2  }
0x2f0: {  	v1 =	vld [tilespmem:$0x18CF0];
	_ =	sdelay $0x5  }
0x2f1: {  	v2 =	vpop (erf)  }
0x2f2: {  	[tilespmem:$0x1A4E0] =	vst v2;
	v2 =	vld [tilespmem:$0x194F0]  }
0x2f3: {  	v1 =	vld.idx.msk [tilespmem:v1+s4+$0x0], $0xffff;
	_ =	sdelay $0x4  }
0x2f4: {  	v1 =	vadd.f32 v2, v1;
	_ =	sdelay $0x1  }
0x2f5: {  	v1 =	vmul.f32 $1.442695020e+00, v1;
	_ =	sdelay $0x1  }
0x2f6: {  	(erf) = vpow2.f32 v1;
	_ =	sdelay $0x2  }
0x2f7: {  	v1 =	vld [tilespmem:$0x18D00];
	_ =	sdelay $0x5  }
0x2f8: {  	v2 =	vpop (erf)  }
0x2f9: {  	[tilespmem:$0x1A4F0] =	vst v2;
	v2 =	vld [tilespmem:$0x19500]  }
0x2fa: {  	v1 =	vld.idx.msk [tilespmem:v1+s4+$0x0], $0xffff;
	_ =	sdelay $0x4  }
0x2fb: {  	v1 =	vadd.f32 v2, v1;
	_ =	sdelay $0x1  }
0x2fc: {  	v1 =	vmul.f32 $1.442695020e+00, v1;
	_ =	sdelay $0x1  }
0x2fd: {  	(erf) = vpow2.f32 v1;
	_ =	sdelay $0x2  }
0x2fe: {  	v1 =	vld [tilespmem:$0x18D10];
	_ =	sdelay $0x5  }
0x2ff: {  	v2 =	vpop (erf)  }
0x300: {  	[tilespmem:$0x1A500] =	vst v2;
	v2 =	vld [tilespmem:$0x19510]  }
0x301: {  	v1 =	vld.idx.msk [tilespmem:v1+s4+$0x0], $0xffff;
	_ =	sdelay $0x4  }
0x302: {  	v1 =	vadd.f32 v2, v1;
	_ =	sdelay $0x1  }
0x303: {  	v1 =	vmul.f32 $1.442695020e+00, v1;
	_ =	sdelay $0x1  }
0x304: {  	(erf) = vpow2.f32 v1;
	_ =	sdelay $0x2  }
0x305: {  	v1 =	vld [tilespmem:$0x18D20];
	_ =	sdelay $0x5  }
0x306: {  	v2 =	vpop (erf)  }
0x307: {  	[tilespmem:$0x1A510] =	vst v2;
	v2 =	vld [tilespmem:$0x19520]  }
0x308: {  	v1 =	vld.idx.msk [tilespmem:v1+s4+$0x0], $0xffff;
	_ =	sdelay $0x4  }
0x309: {  	v1 =	vadd.f32 v2, v1;
	_ =	sdelay $0x1  }
0x30a: {  	v1 =	vmul.f32 $1.442695020e+00, v1;
	_ =	sdelay $0x1  }
0x30b: {  	(erf) = vpow2.f32 v1;
	_ =	sdelay $0x2  }
0x30c: {  	v1 =	vld [tilespmem:$0x18D30];
	_ =	sdelay $0x5  }
0x30d: {  	v2 =	vpop (erf)  }
0x30e: {  	[tilespmem:$0x1A520] =	vst v2;
	v2 =	vld [tilespmem:$0x19530]  }
0x30f: {  	v1 =	vld.idx.msk [tilespmem:v1+s4+$0x0], $0xffff;
	_ =	sdelay $0x4  }
0x310: {  	v1 =	vadd.f32 v2, v1;
	_ =	sdelay $0x1  }
0x311: {  	v1 =	vmul.f32 $1.442695020e+00, v1;
	_ =	sdelay $0x1  }
0x312: {  	(erf) = vpow2.f32 v1;
	_ =	sdelay $0x2  }
0x313: {  	v1 =	vld [tilespmem:$0x18D40];
	_ =	sdelay $0x5  }
0x314: {  	v2 =	vpop (erf)  }
0x315: {  	[tilespmem:$0x1A530] =	vst v2;
	v2 =	vld [tilespmem:$0x19540]  }
0x316: {  	v1 =	vld.idx.msk [tilespmem:v1+s4+$0x0], $0xffff;
	_ =	sdelay $0x4  }
0x317: {  	v1 =	vadd.f32 v2, v1;
	_ =	sdelay $0x1  }
0x318: {  	v1 =	vmul.f32 $1.442695020e+00, v1;
	_ =	sdelay $0x1  }
0x319: {  	(erf) = vpow2.f32 v1;
	_ =	sdelay $0x2  }
0x31a: {  	v1 =	vld [tilespmem:$0x18D50];
	_ =	sdelay $0x5  }
0x31b: {  	v2 =	vpop (erf)  }
0x31c: {  	[tilespmem:$0x1A540] =	vst v2;
	v2 =	vld [tilespmem:$0x19550]  }
0x31d: {  	v1 =	vld.idx.msk [tilespmem:v1+s4+$0x0], $0xffff;
	_ =	sdelay $0x4  }
0x31e: {  	v1 =	vadd.f32 v2, v1;
	_ =	sdelay $0x1  }
0x31f: {  	v1 =	vmul.f32 $1.442695020e+00, v1;
	_ =	sdelay $0x1  }
0x320: {  	(erf) = vpow2.f32 v1;
	_ =	sdelay $0x2  }
0x321: {  	v1 =	vld [tilespmem:$0x18D60];
	_ =	sdelay $0x5  }
0x322: {  	v2 =	vpop (erf)  }
0x323: {  	[tilespmem:$0x1A550] =	vst v2;
	v2 =	vld [tilespmem:$0x19560]  }
0x324: {  	v1 =	vld.idx.msk [tilespmem:v1+s4+$0x0], $0xffff;
	_ =	sdelay $0x4  }
0x325: {  	v1 =	vadd.f32 v2, v1;
	_ =	sdelay $0x1  }
0x326: {  	v1 =	vmul.f32 $1.442695020e+00, v1;
	_ =	sdelay $0x1  }
0x327: {  	(erf) = vpow2.f32 v1;
	_ =	sdelay $0x2  }
0x328: {  	v1 =	vld [tilespmem:$0x18D70];
	_ =	sdelay $0x5  }
0x329: {  	v2 =	vpop (erf)  }
0x32a: {  	[tilespmem:$0x1A560] =	vst v2;
	v2 =	vld [tilespmem:$0x19570]  }
0x32b: {  	v1 =	vld.idx.msk [tilespmem:v1+s4+$0x0], $0xffff;
	_ =	sdelay $0x4  }
0x32c: {  	v1 =	vadd.f32 v2, v1;
	_ =	sdelay $0x1  }
0x32d: {  	v1 =	vmul.f32 $1.442695020e+00, v1;
	_ =	sdelay $0x1  }
0x32e: {  	(erf) = vpow2.f32 v1;
	_ =	sdelay $0x2  }
0x32f: {  	v1 =	vld [tilespmem:$0x18D80];
	_ =	sdelay $0x5  }
0x330: {  	v2 =	vpop (erf)  }
0x331: {  	[tilespmem:$0x1A570] =	vst v2;
	v2 =	vld [tilespmem:$0x19580]  }
0x332: {  	v1 =	vld.idx.msk [tilespmem:v1+s4+$0x0], $0xffff;
	_ =	sdelay $0x4  }
0x333: {  	v1 =	vadd.f32 v2, v1;
	_ =	sdelay $0x1  }
0x334: {  	v1 =	vmul.f32 $1.442695020e+00, v1;
	_ =	sdelay $0x1  }
0x335: {  	(erf) = vpow2.f32 v1;
	_ =	sdelay $0x2  }
0x336: {  	v1 =	vld [tilespmem:$0x18D90];
	_ =	sdelay $0x5  }
0x337: {  	v2 =	vpop (erf)  }
0x338: {  	[tilespmem:$0x1A580] =	vst v2;
	v2 =	vld [tilespmem:$0x19590]  }
0x339: {  	v1 =	vld.idx.msk [tilespmem:v1+s4+$0x0], $0xffff;
	_ =	sdelay $0x4  }
0x33a: {  	v1 =	vadd.f32 v2, v1;
	_ =	sdelay $0x1  }
0x33b: {  	v1 =	vmul.f32 $1.442695020e+00, v1;
	_ =	sdelay $0x1  }
0x33c: {  	(erf) = vpow2.f32 v1;
	_ =	sdelay $0x2  }
0x33d: {  	v1 =	vld [tilespmem:$0x18DA0];
	_ =	sdelay $0x5  }
0x33e: {  	v2 =	vpop (erf)  }
0x33f: {  	[tilespmem:$0x1A590] =	vst v2;
	v2 =	vld [tilespmem:$0x195A0]  }
0x340: {  	v1 =	vld.idx.msk [tilespmem:v1+s4+$0x0], $0xffff;
	_ =	sdelay $0x4  }
0x341: {  	v1 =	vadd.f32 v2, v1;
	_ =	sdelay $0x1  }
0x342: {  	v1 =	vmul.f32 $1.442695020e+00, v1;
	_ =	sdelay $0x1  }
0x343: {  	(erf) = vpow2.f32 v1;
	_ =	sdelay $0x2  }
0x344: {  	v1 =	vld [tilespmem:$0x18DB0];
	_ =	sdelay $0x5  }
0x345: {  	v2 =	vpop (erf)  }
0x346: {  	[tilespmem:$0x1A5A0] =	vst v2;
	v2 =	vld [tilespmem:$0x195B0]  }
0x347: {  	v1 =	vld.idx.msk [tilespmem:v1+s4+$0x0], $0xffff;
	_ =	sdelay $0x4  }
0x348: {  	v1 =	vadd.f32 v2, v1;
	_ =	sdelay $0x1  }
0x349: {  	v1 =	vmul.f32 $1.442695020e+00, v1;
	_ =	sdelay $0x1  }
0x34a: {  	(erf) = vpow2.f32 v1;
	_ =	sdelay $0x2  }
0x34b: {  	v1 =	vld [tilespmem:$0x18DC0];
	_ =	sdelay $0x5  }
0x34c: {  	v2 =	vpop (erf)  }
0x34d: {  	[tilespmem:$0x1A5B0] =	vst v2;
	v2 =	vld [tilespmem:$0x195C0]  }
0x34e: {  	v1 =	vld.idx.msk [tilespmem:v1+s4+$0x0], $0xffff;
	_ =	sdelay $0x4  }
0x34f: {  	v1 =	vadd.f32 v2, v1;
	_ =	sdelay $0x1  }
0x350: {  	v1 =	vmul.f32 $1.442695020e+00, v1;
	_ =	sdelay $0x1  }
0x351: {  	(erf) = vpow2.f32 v1;
	_ =	sdelay $0x2  }
0x352: {  	v1 =	vld [tilespmem:$0x18DD0];
	_ =	sdelay $0x5  }
0x353: {  	v2 =	vpop (erf)  }
0x354: {  	[tilespmem:$0x1A5C0] =	vst v2;
	v2 =	vld [tilespmem:$0x195D0]  }
0x355: {  	v1 =	vld.idx.msk [tilespmem:v1+s4+$0x0], $0xffff;
	_ =	sdelay $0x4  }
0x356: {  	v1 =	vadd.f32 v2, v1;
	_ =	sdelay $0x1  }
0x357: {  	v1 =	vmul.f32 $1.442695020e+00, v1;
	_ =	sdelay $0x1  }
0x358: {  	(erf) = vpow2.f32 v1;
	_ =	sdelay $0x2  }
0x359: {  	v1 =	vld [tilespmem:$0x18DE0];
	_ =	sdelay $0x5  }
0x35a: {  	v2 =	vpop (erf)  }
0x35b: {  	[tilespmem:$0x1A5D0] =	vst v2;
	v2 =	vld [tilespmem:$0x195E0]  }
0x35c: {  	v1 =	vld.idx.msk [tilespmem:v1+s4+$0x0], $0xffff;
	_ =	sdelay $0x4  }
0x35d: {  	v1 =	vadd.f32 v2, v1;
	_ =	sdelay $0x1  }
0x35e: {  	v1 =	vmul.f32 $1.442695020e+00, v1;
	_ =	sdelay $0x1  }
0x35f: {  	(erf) = vpow2.f32 v1;
	_ =	sdelay $0x2  }
0x360: {  	v1 =	vld [tilespmem:$0x18DF0];
	_ =	sdelay $0x5  }
0x361: {  	v2 =	vpop (erf)  }
0x362: {  	[tilespmem:$0x1A5E0] =	vst v2;
	v2 =	vld [tilespmem:$0x195F0]  }
0x363: {  	v1 =	vld.idx.msk [tilespmem:v1+s4+$0x0], $0xffff;
	_ =	sdelay $0x4  }
0x364: {  	v1 =	vadd.f32 v2, v1;
	_ =	sdelay $0x1  }
0x365: {  	v1 =	vmul.f32 $1.442695020e+00, v1;
	_ =	sdelay $0x1  }
0x366: {  	(erf) = vpow2.f32 v1;
	_ =	sdelay $0x2  }
0x367: {  	v1 =	vld [tilespmem:$0x18E00];
	_ =	sdelay $0x5  }
0x368: {  	v2 =	vpop (erf)  }
0x369: {  	[tilespmem:$0x1A5F0] =	vst v2;
	v2 =	vld [tilespmem:$0x19600]  }
0x36a: {  	v1 =	vld.idx.msk [tilespmem:v1+s4+$0x0], $0xffff;
	_ =	sdelay $0x4  }
0x36b: {  	v1 =	vadd.f32 v2, v1;
	_ =	sdelay $0x1  }
0x36c: {  	v1 =	vmul.f32 $1.442695020e+00, v1;
	_ =	sdelay $0x1  }
0x36d: {  	(erf) = vpow2.f32 v1;
	_ =	sdelay $0x2  }
0x36e: {  	v1 =	vld [tilespmem:$0x18E10];
	_ =	sdelay $0x5  }
0x36f: {  	v2 =	vpop (erf)  }
0x370: {  	[tilespmem:$0x1A600] =	vst v2;
	v2 =	vld [tilespmem:$0x19610]  }
0x371: {  	v1 =	vld.idx.msk [tilespmem:v1+s4+$0x0], $0xffff;
	_ =	sdelay $0x4  }
0x372: {  	v1 =	vadd.f32 v2, v1;
	_ =	sdelay $0x1  }
0x373: {  	v1 =	vmul.f32 $1.442695020e+00, v1;
	_ =	sdelay $0x1  }
0x374: {  	(erf) = vpow2.f32 v1;
	_ =	sdelay $0x2  }
0x375: {  	v1 =	vld [tilespmem:$0x18E20];
	_ =	sdelay $0x5  }
0x376: {  	v2 =	vpop (erf)  }
0x377: {  	[tilespmem:$0x1A610] =	vst v2;
	v2 =	vld [tilespmem:$0x19620]  }
0x378: {  	v1 =	vld.idx.msk [tilespmem:v1+s4+$0x0], $0xffff;
	_ =	sdelay $0x4  }
0x379: {  	v1 =	vadd.f32 v2, v1;
	_ =	sdelay $0x1  }
0x37a: {  	v1 =	vmul.f32 $1.442695020e+00, v1;
	_ =	sdelay $0x1  }
0x37b: {  	(erf) = vpow2.f32 v1;
	_ =	sdelay $0x2  }
0x37c: {  	v1 =	vld [tilespmem:$0x18E30];
	_ =	sdelay $0x5  }
0x37d: {  	v2 =	vpop (erf)  }
0x37e: {  	[tilespmem:$0x1A620] =	vst v2;
	v2 =	vld [tilespmem:$0x19630]  }
0x37f: {  	v1 =	vld.idx.msk [tilespmem:v1+s4+$0x0], $0xffff;
	_ =	sdelay $0x4  }
0x380: {  	v1 =	vadd.f32 v2, v1;
	_ =	sdelay $0x1  }
0x381: {  	v1 =	vmul.f32 $1.442695020e+00, v1;
	_ =	sdelay $0x1  }
0x382: {  	(erf) = vpow2.f32 v1;
	_ =	sdelay $0x2  }
0x383: {  	v1 =	vld [tilespmem:$0x18E40];
	_ =	sdelay $0x5  }
0x384: {  	v2 =	vpop (erf)  }
0x385: {  	[tilespmem:$0x1A630] =	vst v2;
	v2 =	vld [tilespmem:$0x19640]  }
0x386: {  	v1 =	vld.idx.msk [tilespmem:v1+s4+$0x0], $0xffff;
	_ =	sdelay $0x4  }
0x387: {  	v1 =	vadd.f32 v2, v1;
	_ =	sdelay $0x1  }
0x388: {  	v1 =	vmul.f32 $1.442695020e+00, v1;
	_ =	sdelay $0x1  }
0x389: {  	(erf) = vpow2.f32 v1;
	_ =	sdelay $0x2  }
0x38a: {  	v1 =	vld [tilespmem:$0x18E50];
	_ =	sdelay $0x5  }
0x38b: {  	v2 =	vpop (erf)  }
0x38c: {  	[tilespmem:$0x1A640] =	vst v2;
	v2 =	vld [tilespmem:$0x19650]  }
0x38d: {  	v1 =	vld.idx.msk [tilespmem:v1+s4+$0x0], $0xffff;
	_ =	sdelay $0x4  }
0x38e: {  	v1 =	vadd.f32 v2, v1;
	_ =	sdelay $0x1  }
0x38f: {  	v1 =	vmul.f32 $1.442695020e+00, v1;
	_ =	sdelay $0x1  }
0x390: {  	(erf) = vpow2.f32 v1;
	_ =	sdelay $0x2  }
0x391: {  	v1 =	vld [tilespmem:$0x18E60];
	_ =	sdelay $0x5  }
0x392: {  	v2 =	vpop (erf)  }
0x393: {  	[tilespmem:$0x1A650] =	vst v2;
	v2 =	vld [tilespmem:$0x19660]  }
0x394: {  	v1 =	vld.idx.msk [tilespmem:v1+s4+$0x0], $0xffff;
	_ =	sdelay $0x4  }
0x395: {  	v1 =	vadd.f32 v2, v1;
	_ =	sdelay $0x1  }
0x396: {  	v1 =	vmul.f32 $1.442695020e+00, v1;
	_ =	sdelay $0x1  }
0x397: {  	(erf) = vpow2.f32 v1;
	_ =	sdelay $0x2  }
0x398: {  	v1 =	vld [tilespmem:$0x18E70];
	_ =	sdelay $0x5  }
0x399: {  	v2 =	vpop (erf)  }
0x39a: {  	[tilespmem:$0x1A660] =	vst v2;
	v2 =	vld [tilespmem:$0x19670]  }
0x39b: {  	v1 =	vld.idx.msk [tilespmem:v1+s4+$0x0], $0xffff;
	_ =	sdelay $0x4  }
0x39c: {  	v1 =	vadd.f32 v2, v1;
	_ =	sdelay $0x1  }
0x39d: {  	v1 =	vmul.f32 $1.442695020e+00, v1;
	_ =	sdelay $0x1  }
0x39e: {  	(erf) = vpow2.f32 v1;
	_ =	sdelay $0x2  }
0x39f: {  	v1 =	vld [tilespmem:$0x18E80];
	_ =	sdelay $0x5  }
0x3a0: {  	v2 =	vpop (erf)  }
0x3a1: {  	[tilespmem:$0x1A670] =	vst v2;
	v2 =	vld [tilespmem:$0x19680]  }
0x3a2: {  	v1 =	vld.idx.msk [tilespmem:v1+s4+$0x0], $0xffff;
	_ =	sdelay $0x4  }
0x3a3: {  	v1 =	vadd.f32 v2, v1;
	_ =	sdelay $0x1  }
0x3a4: {  	v1 =	vmul.f32 $1.442695020e+00, v1;
	_ =	sdelay $0x1  }
0x3a5: {  	(erf) = vpow2.f32 v1;
	_ =	sdelay $0x2  }
0x3a6: {  	v1 =	vld [tilespmem:$0x18E90];
	_ =	sdelay $0x5  }
0x3a7: {  	v2 =	vpop (erf)  }
0x3a8: {  	[tilespmem:$0x1A680] =	vst v2;
	v2 =	vld [tilespmem:$0x19690]  }
0x3a9: {  	v1 =	vld.idx.msk [tilespmem:v1+s4+$0x0], $0xffff;
	_ =	sdelay $0x4  }
0x3aa: {  	v1 =	vadd.f32 v2, v1;
	_ =	sdelay $0x1  }
0x3ab: {  	v1 =	vmul.f32 $1.442695020e+00, v1;
	_ =	sdelay $0x1  }
0x3ac: {  	(erf) = vpow2.f32 v1;
	_ =	sdelay $0x2  }
0x3ad: {  	v1 =	vld [tilespmem:$0x18EA0];
	_ =	sdelay $0x5  }
0x3ae: {  	v2 =	vpop (erf)  }
0x3af: {  	[tilespmem:$0x1A690] =	vst v2;
	v2 =	vld [tilespmem:$0x196A0]  }
0x3b0: {  	v1 =	vld.idx.msk [tilespmem:v1+s4+$0x0], $0xffff;
	_ =	sdelay $0x4  }
0x3b1: {  	v1 =	vadd.f32 v2, v1;
	_ =	sdelay $0x1  }
0x3b2: {  	v1 =	vmul.f32 $1.442695020e+00, v1;
	_ =	sdelay $0x1  }
0x3b3: {  	(erf) = vpow2.f32 v1;
	_ =	sdelay $0x2  }
0x3b4: {  	v1 =	vld [tilespmem:$0x18EB0];
	_ =	sdelay $0x5  }
0x3b5: {  	v2 =	vpop (erf)  }
0x3b6: {  	[tilespmem:$0x1A6A0] =	vst v2;
	v2 =	vld [tilespmem:$0x196B0]  }
0x3b7: {  	v1 =	vld.idx.msk [tilespmem:v1+s4+$0x0], $0xffff;
	_ =	sdelay $0x4  }
0x3b8: {  	v1 =	vadd.f32 v2, v1;
	_ =	sdelay $0x1  }
0x3b9: {  	v1 =	vmul.f32 $1.442695020e+00, v1;
	_ =	sdelay $0x1  }
0x3ba: {  	(erf) = vpow2.f32 v1;
	_ =	sdelay $0x2  }
0x3bb: {  	v1 =	vld [tilespmem:$0x18EC0];
	_ =	sdelay $0x5  }
0x3bc: {  	v2 =	vpop (erf)  }
0x3bd: {  	[tilespmem:$0x1A6B0] =	vst v2;
	v2 =	vld [tilespmem:$0x196C0]  }
0x3be: {  	v1 =	vld.idx.msk [tilespmem:v1+s4+$0x0], $0xffff;
	_ =	sdelay $0x4  }
0x3bf: {  	v1 =	vadd.f32 v2, v1;
	_ =	sdelay $0x1  }
0x3c0: {  	v1 =	vmul.f32 $1.442695020e+00, v1;
	_ =	sdelay $0x1  }
0x3c1: {  	(erf) = vpow2.f32 v1;
	_ =	sdelay $0x2  }
0x3c2: {  	v1 =	vld [tilespmem:$0x18ED0];
	_ =	sdelay $0x5  }
0x3c3: {  	v2 =	vpop (erf)  }
0x3c4: {  	[tilespmem:$0x1A6C0] =	vst v2;
	v2 =	vld [tilespmem:$0x196D0]  }
0x3c5: {  	v1 =	vld.idx.msk [tilespmem:v1+s4+$0x0], $0xffff;
	_ =	sdelay $0x4  }
0x3c6: {  	v1 =	vadd.f32 v2, v1;
	_ =	sdelay $0x1  }
0x3c7: {  	v1 =	vmul.f32 $1.442695020e+00, v1;
	_ =	sdelay $0x1  }
0x3c8: {  	(erf) = vpow2.f32 v1;
	_ =	sdelay $0x2  }
0x3c9: {  	v1 =	vld [tilespmem:$0x18EE0];
	_ =	sdelay $0x5  }
0x3ca: {  	v2 =	vpop (erf)  }
0x3cb: {  	[tilespmem:$0x1A6D0] =	vst v2;
	v2 =	vld [tilespmem:$0x196E0]  }
0x3cc: {  	v1 =	vld.idx.msk [tilespmem:v1+s4+$0x0], $0xffff;
	_ =	sdelay $0x4  }
0x3cd: {  	v1 =	vadd.f32 v2, v1;
	_ =	sdelay $0x1  }
0x3ce: {  	v1 =	vmul.f32 $1.442695020e+00, v1;
	_ =	sdelay $0x1  }
0x3cf: {  	(erf) = vpow2.f32 v1;
	_ =	sdelay $0x2  }
0x3d0: {  	v1 =	vld [tilespmem:$0x18EF0];
	_ =	sdelay $0x5  }
0x3d1: {  	v2 =	vpop (erf)  }
0x3d2: {  	[tilespmem:$0x1A6E0] =	vst v2;
	v2 =	vld [tilespmem:$0x196F0]  }
0x3d3: {  	v1 =	vld.idx.msk [tilespmem:v1+s4+$0x0], $0xffff;
	_ =	sdelay $0x4  }
0x3d4: {  	v1 =	vadd.f32 v2, v1;
	_ =	sdelay $0x1  }
0x3d5: {  	v1 =	vmul.f32 $1.442695020e+00, v1;
	_ =	sdelay $0x1  }
0x3d6: {  	(erf) = vpow2.f32 v1;
	_ =	sdelay $0x6  }
0x3d7: {  	s14 =	rddreg [dreg:$0x9]  }
0x3d8: {  	s5 =	rddreg [dreg:$0xa]  }
0x3d9: {  	s9 =	rddreg [dreg:$0xb];
	v1 =	vpop (erf)  }
0x3da: {  	s8 =	rddreg [dreg:$0xd];
	[tilespmem:$0x1A6F0] =	vst v1  }
0x3db: {  	[spmem:s3] =	stream.indirect.scatter.add.f32 [tilespmem:s14], [sflag:$0x4], $0x1, s16, s19, $0xb8;
	[tilespmem:$0x1D800] =	vst v63  }
0x3dc: {  	s14 =	rddreg [dreg:$0xc]  }
0x3dd: {  	[spmem:s3] =	stream.indirect.scatter.add.f32 [tilespmem:s9], [sflag:$0x4], $0x1, s5, s19, $0xb8;
	[tilespmem:$0x1D800] =	vst v63  }
0x3de: {  	s5 =	rddreg [dreg:$0xe]  }
0x3df: {  	s9 =	rddreg [dreg:$0x10]  }
0x3e0: {  	[spmem:s3] =	stream.indirect.scatter.add.f32 [tilespmem:s8], [sflag:$0x4], $0x1, s14, s19, $0xb8;
	[tilespmem:$0x1D800] =	vst v63  }
0x3e1: {  	s8 =	rddreg [dreg:$0xf]  }
0x3e2: {  	s14 =	rddreg [dreg:$0x11]  }
0x3e3: {  	[spmem:s3] =	stream.indirect.scatter.add.f32 [tilespmem:s8], [sflag:$0x4], $0x1, s5, s19, $0xb8;
	[tilespmem:$0x1D800] =	vst v63  }
0x3e4: {  	s5 =	rddreg [dreg:$0x12]  }
0x3e5: {  	s8 =	rddreg [dreg:$0x13]  }
0x3e6: {  	[spmem:s3] =	stream.indirect.scatter.add.f32 [tilespmem:s14], [sflag:$0x4], $0x1, s9, s19, $0xb8;
	[tilespmem:$0x1D800] =	vst v63  }
0x3e7: {  	s9 =	rddreg [dreg:$0x14]  }
0x3e8: {  	s14 =	rddreg [dreg:$0x15]  }
0x3e9: {  	[spmem:s3] =	stream.indirect.scatter.add.f32 [tilespmem:s8], [sflag:$0x4], $0x1, s5, s19, $0xb8;
	[tilespmem:$0x1D800] =	vst v63  }
0x3ea: {  	s5 =	rddreg [dreg:$0x16]  }
0x3eb: {  	s8 =	rddreg [dreg:$0x17]  }
0x3ec: {  	[spmem:s3] =	stream.indirect.scatter.add.f32 [tilespmem:s14], [sflag:$0x4], $0x1, s9, s19, $0xb8;
	[tilespmem:$0x1D800] =	vst v63  }
0x3ed: {  	s9 =	rddreg [dreg:$0x18]  }
0x3ee: {  	[spmem:s3] =	stream.indirect.scatter.add.f32 [tilespmem:s8], [sflag:$0x4], $0x1, s5, s19, $0xb8;
	[tilespmem:$0x1D800] =	vst v63  }
0x3ef: {  	s14 =	rddreg [dreg:$0x19]  }
0x3f0: {  	[spmem:s3] =	stream.indirect.scatter.add.f32 [tilespmem:s14], [sflag:$0x4], $0x1, s9, s19, $0xb8;
	[tilespmem:$0x1D800] =	vst v63  }
0x3f1: {  	_ = 	snop  }
0x3f2: {  	[spmem:s3] =	stream.indirect.scatter.add.f32 [tilespmem:s21], [sflag:$0x4], $0x1, s20, s19, $0xb8;
	[tilespmem:$0x1D800] =	vst v63  }
0x3f3: {  	_ = 	snop  }
0x3f4: {  	[spmem:s3] =	stream.indirect.scatter.add.f32 [tilespmem:s23], [sflag:$0x4], $0x1, s22, s19, $0xb8;
	[tilespmem:$0x1D800] =	vst v63  }
0x3f5: {  	_ = 	snop  }
0x3f6: {  	[spmem:s3] =	stream.indirect.scatter.add.f32 [tilespmem:s25], [sflag:$0x4], $0x1, s24, s19, $0xb8;
	[tilespmem:$0x1D800] =	vst v63  }
0x3f7: {  	_ = 	snop  }
0x3f8: {  	[spmem:s3] =	stream.indirect.scatter.add.f32 [tilespmem:s28], [sflag:$0x4], $0x1, s26, s19, $0xb8;
	[tilespmem:$0x1D800] =	vst v63  }
0x3f9: {  	_ = 	snop  }
0x3fa: {  	[spmem:s3] =	stream.indirect.scatter.add.f32 [tilespmem:s30], [sflag:$0x4], $0x1, s29, s19, $0xb8;
	[tilespmem:$0x1D800] =	vst v63  }
0x3fb: {  	_ = 	snop  }
0x3fc: {  	[spmem:s3] =	stream.indirect.scatter.add.f32 [tilespmem:s0], [sflag:$0x4], $0x1, s31, s19, $0xb8;
	[tilespmem:$0x1D800] =	vst v63  }
0x3fd: {  	_ = 	snop  }
0x3fe: {  	[spmem:s3] =	stream.indirect.scatter.add.f32 [tilespmem:s13], [sflag:$0x4], $0x1, s1, s19, $0xb8;
	[tilespmem:$0x1D800] =	vst v63  }
0x3ff: {  	_ =	swait.ge [sflag:s2], $0x80  }
0x400: {  	[sflag:s2] =	ssyncset.done $0x0  }
0x401: {  	[sflag:s2] =	ssyncadd.s32 $0xFFFFFF80  }
0x402: {  	_ =	swait.ge [sflag:s2], $0x80  }
0x403: {  	[sflag:s2] =	ssyncset.done $0x0  }
0x404: {  	[sflag:s2] =	ssyncadd.s32 $0xFFFFFF80  }
0x405: {  	_ =	swait.ge [sflag:s2], $0x80  }
0x406: {  	[sflag:s2] =	ssyncset.done $0x0  }
0x407: {  	[sflag:s2] =	ssyncadd.s32 $0xFFFFFF80  }
0x408: {  	_ =	swait.ge [sflag:s2], $0x80  }
0x409: {  	[sflag:s2] =	ssyncset.done $0x0  }
0x40a: {  	[sflag:s2] =	ssyncadd.s32 $0xFFFFFF80  }
0x40b: {  	_ =	swait.ge [sflag:s2], $0x80  }
0x40c: {  	[sflag:s2] =	ssyncset.done $0x0  }
0x40d: {  	[sflag:s2] =	ssyncadd.s32 $0xFFFFFF80  }
0x40e: {  	_ =	swait.ge [sflag:s2], $0x80  }
0x40f: {  	[sflag:s2] =	ssyncset.done $0x0  }
0x410: {  	[sflag:s2] =	ssyncadd.s32 $0xFFFFFF80  }
0x411: {  	_ =	swait.ge [sflag:s2], $0x80  }
0x412: {  	[sflag:s2] =	ssyncset.done $0x0  }
0x413: {  	[sflag:s2] =	ssyncadd.s32 $0xFFFFFF80  }
0x414: {  	_ =	swait.ge [sflag:s2], $0x80  }
0x415: {  	[sflag:s2] =	ssyncset.done $0x0  }
0x416: {  	[sflag:s2] =	ssyncadd.s32 $0xFFFFFF80  }
0x417: {  	_ =	swait.ge [sflag:s2], $0x80  }
0x418: {  	[sflag:s2] =	ssyncset.done $0x0  }
0x419: {  	[sflag:s2] =	ssyncadd.s32 $0xFFFFFF80  }
0x41a: {  	_ =	swait.ge [sflag:s2], $0x80  }
0x41b: {  	[sflag:s2] =	ssyncset.done $0x0  }
0x41c: {  	[sflag:s2] =	ssyncadd.s32 $0xFFFFFF80  }
0x41d: {  	_ =	swait.ge [sflag:s2], $0x80  }
0x41e: {  	[sflag:s2] =	ssyncset.done $0x0  }
0x41f: {  	[sflag:s2] =	ssyncadd.s32 $0xFFFFFF80  }
0x420: {  	_ =	swait.ge [sflag:s2], $0x80  }
0x421: {  	[sflag:s2] =	ssyncset.done $0x0  }
0x422: {  	[sflag:s2] =	ssyncadd.s32 $0xFFFFFF80  }
0x423: {  	_ =	swait.ge [sflag:s2], $0x80  }
0x424: {  	[sflag:s2] =	ssyncset.done $0x0  }
0x425: {  	[sflag:s2] =	ssyncadd.s32 $0xFFFFFF80  }
0x426: {  	_ =	swait.ge [sflag:s2], $0x80  }
0x427: {  	[sflag:s2] =	ssyncset.done $0x0  }
0x428: {  	s6 =	sadd.s32 $0x1, s6;
	[sflag:s2] =	ssyncadd.s32 $0xFFFFFF80  }
0x429: {  	p1 =	slt.u32 s6, s7;
	_ =	swait.ge [sflag:s2], $0x80  }
.Ltmp4:
0x42a: {  	[sflag:s2] =	ssyncset.done $0x0;
	(pc) =	sbr.rel @p1 .LBB2_4-.Ltmp4, $4  }
0x42b: {  	[sflag:s2] =	ssyncadd.s32 $0xFFFFFF80  }
0x42c: {  	_ =	swait.ge [sflag:s2], $0x80  }
0x42d: {  	s11 =	sadd.s32 $0x100, s11;
	[sflag:s2] =	ssyncset.done $0x0  }
0x42e: {  	s10 =	sadd.s32 $0x100, s10;
	s12 =	sadd.s32 $0x100, s12;
	[sflag:s2] =	ssyncadd.s32 $0xFFFFFF80  }
.Ltmp5:
0x42f: {  	_ = 	snop;
	(pc) =	sbr.rel .LBB2_5-.Ltmp5, $1  }
0x430: {  	_ =	sdelay $0x3  }
.LBB2_6:
0x431: {  	_ =	sfence.sel $0x180000  }
0x432: {  	[bflag:$0x0] =	sbarrier.arrive $0xFFFF  }
0x433: {  	_ =	strace $0x90000047  }
0x434: {  	s0 =	stileid.u32;
	[bflag:$0x2] =	sbarrier.arrive $0xFFFF  }
0x435: {  	p0 =	sne.s32 s0, $0x0;
	s0 =	rddreg [dreg:$0x6]  }
0x436: {  	s0 =	sadd.s32 @!p0 $0x100000, s0  }
0x437: {  	[sflag:s0] =	ssyncadd.tile.s32 @!p0 $0x1;
	_ =	shalt  }
.Lfunc_end2:
_tile_overlayer_lowered:
.L_overlay_start_2:
0x438: {  	(tag) =	ssettag $0x2  }
0x439: {  	s0 =	rddreg [dreg:$0x0];
	s2 =	stileid.u32  }
0x43a: {  	s1 =	rddreg [dreg:$0x1];
	p0 =	sne.s32 s2, $0x0  }
0x43b: {  	s3 =	rddreg [dreg:$0x2];
	[bflag:$0x3] =	sbarrier.arrive $0xFFFF;
	s2 =	simm.s32 @!p0 $0x1C05  }
0x43c: {  	[timem:s3], [sflag:s2] =	dma.local @!p0 [hbm:s0], s1  }
0x43d: {  	s0 =	simm.s32 @!p0 $0x5  }
0x43e: {  	_ =	swait.ge @!p0 [sflag:s0], s1  }
0x43f: {  	s1 =	ssub.s32 @!p0 $0x0, s1;
	[sflag:s0] =	ssyncset.done @!p0 $0x0  }
0x440: {  	[sflag:s0] =	ssyncadd.s32 @!p0 s1  }
0x441: {  	[bflag:$0x3] =	sbarrier.arrive $0xFFFF  }
0x442: {  	_ =	shalt  }

</sc_bundles>
